<compile_context>
chip_gen: v7x
topology: tpu7x:2x2x1
jax: 0.10.2.dev20260603
libtpu: 0.0.44.dev20260713+nightly
codegen_flags: <defaults>
</compile_context>

<pallas_src>
import functools

import jax
import jax.numpy as jnp
from jax import lax
from jax.experimental import pallas as pl
from jax.experimental.pallas import tpu as pltpu
from jax.experimental.pallas import tpu_sc as plsc

N = 10000
E = 320000
IN_DIM = 128
HID = 16
HEADS = 8
D1 = HEADS * HID
D2 = 16

NC = 2
NS = 16
NW = NC * NS
CH = 128
NCHUNK = E // CH
CH1 = 100
NCHUNK1 = E // CH1
CPT1 = NCHUNK1 // NS
ROWS_A = 624
ROWS_LAST = N - (NS - 1) * ROWS_A


def _tile_copy(s, copy_fn):
    r0 = s * ROWS_A

    @pl.when(s < NS - 1)
    def _():
        copy_fn(r0, ROWS_A)

    @pl.when(s == NS - 1)
    def _():
        copy_fn(r0, ROWS_LAST)

_Q, _R = divmod(NCHUNK, NW)

f32 = jnp.float32
i32 = jnp.int32



_BLK = 1000
_GRID = N // _BLK


def _tc1_body(x_ref, w1_ref, acat_ref, h1a_ref, h1b_ref, a1_ref, a1r_ref,
              bmax_ref):
    i = pl.program_id(0)
    h = jnp.dot(x_ref[...], w1_ref[...], preferred_element_type=f32)
    h1a_ref[...] = h[:, 0:64]
    h1b_ref[...] = h[:, 64:128]
    a1 = jnp.dot(h, acat_ref[...], preferred_element_type=f32)
    a1_ref[...] = a1
    a1r_ref[...] = jnp.concatenate([a1[:, 8:], a1[:, :8]], axis=1)
    m = jnp.broadcast_to(jnp.max(a1, axis=0, keepdims=True), (8, 16))

    @pl.when(i == 0)
    def _():
        bmax_ref[...] = m

    @pl.when(i != 0)
    def _():
        bmax_ref[...] = jnp.maximum(bmax_ref[...], m)


def _tc1(x, w1, acat):
    return pl.pallas_call(
        _tc1_body,
        grid=(_GRID,),
        in_specs=[
            pl.BlockSpec((_BLK, IN_DIM), lambda i: (i, 0)),
            pl.BlockSpec((IN_DIM, D1), lambda i: (0, 0)),
            pl.BlockSpec((D1, 16), lambda i: (0, 0)),
        ],
        out_specs=[
            pl.BlockSpec((_BLK, 64), lambda i: (i, 0)),
            pl.BlockSpec((_BLK, 64), lambda i: (i, 0)),
            pl.BlockSpec((_BLK, 16), lambda i: (i, 0)),
            pl.BlockSpec((_BLK, 16), lambda i: (i, 0)),
            pl.BlockSpec((8, 16), lambda i: (0, 0)),
        ],
        out_shape=[
            jax.ShapeDtypeStruct((N, 64), f32),
            jax.ShapeDtypeStruct((N, 64), f32),
            jax.ShapeDtypeStruct((N, 16), f32),
            jax.ShapeDtypeStruct((N, 16), f32),
            jax.ShapeDtypeStruct((8, 16), f32),
        ],
    )(x, w1, acat)


def _tc2_body(acc0_ref, acc1_ref, e8_ref, b1_ref, w2_ref, a2m_ref,
              h2_ref, a2_ref, bmax2_ref):
    i = pl.program_id(0)
    a0 = acc0_ref[0]
    a1_ = acc1_ref[0]
    num = jnp.concatenate([a0[:, 0:64], a1_[:, 0:64]], axis=1)
    den8 = a0[:, 64:72]
    den = jnp.dot(den8, e8_ref[...], preferred_element_type=f32)
    out1 = num / (den + 1e-16)
    z = out1 + b1_ref[...]
    z = jnp.where(z > 0, z, jnp.exp(jnp.minimum(z, 0.0)) - 1.0)
    h2 = jnp.dot(z, w2_ref[...], preferred_element_type=f32)
    h2_ref[...] = h2
    a2 = jnp.dot(h2, a2m_ref[...], preferred_element_type=f32)
    a2_ref[...] = a2
    m = jnp.broadcast_to(jnp.max(a2, axis=0, keepdims=True), (8, 16))

    @pl.when(i == 0)
    def _():
        bmax2_ref[...] = m

    @pl.when(i != 0)
    def _():
        bmax2_ref[...] = jnp.maximum(bmax2_ref[...], m)


def _tc2(acc, e8, b1, w2, a2m):
    return pl.pallas_call(
        _tc2_body,
        grid=(_GRID,),
        in_specs=[
            pl.BlockSpec((1, _BLK, 80), lambda i: (0, i, 0)),
            pl.BlockSpec((1, _BLK, 80), lambda i: (1, i, 0)),
            pl.BlockSpec((8, D1), lambda i: (0, 0)),
            pl.BlockSpec((1, D1), lambda i: (0, 0)),
            pl.BlockSpec((D1, D2), lambda i: (0, 0)),
            pl.BlockSpec((D2, 16), lambda i: (0, 0)),
        ],
        out_specs=[
            pl.BlockSpec((_BLK, D2), lambda i: (i, 0)),
            pl.BlockSpec((_BLK, 16), lambda i: (i, 0)),
            pl.BlockSpec((8, 16), lambda i: (0, 0)),
        ],
        out_shape=[
            jax.ShapeDtypeStruct((N, D2), f32),
            jax.ShapeDtypeStruct((N, 16), f32),
            jax.ShapeDtypeStruct((8, 16), f32),
        ],
    )(acc, acc, e8, b1, w2, a2m)


def _tc3_body(acc0_ref, acc1_ref, b2_ref, out_ref):
    a = acc0_ref[0] + acc1_ref[0]
    out_ref[...] = a[:, 0:16] / (a[:, 16:32] + 1e-16) + b2_ref[...]


def _tc3(acc2, b2):
    return pl.pallas_call(
        _tc3_body,
        grid=(_GRID,),
        in_specs=[
            pl.BlockSpec((1, _BLK, 32), lambda i: (0, i, 0)),
            pl.BlockSpec((1, _BLK, 32), lambda i: (1, i, 0)),
            pl.BlockSpec((1, D2), lambda i: (0, 0)),
        ],
        out_specs=pl.BlockSpec((_BLK, D2), lambda i: (i, 0)),
        out_shape=jax.ShapeDtypeStruct((N, D2), f32),
    )(acc2, acc2, b2)







def _sc_edge_pass1(src2, dst2, a1, a1r, h1a, h1b, btile, z80):
    mesh = plsc.VectorSubcoreMesh(
        core_axis_name="c", subcore_axis_name="s", num_cores=NC,
        num_subcores=NS)

    scratch = [
        pltpu.VMEM((CPT1, CH1), i32),
        pltpu.VMEM((CPT1, CH1), i32),
        pltpu.VMEM((16,), f32),
        pltpu.VMEM_SHARED((N, 80), f32),
    ]
    for _ in range(2):
        scratch += [
            pltpu.VMEM((CH1, 16), f32),
            pltpu.VMEM((CH1, 16), f32),
            pltpu.VMEM((CH1, 64), f32),
            pltpu.VMEM((CH1, 80), f32),
            pltpu.SemaphoreType.DMA,
            pltpu.SemaphoreType.DMA,
            pltpu.SemaphoreType.DMA,
        ]

    @functools.partial(
        pl.kernel,
        out_type=jax.ShapeDtypeStruct((NC, N, 80), f32),
        mesh=mesh,
        scratch_types=scratch,
        compiler_params=pltpu.CompilerParams(
            use_tc_tiling_on_sc=False, needs_layout_passes=False),
    )
    def k(src2_hbm, dst2_hbm, a1_hbm, a1r_hbm, h1a_hbm, h1b_hbm, btile_hbm,
          z80_hbm,
          acc_out, sidx_all, didx_all, bvec, sacc,
          arow0, brow0, hrow0, msg0, s00, s01, s02,
          arow1, brow1, hrow1, msg1, s10, s11, s12):
        c = lax.axis_index("c")
        s = lax.axis_index("s")
        arows = (arow0, arow1)
        brows = (brow0, brow1)
        hrows = (hrow0, hrow1)
        msgs = (msg0, msg1)
        sems = ((s00, s01, s02), (s10, s11, s12))
        pltpu.sync_copy(btile_hbm, bvec)
        base = s * CPT1
        pltpu.sync_copy(src2_hbm.at[pl.ds(base, CPT1)], sidx_all)
        pltpu.sync_copy(dst2_hbm.at[pl.ds(base, CPT1)], didx_all)
        _tile_copy(s, lambda r0, nr: pltpu.sync_copy(
            z80_hbm.at[pl.ds(r0, nr)], sacc.at[pl.ds(r0, nr)]))
        plsc.subcore_barrier()
        bv = bvec[...]

        def run_all(cc, h1h_hbm):
            def issue(kk, ab):
                pltpu.async_copy(a1_hbm.at[sidx_all.at[kk]], arows[ab],
                                 sems[ab][0])
                pltpu.async_copy(a1r_hbm.at[didx_all.at[kk]], brows[ab],
                                 sems[ab][1])
                pltpu.async_copy(h1h_hbm.at[sidx_all.at[kk]], hrows[ab],
                                 sems[ab][2])

            def wait_bufs(kk, ab):
                pltpu.make_async_copy(a1_hbm.at[sidx_all.at[kk]], arows[ab],
                                      sems[ab][0]).wait()
                pltpu.make_async_copy(a1r_hbm.at[didx_all.at[kk]], brows[ab],
                                      sems[ab][1]).wait()
                pltpu.make_async_copy(h1h_hbm.at[sidx_all.at[kk]], hrows[ab],
                                      sems[ab][2]).wait()

            def run_chunk(kk, ab):
                wait_bufs(kk, ab)
                arow, brow = arows[ab], brows[ab]
                hrow, msg = hrows[ab], msgs[ab]

                @plsc.parallel_loop(0, CH1, unroll=2)
                def _(e):
                    al = arow[e, :] + brow[e, :]
                    al = jnp.maximum(al, 0.2 * al)
                    ex = jnp.exp(al - bv)
                    msg[e, pl.ds(64, 16)] = ex
                    for hh in range(4):
                        sp = jnp.full((16,), ex[4 * cc + hh], f32)
                        msg[e, pl.ds(hh * 16, 16)] = (
                            hrow[e, pl.ds(hh * 16, 16)] * sp)

                pltpu.sync_copy(msg, sacc.at[didx_all.at[kk]], add=True)

            issue(0, 0)

            def pair_body(p, carry):
                ka = 2 * p
                kb = 2 * p + 1
                issue(kb, 1)
                run_chunk(ka, 0)
                issue(jnp.minimum(ka + 2, CPT1 - 1), 0)
                run_chunk(kb, 1)
                return carry

            lax.fori_loop(0, CPT1 // 2, pair_body, 0)
            wait_bufs(CPT1 - 1, 0)

        @pl.when(c == 0)
        def _():
            run_all(0, h1a_hbm)

        @pl.when(c == 1)
        def _():
            run_all(1, h1b_hbm)

        plsc.subcore_barrier()
        _tile_copy(s, lambda r0, nr: pltpu.sync_copy(
            sacc.at[pl.ds(r0, nr)], acc_out.at[c, pl.ds(r0, nr)]))

    return k(src2, dst2, a1, a1r, h1a, h1b, btile, z80)


def _sc_edge_pass2(src2, dst2, as2, ad2, h2, b2t, z32):
    mesh = plsc.VectorSubcoreMesh(
        core_axis_name="c", subcore_axis_name="s", num_cores=NC,
        num_subcores=NS)

    scratch = [
        pltpu.VMEM((_Q + 1, CH), i32),
        pltpu.VMEM((_Q + 1, CH), i32),
        pltpu.VMEM((N,), f32),
        pltpu.VMEM((N,), f32),
        pltpu.VMEM((16,), f32),
        pltpu.VMEM_SHARED((N, 32), f32),
    ]
    for _ in range(2):
        scratch += [
            pltpu.VMEM((CH, D2), f32),
            pltpu.VMEM((CH, 32), f32),
            pltpu.VMEM((CH,), f32),
            pltpu.SemaphoreType.DMA,
        ]

    @functools.partial(
        pl.kernel,
        out_type=jax.ShapeDtypeStruct((NC, N, 32), f32),
        mesh=mesh,
        scratch_types=scratch,
        compiler_params=pltpu.CompilerParams(
            use_tc_tiling_on_sc=False, needs_layout_passes=False),
    )
    def k(src2_hbm, dst2_hbm, as2_hbm, ad2_hbm, h2_hbm, b2t_hbm, z32_hbm,
          acc_out, sidx_all, didx_all, ast, adt, b2v, sacc2,
          hrow20, msg20, exbuf0, sm0,
          hrow21, msg21, exbuf1, sm1):
        c = lax.axis_index("c")
        s = lax.axis_index("s")
        wid = s * NC + c
        hrows = (hrow20, hrow21)
        msgs = (msg20, msg21)
        exbufs = (exbuf0, exbuf1)
        sems = (sm0, sm1)
        pltpu.sync_copy(b2t_hbm, b2v)
        pltpu.sync_copy(as2_hbm, ast)
        pltpu.sync_copy(ad2_hbm, adt)
        base = wid * _Q
        pltpu.sync_copy(src2_hbm.at[pl.ds(base, _Q)],
                        sidx_all.at[pl.ds(0, _Q)])
        pltpu.sync_copy(dst2_hbm.at[pl.ds(base, _Q)],
                        didx_all.at[pl.ds(0, _Q)])

        @pl.when(wid < _R)
        def _():
            pltpu.sync_copy(src2_hbm.at[NW * _Q + wid], sidx_all.at[_Q])
            pltpu.sync_copy(dst2_hbm.at[NW * _Q + wid], didx_all.at[_Q])

        _tile_copy(s, lambda r0, nr: pltpu.sync_copy(
            z32_hbm.at[pl.ds(r0, nr)], sacc2.at[pl.ds(r0, nr)]))
        plsc.subcore_barrier()
        bv = b2v[...]

        def issue(kk, ab):
            pltpu.async_copy(h2_hbm.at[sidx_all.at[kk]], hrows[ab], sems[ab])

        def run_chunk(kk, ab):
            hrow2, msg2, exbuf = hrows[ab], msgs[ab], exbufs[ab]

            @plsc.parallel_loop(0, CH // 16, unroll=2)
            def _(gi):
                sv = sidx_all[kk, pl.ds(gi * 16, 16)]
                dv = didx_all[kk, pl.ds(gi * 16, 16)]
                al = plsc.load_gather(ast, [sv]) + plsc.load_gather(adt, [dv])
                al = jnp.maximum(al, 0.2 * al)
                exbuf[pl.ds(gi * 16, 16)] = jnp.exp(al - bv)

            pltpu.make_async_copy(h2_hbm.at[sidx_all.at[kk]], hrows[ab],
                                  sems[ab]).wait()

            @plsc.parallel_loop(0, CH // 16, unroll=2)
            def _(gi):
                exv = exbuf[pl.ds(gi * 16, 16)]
                for j in range(16):
                    e = gi * 16 + j
                    sp = jnp.full((16,), exv[j], f32)
                    msg2[e, pl.ds(0, 16)] = hrow2[e, :] * sp
                    msg2[e, pl.ds(16, 16)] = sp

            pltpu.sync_copy(msg2, sacc2.at[didx_all.at[kk]], add=True)

        issue(0, 0)

        def pair_body(p, carry):
            ka = 2 * p
            kb = 2 * p + 1
            issue(kb, 1)
            run_chunk(ka, 0)
            issue(jnp.minimum(ka + 2, _Q - 1), 0)
            run_chunk(kb, 1)
            return carry

        lax.fori_loop(0, _Q // 2, pair_body, 0)
        pltpu.make_async_copy(h2_hbm.at[sidx_all.at[_Q - 1]], hrows[0],
                              sems[0]).wait()

        @pl.when(wid < _R)
        def _():
            issue(_Q, 0)
            run_chunk(_Q, 0)

        plsc.subcore_barrier()
        _tile_copy(s, lambda r0, nr: pltpu.sync_copy(
            sacc2.at[pl.ds(r0, nr)], acc_out.at[c, pl.ds(r0, nr)]))

    return k(src2, dst2, as2, ad2, h2, b2t, z32)




def kernel(x, adj, W1, att_src1, att_dst1, b1, W2, att_src2, att_dst2, b2):
    src = adj[0].astype(i32)
    dst = adj[1].astype(i32)
    src2a = src.reshape(NCHUNK1, CH1)
    dst2a = dst.reshape(NCHUNK1, CH1)
    src2 = src.reshape(NCHUNK, CH)
    dst2 = dst.reshape(NCHUNK, CH)

    eye8 = jnp.eye(HEADS, dtype=f32)
    m_src = (att_src1[0][:, :, None] * eye8[:, None, :]).reshape(D1, HEADS)
    m_dst = (att_dst1[0][:, :, None] * eye8[:, None, :]).reshape(D1, HEADS)
    acat = jnp.concatenate([m_src, m_dst], axis=1)

    h1a, h1b, a1, a1r, bmax1 = _tc1(x, W1, acat)

    bsum = bmax1[0, :8] + bmax1[0, 8:]
    bh = jnp.maximum(bsum, 0.2 * bsum)
    btile = jnp.tile(bh, 2)

    z80 = jnp.zeros((N, 80), f32)
    acc = _sc_edge_pass1(src2a, dst2a, a1, a1r, h1a, h1b, btile, z80)

    e8 = jnp.kron(eye8, jnp.ones((1, HID), f32))
    a2m = jnp.concatenate(
        [att_src2[0, 0][:, None], att_dst2[0, 0][:, None],
         jnp.zeros((D2, 14), f32)], axis=1)
    h2, a2, bmax2 = _tc2(acc, e8, b1.reshape(1, D1), W2, a2m)

    b2sum = bmax2[0, 0] + bmax2[0, 1]
    b2b = jnp.maximum(b2sum, 0.2 * b2sum)
    b2t = jnp.full((16,), b2b, f32)
    as2 = a2[:, 0] + 0.0
    ad2 = a2[:, 1] + 0.0

    z32 = jnp.zeros((N, 32), f32)
    acc2 = _sc_edge_pass2(src2, dst2, as2, ad2, h2, b2t, z32)

    return _tc3(acc2, b2.reshape(1, D2))

# --- scband reference (transcript-rebuilt; emitter-appended) ---
"""Pipeline reference for scband-gat-76020921140371 (READ-ONLY COPY).

The authoritative reference and input builder live on the scoring server;
editing this copy changes nothing except your own understanding.
"""

import jax, jax.numpy as jnp
import numpy as np

N_NODES = 10000
N_EDGES = 320000
IN_DIM = 128
HID = 16
OUT_DIM = 16
HEADS = 8


def _gat_conv(x, src, dst, W, att_src, att_dst, bias, heads, out_ch, concat):
    N = x.shape[0]
    h = (x @ W).reshape(N, heads, out_ch)
    a_src = (h * att_src).sum(-1)  # [N, H]
    a_dst = (h * att_dst).sum(-1)  # [N, H]
    alpha = a_src[src] + a_dst[dst]  # [E, H]
    alpha = jax.nn.leaky_relu(alpha, negative_slope=0.2)
    amax = jax.ops.segment_max(alpha, dst, num_segments=N)
    amax = jnp.where(jnp.isfinite(amax), amax, 0.0)
    ex = jnp.exp(alpha - amax[dst])
    denom = jax.ops.segment_sum(ex, dst, num_segments=N)
    coef = ex / (denom[dst] + 1e-16)  # softmax over incoming edges per dst, per head
    msg = h[src] * coef[:, :, None]  # [E, H, C]
    out = jax.ops.segment_sum(msg, dst, num_segments=N)  # [N, H, C]
    if concat:
        out = out.reshape(N, heads * out_ch)
    else:
        out = out.mean(axis=1)
    return out + bias


def setup_inputs(seed: int = 0) -> dict:
    key = jax.random.key(seed)
    ks = jax.random.split(key, 12)
    x = jax.random.normal(ks[0], (N_NODES, IN_DIM), dtype=jnp.float32)
    adj = jax.random.randint(ks[1], (2, N_EDGES), 0, N_NODES, dtype=jnp.int64 if jax.config.jax_enable_x64 else jnp.int32)
    s1 = 1.0 / np.sqrt(IN_DIM)
    W1 = jax.random.uniform(ks[2], (IN_DIM, HEADS * HID), jnp.float32, -s1, s1)
    att_src1 = jax.random.uniform(ks[3], (1, HEADS, HID), jnp.float32, -s1, s1)
    att_dst1 = jax.random.uniform(ks[4], (1, HEADS, HID), jnp.float32, -s1, s1)
    b1 = jnp.zeros((HEADS * HID,), jnp.float32)
    s2 = 1.0 / np.sqrt(HEADS * HID)
    W2 = jax.random.uniform(ks[5], (HEADS * HID, OUT_DIM), jnp.float32, -s2, s2)
    att_src2 = jax.random.uniform(ks[6], (1, 1, OUT_DIM), jnp.float32, -s2, s2)
    att_dst2 = jax.random.uniform(ks[7], (1, 1, OUT_DIM), jnp.float32, -s2, s2)
    b2 = jnp.zeros((OUT_DIM,), jnp.float32)
    return {"x": x, "adj": adj, "W1": W1, "att_src1": att_src1, "att_dst1": att_dst1, "b1": b1,
            "W2": W2, "att_src2": att_src2, "att_dst2": att_dst2, "b2": b2}


def reference(x, adj, W1, att_src1, att_dst1, b1, W2, att_src2, att_dst2, b2):
    src = adj[0]
    dst = adj[1]
    # dropout p=0.0 -> identity
    h = _gat_conv(x, src, dst, W1, att_src1, att_dst1, b1, HEADS, HID, True)
    h = jax.nn.elu(h)
    out = _gat_conv(h, src, dst, W2, att_src2, att_dst2, b2, 1, OUT_DIM, True)
    return out

if __name__ == "__main__":
    import jax
    _d = setup_inputs()
    print(jax.jit(kernel)(*tuple(_d.values())))

</pallas_src>

<mosaic_0001>
#map = affine_map<(d0, d1) -> (0, 0)>
#map1 = affine_map<(d0, d1) -> (0)>
#map2 = affine_map<(d0, d1) -> (0, 0, 0)>
module attributes {stable_mosaic.version = 14 : i64} {
  func.func @k(%arg0: i32, %arg1: i32, %arg2: memref<3200x100xi32, #tpu.memory_space<hbm>>, %arg3: memref<3200x100xi32, #tpu.memory_space<hbm>>, %arg4: memref<10000x16xf32, #tpu.memory_space<hbm>>, %arg5: memref<10000x16xf32, #tpu.memory_space<hbm>>, %arg6: memref<10000x64xf32, #tpu.memory_space<hbm>>, %arg7: memref<10000x64xf32, #tpu.memory_space<hbm>>, %arg8: memref<16xf32, #tpu.memory_space<hbm>>, %arg9: memref<10000x80xf32, #tpu.memory_space<hbm>>, %arg10: memref<2x10000x80xf32, #tpu.memory_space<hbm>>, %arg11: memref<200x100xi32, #tpu.memory_space<vmem>>, %arg12: memref<200x100xi32, #tpu.memory_space<vmem>>, %arg13: memref<16xf32, #tpu.memory_space<vmem>>, %arg14: memref<10000x80xf32, #tpu.memory_space<vmem_shared>>, %arg15: memref<100x16xf32, #tpu.memory_space<vmem>>, %arg16: memref<100x16xf32, #tpu.memory_space<vmem>>, %arg17: memref<100x64xf32, #tpu.memory_space<vmem>>, %arg18: memref<100x80xf32, #tpu.memory_space<vmem>>, %arg19: memref<!tpu.dma_semaphore, #tpu.memory_space<semaphore_mem>>, %arg20: memref<!tpu.dma_semaphore, #tpu.memory_space<semaphore_mem>>, %arg21: memref<!tpu.dma_semaphore, #tpu.memory_space<semaphore_mem>>, %arg22: memref<100x16xf32, #tpu.memory_space<vmem>>, %arg23: memref<100x16xf32, #tpu.memory_space<vmem>>, %arg24: memref<100x64xf32, #tpu.memory_space<vmem>>, %arg25: memref<100x80xf32, #tpu.memory_space<vmem>>, %arg26: memref<!tpu.dma_semaphore, #tpu.memory_space<semaphore_mem>>, %arg27: memref<!tpu.dma_semaphore, #tpu.memory_space<semaphore_mem>>, %arg28: memref<!tpu.dma_semaphore, #tpu.memory_space<semaphore_mem>>) attributes {dimension_semantics = [#tpu.dimension_semantics<core_parallel>, #tpu.dimension_semantics<subcore_parallel>], iteration_bounds = array<i64: 2, 16>, scalar_prefetch = 0 : i64, scratch_operands = 18 : i64, tpu.core_type = #tpu.core_type<sc_vector_subcore>, window_params = [{transform_indices = #map}, {transform_indices = #map}, {transform_indices = #map}, {transform_indices = #map}, {transform_indices = #map}, {transform_indices = #map}, {transform_indices = #map1}, {transform_indices = #map}, {transform_indices = #map2}]} {
    "tpu.region"() ({
      %run_scoped3A = tpu.sem_alloc : memref<!tpu.dma_semaphore, #tpu.memory_space<semaphore_mem>>
      tpu.enqueue_dma source(%arg8 : memref<16xf32, #tpu.memory_space<hbm>>) target(%arg13 : memref<16xf32, #tpu.memory_space<vmem>>) target_semaphore(%run_scoped3A : memref<!tpu.dma_semaphore, #tpu.memory_space<semaphore_mem>>)
      tpu.wait_dma2 semaphore(%run_scoped3A : memref<!tpu.dma_semaphore, #tpu.memory_space<semaphore_mem>>) src(%arg8 : memref<16xf32, #tpu.memory_space<hbm>>) dst(%arg13 : memref<16xf32, #tpu.memory_space<vmem>>)
      tpu.yield
    }) : () -> ()
    %mul3A = arith.constant 200 : i32
    %mul3A_0 = arith.muli %arg1, %mul3A : i32
    "tpu.region"() ({
      %run_scoped3A = tpu.sem_alloc : memref<!tpu.dma_semaphore, #tpu.memory_space<semaphore_mem>>
      %dma_start3A = arith.constant 0 : i32
      %dma_start3A_33 = tpu.memref_slice %arg2[%mul3A_0, %dma_start3A] : memref<3200x100xi32, #tpu.memory_space<hbm>> -> memref<200x100xi32, #tpu.memory_space<hbm>>
      %dma_start3A_34 = arith.constant 0 : i32
      %dma_start3A_35 = tpu.memref_slice %arg2[%mul3A_0, %dma_start3A_34] : memref<3200x100xi32, #tpu.memory_space<hbm>> -> memref<200x100xi32, #tpu.memory_space<hbm>>
      tpu.enqueue_dma source(%dma_start3A_35 : memref<200x100xi32, #tpu.memory_space<hbm>>) target(%arg11 : memref<200x100xi32, #tpu.memory_space<vmem>>) target_semaphore(%run_scoped3A : memref<!tpu.dma_semaphore, #tpu.memory_space<semaphore_mem>>)
      %dma_wait3A = arith.constant 0 : i32
      %dma_wait3A_36 = tpu.memref_slice %arg2[%mul3A_0, %dma_wait3A] : memref<3200x100xi32, #tpu.memory_space<hbm>> -> memref<200x100xi32, #tpu.memory_space<hbm>>
      %dma_wait3A_37 = arith.constant 0 : i32
      %dma_wait3A_38 = tpu.memref_slice %arg2[%mul3A_0, %dma_wait3A_37] : memref<3200x100xi32, #tpu.memory_space<hbm>> -> memref<200x100xi32, #tpu.memory_space<hbm>>
      tpu.wait_dma2 semaphore(%run_scoped3A : memref<!tpu.dma_semaphore, #tpu.memory_space<semaphore_mem>>) src(%dma_wait3A_38 : memref<200x100xi32, #tpu.memory_space<hbm>>) dst(%arg11 : memref<200x100xi32, #tpu.memory_space<vmem>>)
      tpu.yield
    }) : () -> ()
    "tpu.region"() ({
      %run_scoped3A = tpu.sem_alloc : memref<!tpu.dma_semaphore, #tpu.memory_space<semaphore_mem>>
      %dma_start3A = arith.constant 0 : i32
      %dma_start3A_33 = tpu.memref_slice %arg3[%mul3A_0, %dma_start3A] : memref<3200x100xi32, #tpu.memory_space<hbm>> -> memref<200x100xi32, #tpu.memory_space<hbm>>
      %dma_start3A_34 = arith.constant 0 : i32
      %dma_start3A_35 = tpu.memref_slice %arg3[%mul3A_0, %dma_start3A_34] : memref<3200x100xi32, #tpu.memory_space<hbm>> -> memref<200x100xi32, #tpu.memory_space<hbm>>
      tpu.enqueue_dma source(%dma_start3A_35 : memref<200x100xi32, #tpu.memory_space<hbm>>) target(%arg12 : memref<200x100xi32, #tpu.memory_space<vmem>>) target_semaphore(%run_scoped3A : memref<!tpu.dma_semaphore, #tpu.memory_space<semaphore_mem>>)
      %dma_wait3A = arith.constant 0 : i32
      %dma_wait3A_36 = tpu.memref_slice %arg3[%mul3A_0, %dma_wait3A] : memref<3200x100xi32, #tpu.memory_space<hbm>> -> memref<200x100xi32, #tpu.memory_space<hbm>>
      %dma_wait3A_37 = arith.constant 0 : i32
      %dma_wait3A_38 = tpu.memref_slice %arg3[%mul3A_0, %dma_wait3A_37] : memref<3200x100xi32, #tpu.memory_space<hbm>> -> memref<200x100xi32, #tpu.memory_space<hbm>>
      tpu.wait_dma2 semaphore(%run_scoped3A : memref<!tpu.dma_semaphore, #tpu.memory_space<semaphore_mem>>) src(%dma_wait3A_38 : memref<200x100xi32, #tpu.memory_space<hbm>>) dst(%arg12 : memref<200x100xi32, #tpu.memory_space<vmem>>)
      tpu.yield
    }) : () -> ()
    %mul3A_1 = arith.constant 624 : i32
    %mul3A_2 = arith.muli %arg1, %mul3A_1 : i32
    %lt3A = arith.constant 15 : i32
    %lt3A_3 = arith.cmpi slt, %arg1, %lt3A : i32
    %convert_element_type3A = arith.extui %lt3A_3 : i1 to i32
    %cond3A = arith.constant 0 : i32
    %cond3A_4 = arith.cmpi ne, %convert_element_type3A, %cond3A : i32
    scf.if %cond3A_4 {
      "tpu.region"() ({
        %run_scoped3A = tpu.sem_alloc : memref<!tpu.dma_semaphore, #tpu.memory_space<semaphore_mem>>
        %dma_start3A = arith.constant 0 : i32
        %dma_start3A_33 = tpu.memref_slice %arg14[%mul3A_2, %dma_start3A] : memref<10000x80xf32, #tpu.memory_space<vmem_shared>> -> memref<624x80xf32, #tpu.memory_space<vmem_shared>>
        %dma_start3A_34 = arith.constant 0 : i32
        %dma_start3A_35 = tpu.memref_slice %arg9[%mul3A_2, %dma_start3A_34] : memref<10000x80xf32, #tpu.memory_space<hbm>> -> memref<624x80xf32, #tpu.memory_space<hbm>>
        tpu.enqueue_dma source(%dma_start3A_35 : memref<624x80xf32, #tpu.memory_space<hbm>>) target(%dma_start3A_33 : memref<624x80xf32, #tpu.memory_space<vmem_shared>>) target_semaphore(%run_scoped3A : memref<!tpu.dma_semaphore, #tpu.memory_space<semaphore_mem>>)
        %dma_wait3A = arith.constant 0 : i32
        %dma_wait3A_36 = tpu.memref_slice %arg14[%mul3A_2, %dma_wait3A] : memref<10000x80xf32, #tpu.memory_space<vmem_shared>> -> memref<624x80xf32, #tpu.memory_space<vmem_shared>>
        %dma_wait3A_37 = arith.constant 0 : i32
        %dma_wait3A_38 = tpu.memref_slice %arg9[%mul3A_2, %dma_wait3A_37] : memref<10000x80xf32, #tpu.memory_space<hbm>> -> memref<624x80xf32, #tpu.memory_space<hbm>>
        tpu.wait_dma2 semaphore(%run_scoped3A : memref<!tpu.dma_semaphore, #tpu.memory_space<semaphore_mem>>) src(%dma_wait3A_38 : memref<624x80xf32, #tpu.memory_space<hbm>>) dst(%dma_wait3A_36 : memref<624x80xf32, #tpu.memory_space<vmem_shared>>)
        tpu.yield
      }) : () -> ()
    } else {
    }
    %eq3A = arith.constant 15 : i32
    %eq3A_5 = arith.cmpi eq, %arg1, %eq3A : i32
    %convert_element_type3A_6 = arith.extui %eq3A_5 : i1 to i32
    %cond3A_7 = arith.constant 0 : i32
    %cond3A_8 = arith.cmpi ne, %convert_element_type3A_6, %cond3A_7 : i32
    scf.if %cond3A_8 {
      "tpu.region"() ({
        %run_scoped3A = tpu.sem_alloc : memref<!tpu.dma_semaphore, #tpu.memory_space<semaphore_mem>>
        %dma_start3A = arith.constant 0 : i32
        %dma_start3A_33 = tpu.memref_slice %arg14[%mul3A_2, %dma_start3A] : memref<10000x80xf32, #tpu.memory_space<vmem_shared>> -> memref<640x80xf32, #tpu.memory_space<vmem_shared>>
        %dma_start3A_34 = arith.constant 0 : i32
        %dma_start3A_35 = tpu.memref_slice %arg9[%mul3A_2, %dma_start3A_34] : memref<10000x80xf32, #tpu.memory_space<hbm>> -> memref<640x80xf32, #tpu.memory_space<hbm>>
        tpu.enqueue_dma source(%dma_start3A_35 : memref<640x80xf32, #tpu.memory_space<hbm>>) target(%dma_start3A_33 : memref<640x80xf32, #tpu.memory_space<vmem_shared>>) target_semaphore(%run_scoped3A : memref<!tpu.dma_semaphore, #tpu.memory_space<semaphore_mem>>)
        %dma_wait3A = arith.constant 0 : i32
        %dma_wait3A_36 = tpu.memref_slice %arg14[%mul3A_2, %dma_wait3A] : memref<10000x80xf32, #tpu.memory_space<vmem_shared>> -> memref<640x80xf32, #tpu.memory_space<vmem_shared>>
        %dma_wait3A_37 = arith.constant 0 : i32
        %dma_wait3A_38 = tpu.memref_slice %arg9[%mul3A_2, %dma_wait3A_37] : memref<10000x80xf32, #tpu.memory_space<hbm>> -> memref<640x80xf32, #tpu.memory_space<hbm>>
        tpu.wait_dma2 semaphore(%run_scoped3A : memref<!tpu.dma_semaphore, #tpu.memory_space<semaphore_mem>>) src(%dma_wait3A_38 : memref<640x80xf32, #tpu.memory_space<hbm>>) dst(%dma_wait3A_36 : memref<640x80xf32, #tpu.memory_space<vmem_shared>>)
        tpu.yield
      }) : () -> ()
    } else {
    }
    %barrier3A = arith.constant 0 : index
    tpu.barrier barrier_id(%barrier3A)
    %get3A = arith.constant 0 : index
    %get3A_9 = tpu.vector_load %arg13[%get3A] {strides = array<i32>} : memref<16xf32, #tpu.memory_space<vmem>>, vector<16xf32>,
    %eq3A_10 = arith.constant 0 : i32
    %eq3A_11 = arith.cmpi eq, %arg0, %eq3A_10 : i32
    %convert_element_type3A_12 = arith.extui %eq3A_11 : i1 to i32
    %cond3A_13 = arith.constant 0 : i32
    %cond3A_14 = arith.cmpi ne, %convert_element_type3A_12, %cond3A_13 : i32
    scf.if %cond3A_14 {
      %dma_start3A = arith.constant 0 : i32
      %dma_start3A_33 = arith.constant 0 : i32
      %dma_start3A_34 = tpu.memref_slice %arg11[%dma_start3A, %dma_start3A_33] : memref<200x100xi32, #tpu.memory_space<vmem>> -> memref<1x100xi32, #tpu.memory_space<vmem>>
      %dma_start3A_35 = tpu.memref_squeeze %dma_start3A_34 : memref<1x100xi32, #tpu.memory_space<vmem>> -> memref<100xi32, #tpu.memory_space<vmem>>
      %dma_start3A_36 = arith.constant 0 : i32
      %dma_start3A_37 = arith.constant 0 : i32
      %dma_start3A_38 = tpu.memref_slice %arg4[%dma_start3A_36, %dma_start3A_37] : memref<10000x16xf32, #tpu.memory_space<hbm>> -> memref<10000x16xf32, #tpu.memory_space<hbm>>
      tpu.enqueue_indirect_dma source(%dma_start3A_38 : memref<10000x16xf32, #tpu.memory_space<hbm>>) target(%arg15 : memref<100x16xf32, #tpu.memory_space<vmem>>) offsets(%dma_start3A_35 : memref<100xi32, #tpu.memory_space<vmem>>) semaphore(%arg19 : memref<!tpu.dma_semaphore, #tpu.memory_space<semaphore_mem>>)
      %dma_start3A_39 = arith.constant 0 : i32
      %dma_start3A_40 = arith.constant 0 : i32
      %dma_start3A_41 = tpu.memref_slice %arg12[%dma_start3A_39, %dma_start3A_40] : memref<200x100xi32, #tpu.memory_space<vmem>> -> memref<1x100xi32, #tpu.memory_space<vmem>>
      %dma_start3A_42 = tpu.memref_squeeze %dma_start3A_41 : memref<1x100xi32, #tpu.memory_space<vmem>> -> memref<100xi32, #tpu.memory_space<vmem>>
      %dma_start3A_43 = arith.constant 0 : i32
      %dma_start3A_44 = arith.constant 0 : i32
      %dma_start3A_45 = tpu.memref_slice %arg5[%dma_start3A_43, %dma_start3A_44] : memref<10000x16xf32, #tpu.memory_space<hbm>> -> memref<10000x16xf32, #tpu.memory_space<hbm>>
      tpu.enqueue_indirect_dma source(%dma_start3A_45 : memref<10000x16xf32, #tpu.memory_space<hbm>>) target(%arg16 : memref<100x16xf32, #tpu.memory_space<vmem>>) offsets(%dma_start3A_42 : memref<100xi32, #tpu.memory_space<vmem>>) semaphore(%arg20 : memref<!tpu.dma_semaphore, #tpu.memory_space<semaphore_mem>>)
      %dma_start3A_46 = arith.constant 0 : i32
      %dma_start3A_47 = arith.constant 0 : i32
      %dma_start3A_48 = tpu.memref_slice %arg11[%dma_start3A_46, %dma_start3A_47] : memref<200x100xi32, #tpu.memory_space<vmem>> -> memref<1x100xi32, #tpu.memory_space<vmem>>
      %dma_start3A_49 = tpu.memref_squeeze %dma_start3A_48 : memref<1x100xi32, #tpu.memory_space<vmem>> -> memref<100xi32, #tpu.memory_space<vmem>>
      %dma_start3A_50 = arith.constant 0 : i32
      %dma_start3A_51 = arith.constant 0 : i32
      %dma_start3A_52 = tpu.memref_slice %arg6[%dma_start3A_50, %dma_start3A_51] : memref<10000x64xf32, #tpu.memory_space<hbm>> -> memref<10000x64xf32, #tpu.memory_space<hbm>>
      tpu.enqueue_indirect_dma source(%dma_start3A_52 : memref<10000x64xf32, #tpu.memory_space<hbm>>) target(%arg17 : memref<100x64xf32, #tpu.memory_space<vmem>>) offsets(%dma_start3A_49 : memref<100xi32, #tpu.memory_space<vmem>>) semaphore(%arg21 : memref<!tpu.dma_semaphore, #tpu.memory_space<semaphore_mem>>)
      %scan3A = arith.constant 0 : i32
      %scan3A_53 = arith.constant 0 : i32
      %scan3A_54 = arith.constant 100 : i32
      %scan3A_55 = arith.addi %scan3A_53, %scan3A_54 : i32
      %scan3A_56 = arith.constant 1 : i32
      scf.for %scan3A_78 = %scan3A_53 to %scan3A_55 step %scan3A_56  : i32 {
        %mul3A_79 = arith.constant 2 : i32
        %mul3A_80 = arith.muli %mul3A_79, %scan3A_78 : i32
        %mul3A_81 = arith.constant 2 : i32
        %mul3A_82 = arith.muli %mul3A_81, %scan3A_78 : i32
        %add3A = arith.constant 1 : i32
        %add3A_83 = arith.addi %mul3A_82, %add3A : i32
        %dma_start3A_84 = arith.constant 0 : i32
        %dma_start3A_85 = tpu.memref_slice %arg11[%add3A_83, %dma_start3A_84] : memref<200x100xi32, #tpu.memory_space<vmem>> -> memref<1x100xi32, #tpu.memory_space<vmem>>
        %dma_start3A_86 = tpu.memref_squeeze %dma_start3A_85 : memref<1x100xi32, #tpu.memory_space<vmem>> -> memref<100xi32, #tpu.memory_space<vmem>>
        %dma_start3A_87 = arith.constant 0 : i32
        %dma_start3A_88 = arith.constant 0 : i32
        %dma_start3A_89 = tpu.memref_slice %arg4[%dma_start3A_87, %dma_start3A_88] : memref<10000x16xf32, #tpu.memory_space<hbm>> -> memref<10000x16xf32, #tpu.memory_space<hbm>>
        tpu.enqueue_indirect_dma source(%dma_start3A_89 : memref<10000x16xf32, #tpu.memory_space<hbm>>) target(%arg22 : memref<100x16xf32, #tpu.memory_space<vmem>>) offsets(%dma_start3A_86 : memref<100xi32, #tpu.memory_space<vmem>>) semaphore(%arg26 : memref<!tpu.dma_semaphore, #tpu.memory_space<semaphore_mem>>)
        %dma_start3A_90 = arith.constant 0 : i32
        %dma_start3A_91 = tpu.memref_slice %arg12[%add3A_83, %dma_start3A_90] : memref<200x100xi32, #tpu.memory_space<vmem>> -> memref<1x100xi32, #tpu.memory_space<vmem>>
        %dma_start3A_92 = tpu.memref_squeeze %dma_start3A_91 : memref<1x100xi32, #tpu.memory_space<vmem>> -> memref<100xi32, #tpu.memory_space<vmem>>
        %dma_start3A_93 = arith.constant 0 : i32
        %dma_start3A_94 = arith.constant 0 : i32
        %dma_start3A_95 = tpu.memref_slice %arg5[%dma_start3A_93, %dma_start3A_94] : memref<10000x16xf32, #tpu.memory_space<hbm>> -> memref<10000x16xf32, #tpu.memory_space<hbm>>
        tpu.enqueue_indirect_dma source(%dma_start3A_95 : memref<10000x16xf32, #tpu.memory_space<hbm>>) target(%arg23 : memref<100x16xf32, #tpu.memory_space<vmem>>) offsets(%dma_start3A_92 : memref<100xi32, #tpu.memory_space<vmem>>) semaphore(%arg27 : memref<!tpu.dma_semaphore, #tpu.memory_space<semaphore_mem>>)
        %dma_start3A_96 = arith.constant 0 : i32
        %dma_start3A_97 = tpu.memref_slice %arg11[%add3A_83, %dma_start3A_96] : memref<200x100xi32, #tpu.memory_space<vmem>> -> memref<1x100xi32, #tpu.memory_space<vmem>>
        %dma_start3A_98 = tpu.memref_squeeze %dma_start3A_97 : memref<1x100xi32, #tpu.memory_space<vmem>> -> memref<100xi32, #tpu.memory_space<vmem>>
        %dma_start3A_99 = arith.constant 0 : i32
        %dma_start3A_100 = arith.constant 0 : i32
        %dma_start3A_101 = tpu.memref_slice %arg6[%dma_start3A_99, %dma_start3A_100] : memref<10000x64xf32, #tpu.memory_space<hbm>> -> memref<10000x64xf32, #tpu.memory_space<hbm>>
        tpu.enqueue_indirect_dma source(%dma_start3A_101 : memref<10000x64xf32, #tpu.memory_space<hbm>>) target(%arg24 : memref<100x64xf32, #tpu.memory_space<vmem>>) offsets(%dma_start3A_98 : memref<100xi32, #tpu.memory_space<vmem>>) semaphore(%arg28 : memref<!tpu.dma_semaphore, #tpu.memory_space<semaphore_mem>>)
        %dma_wait3A_102 = arith.constant 0 : i32
        %dma_wait3A_103 = tpu.memref_slice %arg11[%mul3A_80, %dma_wait3A_102] : memref<200x100xi32, #tpu.memory_space<vmem>> -> memref<1x100xi32, #tpu.memory_space<vmem>>
        %dma_wait3A_104 = tpu.memref_squeeze %dma_wait3A_103 : memref<1x100xi32, #tpu.memory_space<vmem>> -> memref<100xi32, #tpu.memory_space<vmem>>
        %dma_wait3A_105 = arith.constant 0 : i32
        %dma_wait3A_106 = arith.constant 0 : i32
        %dma_wait3A_107 = tpu.memref_slice %arg4[%dma_wait3A_105, %dma_wait3A_106] : memref<10000x16xf32, #tpu.memory_space<hbm>> -> memref<10000x16xf32, #tpu.memory_space<hbm>>
        tpu.wait_indirect_dma semaphore(%arg19 : memref<!tpu.dma_semaphore, #tpu.memory_space<semaphore_mem>>) src(%dma_wait3A_107 : memref<10000x16xf32, #tpu.memory_space<hbm>>) dst(%arg15 : memref<100x16xf32, #tpu.memory_space<vmem>>)
        %dma_wait3A_108 = arith.constant 0 : i32
        %dma_wait3A_109 = tpu.memref_slice %arg12[%mul3A_80, %dma_wait3A_108] : memref<200x100xi32, #tpu.memory_space<vmem>> -> memref<1x100xi32, #tpu.memory_space<vmem>>
        %dma_wait3A_110 = tpu.memref_squeeze %dma_wait3A_109 : memref<1x100xi32, #tpu.memory_space<vmem>> -> memref<100xi32, #tpu.memory_space<vmem>>
        %dma_wait3A_111 = arith.constant 0 : i32
        %dma_wait3A_112 = arith.constant 0 : i32
        %dma_wait3A_113 = tpu.memref_slice %arg5[%dma_wait3A_111, %dma_wait3A_112] : memref<10000x16xf32, #tpu.memory_space<hbm>> -> memref<10000x16xf32, #tpu.memory_space<hbm>>
        tpu.wait_indirect_dma semaphore(%arg20 : memref<!tpu.dma_semaphore, #tpu.memory_space<semaphore_mem>>) src(%dma_wait3A_113 : memref<10000x16xf32, #tpu.memory_space<hbm>>) dst(%arg16 : memref<100x16xf32, #tpu.memory_space<vmem>>)
        %dma_wait3A_114 = arith.constant 0 : i32
        %dma_wait3A_115 = tpu.memref_slice %arg11[%mul3A_80, %dma_wait3A_114] : memref<200x100xi32, #tpu.memory_space<vmem>> -> memref<1x100xi32, #tpu.memory_space<vmem>>
        %dma_wait3A_116 = tpu.memref_squeeze %dma_wait3A_115 : memref<1x100xi32, #tpu.memory_space<vmem>> -> memref<100xi32, #tpu.memory_space<vmem>>
        %dma_wait3A_117 = arith.constant 0 : i32
        %dma_wait3A_118 = arith.constant 0 : i32
        %dma_wait3A_119 = tpu.memref_slice %arg6[%dma_wait3A_117, %dma_wait3A_118] : memref<10000x64xf32, #tpu.memory_space<hbm>> -> memref<10000x64xf32, #tpu.memory_space<hbm>>
        tpu.wait_indirect_dma semaphore(%arg21 : memref<!tpu.dma_semaphore, #tpu.memory_space<semaphore_mem>>) src(%dma_wait3A_119 : memref<10000x64xf32, #tpu.memory_space<hbm>>) dst(%arg17 : memref<100x64xf32, #tpu.memory_space<vmem>>)
        %parallel_loop3A = arith.constant 0 : i32
        %parallel_loop3A_120 = arith.constant 100 : i32
        %parallel_loop3A_121 = arith.constant 1 : i32
        scf.for %parallel_loop3A_164 = %parallel_loop3A to %parallel_loop3A_120 step %parallel_loop3A_121  : i32 {
          %parallel_loop3A_165 = arith.index_cast %parallel_loop3A_164 : i32 to index
          %parallel_loop3A_166 = arith.constant 0 : index
          %parallel_loop3A_167 = tpu.vector_load %arg15[%parallel_loop3A_165, %parallel_loop3A_166] {strides = array<i32>} : memref<100x16xf32, #tpu.memory_space<vmem>>, vector<16xf32>,
          %parallel_loop3A_168 = arith.index_cast %parallel_loop3A_164 : i32 to index
          %parallel_loop3A_169 = arith.constant 0 : index
          %parallel_loop3A_170 = tpu.vector_load %arg16[%parallel_loop3A_168, %parallel_loop3A_169] {strides = array<i32>} : memref<100x16xf32, #tpu.memory_space<vmem>>, vector<16xf32>,
          %parallel_loop3A_171 = arith.addf %parallel_loop3A_167, %parallel_loop3A_170 : vector<16xf32>
          %parallel_loop3A_172 = arith.constant 2.000000e-01 : f32
          %parallel_loop3A_173 = vector.broadcast %parallel_loop3A_172 : f32 to vector<16xf32>
          %parallel_loop3A_174 = arith.mulf %parallel_loop3A_173, %parallel_loop3A_171 : vector<16xf32>
          %parallel_loop3A_175 = arith.maximumf %parallel_loop3A_171, %parallel_loop3A_174 : vector<16xf32>
          %parallel_loop3A_176 = arith.subf %parallel_loop3A_175, %get3A_9 : vector<16xf32>
          %parallel_loop3A_177 = math.exp %parallel_loop3A_176 : vector<16xf32>
          %parallel_loop3A_178 = arith.index_cast %parallel_loop3A_164 : i32 to index
          %parallel_loop3A_179 = arith.constant 64 : index
          %parallel_loop3A_180 = tpu.vector_load %arg18[%parallel_loop3A_178, %parallel_loop3A_179] {strides = array<i32>} : memref<100x80xf32, #tpu.memory_space<vmem>>, vector<16xf32>,
          tpu.vector_store %arg18[%parallel_loop3A_178, %parallel_loop3A_179], %parallel_loop3A_177 {strides = array<i32>} : memref<100x80xf32, #tpu.memory_space<vmem>>, vector<16xf32>,
          %parallel_loop3A_181 = vector.extract_strided_slice %parallel_loop3A_177 {offsets = [0], sizes = [1], strides = [1]} : vector<16xf32> to vector<1xf32>
          %parallel_loop3A_182 = vector.extract %parallel_loop3A_181[0] : f32 from vector<1xf32>
          %parallel_loop3A_183 = vector.broadcast %parallel_loop3A_182 : f32 to vector<16xf32>
          %parallel_loop3A_184 = arith.index_cast %parallel_loop3A_164 : i32 to index
          %parallel_loop3A_185 = arith.constant 0 : index
          %parallel_loop3A_186 = tpu.vector_load %arg17[%parallel_loop3A_184, %parallel_loop3A_185] {strides = array<i32>} : memref<100x64xf32, #tpu.memory_space<vmem>>, vector<16xf32>,
          %parallel_loop3A_187 = arith.mulf %parallel_loop3A_186, %parallel_loop3A_183 : vector<16xf32>
          %parallel_loop3A_188 = arith.index_cast %parallel_loop3A_164 : i32 to index
          %parallel_loop3A_189 = arith.constant 0 : index
          %parallel_loop3A_190 = tpu.vector_load %arg18[%parallel_loop3A_188, %parallel_loop3A_189] {strides = array<i32>} : memref<100x80xf32, #tpu.memory_space<vmem>>, vector<16xf32>,
          tpu.vector_store %arg18[%parallel_loop3A_188, %parallel_loop3A_189], %parallel_loop3A_187 {strides = array<i32>} : memref<100x80xf32, #tpu.memory_space<vmem>>, vector<16xf32>,
          %parallel_loop3A_191 = vector.extract_strided_slice %parallel_loop3A_177 {offsets = [1], sizes = [1], strides = [1]} : vector<16xf32> to vector<1xf32>
          %parallel_loop3A_192 = vector.extract %parallel_loop3A_191[0] : f32 from vector<1xf32>
          %parallel_loop3A_193 = vector.broadcast %parallel_loop3A_192 : f32 to vector<16xf32>
          %parallel_loop3A_194 = arith.index_cast %parallel_loop3A_164 : i32 to index
          %parallel_loop3A_195 = arith.constant 16 : index
          %parallel_loop3A_196 = tpu.vector_load %arg17[%parallel_loop3A_194, %parallel_loop3A_195] {strides = array<i32>} : memref<100x64xf32, #tpu.memory_space<vmem>>, vector<16xf32>,
          %parallel_loop3A_197 = arith.mulf %parallel_loop3A_196, %parallel_loop3A_193 : vector<16xf32>
          %parallel_loop3A_198 = arith.index_cast %parallel_loop3A_164 : i32 to index
          %parallel_loop3A_199 = arith.constant 16 : index
          %parallel_loop3A_200 = tpu.vector_load %arg18[%parallel_loop3A_198, %parallel_loop3A_199] {strides = array<i32>} : memref<100x80xf32, #tpu.memory_space<vmem>>, vector<16xf32>,
          tpu.vector_store %arg18[%parallel_loop3A_198, %parallel_loop3A_199], %parallel_loop3A_197 {strides = array<i32>} : memref<100x80xf32, #tpu.memory_space<vmem>>, vector<16xf32>,
          %parallel_loop3A_201 = vector.extract_strided_slice %parallel_loop3A_177 {offsets = [2], sizes = [1], strides = [1]} : vector<16xf32> to vector<1xf32>
          %parallel_loop3A_202 = vector.extract %parallel_loop3A_201[0] : f32 from vector<1xf32>
          %parallel_loop3A_203 = vector.broadcast %parallel_loop3A_202 : f32 to vector<16xf32>
          %parallel_loop3A_204 = arith.index_cast %parallel_loop3A_164 : i32 to index
          %parallel_loop3A_205 = arith.constant 32 : index
          %parallel_loop3A_206 = tpu.vector_load %arg17[%parallel_loop3A_204, %parallel_loop3A_205] {strides = array<i32>} : memref<100x64xf32, #tpu.memory_space<vmem>>, vector<16xf32>,
          %parallel_loop3A_207 = arith.mulf %parallel_loop3A_206, %parallel_loop3A_203 : vector<16xf32>
          %parallel_loop3A_208 = arith.index_cast %parallel_loop3A_164 : i32 to index
          %parallel_loop3A_209 = arith.constant 32 : index
          %parallel_loop3A_210 = tpu.vector_load %arg18[%parallel_loop3A_208, %parallel_loop3A_209] {strides = array<i32>} : memref<100x80xf32, #tpu.memory_space<vmem>>, vector<16xf32>,
          tpu.vector_store %arg18[%parallel_loop3A_208, %parallel_loop3A_209], %parallel_loop3A_207 {strides = array<i32>} : memref<100x80xf32, #tpu.memory_space<vmem>>, vector<16xf32>,
          %parallel_loop3A_211 = vector.extract_strided_slice %parallel_loop3A_177 {offsets = [3], sizes = [1], strides = [1]} : vector<16xf32> to vector<1xf32>
          %parallel_loop3A_212 = vector.extract %parallel_loop3A_211[0] : f32 from vector<1xf32>
          %parallel_loop3A_213 = vector.broadcast %parallel_loop3A_212 : f32 to vector<16xf32>
          %parallel_loop3A_214 = arith.index_cast %parallel_loop3A_164 : i32 to index
          %parallel_loop3A_215 = arith.constant 48 : index
          %parallel_loop3A_216 = tpu.vector_load %arg17[%parallel_loop3A_214, %parallel_loop3A_215] {strides = array<i32>} : memref<100x64xf32, #tpu.memory_space<vmem>>, vector<16xf32>,
          %parallel_loop3A_217 = arith.mulf %parallel_loop3A_216, %parallel_loop3A_213 : vector<16xf32>
          %parallel_loop3A_218 = arith.index_cast %parallel_loop3A_164 : i32 to index
          %parallel_loop3A_219 = arith.constant 48 : index
          %parallel_loop3A_220 = tpu.vector_load %arg18[%parallel_loop3A_218, %parallel_loop3A_219] {strides = array<i32>} : memref<100x80xf32, #tpu.memory_space<vmem>>, vector<16xf32>,
          tpu.vector_store %arg18[%parallel_loop3A_218, %parallel_loop3A_219], %parallel_loop3A_217 {strides = array<i32>} : memref<100x80xf32, #tpu.memory_space<vmem>>, vector<16xf32>,
        } {sc.loop_unroll_factor = 2 : i64, sc.parallel_access}
        "tpu.region"() ({
          %run_scoped3A = tpu.sem_alloc : memref<!tpu.dma_semaphore, #tpu.memory_space<semaphore_mem>>
          %dma_start3A_164 = arith.constant 0 : i32
          %dma_start3A_165 = tpu.memref_slice %arg12[%mul3A_80, %dma_start3A_164] : memref<200x100xi32, #tpu.memory_space<vmem>> -> memref<1x100xi32, #tpu.memory_space<vmem>>
          %dma_start3A_166 = tpu.memref_squeeze %dma_start3A_165 : memref<1x100xi32, #tpu.memory_space<vmem>> -> memref<100xi32, #tpu.memory_space<vmem>>
          %dma_start3A_167 = arith.constant 0 : i32
          %dma_start3A_168 = arith.constant 0 : i32
          %dma_start3A_169 = tpu.memref_slice %arg14[%dma_start3A_167, %dma_start3A_168] : memref<10000x80xf32, #tpu.memory_space<vmem_shared>> -> memref<10000x80xf32, #tpu.memory_space<vmem_shared>>
          tpu.enqueue_indirect_dma source(%arg18 : memref<100x80xf32, #tpu.memory_space<vmem>>) target(%dma_start3A_169 : memref<10000x80xf32, #tpu.memory_space<vmem_shared>>) offsets(%dma_start3A_166 : memref<100xi32, #tpu.memory_space<vmem>>) semaphore(%run_scoped3A : memref<!tpu.dma_semaphore, #tpu.memory_space<semaphore_mem>>) {add = true}
          %dma_wait3A_170 = arith.constant 0 : i32
          %dma_wait3A_171 = tpu.memref_slice %arg12[%mul3A_80, %dma_wait3A_170] : memref<200x100xi32, #tpu.memory_space<vmem>> -> memref<1x100xi32, #tpu.memory_space<vmem>>
          %dma_wait3A_172 = tpu.memref_squeeze %dma_wait3A_171 : memref<1x100xi32, #tpu.memory_space<vmem>> -> memref<100xi32, #tpu.memory_space<vmem>>
          %dma_wait3A_173 = arith.constant 0 : i32
          %dma_wait3A_174 = arith.constant 0 : i32
          %dma_wait3A_175 = tpu.memref_slice %arg14[%dma_wait3A_173, %dma_wait3A_174] : memref<10000x80xf32, #tpu.memory_space<vmem_shared>> -> memref<10000x80xf32, #tpu.memory_space<vmem_shared>>
          tpu.wait_indirect_dma semaphore(%run_scoped3A : memref<!tpu.dma_semaphore, #tpu.memory_space<semaphore_mem>>) src(%arg18 : memref<100x80xf32, #tpu.memory_space<vmem>>) dst(%dma_wait3A_175 : memref<10000x80xf32, #tpu.memory_space<vmem_shared>>)
          tpu.yield
        }) : () -> ()
        %add3A_122 = arith.constant 2 : i32
        %add3A_123 = arith.addi %mul3A_80, %add3A_122 : i32
        %min3A = arith.constant 199 : i32
        %min3A_124 = arith.minsi %add3A_123, %min3A : i32
        %dma_start3A_125 = arith.constant 0 : i32
        %dma_start3A_126 = tpu.memref_slice %arg11[%min3A_124, %dma_start3A_125] : memref<200x100xi32, #tpu.memory_space<vmem>> -> memref<1x100xi32, #tpu.memory_space<vmem>>
        %dma_start3A_127 = tpu.memref_squeeze %dma_start3A_126 : memref<1x100xi32, #tpu.memory_space<vmem>> -> memref<100xi32, #tpu.memory_space<vmem>>
        %dma_start3A_128 = arith.constant 0 : i32
        %dma_start3A_129 = arith.constant 0 : i32
        %dma_start3A_130 = tpu.memref_slice %arg4[%dma_start3A_128, %dma_start3A_129] : memref<10000x16xf32, #tpu.memory_space<hbm>> -> memref<10000x16xf32, #tpu.memory_space<hbm>>
        tpu.enqueue_indirect_dma source(%dma_start3A_130 : memref<10000x16xf32, #tpu.memory_space<hbm>>) target(%arg15 : memref<100x16xf32, #tpu.memory_space<vmem>>) offsets(%dma_start3A_127 : memref<100xi32, #tpu.memory_space<vmem>>) semaphore(%arg19 : memref<!tpu.dma_semaphore, #tpu.memory_space<semaphore_mem>>)
        %dma_start3A_131 = arith.constant 0 : i32
        %dma_start3A_132 = tpu.memref_slice %arg12[%min3A_124, %dma_start3A_131] : memref<200x100xi32, #tpu.memory_space<vmem>> -> memref<1x100xi32, #tpu.memory_space<vmem>>
        %dma_start3A_133 = tpu.memref_squeeze %dma_start3A_132 : memref<1x100xi32, #tpu.memory_space<vmem>> -> memref<100xi32, #tpu.memory_space<vmem>>
        %dma_start3A_134 = arith.constant 0 : i32
        %dma_start3A_135 = arith.constant 0 : i32
        %dma_start3A_136 = tpu.memref_slice %arg5[%dma_start3A_134, %dma_start3A_135] : memref<10000x16xf32, #tpu.memory_space<hbm>> -> memref<10000x16xf32, #tpu.memory_space<hbm>>
        tpu.enqueue_indirect_dma source(%dma_start3A_136 : memref<10000x16xf32, #tpu.memory_space<hbm>>) target(%arg16 : memref<100x16xf32, #tpu.memory_space<vmem>>) offsets(%dma_start3A_133 : memref<100xi32, #tpu.memory_space<vmem>>) semaphore(%arg20 : memref<!tpu.dma_semaphore, #tpu.memory_space<semaphore_mem>>)
        %dma_start3A_137 = arith.constant 0 : i32
        %dma_start3A_138 = tpu.memref_slice %arg11[%min3A_124, %dma_start3A_137] : memref<200x100xi32, #tpu.memory_space<vmem>> -> memref<1x100xi32, #tpu.memory_space<vmem>>
        %dma_start3A_139 = tpu.memref_squeeze %dma_start3A_138 : memref<1x100xi32, #tpu.memory_space<vmem>> -> memref<100xi32, #tpu.memory_space<vmem>>
        %dma_start3A_140 = arith.constant 0 : i32
        %dma_start3A_141 = arith.constant 0 : i32
        %dma_start3A_142 = tpu.memref_slice %arg6[%dma_start3A_140, %dma_start3A_141] : memref<10000x64xf32, #tpu.memory_space<hbm>> -> memref<10000x64xf32, #tpu.memory_space<hbm>>
        tpu.enqueue_indirect_dma source(%dma_start3A_142 : memref<10000x64xf32, #tpu.memory_space<hbm>>) target(%arg17 : memref<100x64xf32, #tpu.memory_space<vmem>>) offsets(%dma_start3A_139 : memref<100xi32, #tpu.memory_space<vmem>>) semaphore(%arg21 : memref<!tpu.dma_semaphore, #tpu.memory_space<semaphore_mem>>)
        %dma_wait3A_143 = arith.constant 0 : i32
        %dma_wait3A_144 = tpu.memref_slice %arg11[%add3A_83, %dma_wait3A_143] : memref<200x100xi32, #tpu.memory_space<vmem>> -> memref<1x100xi32, #tpu.memory_space<vmem>>
        %dma_wait3A_145 = tpu.memref_squeeze %dma_wait3A_144 : memref<1x100xi32, #tpu.memory_space<vmem>> -> memref<100xi32, #tpu.memory_space<vmem>>
        %dma_wait3A_146 = arith.constant 0 : i32
        %dma_wait3A_147 = arith.constant 0 : i32
        %dma_wait3A_148 = tpu.memref_slice %arg4[%dma_wait3A_146, %dma_wait3A_147] : memref<10000x16xf32, #tpu.memory_space<hbm>> -> memref<10000x16xf32, #tpu.memory_space<hbm>>
        tpu.wait_indirect_dma semaphore(%arg26 : memref<!tpu.dma_semaphore, #tpu.memory_space<semaphore_mem>>) src(%dma_wait3A_148 : memref<10000x16xf32, #tpu.memory_space<hbm>>) dst(%arg22 : memref<100x16xf32, #tpu.memory_space<vmem>>)
        %dma_wait3A_149 = arith.constant 0 : i32
        %dma_wait3A_150 = tpu.memref_slice %arg12[%add3A_83, %dma_wait3A_149] : memref<200x100xi32, #tpu.memory_space<vmem>> -> memref<1x100xi32, #tpu.memory_space<vmem>>
        %dma_wait3A_151 = tpu.memref_squeeze %dma_wait3A_150 : memref<1x100xi32, #tpu.memory_space<vmem>> -> memref<100xi32, #tpu.memory_space<vmem>>
        %dma_wait3A_152 = arith.constant 0 : i32
        %dma_wait3A_153 = arith.constant 0 : i32
        %dma_wait3A_154 = tpu.memref_slice %arg5[%dma_wait3A_152, %dma_wait3A_153] : memref<10000x16xf32, #tpu.memory_space<hbm>> -> memref<10000x16xf32, #tpu.memory_space<hbm>>
        tpu.wait_indirect_dma semaphore(%arg27 : memref<!tpu.dma_semaphore, #tpu.memory_space<semaphore_mem>>) src(%dma_wait3A_154 : memref<10000x16xf32, #tpu.memory_space<hbm>>) dst(%arg23 : memref<100x16xf32, #tpu.memory_space<vmem>>)
        %dma_wait3A_155 = arith.constant 0 : i32
        %dma_wait3A_156 = tpu.memref_slice %arg11[%add3A_83, %dma_wait3A_155] : memref<200x100xi32, #tpu.memory_space<vmem>> -> memref<1x100xi32, #tpu.memory_space<vmem>>
        %dma_wait3A_157 = tpu.memref_squeeze %dma_wait3A_156 : memref<1x100xi32, #tpu.memory_space<vmem>> -> memref<100xi32, #tpu.memory_space<vmem>>
        %dma_wait3A_158 = arith.constant 0 : i32
        %dma_wait3A_159 = arith.constant 0 : i32
        %dma_wait3A_160 = tpu.memref_slice %arg6[%dma_wait3A_158, %dma_wait3A_159] : memref<10000x64xf32, #tpu.memory_space<hbm>> -> memref<10000x64xf32, #tpu.memory_space<hbm>>
        tpu.wait_indirect_dma semaphore(%arg28 : memref<!tpu.dma_semaphore, #tpu.memory_space<semaphore_mem>>) src(%dma_wait3A_160 : memref<10000x64xf32, #tpu.memory_space<hbm>>) dst(%arg24 : memref<100x64xf32, #tpu.memory_space<vmem>>)
        %parallel_loop3A_161 = arith.constant 0 : i32
        %parallel_loop3A_162 = arith.constant 100 : i32
        %parallel_loop3A_163 = arith.constant 1 : i32
        scf.for %parallel_loop3A_164 = %parallel_loop3A_161 to %parallel_loop3A_162 step %parallel_loop3A_163  : i32 {
          %parallel_loop3A_165 = arith.index_cast %parallel_loop3A_164 : i32 to index
          %parallel_loop3A_166 = arith.constant 0 : index
          %parallel_loop3A_167 = tpu.vector_load %arg22[%parallel_loop3A_165, %parallel_loop3A_166] {strides = array<i32>} : memref<100x16xf32, #tpu.memory_space<vmem>>, vector<16xf32>,
          %parallel_loop3A_168 = arith.index_cast %parallel_loop3A_164 : i32 to index
          %parallel_loop3A_169 = arith.constant 0 : index
          %parallel_loop3A_170 = tpu.vector_load %arg23[%parallel_loop3A_168, %parallel_loop3A_169] {strides = array<i32>} : memref<100x16xf32, #tpu.memory_space<vmem>>, vector<16xf32>,
          %parallel_loop3A_171 = arith.addf %parallel_loop3A_167, %parallel_loop3A_170 : vector<16xf32>
          %parallel_loop3A_172 = arith.constant 2.000000e-01 : f32
          %parallel_loop3A_173 = vector.broadcast %parallel_loop3A_172 : f32 to vector<16xf32>
          %parallel_loop3A_174 = arith.mulf %parallel_loop3A_173, %parallel_loop3A_171 : vector<16xf32>
          %parallel_loop3A_175 = arith.maximumf %parallel_loop3A_171, %parallel_loop3A_174 : vector<16xf32>
          %parallel_loop3A_176 = arith.subf %parallel_loop3A_175, %get3A_9 : vector<16xf32>
          %parallel_loop3A_177 = math.exp %parallel_loop3A_176 : vector<16xf32>
          %parallel_loop3A_178 = arith.index_cast %parallel_loop3A_164 : i32 to index
          %parallel_loop3A_179 = arith.constant 64 : index
          %parallel_loop3A_180 = tpu.vector_load %arg25[%parallel_loop3A_178, %parallel_loop3A_179] {strides = array<i32>} : memref<100x80xf32, #tpu.memory_space<vmem>>, vector<16xf32>,
          tpu.vector_store %arg25[%parallel_loop3A_178, %parallel_loop3A_179], %parallel_loop3A_177 {strides = array<i32>} : memref<100x80xf32, #tpu.memory_space<vmem>>, vector<16xf32>,
          %parallel_loop3A_181 = vector.extract_strided_slice %parallel_loop3A_177 {offsets = [0], sizes = [1], strides = [1]} : vector<16xf32> to vector<1xf32>
          %parallel_loop3A_182 = vector.extract %parallel_loop3A_181[0] : f32 from vector<1xf32>
          %parallel_loop3A_183 = vector.broadcast %parallel_loop3A_182 : f32 to vector<16xf32>
          %parallel_loop3A_184 = arith.index_cast %parallel_loop3A_164 : i32 to index
          %parallel_loop3A_185 = arith.constant 0 : index
          %parallel_loop3A_186 = tpu.vector_load %arg24[%parallel_loop3A_184, %parallel_loop3A_185] {strides = array<i32>} : memref<100x64xf32, #tpu.memory_space<vmem>>, vector<16xf32>,
          %parallel_loop3A_187 = arith.mulf %parallel_loop3A_186, %parallel_loop3A_183 : vector<16xf32>
          %parallel_loop3A_188 = arith.index_cast %parallel_loop3A_164 : i32 to index
          %parallel_loop3A_189 = arith.constant 0 : index
          %parallel_loop3A_190 = tpu.vector_load %arg25[%parallel_loop3A_188, %parallel_loop3A_189] {strides = array<i32>} : memref<100x80xf32, #tpu.memory_space<vmem>>, vector<16xf32>,
          tpu.vector_store %arg25[%parallel_loop3A_188, %parallel_loop3A_189], %parallel_loop3A_187 {strides = array<i32>} : memref<100x80xf32, #tpu.memory_space<vmem>>, vector<16xf32>,
          %parallel_loop3A_191 = vector.extract_strided_slice %parallel_loop3A_177 {offsets = [1], sizes = [1], strides = [1]} : vector<16xf32> to vector<1xf32>
          %parallel_loop3A_192 = vector.extract %parallel_loop3A_191[0] : f32 from vector<1xf32>
          %parallel_loop3A_193 = vector.broadcast %parallel_loop3A_192 : f32 to vector<16xf32>
          %parallel_loop3A_194 = arith.index_cast %parallel_loop3A_164 : i32 to index
          %parallel_loop3A_195 = arith.constant 16 : index
          %parallel_loop3A_196 = tpu.vector_load %arg24[%parallel_loop3A_194, %parallel_loop3A_195] {strides = array<i32>} : memref<100x64xf32, #tpu.memory_space<vmem>>, vector<16xf32>,
          %parallel_loop3A_197 = arith.mulf %parallel_loop3A_196, %parallel_loop3A_193 : vector<16xf32>
          %parallel_loop3A_198 = arith.index_cast %parallel_loop3A_164 : i32 to index
          %parallel_loop3A_199 = arith.constant 16 : index
          %parallel_loop3A_200 = tpu.vector_load %arg25[%parallel_loop3A_198, %parallel_loop3A_199] {strides = array<i32>} : memref<100x80xf32, #tpu.memory_space<vmem>>, vector<16xf32>,
          tpu.vector_store %arg25[%parallel_loop3A_198, %parallel_loop3A_199], %parallel_loop3A_197 {strides = array<i32>} : memref<100x80xf32, #tpu.memory_space<vmem>>, vector<16xf32>,
          %parallel_loop3A_201 = vector.extract_strided_slice %parallel_loop3A_177 {offsets = [2], sizes = [1], strides = [1]} : vector<16xf32> to vector<1xf32>
          %parallel_loop3A_202 = vector.extract %parallel_loop3A_201[0] : f32 from vector<1xf32>
          %parallel_loop3A_203 = vector.broadcast %parallel_loop3A_202 : f32 to vector<16xf32>
          %parallel_loop3A_204 = arith.index_cast %parallel_loop3A_164 : i32 to index
          %parallel_loop3A_205 = arith.constant 32 : index
          %parallel_loop3A_206 = tpu.vector_load %arg24[%parallel_loop3A_204, %parallel_loop3A_205] {strides = array<i32>} : memref<100x64xf32, #tpu.memory_space<vmem>>, vector<16xf32>,
          %parallel_loop3A_207 = arith.mulf %parallel_loop3A_206, %parallel_loop3A_203 : vector<16xf32>
          %parallel_loop3A_208 = arith.index_cast %parallel_loop3A_164 : i32 to index
          %parallel_loop3A_209 = arith.constant 32 : index
          %parallel_loop3A_210 = tpu.vector_load %arg25[%parallel_loop3A_208, %parallel_loop3A_209] {strides = array<i32>} : memref<100x80xf32, #tpu.memory_space<vmem>>, vector<16xf32>,
          tpu.vector_store %arg25[%parallel_loop3A_208, %parallel_loop3A_209], %parallel_loop3A_207 {strides = array<i32>} : memref<100x80xf32, #tpu.memory_space<vmem>>, vector<16xf32>,
          %parallel_loop3A_211 = vector.extract_strided_slice %parallel_loop3A_177 {offsets = [3], sizes = [1], strides = [1]} : vector<16xf32> to vector<1xf32>
          %parallel_loop3A_212 = vector.extract %parallel_loop3A_211[0] : f32 from vector<1xf32>
          %parallel_loop3A_213 = vector.broadcast %parallel_loop3A_212 : f32 to vector<16xf32>
          %parallel_loop3A_214 = arith.index_cast %parallel_loop3A_164 : i32 to index
          %parallel_loop3A_215 = arith.constant 48 : index
          %parallel_loop3A_216 = tpu.vector_load %arg24[%parallel_loop3A_214, %parallel_loop3A_215] {strides = array<i32>} : memref<100x64xf32, #tpu.memory_space<vmem>>, vector<16xf32>,
          %parallel_loop3A_217 = arith.mulf %parallel_loop3A_216, %parallel_loop3A_213 : vector<16xf32>
          %parallel_loop3A_218 = arith.index_cast %parallel_loop3A_164 : i32 to index
          %parallel_loop3A_219 = arith.constant 48 : index
          %parallel_loop3A_220 = tpu.vector_load %arg25[%parallel_loop3A_218, %parallel_loop3A_219] {strides = array<i32>} : memref<100x80xf32, #tpu.memory_space<vmem>>, vector<16xf32>,
          tpu.vector_store %arg25[%parallel_loop3A_218, %parallel_loop3A_219], %parallel_loop3A_217 {strides = array<i32>} : memref<100x80xf32, #tpu.memory_space<vmem>>, vector<16xf32>,
        } {sc.loop_unroll_factor = 2 : i64, sc.parallel_access}
        "tpu.region"() ({
          %run_scoped3A = tpu.sem_alloc : memref<!tpu.dma_semaphore, #tpu.memory_space<semaphore_mem>>
          %dma_start3A_164 = arith.constant 0 : i32
          %dma_start3A_165 = tpu.memref_slice %arg12[%add3A_83, %dma_start3A_164] : memref<200x100xi32, #tpu.memory_space<vmem>> -> memref<1x100xi32, #tpu.memory_space<vmem>>
          %dma_start3A_166 = tpu.memref_squeeze %dma_start3A_165 : memref<1x100xi32, #tpu.memory_space<vmem>> -> memref<100xi32, #tpu.memory_space<vmem>>
          %dma_start3A_167 = arith.constant 0 : i32
          %dma_start3A_168 = arith.constant 0 : i32
          %dma_start3A_169 = tpu.memref_slice %arg14[%dma_start3A_167, %dma_start3A_168] : memref<10000x80xf32, #tpu.memory_space<vmem_shared>> -> memref<10000x80xf32, #tpu.memory_space<vmem_shared>>
          tpu.enqueue_indirect_dma source(%arg25 : memref<100x80xf32, #tpu.memory_space<vmem>>) target(%dma_start3A_169 : memref<10000x80xf32, #tpu.memory_space<vmem_shared>>) offsets(%dma_start3A_166 : memref<100xi32, #tpu.memory_space<vmem>>) semaphore(%run_scoped3A : memref<!tpu.dma_semaphore, #tpu.memory_space<semaphore_mem>>) {add = true}
          %dma_wait3A_170 = arith.constant 0 : i32
          %dma_wait3A_171 = tpu.memref_slice %arg12[%add3A_83, %dma_wait3A_170] : memref<200x100xi32, #tpu.memory_space<vmem>> -> memref<1x100xi32, #tpu.memory_space<vmem>>
          %dma_wait3A_172 = tpu.memref_squeeze %dma_wait3A_171 : memref<1x100xi32, #tpu.memory_space<vmem>> -> memref<100xi32, #tpu.memory_space<vmem>>
          %dma_wait3A_173 = arith.constant 0 : i32
          %dma_wait3A_174 = arith.constant 0 : i32
          %dma_wait3A_175 = tpu.memref_slice %arg14[%dma_wait3A_173, %dma_wait3A_174] : memref<10000x80xf32, #tpu.memory_space<vmem_shared>> -> memref<10000x80xf32, #tpu.memory_space<vmem_shared>>
          tpu.wait_indirect_dma semaphore(%run_scoped3A : memref<!tpu.dma_semaphore, #tpu.memory_space<semaphore_mem>>) src(%arg25 : memref<100x80xf32, #tpu.memory_space<vmem>>) dst(%dma_wait3A_175 : memref<10000x80xf32, #tpu.memory_space<vmem_shared>>)
          tpu.yield
        }) : () -> ()
      }
      %scan3A_57 = arith.constant 100 : i32
      %dma_wait3A = arith.constant 199 : i32
      %dma_wait3A_58 = arith.constant 0 : i32
      %dma_wait3A_59 = tpu.memref_slice %arg11[%dma_wait3A, %dma_wait3A_58] : memref<200x100xi32, #tpu.memory_space<vmem>> -> memref<1x100xi32, #tpu.memory_space<vmem>>
      %dma_wait3A_60 = tpu.memref_squeeze %dma_wait3A_59 : memref<1x100xi32, #tpu.memory_space<vmem>> -> memref<100xi32, #tpu.memory_space<vmem>>
      %dma_wait3A_61 = arith.constant 0 : i32
      %dma_wait3A_62 = arith.constant 0 : i32
      %dma_wait3A_63 = tpu.memref_slice %arg4[%dma_wait3A_61, %dma_wait3A_62] : memref<10000x16xf32, #tpu.memory_space<hbm>> -> memref<10000x16xf32, #tpu.memory_space<hbm>>
      tpu.wait_indirect_dma semaphore(%arg19 : memref<!tpu.dma_semaphore, #tpu.memory_space<semaphore_mem>>) src(%dma_wait3A_63 : memref<10000x16xf32, #tpu.memory_space<hbm>>) dst(%arg15 : memref<100x16xf32, #tpu.memory_space<vmem>>)
      %dma_wait3A_64 = arith.constant 199 : i32
      %dma_wait3A_65 = arith.constant 0 : i32
      %dma_wait3A_66 = tpu.memref_slice %arg12[%dma_wait3A_64, %dma_wait3A_65] : memref<200x100xi32, #tpu.memory_space<vmem>> -> memref<1x100xi32, #tpu.memory_space<vmem>>
      %dma_wait3A_67 = tpu.memref_squeeze %dma_wait3A_66 : memref<1x100xi32, #tpu.memory_space<vmem>> -> memref<100xi32, #tpu.memory_space<vmem>>
      %dma_wait3A_68 = arith.constant 0 : i32
      %dma_wait3A_69 = arith.constant 0 : i32
      %dma_wait3A_70 = tpu.memref_slice %arg5[%dma_wait3A_68, %dma_wait3A_69] : memref<10000x16xf32, #tpu.memory_space<hbm>> -> memref<10000x16xf32, #tpu.memory_space<hbm>>
      tpu.wait_indirect_dma semaphore(%arg20 : memref<!tpu.dma_semaphore, #tpu.memory_space<semaphore_mem>>) src(%dma_wait3A_70 : memref<10000x16xf32, #tpu.memory_space<hbm>>) dst(%arg16 : memref<100x16xf32, #tpu.memory_space<vmem>>)
      %dma_wait3A_71 = arith.constant 199 : i32
      %dma_wait3A_72 = arith.constant 0 : i32
      %dma_wait3A_73 = tpu.memref_slice %arg11[%dma_wait3A_71, %dma_wait3A_72] : memref<200x100xi32, #tpu.memory_space<vmem>> -> memref<1x100xi32, #tpu.memory_space<vmem>>
      %dma_wait3A_74 = tpu.memref_squeeze %dma_wait3A_73 : memref<1x100xi32, #tpu.memory_space<vmem>> -> memref<100xi32, #tpu.memory_space<vmem>>
      %dma_wait3A_75 = arith.constant 0 : i32
      %dma_wait3A_76 = arith.constant 0 : i32
      %dma_wait3A_77 = tpu.memref_slice %arg6[%dma_wait3A_75, %dma_wait3A_76] : memref<10000x64xf32, #tpu.memory_space<hbm>> -> memref<10000x64xf32, #tpu.memory_space<hbm>>
      tpu.wait_indirect_dma semaphore(%arg21 : memref<!tpu.dma_semaphore, #tpu.memory_space<semaphore_mem>>) src(%dma_wait3A_77 : memref<10000x64xf32, #tpu.memory_space<hbm>>) dst(%arg17 : memref<100x64xf32, #tpu.memory_space<vmem>>)
    } else {
    }
    %eq3A_15 = arith.constant 1 : i32
    %eq3A_16 = arith.cmpi eq, %arg0, %eq3A_15 : i32
    %convert_element_type3A_17 = arith.extui %eq3A_16 : i1 to i32
    %cond3A_18 = arith.constant 0 : i32
    %cond3A_19 = arith.cmpi ne, %convert_element_type3A_17, %cond3A_18 : i32
    scf.if %cond3A_19 {
      %dma_start3A = arith.constant 0 : i32
      %dma_start3A_33 = arith.constant 0 : i32
      %dma_start3A_34 = tpu.memref_slice %arg11[%dma_start3A, %dma_start3A_33] : memref<200x100xi32, #tpu.memory_space<vmem>> -> memref<1x100xi32, #tpu.memory_space<vmem>>
      %dma_start3A_35 = tpu.memref_squeeze %dma_start3A_34 : memref<1x100xi32, #tpu.memory_space<vmem>> -> memref<100xi32, #tpu.memory_space<vmem>>
      %dma_start3A_36 = arith.constant 0 : i32
      %dma_start3A_37 = arith.constant 0 : i32
      %dma_start3A_38 = tpu.memref_slice %arg4[%dma_start3A_36, %dma_start3A_37] : memref<10000x16xf32, #tpu.memory_space<hbm>> -> memref<10000x16xf32, #tpu.memory_space<hbm>>
      tpu.enqueue_indirect_dma source(%dma_start3A_38 : memref<10000x16xf32, #tpu.memory_space<hbm>>) target(%arg15 : memref<100x16xf32, #tpu.memory_space<vmem>>) offsets(%dma_start3A_35 : memref<100xi32, #tpu.memory_space<vmem>>) semaphore(%arg19 : memref<!tpu.dma_semaphore, #tpu.memory_space<semaphore_mem>>)
      %dma_start3A_39 = arith.constant 0 : i32
      %dma_start3A_40 = arith.constant 0 : i32
      %dma_start3A_41 = tpu.memref_slice %arg12[%dma_start3A_39, %dma_start3A_40] : memref<200x100xi32, #tpu.memory_space<vmem>> -> memref<1x100xi32, #tpu.memory_space<vmem>>
      %dma_start3A_42 = tpu.memref_squeeze %dma_start3A_41 : memref<1x100xi32, #tpu.memory_space<vmem>> -> memref<100xi32, #tpu.memory_space<vmem>>
      %dma_start3A_43 = arith.constant 0 : i32
      %dma_start3A_44 = arith.constant 0 : i32
      %dma_start3A_45 = tpu.memref_slice %arg5[%dma_start3A_43, %dma_start3A_44] : memref<10000x16xf32, #tpu.memory_space<hbm>> -> memref<10000x16xf32, #tpu.memory_space<hbm>>
      tpu.enqueue_indirect_dma source(%dma_start3A_45 : memref<10000x16xf32, #tpu.memory_space<hbm>>) target(%arg16 : memref<100x16xf32, #tpu.memory_space<vmem>>) offsets(%dma_start3A_42 : memref<100xi32, #tpu.memory_space<vmem>>) semaphore(%arg20 : memref<!tpu.dma_semaphore, #tpu.memory_space<semaphore_mem>>)
      %dma_start3A_46 = arith.constant 0 : i32
      %dma_start3A_47 = arith.constant 0 : i32
      %dma_start3A_48 = tpu.memref_slice %arg11[%dma_start3A_46, %dma_start3A_47] : memref<200x100xi32, #tpu.memory_space<vmem>> -> memref<1x100xi32, #tpu.memory_space<vmem>>
      %dma_start3A_49 = tpu.memref_squeeze %dma_start3A_48 : memref<1x100xi32, #tpu.memory_space<vmem>> -> memref<100xi32, #tpu.memory_space<vmem>>
      %dma_start3A_50 = arith.constant 0 : i32
      %dma_start3A_51 = arith.constant 0 : i32
      %dma_start3A_52 = tpu.memref_slice %arg7[%dma_start3A_50, %dma_start3A_51] : memref<10000x64xf32, #tpu.memory_space<hbm>> -> memref<10000x64xf32, #tpu.memory_space<hbm>>
      tpu.enqueue_indirect_dma source(%dma_start3A_52 : memref<10000x64xf32, #tpu.memory_space<hbm>>) target(%arg17 : memref<100x64xf32, #tpu.memory_space<vmem>>) offsets(%dma_start3A_49 : memref<100xi32, #tpu.memory_space<vmem>>) semaphore(%arg21 : memref<!tpu.dma_semaphore, #tpu.memory_space<semaphore_mem>>)
      %scan3A = arith.constant 0 : i32
      %scan3A_53 = arith.constant 0 : i32
      %scan3A_54 = arith.constant 100 : i32
      %scan3A_55 = arith.addi %scan3A_53, %scan3A_54 : i32
      %scan3A_56 = arith.constant 1 : i32
      scf.for %scan3A_78 = %scan3A_53 to %scan3A_55 step %scan3A_56  : i32 {
        %mul3A_79 = arith.constant 2 : i32
        %mul3A_80 = arith.muli %mul3A_79, %scan3A_78 : i32
        %mul3A_81 = arith.constant 2 : i32
        %mul3A_82 = arith.muli %mul3A_81, %scan3A_78 : i32
        %add3A = arith.constant 1 : i32
        %add3A_83 = arith.addi %mul3A_82, %add3A : i32
        %dma_start3A_84 = arith.constant 0 : i32
        %dma_start3A_85 = tpu.memref_slice %arg11[%add3A_83, %dma_start3A_84] : memref<200x100xi32, #tpu.memory_space<vmem>> -> memref<1x100xi32, #tpu.memory_space<vmem>>
        %dma_start3A_86 = tpu.memref_squeeze %dma_start3A_85 : memref<1x100xi32, #tpu.memory_space<vmem>> -> memref<100xi32, #tpu.memory_space<vmem>>
        %dma_start3A_87 = arith.constant 0 : i32
        %dma_start3A_88 = arith.constant 0 : i32
        %dma_start3A_89 = tpu.memref_slice %arg4[%dma_start3A_87, %dma_start3A_88] : memref<10000x16xf32, #tpu.memory_space<hbm>> -> memref<10000x16xf32, #tpu.memory_space<hbm>>
        tpu.enqueue_indirect_dma source(%dma_start3A_89 : memref<10000x16xf32, #tpu.memory_space<hbm>>) target(%arg22 : memref<100x16xf32, #tpu.memory_space<vmem>>) offsets(%dma_start3A_86 : memref<100xi32, #tpu.memory_space<vmem>>) semaphore(%arg26 : memref<!tpu.dma_semaphore, #tpu.memory_space<semaphore_mem>>)
        %dma_start3A_90 = arith.constant 0 : i32
        %dma_start3A_91 = tpu.memref_slice %arg12[%add3A_83, %dma_start3A_90] : memref<200x100xi32, #tpu.memory_space<vmem>> -> memref<1x100xi32, #tpu.memory_space<vmem>>
        %dma_start3A_92 = tpu.memref_squeeze %dma_start3A_91 : memref<1x100xi32, #tpu.memory_space<vmem>> -> memref<100xi32, #tpu.memory_space<vmem>>
        %dma_start3A_93 = arith.constant 0 : i32
        %dma_start3A_94 = arith.constant 0 : i32
        %dma_start3A_95 = tpu.memref_slice %arg5[%dma_start3A_93, %dma_start3A_94] : memref<10000x16xf32, #tpu.memory_space<hbm>> -> memref<10000x16xf32, #tpu.memory_space<hbm>>
        tpu.enqueue_indirect_dma source(%dma_start3A_95 : memref<10000x16xf32, #tpu.memory_space<hbm>>) target(%arg23 : memref<100x16xf32, #tpu.memory_space<vmem>>) offsets(%dma_start3A_92 : memref<100xi32, #tpu.memory_space<vmem>>) semaphore(%arg27 : memref<!tpu.dma_semaphore, #tpu.memory_space<semaphore_mem>>)
        %dma_start3A_96 = arith.constant 0 : i32
        %dma_start3A_97 = tpu.memref_slice %arg11[%add3A_83, %dma_start3A_96] : memref<200x100xi32, #tpu.memory_space<vmem>> -> memref<1x100xi32, #tpu.memory_space<vmem>>
        %dma_start3A_98 = tpu.memref_squeeze %dma_start3A_97 : memref<1x100xi32, #tpu.memory_space<vmem>> -> memref<100xi32, #tpu.memory_space<vmem>>
        %dma_start3A_99 = arith.constant 0 : i32
        %dma_start3A_100 = arith.constant 0 : i32
        %dma_start3A_101 = tpu.memref_slice %arg7[%dma_start3A_99, %dma_start3A_100] : memref<10000x64xf32, #tpu.memory_space<hbm>> -> memref<10000x64xf32, #tpu.memory_space<hbm>>
        tpu.enqueue_indirect_dma source(%dma_start3A_101 : memref<10000x64xf32, #tpu.memory_space<hbm>>) target(%arg24 : memref<100x64xf32, #tpu.memory_space<vmem>>) offsets(%dma_start3A_98 : memref<100xi32, #tpu.memory_space<vmem>>) semaphore(%arg28 : memref<!tpu.dma_semaphore, #tpu.memory_space<semaphore_mem>>)
        %dma_wait3A_102 = arith.constant 0 : i32
        %dma_wait3A_103 = tpu.memref_slice %arg11[%mul3A_80, %dma_wait3A_102] : memref<200x100xi32, #tpu.memory_space<vmem>> -> memref<1x100xi32, #tpu.memory_space<vmem>>
        %dma_wait3A_104 = tpu.memref_squeeze %dma_wait3A_103 : memref<1x100xi32, #tpu.memory_space<vmem>> -> memref<100xi32, #tpu.memory_space<vmem>>
        %dma_wait3A_105 = arith.constant 0 : i32
        %dma_wait3A_106 = arith.constant 0 : i32
        %dma_wait3A_107 = tpu.memref_slice %arg4[%dma_wait3A_105, %dma_wait3A_106] : memref<10000x16xf32, #tpu.memory_space<hbm>> -> memref<10000x16xf32, #tpu.memory_space<hbm>>
        tpu.wait_indirect_dma semaphore(%arg19 : memref<!tpu.dma_semaphore, #tpu.memory_space<semaphore_mem>>) src(%dma_wait3A_107 : memref<10000x16xf32, #tpu.memory_space<hbm>>) dst(%arg15 : memref<100x16xf32, #tpu.memory_space<vmem>>)
        %dma_wait3A_108 = arith.constant 0 : i32
        %dma_wait3A_109 = tpu.memref_slice %arg12[%mul3A_80, %dma_wait3A_108] : memref<200x100xi32, #tpu.memory_space<vmem>> -> memref<1x100xi32, #tpu.memory_space<vmem>>
        %dma_wait3A_110 = tpu.memref_squeeze %dma_wait3A_109 : memref<1x100xi32, #tpu.memory_space<vmem>> -> memref<100xi32, #tpu.memory_space<vmem>>
        %dma_wait3A_111 = arith.constant 0 : i32
        %dma_wait3A_112 = arith.constant 0 : i32
        %dma_wait3A_113 = tpu.memref_slice %arg5[%dma_wait3A_111, %dma_wait3A_112] : memref<10000x16xf32, #tpu.memory_space<hbm>> -> memref<10000x16xf32, #tpu.memory_space<hbm>>
        tpu.wait_indirect_dma semaphore(%arg20 : memref<!tpu.dma_semaphore, #tpu.memory_space<semaphore_mem>>) src(%dma_wait3A_113 : memref<10000x16xf32, #tpu.memory_space<hbm>>) dst(%arg16 : memref<100x16xf32, #tpu.memory_space<vmem>>)
        %dma_wait3A_114 = arith.constant 0 : i32
        %dma_wait3A_115 = tpu.memref_slice %arg11[%mul3A_80, %dma_wait3A_114] : memref<200x100xi32, #tpu.memory_space<vmem>> -> memref<1x100xi32, #tpu.memory_space<vmem>>
        %dma_wait3A_116 = tpu.memref_squeeze %dma_wait3A_115 : memref<1x100xi32, #tpu.memory_space<vmem>> -> memref<100xi32, #tpu.memory_space<vmem>>
        %dma_wait3A_117 = arith.constant 0 : i32
        %dma_wait3A_118 = arith.constant 0 : i32
        %dma_wait3A_119 = tpu.memref_slice %arg7[%dma_wait3A_117, %dma_wait3A_118] : memref<10000x64xf32, #tpu.memory_space<hbm>> -> memref<10000x64xf32, #tpu.memory_space<hbm>>
        tpu.wait_indirect_dma semaphore(%arg21 : memref<!tpu.dma_semaphore, #tpu.memory_space<semaphore_mem>>) src(%dma_wait3A_119 : memref<10000x64xf32, #tpu.memory_space<hbm>>) dst(%arg17 : memref<100x64xf32, #tpu.memory_space<vmem>>)
        %parallel_loop3A = arith.constant 0 : i32
        %parallel_loop3A_120 = arith.constant 100 : i32
        %parallel_loop3A_121 = arith.constant 1 : i32
        scf.for %parallel_loop3A_164 = %parallel_loop3A to %parallel_loop3A_120 step %parallel_loop3A_121  : i32 {
          %parallel_loop3A_165 = arith.index_cast %parallel_loop3A_164 : i32 to index
          %parallel_loop3A_166 = arith.constant 0 : index
          %parallel_loop3A_167 = tpu.vector_load %arg15[%parallel_loop3A_165, %parallel_loop3A_166] {strides = array<i32>} : memref<100x16xf32, #tpu.memory_space<vmem>>, vector<16xf32>,
          %parallel_loop3A_168 = arith.index_cast %parallel_loop3A_164 : i32 to index
          %parallel_loop3A_169 = arith.constant 0 : index
          %parallel_loop3A_170 = tpu.vector_load %arg16[%parallel_loop3A_168, %parallel_loop3A_169] {strides = array<i32>} : memref<100x16xf32, #tpu.memory_space<vmem>>, vector<16xf32>,
          %parallel_loop3A_171 = arith.addf %parallel_loop3A_167, %parallel_loop3A_170 : vector<16xf32>
          %parallel_loop3A_172 = arith.constant 2.000000e-01 : f32
          %parallel_loop3A_173 = vector.broadcast %parallel_loop3A_172 : f32 to vector<16xf32>
          %parallel_loop3A_174 = arith.mulf %parallel_loop3A_173, %parallel_loop3A_171 : vector<16xf32>
          %parallel_loop3A_175 = arith.maximumf %parallel_loop3A_171, %parallel_loop3A_174 : vector<16xf32>
          %parallel_loop3A_176 = arith.subf %parallel_loop3A_175, %get3A_9 : vector<16xf32>
          %parallel_loop3A_177 = math.exp %parallel_loop3A_176 : vector<16xf32>
          %parallel_loop3A_178 = arith.index_cast %parallel_loop3A_164 : i32 to index
          %parallel_loop3A_179 = arith.constant 64 : index
          %parallel_loop3A_180 = tpu.vector_load %arg18[%parallel_loop3A_178, %parallel_loop3A_179] {strides = array<i32>} : memref<100x80xf32, #tpu.memory_space<vmem>>, vector<16xf32>,
          tpu.vector_store %arg18[%parallel_loop3A_178, %parallel_loop3A_179], %parallel_loop3A_177 {strides = array<i32>} : memref<100x80xf32, #tpu.memory_space<vmem>>, vector<16xf32>,
          %parallel_loop3A_181 = vector.extract_strided_slice %parallel_loop3A_177 {offsets = [4], sizes = [1], strides = [1]} : vector<16xf32> to vector<1xf32>
          %parallel_loop3A_182 = vector.extract %parallel_loop3A_181[0] : f32 from vector<1xf32>
          %parallel_loop3A_183 = vector.broadcast %parallel_loop3A_182 : f32 to vector<16xf32>
          %parallel_loop3A_184 = arith.index_cast %parallel_loop3A_164 : i32 to index
          %parallel_loop3A_185 = arith.constant 0 : index
          %parallel_loop3A_186 = tpu.vector_load %arg17[%parallel_loop3A_184, %parallel_loop3A_185] {strides = array<i32>} : memref<100x64xf32, #tpu.memory_space<vmem>>, vector<16xf32>,
          %parallel_loop3A_187 = arith.mulf %parallel_loop3A_186, %parallel_loop3A_183 : vector<16xf32>
          %parallel_loop3A_188 = arith.index_cast %parallel_loop3A_164 : i32 to index
          %parallel_loop3A_189 = arith.constant 0 : index
          %parallel_loop3A_190 = tpu.vector_load %arg18[%parallel_loop3A_188, %parallel_loop3A_189] {strides = array<i32>} : memref<100x80xf32, #tpu.memory_space<vmem>>, vector<16xf32>,
          tpu.vector_store %arg18[%parallel_loop3A_188, %parallel_loop3A_189], %parallel_loop3A_187 {strides = array<i32>} : memref<100x80xf32, #tpu.memory_space<vmem>>, vector<16xf32>,
          %parallel_loop3A_191 = vector.extract_strided_slice %parallel_loop3A_177 {offsets = [5], sizes = [1], strides = [1]} : vector<16xf32> to vector<1xf32>
          %parallel_loop3A_192 = vector.extract %parallel_loop3A_191[0] : f32 from vector<1xf32>
          %parallel_loop3A_193 = vector.broadcast %parallel_loop3A_192 : f32 to vector<16xf32>
          %parallel_loop3A_194 = arith.index_cast %parallel_loop3A_164 : i32 to index
          %parallel_loop3A_195 = arith.constant 16 : index
          %parallel_loop3A_196 = tpu.vector_load %arg17[%parallel_loop3A_194, %parallel_loop3A_195] {strides = array<i32>} : memref<100x64xf32, #tpu.memory_space<vmem>>, vector<16xf32>,
          %parallel_loop3A_197 = arith.mulf %parallel_loop3A_196, %parallel_loop3A_193 : vector<16xf32>
          %parallel_loop3A_198 = arith.index_cast %parallel_loop3A_164 : i32 to index
          %parallel_loop3A_199 = arith.constant 16 : index
          %parallel_loop3A_200 = tpu.vector_load %arg18[%parallel_loop3A_198, %parallel_loop3A_199] {strides = array<i32>} : memref<100x80xf32, #tpu.memory_space<vmem>>, vector<16xf32>,
          tpu.vector_store %arg18[%parallel_loop3A_198, %parallel_loop3A_199], %parallel_loop3A_197 {strides = array<i32>} : memref<100x80xf32, #tpu.memory_space<vmem>>, vector<16xf32>,
          %parallel_loop3A_201 = vector.extract_strided_slice %parallel_loop3A_177 {offsets = [6], sizes = [1], strides = [1]} : vector<16xf32> to vector<1xf32>
          %parallel_loop3A_202 = vector.extract %parallel_loop3A_201[0] : f32 from vector<1xf32>
          %parallel_loop3A_203 = vector.broadcast %parallel_loop3A_202 : f32 to vector<16xf32>
          %parallel_loop3A_204 = arith.index_cast %parallel_loop3A_164 : i32 to index
          %parallel_loop3A_205 = arith.constant 32 : index
          %parallel_loop3A_206 = tpu.vector_load %arg17[%parallel_loop3A_204, %parallel_loop3A_205] {strides = array<i32>} : memref<100x64xf32, #tpu.memory_space<vmem>>, vector<16xf32>,
          %parallel_loop3A_207 = arith.mulf %parallel_loop3A_206, %parallel_loop3A_203 : vector<16xf32>
          %parallel_loop3A_208 = arith.index_cast %parallel_loop3A_164 : i32 to index
          %parallel_loop3A_209 = arith.constant 32 : index
          %parallel_loop3A_210 = tpu.vector_load %arg18[%parallel_loop3A_208, %parallel_loop3A_209] {strides = array<i32>} : memref<100x80xf32, #tpu.memory_space<vmem>>, vector<16xf32>,
          tpu.vector_store %arg18[%parallel_loop3A_208, %parallel_loop3A_209], %parallel_loop3A_207 {strides = array<i32>} : memref<100x80xf32, #tpu.memory_space<vmem>>, vector<16xf32>,
          %parallel_loop3A_211 = vector.extract_strided_slice %parallel_loop3A_177 {offsets = [7], sizes = [1], strides = [1]} : vector<16xf32> to vector<1xf32>
          %parallel_loop3A_212 = vector.extract %parallel_loop3A_211[0] : f32 from vector<1xf32>
          %parallel_loop3A_213 = vector.broadcast %parallel_loop3A_212 : f32 to vector<16xf32>
          %parallel_loop3A_214 = arith.index_cast %parallel_loop3A_164 : i32 to index
          %parallel_loop3A_215 = arith.constant 48 : index
          %parallel_loop3A_216 = tpu.vector_load %arg17[%parallel_loop3A_214, %parallel_loop3A_215] {strides = array<i32>} : memref<100x64xf32, #tpu.memory_space<vmem>>, vector<16xf32>,
          %parallel_loop3A_217 = arith.mulf %parallel_loop3A_216, %parallel_loop3A_213 : vector<16xf32>
          %parallel_loop3A_218 = arith.index_cast %parallel_loop3A_164 : i32 to index
          %parallel_loop3A_219 = arith.constant 48 : index
          %parallel_loop3A_220 = tpu.vector_load %arg18[%parallel_loop3A_218, %parallel_loop3A_219] {strides = array<i32>} : memref<100x80xf32, #tpu.memory_space<vmem>>, vector<16xf32>,
          tpu.vector_store %arg18[%parallel_loop3A_218, %parallel_loop3A_219], %parallel_loop3A_217 {strides = array<i32>} : memref<100x80xf32, #tpu.memory_space<vmem>>, vector<16xf32>,
        } {sc.loop_unroll_factor = 2 : i64, sc.parallel_access}
        "tpu.region"() ({
          %run_scoped3A = tpu.sem_alloc : memref<!tpu.dma_semaphore, #tpu.memory_space<semaphore_mem>>
          %dma_start3A_164 = arith.constant 0 : i32
          %dma_start3A_165 = tpu.memref_slice %arg12[%mul3A_80, %dma_start3A_164] : memref<200x100xi32, #tpu.memory_space<vmem>> -> memref<1x100xi32, #tpu.memory_space<vmem>>
          %dma_start3A_166 = tpu.memref_squeeze %dma_start3A_165 : memref<1x100xi32, #tpu.memory_space<vmem>> -> memref<100xi32, #tpu.memory_space<vmem>>
          %dma_start3A_167 = arith.constant 0 : i32
          %dma_start3A_168 = arith.constant 0 : i32
          %dma_start3A_169 = tpu.memref_slice %arg14[%dma_start3A_167, %dma_start3A_168] : memref<10000x80xf32, #tpu.memory_space<vmem_shared>> -> memref<10000x80xf32, #tpu.memory_space<vmem_shared>>
          tpu.enqueue_indirect_dma source(%arg18 : memref<100x80xf32, #tpu.memory_space<vmem>>) target(%dma_start3A_169 : memref<10000x80xf32, #tpu.memory_space<vmem_shared>>) offsets(%dma_start3A_166 : memref<100xi32, #tpu.memory_space<vmem>>) semaphore(%run_scoped3A : memref<!tpu.dma_semaphore, #tpu.memory_space<semaphore_mem>>) {add = true}
          %dma_wait3A_170 = arith.constant 0 : i32
          %dma_wait3A_171 = tpu.memref_slice %arg12[%mul3A_80, %dma_wait3A_170] : memref<200x100xi32, #tpu.memory_space<vmem>> -> memref<1x100xi32, #tpu.memory_space<vmem>>
          %dma_wait3A_172 = tpu.memref_squeeze %dma_wait3A_171 : memref<1x100xi32, #tpu.memory_space<vmem>> -> memref<100xi32, #tpu.memory_space<vmem>>
          %dma_wait3A_173 = arith.constant 0 : i32
          %dma_wait3A_174 = arith.constant 0 : i32
          %dma_wait3A_175 = tpu.memref_slice %arg14[%dma_wait3A_173, %dma_wait3A_174] : memref<10000x80xf32, #tpu.memory_space<vmem_shared>> -> memref<10000x80xf32, #tpu.memory_space<vmem_shared>>
          tpu.wait_indirect_dma semaphore(%run_scoped3A : memref<!tpu.dma_semaphore, #tpu.memory_space<semaphore_mem>>) src(%arg18 : memref<100x80xf32, #tpu.memory_space<vmem>>) dst(%dma_wait3A_175 : memref<10000x80xf32, #tpu.memory_space<vmem_shared>>)
          tpu.yield
        }) : () -> ()
        %add3A_122 = arith.constant 2 : i32
        %add3A_123 = arith.addi %mul3A_80, %add3A_122 : i32
        %min3A = arith.constant 199 : i32
        %min3A_124 = arith.minsi %add3A_123, %min3A : i32
        %dma_start3A_125 = arith.constant 0 : i32
        %dma_start3A_126 = tpu.memref_slice %arg11[%min3A_124, %dma_start3A_125] : memref<200x100xi32, #tpu.memory_space<vmem>> -> memref<1x100xi32, #tpu.memory_space<vmem>>
        %dma_start3A_127 = tpu.memref_squeeze %dma_start3A_126 : memref<1x100xi32, #tpu.memory_space<vmem>> -> memref<100xi32, #tpu.memory_space<vmem>>
        %dma_start3A_128 = arith.constant 0 : i32
        %dma_start3A_129 = arith.constant 0 : i32
        %dma_start3A_130 = tpu.memref_slice %arg4[%dma_start3A_128, %dma_start3A_129] : memref<10000x16xf32, #tpu.memory_space<hbm>> -> memref<10000x16xf32, #tpu.memory_space<hbm>>
        tpu.enqueue_indirect_dma source(%dma_start3A_130 : memref<10000x16xf32, #tpu.memory_space<hbm>>) target(%arg15 : memref<100x16xf32, #tpu.memory_space<vmem>>) offsets(%dma_start3A_127 : memref<100xi32, #tpu.memory_space<vmem>>) semaphore(%arg19 : memref<!tpu.dma_semaphore, #tpu.memory_space<semaphore_mem>>)
        %dma_start3A_131 = arith.constant 0 : i32
        %dma_start3A_132 = tpu.memref_slice %arg12[%min3A_124, %dma_start3A_131] : memref<200x100xi32, #tpu.memory_space<vmem>> -> memref<1x100xi32, #tpu.memory_space<vmem>>
        %dma_start3A_133 = tpu.memref_squeeze %dma_start3A_132 : memref<1x100xi32, #tpu.memory_space<vmem>> -> memref<100xi32, #tpu.memory_space<vmem>>
        %dma_start3A_134 = arith.constant 0 : i32
        %dma_start3A_135 = arith.constant 0 : i32
        %dma_start3A_136 = tpu.memref_slice %arg5[%dma_start3A_134, %dma_start3A_135] : memref<10000x16xf32, #tpu.memory_space<hbm>> -> memref<10000x16xf32, #tpu.memory_space<hbm>>
        tpu.enqueue_indirect_dma source(%dma_start3A_136 : memref<10000x16xf32, #tpu.memory_space<hbm>>) target(%arg16 : memref<100x16xf32, #tpu.memory_space<vmem>>) offsets(%dma_start3A_133 : memref<100xi32, #tpu.memory_space<vmem>>) semaphore(%arg20 : memref<!tpu.dma_semaphore, #tpu.memory_space<semaphore_mem>>)
        %dma_start3A_137 = arith.constant 0 : i32
        %dma_start3A_138 = tpu.memref_slice %arg11[%min3A_124, %dma_start3A_137] : memref<200x100xi32, #tpu.memory_space<vmem>> -> memref<1x100xi32, #tpu.memory_space<vmem>>
        %dma_start3A_139 = tpu.memref_squeeze %dma_start3A_138 : memref<1x100xi32, #tpu.memory_space<vmem>> -> memref<100xi32, #tpu.memory_space<vmem>>
        %dma_start3A_140 = arith.constant 0 : i32
        %dma_start3A_141 = arith.constant 0 : i32
        %dma_start3A_142 = tpu.memref_slice %arg7[%dma_start3A_140, %dma_start3A_141] : memref<10000x64xf32, #tpu.memory_space<hbm>> -> memref<10000x64xf32, #tpu.memory_space<hbm>>
        tpu.enqueue_indirect_dma source(%dma_start3A_142 : memref<10000x64xf32, #tpu.memory_space<hbm>>) target(%arg17 : memref<100x64xf32, #tpu.memory_space<vmem>>) offsets(%dma_start3A_139 : memref<100xi32, #tpu.memory_space<vmem>>) semaphore(%arg21 : memref<!tpu.dma_semaphore, #tpu.memory_space<semaphore_mem>>)
        %dma_wait3A_143 = arith.constant 0 : i32
        %dma_wait3A_144 = tpu.memref_slice %arg11[%add3A_83, %dma_wait3A_143] : memref<200x100xi32, #tpu.memory_space<vmem>> -> memref<1x100xi32, #tpu.memory_space<vmem>>
        %dma_wait3A_145 = tpu.memref_squeeze %dma_wait3A_144 : memref<1x100xi32, #tpu.memory_space<vmem>> -> memref<100xi32, #tpu.memory_space<vmem>>
        %dma_wait3A_146 = arith.constant 0 : i32
        %dma_wait3A_147 = arith.constant 0 : i32
        %dma_wait3A_148 = tpu.memref_slice %arg4[%dma_wait3A_146, %dma_wait3A_147] : memref<10000x16xf32, #tpu.memory_space<hbm>> -> memref<10000x16xf32, #tpu.memory_space<hbm>>
        tpu.wait_indirect_dma semaphore(%arg26 : memref<!tpu.dma_semaphore, #tpu.memory_space<semaphore_mem>>) src(%dma_wait3A_148 : memref<10000x16xf32, #tpu.memory_space<hbm>>) dst(%arg22 : memref<100x16xf32, #tpu.memory_space<vmem>>)
        %dma_wait3A_149 = arith.constant 0 : i32
        %dma_wait3A_150 = tpu.memref_slice %arg12[%add3A_83, %dma_wait3A_149] : memref<200x100xi32, #tpu.memory_space<vmem>> -> memref<1x100xi32, #tpu.memory_space<vmem>>
        %dma_wait3A_151 = tpu.memref_squeeze %dma_wait3A_150 : memref<1x100xi32, #tpu.memory_space<vmem>> -> memref<100xi32, #tpu.memory_space<vmem>>
        %dma_wait3A_152 = arith.constant 0 : i32
        %dma_wait3A_153 = arith.constant 0 : i32
        %dma_wait3A_154 = tpu.memref_slice %arg5[%dma_wait3A_152, %dma_wait3A_153] : memref<10000x16xf32, #tpu.memory_space<hbm>> -> memref<10000x16xf32, #tpu.memory_space<hbm>>
        tpu.wait_indirect_dma semaphore(%arg27 : memref<!tpu.dma_semaphore, #tpu.memory_space<semaphore_mem>>) src(%dma_wait3A_154 : memref<10000x16xf32, #tpu.memory_space<hbm>>) dst(%arg23 : memref<100x16xf32, #tpu.memory_space<vmem>>)
        %dma_wait3A_155 = arith.constant 0 : i32
        %dma_wait3A_156 = tpu.memref_slice %arg11[%add3A_83, %dma_wait3A_155] : memref<200x100xi32, #tpu.memory_space<vmem>> -> memref<1x100xi32, #tpu.memory_space<vmem>>
        %dma_wait3A_157 = tpu.memref_squeeze %dma_wait3A_156 : memref<1x100xi32, #tpu.memory_space<vmem>> -> memref<100xi32, #tpu.memory_space<vmem>>
        %dma_wait3A_158 = arith.constant 0 : i32
        %dma_wait3A_159 = arith.constant 0 : i32
        %dma_wait3A_160 = tpu.memref_slice %arg7[%dma_wait3A_158, %dma_wait3A_159] : memref<10000x64xf32, #tpu.memory_space<hbm>> -> memref<10000x64xf32, #tpu.memory_space<hbm>>
        tpu.wait_indirect_dma semaphore(%arg28 : memref<!tpu.dma_semaphore, #tpu.memory_space<semaphore_mem>>) src(%dma_wait3A_160 : memref<10000x64xf32, #tpu.memory_space<hbm>>) dst(%arg24 : memref<100x64xf32, #tpu.memory_space<vmem>>)
        %parallel_loop3A_161 = arith.constant 0 : i32
        %parallel_loop3A_162 = arith.constant 100 : i32
        %parallel_loop3A_163 = arith.constant 1 : i32
        scf.for %parallel_loop3A_164 = %parallel_loop3A_161 to %parallel_loop3A_162 step %parallel_loop3A_163  : i32 {
          %parallel_loop3A_165 = arith.index_cast %parallel_loop3A_164 : i32 to index
          %parallel_loop3A_166 = arith.constant 0 : index
          %parallel_loop3A_167 = tpu.vector_load %arg22[%parallel_loop3A_165, %parallel_loop3A_166] {strides = array<i32>} : memref<100x16xf32, #tpu.memory_space<vmem>>, vector<16xf32>,
          %parallel_loop3A_168 = arith.index_cast %parallel_loop3A_164 : i32 to index
          %parallel_loop3A_169 = arith.constant 0 : index
          %parallel_loop3A_170 = tpu.vector_load %arg23[%parallel_loop3A_168, %parallel_loop3A_169] {strides = array<i32>} : memref<100x16xf32, #tpu.memory_space<vmem>>, vector<16xf32>,
          %parallel_loop3A_171 = arith.addf %parallel_loop3A_167, %parallel_loop3A_170 : vector<16xf32>
          %parallel_loop3A_172 = arith.constant 2.000000e-01 : f32
          %parallel_loop3A_173 = vector.broadcast %parallel_loop3A_172 : f32 to vector<16xf32>
          %parallel_loop3A_174 = arith.mulf %parallel_loop3A_173, %parallel_loop3A_171 : vector<16xf32>
          %parallel_loop3A_175 = arith.maximumf %parallel_loop3A_171, %parallel_loop3A_174 : vector<16xf32>
          %parallel_loop3A_176 = arith.subf %parallel_loop3A_175, %get3A_9 : vector<16xf32>
          %parallel_loop3A_177 = math.exp %parallel_loop3A_176 : vector<16xf32>
          %parallel_loop3A_178 = arith.index_cast %parallel_loop3A_164 : i32 to index
          %parallel_loop3A_179 = arith.constant 64 : index
          %parallel_loop3A_180 = tpu.vector_load %arg25[%parallel_loop3A_178, %parallel_loop3A_179] {strides = array<i32>} : memref<100x80xf32, #tpu.memory_space<vmem>>, vector<16xf32>,
          tpu.vector_store %arg25[%parallel_loop3A_178, %parallel_loop3A_179], %parallel_loop3A_177 {strides = array<i32>} : memref<100x80xf32, #tpu.memory_space<vmem>>, vector<16xf32>,
          %parallel_loop3A_181 = vector.extract_strided_slice %parallel_loop3A_177 {offsets = [4], sizes = [1], strides = [1]} : vector<16xf32> to vector<1xf32>
          %parallel_loop3A_182 = vector.extract %parallel_loop3A_181[0] : f32 from vector<1xf32>
          %parallel_loop3A_183 = vector.broadcast %parallel_loop3A_182 : f32 to vector<16xf32>
          %parallel_loop3A_184 = arith.index_cast %parallel_loop3A_164 : i32 to index
          %parallel_loop3A_185 = arith.constant 0 : index
          %parallel_loop3A_186 = tpu.vector_load %arg24[%parallel_loop3A_184, %parallel_loop3A_185] {strides = array<i32>} : memref<100x64xf32, #tpu.memory_space<vmem>>, vector<16xf32>,
          %parallel_loop3A_187 = arith.mulf %parallel_loop3A_186, %parallel_loop3A_183 : vector<16xf32>
          %parallel_loop3A_188 = arith.index_cast %parallel_loop3A_164 : i32 to index
          %parallel_loop3A_189 = arith.constant 0 : index
          %parallel_loop3A_190 = tpu.vector_load %arg25[%parallel_loop3A_188, %parallel_loop3A_189] {strides = array<i32>} : memref<100x80xf32, #tpu.memory_space<vmem>>, vector<16xf32>,
          tpu.vector_store %arg25[%parallel_loop3A_188, %parallel_loop3A_189], %parallel_loop3A_187 {strides = array<i32>} : memref<100x80xf32, #tpu.memory_space<vmem>>, vector<16xf32>,
          %parallel_loop3A_191 = vector.extract_strided_slice %parallel_loop3A_177 {offsets = [5], sizes = [1], strides = [1]} : vector<16xf32> to vector<1xf32>
          %parallel_loop3A_192 = vector.extract %parallel_loop3A_191[0] : f32 from vector<1xf32>
          %parallel_loop3A_193 = vector.broadcast %parallel_loop3A_192 : f32 to vector<16xf32>
          %parallel_loop3A_194 = arith.index_cast %parallel_loop3A_164 : i32 to index
          %parallel_loop3A_195 = arith.constant 16 : index
          %parallel_loop3A_196 = tpu.vector_load %arg24[%parallel_loop3A_194, %parallel_loop3A_195] {strides = array<i32>} : memref<100x64xf32, #tpu.memory_space<vmem>>, vector<16xf32>,
          %parallel_loop3A_197 = arith.mulf %parallel_loop3A_196, %parallel_loop3A_193 : vector<16xf32>
          %parallel_loop3A_198 = arith.index_cast %parallel_loop3A_164 : i32 to index
          %parallel_loop3A_199 = arith.constant 16 : index
          %parallel_loop3A_200 = tpu.vector_load %arg25[%parallel_loop3A_198, %parallel_loop3A_199] {strides = array<i32>} : memref<100x80xf32, #tpu.memory_space<vmem>>, vector<16xf32>,
          tpu.vector_store %arg25[%parallel_loop3A_198, %parallel_loop3A_199], %parallel_loop3A_197 {strides = array<i32>} : memref<100x80xf32, #tpu.memory_space<vmem>>, vector<16xf32>,
          %parallel_loop3A_201 = vector.extract_strided_slice %parallel_loop3A_177 {offsets = [6], sizes = [1], strides = [1]} : vector<16xf32> to vector<1xf32>
          %parallel_loop3A_202 = vector.extract %parallel_loop3A_201[0] : f32 from vector<1xf32>
          %parallel_loop3A_203 = vector.broadcast %parallel_loop3A_202 : f32 to vector<16xf32>
          %parallel_loop3A_204 = arith.index_cast %parallel_loop3A_164 : i32 to index
          %parallel_loop3A_205 = arith.constant 32 : index
          %parallel_loop3A_206 = tpu.vector_load %arg24[%parallel_loop3A_204, %parallel_loop3A_205] {strides = array<i32>} : memref<100x64xf32, #tpu.memory_space<vmem>>, vector<16xf32>,
          %parallel_loop3A_207 = arith.mulf %parallel_loop3A_206, %parallel_loop3A_203 : vector<16xf32>
          %parallel_loop3A_208 = arith.index_cast %parallel_loop3A_164 : i32 to index
          %parallel_loop3A_209 = arith.constant 32 : index
          %parallel_loop3A_210 = tpu.vector_load %arg25[%parallel_loop3A_208, %parallel_loop3A_209] {strides = array<i32>} : memref<100x80xf32, #tpu.memory_space<vmem>>, vector<16xf32>,
          tpu.vector_store %arg25[%parallel_loop3A_208, %parallel_loop3A_209], %parallel_loop3A_207 {strides = array<i32>} : memref<100x80xf32, #tpu.memory_space<vmem>>, vector<16xf32>,
          %parallel_loop3A_211 = vector.extract_strided_slice %parallel_loop3A_177 {offsets = [7], sizes = [1], strides = [1]} : vector<16xf32> to vector<1xf32>
          %parallel_loop3A_212 = vector.extract %parallel_loop3A_211[0] : f32 from vector<1xf32>
          %parallel_loop3A_213 = vector.broadcast %parallel_loop3A_212 : f32 to vector<16xf32>
          %parallel_loop3A_214 = arith.index_cast %parallel_loop3A_164 : i32 to index
          %parallel_loop3A_215 = arith.constant 48 : index
          %parallel_loop3A_216 = tpu.vector_load %arg24[%parallel_loop3A_214, %parallel_loop3A_215] {strides = array<i32>} : memref<100x64xf32, #tpu.memory_space<vmem>>, vector<16xf32>,
          %parallel_loop3A_217 = arith.mulf %parallel_loop3A_216, %parallel_loop3A_213 : vector<16xf32>
          %parallel_loop3A_218 = arith.index_cast %parallel_loop3A_164 : i32 to index
          %parallel_loop3A_219 = arith.constant 48 : index
          %parallel_loop3A_220 = tpu.vector_load %arg25[%parallel_loop3A_218, %parallel_loop3A_219] {strides = array<i32>} : memref<100x80xf32, #tpu.memory_space<vmem>>, vector<16xf32>,
          tpu.vector_store %arg25[%parallel_loop3A_218, %parallel_loop3A_219], %parallel_loop3A_217 {strides = array<i32>} : memref<100x80xf32, #tpu.memory_space<vmem>>, vector<16xf32>,
        } {sc.loop_unroll_factor = 2 : i64, sc.parallel_access}
        "tpu.region"() ({
          %run_scoped3A = tpu.sem_alloc : memref<!tpu.dma_semaphore, #tpu.memory_space<semaphore_mem>>
          %dma_start3A_164 = arith.constant 0 : i32
          %dma_start3A_165 = tpu.memref_slice %arg12[%add3A_83, %dma_start3A_164] : memref<200x100xi32, #tpu.memory_space<vmem>> -> memref<1x100xi32, #tpu.memory_space<vmem>>
          %dma_start3A_166 = tpu.memref_squeeze %dma_start3A_165 : memref<1x100xi32, #tpu.memory_space<vmem>> -> memref<100xi32, #tpu.memory_space<vmem>>
          %dma_start3A_167 = arith.constant 0 : i32
          %dma_start3A_168 = arith.constant 0 : i32
          %dma_start3A_169 = tpu.memref_slice %arg14[%dma_start3A_167, %dma_start3A_168] : memref<10000x80xf32, #tpu.memory_space<vmem_shared>> -> memref<10000x80xf32, #tpu.memory_space<vmem_shared>>
          tpu.enqueue_indirect_dma source(%arg25 : memref<100x80xf32, #tpu.memory_space<vmem>>) target(%dma_start3A_169 : memref<10000x80xf32, #tpu.memory_space<vmem_shared>>) offsets(%dma_start3A_166 : memref<100xi32, #tpu.memory_space<vmem>>) semaphore(%run_scoped3A : memref<!tpu.dma_semaphore, #tpu.memory_space<semaphore_mem>>) {add = true}
          %dma_wait3A_170 = arith.constant 0 : i32
          %dma_wait3A_171 = tpu.memref_slice %arg12[%add3A_83, %dma_wait3A_170] : memref<200x100xi32, #tpu.memory_space<vmem>> -> memref<1x100xi32, #tpu.memory_space<vmem>>
          %dma_wait3A_172 = tpu.memref_squeeze %dma_wait3A_171 : memref<1x100xi32, #tpu.memory_space<vmem>> -> memref<100xi32, #tpu.memory_space<vmem>>
          %dma_wait3A_173 = arith.constant 0 : i32
          %dma_wait3A_174 = arith.constant 0 : i32
          %dma_wait3A_175 = tpu.memref_slice %arg14[%dma_wait3A_173, %dma_wait3A_174] : memref<10000x80xf32, #tpu.memory_space<vmem_shared>> -> memref<10000x80xf32, #tpu.memory_space<vmem_shared>>
          tpu.wait_indirect_dma semaphore(%run_scoped3A : memref<!tpu.dma_semaphore, #tpu.memory_space<semaphore_mem>>) src(%arg25 : memref<100x80xf32, #tpu.memory_space<vmem>>) dst(%dma_wait3A_175 : memref<10000x80xf32, #tpu.memory_space<vmem_shared>>)
          tpu.yield
        }) : () -> ()
      }
      %scan3A_57 = arith.constant 100 : i32
      %dma_wait3A = arith.constant 199 : i32
      %dma_wait3A_58 = arith.constant 0 : i32
      %dma_wait3A_59 = tpu.memref_slice %arg11[%dma_wait3A, %dma_wait3A_58] : memref<200x100xi32, #tpu.memory_space<vmem>> -> memref<1x100xi32, #tpu.memory_space<vmem>>
      %dma_wait3A_60 = tpu.memref_squeeze %dma_wait3A_59 : memref<1x100xi32, #tpu.memory_space<vmem>> -> memref<100xi32, #tpu.memory_space<vmem>>
      %dma_wait3A_61 = arith.constant 0 : i32
      %dma_wait3A_62 = arith.constant 0 : i32
      %dma_wait3A_63 = tpu.memref_slice %arg4[%dma_wait3A_61, %dma_wait3A_62] : memref<10000x16xf32, #tpu.memory_space<hbm>> -> memref<10000x16xf32, #tpu.memory_space<hbm>>
      tpu.wait_indirect_dma semaphore(%arg19 : memref<!tpu.dma_semaphore, #tpu.memory_space<semaphore_mem>>) src(%dma_wait3A_63 : memref<10000x16xf32, #tpu.memory_space<hbm>>) dst(%arg15 : memref<100x16xf32, #tpu.memory_space<vmem>>)
      %dma_wait3A_64 = arith.constant 199 : i32
      %dma_wait3A_65 = arith.constant 0 : i32
      %dma_wait3A_66 = tpu.memref_slice %arg12[%dma_wait3A_64, %dma_wait3A_65] : memref<200x100xi32, #tpu.memory_space<vmem>> -> memref<1x100xi32, #tpu.memory_space<vmem>>
      %dma_wait3A_67 = tpu.memref_squeeze %dma_wait3A_66 : memref<1x100xi32, #tpu.memory_space<vmem>> -> memref<100xi32, #tpu.memory_space<vmem>>
      %dma_wait3A_68 = arith.constant 0 : i32
      %dma_wait3A_69 = arith.constant 0 : i32
      %dma_wait3A_70 = tpu.memref_slice %arg5[%dma_wait3A_68, %dma_wait3A_69] : memref<10000x16xf32, #tpu.memory_space<hbm>> -> memref<10000x16xf32, #tpu.memory_space<hbm>>
      tpu.wait_indirect_dma semaphore(%arg20 : memref<!tpu.dma_semaphore, #tpu.memory_space<semaphore_mem>>) src(%dma_wait3A_70 : memref<10000x16xf32, #tpu.memory_space<hbm>>) dst(%arg16 : memref<100x16xf32, #tpu.memory_space<vmem>>)
      %dma_wait3A_71 = arith.constant 199 : i32
      %dma_wait3A_72 = arith.constant 0 : i32
      %dma_wait3A_73 = tpu.memref_slice %arg11[%dma_wait3A_71, %dma_wait3A_72] : memref<200x100xi32, #tpu.memory_space<vmem>> -> memref<1x100xi32, #tpu.memory_space<vmem>>
      %dma_wait3A_74 = tpu.memref_squeeze %dma_wait3A_73 : memref<1x100xi32, #tpu.memory_space<vmem>> -> memref<100xi32, #tpu.memory_space<vmem>>
      %dma_wait3A_75 = arith.constant 0 : i32
      %dma_wait3A_76 = arith.constant 0 : i32
      %dma_wait3A_77 = tpu.memref_slice %arg7[%dma_wait3A_75, %dma_wait3A_76] : memref<10000x64xf32, #tpu.memory_space<hbm>> -> memref<10000x64xf32, #tpu.memory_space<hbm>>
      tpu.wait_indirect_dma semaphore(%arg21 : memref<!tpu.dma_semaphore, #tpu.memory_space<semaphore_mem>>) src(%dma_wait3A_77 : memref<10000x64xf32, #tpu.memory_space<hbm>>) dst(%arg17 : memref<100x64xf32, #tpu.memory_space<vmem>>)
    } else {
    }
    %barrier3A_20 = arith.constant 0 : index
    tpu.barrier barrier_id(%barrier3A_20)
    %mul3A_21 = arith.constant 624 : i32
    %mul3A_22 = arith.muli %arg1, %mul3A_21 : i32
    %lt3A_23 = arith.constant 15 : i32
    %lt3A_24 = arith.cmpi slt, %arg1, %lt3A_23 : i32
    %convert_element_type3A_25 = arith.extui %lt3A_24 : i1 to i32
    %cond3A_26 = arith.constant 0 : i32
    %cond3A_27 = arith.cmpi ne, %convert_element_type3A_25, %cond3A_26 : i32
    scf.if %cond3A_27 {
      "tpu.region"() ({
        %run_scoped3A = tpu.sem_alloc : memref<!tpu.dma_semaphore, #tpu.memory_space<semaphore_mem>>
        %dma_start3A = arith.constant 0 : i32
        %dma_start3A_33 = tpu.memref_slice %arg10[%arg0, %mul3A_22, %dma_start3A] : memref<2x10000x80xf32, #tpu.memory_space<hbm>> -> memref<1x624x80xf32, #tpu.memory_space<hbm>>
        %dma_start3A_34 = tpu.memref_squeeze %dma_start3A_33 : memref<1x624x80xf32, #tpu.memory_space<hbm>> -> memref<624x80xf32, #tpu.memory_space<hbm>>
        %dma_start3A_35 = arith.constant 0 : i32
        %dma_start3A_36 = tpu.memref_slice %arg14[%mul3A_22, %dma_start3A_35] : memref<10000x80xf32, #tpu.memory_space<vmem_shared>> -> memref<624x80xf32, #tpu.memory_space<vmem_shared>>
        tpu.enqueue_dma source(%dma_start3A_36 : memref<624x80xf32, #tpu.memory_space<vmem_shared>>) target(%dma_start3A_34 : memref<624x80xf32, #tpu.memory_space<hbm>>) target_semaphore(%run_scoped3A : memref<!tpu.dma_semaphore, #tpu.memory_space<semaphore_mem>>)
        %dma_wait3A = arith.constant 0 : i32
        %dma_wait3A_37 = tpu.memref_slice %arg10[%arg0, %mul3A_22, %dma_wait3A] : memref<2x10000x80xf32, #tpu.memory_space<hbm>> -> memref<1x624x80xf32, #tpu.memory_space<hbm>>
        %dma_wait3A_38 = tpu.memref_squeeze %dma_wait3A_37 : memref<1x624x80xf32, #tpu.memory_space<hbm>> -> memref<624x80xf32, #tpu.memory_space<hbm>>
        %dma_wait3A_39 = arith.constant 0 : i32
        %dma_wait3A_40 = tpu.memref_slice %arg14[%mul3A_22, %dma_wait3A_39] : memref<10000x80xf32, #tpu.memory_space<vmem_shared>> -> memref<624x80xf32, #tpu.memory_space<vmem_shared>>
        tpu.wait_dma2 semaphore(%run_scoped3A : memref<!tpu.dma_semaphore, #tpu.memory_space<semaphore_mem>>) src(%dma_wait3A_40 : memref<624x80xf32, #tpu.memory_space<vmem_shared>>) dst(%dma_wait3A_38 : memref<624x80xf32, #tpu.memory_space<hbm>>)
        tpu.yield
      }) : () -> ()
    } else {
    }
    %eq3A_28 = arith.constant 15 : i32
    %eq3A_29 = arith.cmpi eq, %arg1, %eq3A_28 : i32
    %convert_element_type3A_30 = arith.extui %eq3A_29 : i1 to i32
    %cond3A_31 = arith.constant 0 : i32
    %cond3A_32 = arith.cmpi ne, %convert_element_type3A_30, %cond3A_31 : i32
    scf.if %cond3A_32 {
      "tpu.region"() ({
        %run_scoped3A = tpu.sem_alloc : memref<!tpu.dma_semaphore, #tpu.memory_space<semaphore_mem>>
        %dma_start3A = arith.constant 0 : i32
        %dma_start3A_33 = tpu.memref_slice %arg10[%arg0, %mul3A_22, %dma_start3A] : memref<2x10000x80xf32, #tpu.memory_space<hbm>> -> memref<1x640x80xf32, #tpu.memory_space<hbm>>
        %dma_start3A_34 = tpu.memref_squeeze %dma_start3A_33 : memref<1x640x80xf32, #tpu.memory_space<hbm>> -> memref<640x80xf32, #tpu.memory_space<hbm>>
        %dma_start3A_35 = arith.constant 0 : i32
        %dma_start3A_36 = tpu.memref_slice %arg14[%mul3A_22, %dma_start3A_35] : memref<10000x80xf32, #tpu.memory_space<vmem_shared>> -> memref<640x80xf32, #tpu.memory_space<vmem_shared>>
        tpu.enqueue_dma source(%dma_start3A_36 : memref<640x80xf32, #tpu.memory_space<vmem_shared>>) target(%dma_start3A_34 : memref<640x80xf32, #tpu.memory_space<hbm>>) target_semaphore(%run_scoped3A : memref<!tpu.dma_semaphore, #tpu.memory_space<semaphore_mem>>)
        %dma_wait3A = arith.constant 0 : i32
        %dma_wait3A_37 = tpu.memref_slice %arg10[%arg0, %mul3A_22, %dma_wait3A] : memref<2x10000x80xf32, #tpu.memory_space<hbm>> -> memref<1x640x80xf32, #tpu.memory_space<hbm>>
        %dma_wait3A_38 = tpu.memref_squeeze %dma_wait3A_37 : memref<1x640x80xf32, #tpu.memory_space<hbm>> -> memref<640x80xf32, #tpu.memory_space<hbm>>
        %dma_wait3A_39 = arith.constant 0 : i32
        %dma_wait3A_40 = tpu.memref_slice %arg14[%mul3A_22, %dma_wait3A_39] : memref<10000x80xf32, #tpu.memory_space<vmem_shared>> -> memref<640x80xf32, #tpu.memory_space<vmem_shared>>
        tpu.wait_dma2 semaphore(%run_scoped3A : memref<!tpu.dma_semaphore, #tpu.memory_space<semaphore_mem>>) src(%dma_wait3A_40 : memref<640x80xf32, #tpu.memory_space<vmem_shared>>) dst(%dma_wait3A_38 : memref<640x80xf32, #tpu.memory_space<hbm>>)
        tpu.yield
      }) : () -> ()
    } else {
    }
    return
  }
}

#map = affine_map<(d0, d1) -> (0, 0)>
#map1 = affine_map<(d0, d1) -> (0)>
#map2 = affine_map<(d0, d1) -> (0, 0, 0)>
module attributes {stable_mosaic.version = 14 : i64} {
  func.func @k(%arg0: i32, %arg1: i32, %arg2: memref<2500x128xi32, #tpu.memory_space<hbm>>, %arg3: memref<2500x128xi32, #tpu.memory_space<hbm>>, %arg4: memref<10000xf32, #tpu.memory_space<hbm>>, %arg5: memref<10000xf32, #tpu.memory_space<hbm>>, %arg6: memref<10000x16xf32, #tpu.memory_space<hbm>>, %arg7: memref<16xf32, #tpu.memory_space<hbm>>, %arg8: memref<10000x32xf32, #tpu.memory_space<hbm>>, %arg9: memref<2x10000x32xf32, #tpu.memory_space<hbm>>, %arg10: memref<79x128xi32, #tpu.memory_space<vmem>>, %arg11: memref<79x128xi32, #tpu.memory_space<vmem>>, %arg12: memref<10000xf32, #tpu.memory_space<vmem>>, %arg13: memref<10000xf32, #tpu.memory_space<vmem>>, %arg14: memref<16xf32, #tpu.memory_space<vmem>>, %arg15: memref<10000x32xf32, #tpu.memory_space<vmem_shared>>, %arg16: memref<128x16xf32, #tpu.memory_space<vmem>>, %arg17: memref<128x32xf32, #tpu.memory_space<vmem>>, %arg18: memref<128xf32, #tpu.memory_space<vmem>>, %arg19: memref<!tpu.dma_semaphore, #tpu.memory_space<semaphore_mem>>, %arg20: memref<128x16xf32, #tpu.memory_space<vmem>>, %arg21: memref<128x32xf32, #tpu.memory_space<vmem>>, %arg22: memref<128xf32, #tpu.memory_space<vmem>>, %arg23: memref<!tpu.dma_semaphore, #tpu.memory_space<semaphore_mem>>) attributes {dimension_semantics = [#tpu.dimension_semantics<core_parallel>, #tpu.dimension_semantics<subcore_parallel>], iteration_bounds = array<i64: 2, 16>, scalar_prefetch = 0 : i64, scratch_operands = 14 : i64, tpu.core_type = #tpu.core_type<sc_vector_subcore>, window_params = [{transform_indices = #map}, {transform_indices = #map}, {transform_indices = #map1}, {transform_indices = #map1}, {transform_indices = #map}, {transform_indices = #map1}, {transform_indices = #map}, {transform_indices = #map2}]} {
    %mul3A = arith.constant 2 : i32
    %mul3A_0 = arith.muli %arg1, %mul3A : i32
    %add3A = arith.addi %mul3A_0, %arg0 : i32
    "tpu.region"() ({
      %run_scoped3A = tpu.sem_alloc : memref<!tpu.dma_semaphore, #tpu.memory_space<semaphore_mem>>
      tpu.enqueue_dma source(%arg7 : memref<16xf32, #tpu.memory_space<hbm>>) target(%arg14 : memref<16xf32, #tpu.memory_space<vmem>>) target_semaphore(%run_scoped3A : memref<!tpu.dma_semaphore, #tpu.memory_space<semaphore_mem>>)
      tpu.wait_dma2 semaphore(%run_scoped3A : memref<!tpu.dma_semaphore, #tpu.memory_space<semaphore_mem>>) src(%arg7 : memref<16xf32, #tpu.memory_space<hbm>>) dst(%arg14 : memref<16xf32, #tpu.memory_space<vmem>>)
      tpu.yield
    }) : () -> ()
    "tpu.region"() ({
      %run_scoped3A = tpu.sem_alloc : memref<!tpu.dma_semaphore, #tpu.memory_space<semaphore_mem>>
      tpu.enqueue_dma source(%arg4 : memref<10000xf32, #tpu.memory_space<hbm>>) target(%arg12 : memref<10000xf32, #tpu.memory_space<vmem>>) target_semaphore(%run_scoped3A : memref<!tpu.dma_semaphore, #tpu.memory_space<semaphore_mem>>)
      tpu.wait_dma2 semaphore(%run_scoped3A : memref<!tpu.dma_semaphore, #tpu.memory_space<semaphore_mem>>) src(%arg4 : memref<10000xf32, #tpu.memory_space<hbm>>) dst(%arg12 : memref<10000xf32, #tpu.memory_space<vmem>>)
      tpu.yield
    }) : () -> ()
    "tpu.region"() ({
      %run_scoped3A = tpu.sem_alloc : memref<!tpu.dma_semaphore, #tpu.memory_space<semaphore_mem>>
      tpu.enqueue_dma source(%arg5 : memref<10000xf32, #tpu.memory_space<hbm>>) target(%arg13 : memref<10000xf32, #tpu.memory_space<vmem>>) target_semaphore(%run_scoped3A : memref<!tpu.dma_semaphore, #tpu.memory_space<semaphore_mem>>)
      tpu.wait_dma2 semaphore(%run_scoped3A : memref<!tpu.dma_semaphore, #tpu.memory_space<semaphore_mem>>) src(%arg5 : memref<10000xf32, #tpu.memory_space<hbm>>) dst(%arg13 : memref<10000xf32, #tpu.memory_space<vmem>>)
      tpu.yield
    }) : () -> ()
    %mul3A_1 = arith.constant 78 : i32
    %mul3A_2 = arith.muli %add3A, %mul3A_1 : i32
    "tpu.region"() ({
      %run_scoped3A = tpu.sem_alloc : memref<!tpu.dma_semaphore, #tpu.memory_space<semaphore_mem>>
      %dma_start3A_52 = arith.constant 0 : i32
      %dma_start3A_53 = arith.constant 0 : i32
      %dma_start3A_54 = tpu.memref_slice %arg10[%dma_start3A_52, %dma_start3A_53] : memref<79x128xi32, #tpu.memory_space<vmem>> -> memref<78x128xi32, #tpu.memory_space<vmem>>
      %dma_start3A_55 = arith.constant 0 : i32
      %dma_start3A_56 = tpu.memref_slice %arg2[%mul3A_2, %dma_start3A_55] : memref<2500x128xi32, #tpu.memory_space<hbm>> -> memref<78x128xi32, #tpu.memory_space<hbm>>
      %dma_start3A_57 = arith.constant 0 : i32
      %dma_start3A_58 = arith.constant 0 : i32
      %dma_start3A_59 = tpu.memref_slice %arg10[%dma_start3A_57, %dma_start3A_58] : memref<79x128xi32, #tpu.memory_space<vmem>> -> memref<78x128xi32, #tpu.memory_space<vmem>>
      %dma_start3A_60 = arith.constant 0 : i32
      %dma_start3A_61 = tpu.memref_slice %arg2[%mul3A_2, %dma_start3A_60] : memref<2500x128xi32, #tpu.memory_space<hbm>> -> memref<78x128xi32, #tpu.memory_space<hbm>>
      tpu.enqueue_dma source(%dma_start3A_61 : memref<78x128xi32, #tpu.memory_space<hbm>>) target(%dma_start3A_59 : memref<78x128xi32, #tpu.memory_space<vmem>>) target_semaphore(%run_scoped3A : memref<!tpu.dma_semaphore, #tpu.memory_space<semaphore_mem>>)
      %dma_wait3A_62 = arith.constant 0 : i32
      %dma_wait3A_63 = arith.constant 0 : i32
      %dma_wait3A_64 = tpu.memref_slice %arg10[%dma_wait3A_62, %dma_wait3A_63] : memref<79x128xi32, #tpu.memory_space<vmem>> -> memref<78x128xi32, #tpu.memory_space<vmem>>
      %dma_wait3A_65 = arith.constant 0 : i32
      %dma_wait3A_66 = tpu.memref_slice %arg2[%mul3A_2, %dma_wait3A_65] : memref<2500x128xi32, #tpu.memory_space<hbm>> -> memref<78x128xi32, #tpu.memory_space<hbm>>
      %dma_wait3A_67 = arith.constant 0 : i32
      %dma_wait3A_68 = arith.constant 0 : i32
      %dma_wait3A_69 = tpu.memref_slice %arg10[%dma_wait3A_67, %dma_wait3A_68] : memref<79x128xi32, #tpu.memory_space<vmem>> -> memref<78x128xi32, #tpu.memory_space<vmem>>
      %dma_wait3A_70 = arith.constant 0 : i32
      %dma_wait3A_71 = tpu.memref_slice %arg2[%mul3A_2, %dma_wait3A_70] : memref<2500x128xi32, #tpu.memory_space<hbm>> -> memref<78x128xi32, #tpu.memory_space<hbm>>
      tpu.wait_dma2 semaphore(%run_scoped3A : memref<!tpu.dma_semaphore, #tpu.memory_space<semaphore_mem>>) src(%dma_wait3A_71 : memref<78x128xi32, #tpu.memory_space<hbm>>) dst(%dma_wait3A_69 : memref<78x128xi32, #tpu.memory_space<vmem>>)
      tpu.yield
    }) : () -> ()
    "tpu.region"() ({
      %run_scoped3A = tpu.sem_alloc : memref<!tpu.dma_semaphore, #tpu.memory_space<semaphore_mem>>
      %dma_start3A_52 = arith.constant 0 : i32
      %dma_start3A_53 = arith.constant 0 : i32
      %dma_start3A_54 = tpu.memref_slice %arg11[%dma_start3A_52, %dma_start3A_53] : memref<79x128xi32, #tpu.memory_space<vmem>> -> memref<78x128xi32, #tpu.memory_space<vmem>>
      %dma_start3A_55 = arith.constant 0 : i32
      %dma_start3A_56 = tpu.memref_slice %arg3[%mul3A_2, %dma_start3A_55] : memref<2500x128xi32, #tpu.memory_space<hbm>> -> memref<78x128xi32, #tpu.memory_space<hbm>>
      %dma_start3A_57 = arith.constant 0 : i32
      %dma_start3A_58 = arith.constant 0 : i32
      %dma_start3A_59 = tpu.memref_slice %arg11[%dma_start3A_57, %dma_start3A_58] : memref<79x128xi32, #tpu.memory_space<vmem>> -> memref<78x128xi32, #tpu.memory_space<vmem>>
      %dma_start3A_60 = arith.constant 0 : i32
      %dma_start3A_61 = tpu.memref_slice %arg3[%mul3A_2, %dma_start3A_60] : memref<2500x128xi32, #tpu.memory_space<hbm>> -> memref<78x128xi32, #tpu.memory_space<hbm>>
      tpu.enqueue_dma source(%dma_start3A_61 : memref<78x128xi32, #tpu.memory_space<hbm>>) target(%dma_start3A_59 : memref<78x128xi32, #tpu.memory_space<vmem>>) target_semaphore(%run_scoped3A : memref<!tpu.dma_semaphore, #tpu.memory_space<semaphore_mem>>)
      %dma_wait3A_62 = arith.constant 0 : i32
      %dma_wait3A_63 = arith.constant 0 : i32
      %dma_wait3A_64 = tpu.memref_slice %arg11[%dma_wait3A_62, %dma_wait3A_63] : memref<79x128xi32, #tpu.memory_space<vmem>> -> memref<78x128xi32, #tpu.memory_space<vmem>>
      %dma_wait3A_65 = arith.constant 0 : i32
      %dma_wait3A_66 = tpu.memref_slice %arg3[%mul3A_2, %dma_wait3A_65] : memref<2500x128xi32, #tpu.memory_space<hbm>> -> memref<78x128xi32, #tpu.memory_space<hbm>>
      %dma_wait3A_67 = arith.constant 0 : i32
      %dma_wait3A_68 = arith.constant 0 : i32
      %dma_wait3A_69 = tpu.memref_slice %arg11[%dma_wait3A_67, %dma_wait3A_68] : memref<79x128xi32, #tpu.memory_space<vmem>> -> memref<78x128xi32, #tpu.memory_space<vmem>>
      %dma_wait3A_70 = arith.constant 0 : i32
      %dma_wait3A_71 = tpu.memref_slice %arg3[%mul3A_2, %dma_wait3A_70] : memref<2500x128xi32, #tpu.memory_space<hbm>> -> memref<78x128xi32, #tpu.memory_space<hbm>>
      tpu.wait_dma2 semaphore(%run_scoped3A : memref<!tpu.dma_semaphore, #tpu.memory_space<semaphore_mem>>) src(%dma_wait3A_71 : memref<78x128xi32, #tpu.memory_space<hbm>>) dst(%dma_wait3A_69 : memref<78x128xi32, #tpu.memory_space<vmem>>)
      tpu.yield
    }) : () -> ()
    %lt3A = arith.constant 4 : i32
    %lt3A_3 = arith.cmpi slt, %add3A, %lt3A : i32
    %convert_element_type3A = arith.extui %lt3A_3 : i1 to i32
    %cond3A = arith.constant 0 : i32
    %cond3A_4 = arith.cmpi ne, %convert_element_type3A, %cond3A : i32
    scf.if %cond3A_4 {
      %add3A_52 = arith.constant 2496 : i32
      %add3A_53 = arith.addi %add3A_52, %add3A : i32
      %run_scoped3A = arith.constant 78 : i32
      "tpu.region"() ({
        %run_scoped3A_57 = tpu.sem_alloc : memref<!tpu.dma_semaphore, #tpu.memory_space<semaphore_mem>>
        %dma_start3A_58 = arith.constant 0 : i32
        %dma_start3A_59 = tpu.memref_slice %arg10[%run_scoped3A, %dma_start3A_58] : memref<79x128xi32, #tpu.memory_space<vmem>> -> memref<1x128xi32, #tpu.memory_space<vmem>>
        %dma_start3A_60 = tpu.memref_squeeze %dma_start3A_59 : memref<1x128xi32, #tpu.memory_space<vmem>> -> memref<128xi32, #tpu.memory_space<vmem>>
        %dma_start3A_61 = arith.constant 0 : i32
        %dma_start3A_62 = tpu.memref_slice %arg2[%add3A_53, %dma_start3A_61] : memref<2500x128xi32, #tpu.memory_space<hbm>> -> memref<1x128xi32, #tpu.memory_space<hbm>>
        %dma_start3A_63 = tpu.memref_squeeze %dma_start3A_62 : memref<1x128xi32, #tpu.memory_space<hbm>> -> memref<128xi32, #tpu.memory_space<hbm>>
        %dma_start3A_64 = arith.constant 0 : i32
        %dma_start3A_65 = tpu.memref_slice %arg10[%run_scoped3A, %dma_start3A_64] : memref<79x128xi32, #tpu.memory_space<vmem>> -> memref<1x128xi32, #tpu.memory_space<vmem>>
        %dma_start3A_66 = tpu.memref_squeeze %dma_start3A_65 : memref<1x128xi32, #tpu.memory_space<vmem>> -> memref<128xi32, #tpu.memory_space<vmem>>
        %dma_start3A_67 = arith.constant 0 : i32
        %dma_start3A_68 = tpu.memref_slice %arg2[%add3A_53, %dma_start3A_67] : memref<2500x128xi32, #tpu.memory_space<hbm>> -> memref<1x128xi32, #tpu.memory_space<hbm>>
        %dma_start3A_69 = tpu.memref_squeeze %dma_start3A_68 : memref<1x128xi32, #tpu.memory_space<hbm>> -> memref<128xi32, #tpu.memory_space<hbm>>
        tpu.enqueue_dma source(%dma_start3A_69 : memref<128xi32, #tpu.memory_space<hbm>>) target(%dma_start3A_66 : memref<128xi32, #tpu.memory_space<vmem>>) target_semaphore(%run_scoped3A_57 : memref<!tpu.dma_semaphore, #tpu.memory_space<semaphore_mem>>)
        %dma_wait3A_70 = arith.constant 0 : i32
        %dma_wait3A_71 = tpu.memref_slice %arg10[%run_scoped3A, %dma_wait3A_70] : memref<79x128xi32, #tpu.memory_space<vmem>> -> memref<1x128xi32, #tpu.memory_space<vmem>>
        %dma_wait3A_72 = tpu.memref_squeeze %dma_wait3A_71 : memref<1x128xi32, #tpu.memory_space<vmem>> -> memref<128xi32, #tpu.memory_space<vmem>>
        %dma_wait3A_73 = arith.constant 0 : i32
        %dma_wait3A_74 = tpu.memref_slice %arg2[%add3A_53, %dma_wait3A_73] : memref<2500x128xi32, #tpu.memory_space<hbm>> -> memref<1x128xi32, #tpu.memory_space<hbm>>
        %dma_wait3A_75 = tpu.memref_squeeze %dma_wait3A_74 : memref<1x128xi32, #tpu.memory_space<hbm>> -> memref<128xi32, #tpu.memory_space<hbm>>
        %dma_wait3A_76 = arith.constant 0 : i32
        %dma_wait3A_77 = tpu.memref_slice %arg10[%run_scoped3A, %dma_wait3A_76] : memref<79x128xi32, #tpu.memory_space<vmem>> -> memref<1x128xi32, #tpu.memory_space<vmem>>
        %dma_wait3A_78 = tpu.memref_squeeze %dma_wait3A_77 : memref<1x128xi32, #tpu.memory_space<vmem>> -> memref<128xi32, #tpu.memory_space<vmem>>
        %dma_wait3A_79 = arith.constant 0 : i32
        %dma_wait3A_80 = tpu.memref_slice %arg2[%add3A_53, %dma_wait3A_79] : memref<2500x128xi32, #tpu.memory_space<hbm>> -> memref<1x128xi32, #tpu.memory_space<hbm>>
        %dma_wait3A_81 = tpu.memref_squeeze %dma_wait3A_80 : memref<1x128xi32, #tpu.memory_space<hbm>> -> memref<128xi32, #tpu.memory_space<hbm>>
        tpu.wait_dma2 semaphore(%run_scoped3A_57 : memref<!tpu.dma_semaphore, #tpu.memory_space<semaphore_mem>>) src(%dma_wait3A_81 : memref<128xi32, #tpu.memory_space<hbm>>) dst(%dma_wait3A_78 : memref<128xi32, #tpu.memory_space<vmem>>)
        tpu.yield
      }) : () -> ()
      %add3A_54 = arith.constant 2496 : i32
      %add3A_55 = arith.addi %add3A_54, %add3A : i32
      %run_scoped3A_56 = arith.constant 78 : i32
      "tpu.region"() ({
        %run_scoped3A_57 = tpu.sem_alloc : memref<!tpu.dma_semaphore, #tpu.memory_space<semaphore_mem>>
        %dma_start3A_58 = arith.constant 0 : i32
        %dma_start3A_59 = tpu.memref_slice %arg11[%run_scoped3A_56, %dma_start3A_58] : memref<79x128xi32, #tpu.memory_space<vmem>> -> memref<1x128xi32, #tpu.memory_space<vmem>>
        %dma_start3A_60 = tpu.memref_squeeze %dma_start3A_59 : memref<1x128xi32, #tpu.memory_space<vmem>> -> memref<128xi32, #tpu.memory_space<vmem>>
        %dma_start3A_61 = arith.constant 0 : i32
        %dma_start3A_62 = tpu.memref_slice %arg3[%add3A_55, %dma_start3A_61] : memref<2500x128xi32, #tpu.memory_space<hbm>> -> memref<1x128xi32, #tpu.memory_space<hbm>>
        %dma_start3A_63 = tpu.memref_squeeze %dma_start3A_62 : memref<1x128xi32, #tpu.memory_space<hbm>> -> memref<128xi32, #tpu.memory_space<hbm>>
        %dma_start3A_64 = arith.constant 0 : i32
        %dma_start3A_65 = tpu.memref_slice %arg11[%run_scoped3A_56, %dma_start3A_64] : memref<79x128xi32, #tpu.memory_space<vmem>> -> memref<1x128xi32, #tpu.memory_space<vmem>>
        %dma_start3A_66 = tpu.memref_squeeze %dma_start3A_65 : memref<1x128xi32, #tpu.memory_space<vmem>> -> memref<128xi32, #tpu.memory_space<vmem>>
        %dma_start3A_67 = arith.constant 0 : i32
        %dma_start3A_68 = tpu.memref_slice %arg3[%add3A_55, %dma_start3A_67] : memref<2500x128xi32, #tpu.memory_space<hbm>> -> memref<1x128xi32, #tpu.memory_space<hbm>>
        %dma_start3A_69 = tpu.memref_squeeze %dma_start3A_68 : memref<1x128xi32, #tpu.memory_space<hbm>> -> memref<128xi32, #tpu.memory_space<hbm>>
        tpu.enqueue_dma source(%dma_start3A_69 : memref<128xi32, #tpu.memory_space<hbm>>) target(%dma_start3A_66 : memref<128xi32, #tpu.memory_space<vmem>>) target_semaphore(%run_scoped3A_57 : memref<!tpu.dma_semaphore, #tpu.memory_space<semaphore_mem>>)
        %dma_wait3A_70 = arith.constant 0 : i32
        %dma_wait3A_71 = tpu.memref_slice %arg11[%run_scoped3A_56, %dma_wait3A_70] : memref<79x128xi32, #tpu.memory_space<vmem>> -> memref<1x128xi32, #tpu.memory_space<vmem>>
        %dma_wait3A_72 = tpu.memref_squeeze %dma_wait3A_71 : memref<1x128xi32, #tpu.memory_space<vmem>> -> memref<128xi32, #tpu.memory_space<vmem>>
        %dma_wait3A_73 = arith.constant 0 : i32
        %dma_wait3A_74 = tpu.memref_slice %arg3[%add3A_55, %dma_wait3A_73] : memref<2500x128xi32, #tpu.memory_space<hbm>> -> memref<1x128xi32, #tpu.memory_space<hbm>>
        %dma_wait3A_75 = tpu.memref_squeeze %dma_wait3A_74 : memref<1x128xi32, #tpu.memory_space<hbm>> -> memref<128xi32, #tpu.memory_space<hbm>>
        %dma_wait3A_76 = arith.constant 0 : i32
        %dma_wait3A_77 = tpu.memref_slice %arg11[%run_scoped3A_56, %dma_wait3A_76] : memref<79x128xi32, #tpu.memory_space<vmem>> -> memref<1x128xi32, #tpu.memory_space<vmem>>
        %dma_wait3A_78 = tpu.memref_squeeze %dma_wait3A_77 : memref<1x128xi32, #tpu.memory_space<vmem>> -> memref<128xi32, #tpu.memory_space<vmem>>
        %dma_wait3A_79 = arith.constant 0 : i32
        %dma_wait3A_80 = tpu.memref_slice %arg3[%add3A_55, %dma_wait3A_79] : memref<2500x128xi32, #tpu.memory_space<hbm>> -> memref<1x128xi32, #tpu.memory_space<hbm>>
        %dma_wait3A_81 = tpu.memref_squeeze %dma_wait3A_80 : memref<1x128xi32, #tpu.memory_space<hbm>> -> memref<128xi32, #tpu.memory_space<hbm>>
        tpu.wait_dma2 semaphore(%run_scoped3A_57 : memref<!tpu.dma_semaphore, #tpu.memory_space<semaphore_mem>>) src(%dma_wait3A_81 : memref<128xi32, #tpu.memory_space<hbm>>) dst(%dma_wait3A_78 : memref<128xi32, #tpu.memory_space<vmem>>)
        tpu.yield
      }) : () -> ()
    } else {
    }
    %mul3A_5 = arith.constant 624 : i32
    %mul3A_6 = arith.muli %arg1, %mul3A_5 : i32
    %lt3A_7 = arith.constant 15 : i32
    %lt3A_8 = arith.cmpi slt, %arg1, %lt3A_7 : i32
    %convert_element_type3A_9 = arith.extui %lt3A_8 : i1 to i32
    %cond3A_10 = arith.constant 0 : i32
    %cond3A_11 = arith.cmpi ne, %convert_element_type3A_9, %cond3A_10 : i32
    scf.if %cond3A_11 {
      "tpu.region"() ({
        %run_scoped3A = tpu.sem_alloc : memref<!tpu.dma_semaphore, #tpu.memory_space<semaphore_mem>>
        %dma_start3A_52 = arith.constant 0 : i32
        %dma_start3A_53 = tpu.memref_slice %arg15[%mul3A_6, %dma_start3A_52] : memref<10000x32xf32, #tpu.memory_space<vmem_shared>> -> memref<624x32xf32, #tpu.memory_space<vmem_shared>>
        %dma_start3A_54 = arith.constant 0 : i32
        %dma_start3A_55 = tpu.memref_slice %arg8[%mul3A_6, %dma_start3A_54] : memref<10000x32xf32, #tpu.memory_space<hbm>> -> memref<624x32xf32, #tpu.memory_space<hbm>>
        tpu.enqueue_dma source(%dma_start3A_55 : memref<624x32xf32, #tpu.memory_space<hbm>>) target(%dma_start3A_53 : memref<624x32xf32, #tpu.memory_space<vmem_shared>>) target_semaphore(%run_scoped3A : memref<!tpu.dma_semaphore, #tpu.memory_space<semaphore_mem>>)
        %dma_wait3A_56 = arith.constant 0 : i32
        %dma_wait3A_57 = tpu.memref_slice %arg15[%mul3A_6, %dma_wait3A_56] : memref<10000x32xf32, #tpu.memory_space<vmem_shared>> -> memref<624x32xf32, #tpu.memory_space<vmem_shared>>
        %dma_wait3A_58 = arith.constant 0 : i32
        %dma_wait3A_59 = tpu.memref_slice %arg8[%mul3A_6, %dma_wait3A_58] : memref<10000x32xf32, #tpu.memory_space<hbm>> -> memref<624x32xf32, #tpu.memory_space<hbm>>
        tpu.wait_dma2 semaphore(%run_scoped3A : memref<!tpu.dma_semaphore, #tpu.memory_space<semaphore_mem>>) src(%dma_wait3A_59 : memref<624x32xf32, #tpu.memory_space<hbm>>) dst(%dma_wait3A_57 : memref<624x32xf32, #tpu.memory_space<vmem_shared>>)
        tpu.yield
      }) : () -> ()
    } else {
    }
    %eq3A = arith.constant 15 : i32
    %eq3A_12 = arith.cmpi eq, %arg1, %eq3A : i32
    %convert_element_type3A_13 = arith.extui %eq3A_12 : i1 to i32
    %cond3A_14 = arith.constant 0 : i32
    %cond3A_15 = arith.cmpi ne, %convert_element_type3A_13, %cond3A_14 : i32
    scf.if %cond3A_15 {
      "tpu.region"() ({
        %run_scoped3A = tpu.sem_alloc : memref<!tpu.dma_semaphore, #tpu.memory_space<semaphore_mem>>
        %dma_start3A_52 = arith.constant 0 : i32
        %dma_start3A_53 = tpu.memref_slice %arg15[%mul3A_6, %dma_start3A_52] : memref<10000x32xf32, #tpu.memory_space<vmem_shared>> -> memref<640x32xf32, #tpu.memory_space<vmem_shared>>
        %dma_start3A_54 = arith.constant 0 : i32
        %dma_start3A_55 = tpu.memref_slice %arg8[%mul3A_6, %dma_start3A_54] : memref<10000x32xf32, #tpu.memory_space<hbm>> -> memref<640x32xf32, #tpu.memory_space<hbm>>
        tpu.enqueue_dma source(%dma_start3A_55 : memref<640x32xf32, #tpu.memory_space<hbm>>) target(%dma_start3A_53 : memref<640x32xf32, #tpu.memory_space<vmem_shared>>) target_semaphore(%run_scoped3A : memref<!tpu.dma_semaphore, #tpu.memory_space<semaphore_mem>>)
        %dma_wait3A_56 = arith.constant 0 : i32
        %dma_wait3A_57 = tpu.memref_slice %arg15[%mul3A_6, %dma_wait3A_56] : memref<10000x32xf32, #tpu.memory_space<vmem_shared>> -> memref<640x32xf32, #tpu.memory_space<vmem_shared>>
        %dma_wait3A_58 = arith.constant 0 : i32
        %dma_wait3A_59 = tpu.memref_slice %arg8[%mul3A_6, %dma_wait3A_58] : memref<10000x32xf32, #tpu.memory_space<hbm>> -> memref<640x32xf32, #tpu.memory_space<hbm>>
        tpu.wait_dma2 semaphore(%run_scoped3A : memref<!tpu.dma_semaphore, #tpu.memory_space<semaphore_mem>>) src(%dma_wait3A_59 : memref<640x32xf32, #tpu.memory_space<hbm>>) dst(%dma_wait3A_57 : memref<640x32xf32, #tpu.memory_space<vmem_shared>>)
        tpu.yield
      }) : () -> ()
    } else {
    }
    %barrier3A = arith.constant 0 : index
    tpu.barrier barrier_id(%barrier3A)
    %get3A = arith.constant 0 : index
    %get3A_16 = tpu.vector_load %arg14[%get3A] {strides = array<i32>} : memref<16xf32, #tpu.memory_space<vmem>>, vector<16xf32>,
    %dma_start3A = arith.constant 0 : i32
    %dma_start3A_17 = arith.constant 0 : i32
    %dma_start3A_18 = tpu.memref_slice %arg10[%dma_start3A, %dma_start3A_17] : memref<79x128xi32, #tpu.memory_space<vmem>> -> memref<1x128xi32, #tpu.memory_space<vmem>>
    %dma_start3A_19 = tpu.memref_squeeze %dma_start3A_18 : memref<1x128xi32, #tpu.memory_space<vmem>> -> memref<128xi32, #tpu.memory_space<vmem>>
    %dma_start3A_20 = arith.constant 0 : i32
    %dma_start3A_21 = arith.constant 0 : i32
    %dma_start3A_22 = tpu.memref_slice %arg6[%dma_start3A_20, %dma_start3A_21] : memref<10000x16xf32, #tpu.memory_space<hbm>> -> memref<10000x16xf32, #tpu.memory_space<hbm>>
    tpu.enqueue_indirect_dma source(%dma_start3A_22 : memref<10000x16xf32, #tpu.memory_space<hbm>>) target(%arg16 : memref<128x16xf32, #tpu.memory_space<vmem>>) offsets(%dma_start3A_19 : memref<128xi32, #tpu.memory_space<vmem>>) semaphore(%arg19 : memref<!tpu.dma_semaphore, #tpu.memory_space<semaphore_mem>>)
    %scan3A = arith.constant 0 : i32
    %scan3A_23 = arith.constant 0 : i32
    %scan3A_24 = arith.constant 39 : i32
    %scan3A_25 = arith.addi %scan3A_23, %scan3A_24 : i32
    %scan3A_26 = arith.constant 1 : i32
    scf.for %scan3A_52 = %scan3A_23 to %scan3A_25 step %scan3A_26  : i32 {
      %mul3A_53 = arith.constant 2 : i32
      %mul3A_54 = arith.muli %mul3A_53, %scan3A_52 : i32
      %mul3A_55 = arith.constant 2 : i32
      %mul3A_56 = arith.muli %mul3A_55, %scan3A_52 : i32
      %add3A_57 = arith.constant 1 : i32
      %add3A_58 = arith.addi %mul3A_56, %add3A_57 : i32
      %dma_start3A_59 = arith.constant 0 : i32
      %dma_start3A_60 = tpu.memref_slice %arg10[%add3A_58, %dma_start3A_59] : memref<79x128xi32, #tpu.memory_space<vmem>> -> memref<1x128xi32, #tpu.memory_space<vmem>>
      %dma_start3A_61 = tpu.memref_squeeze %dma_start3A_60 : memref<1x128xi32, #tpu.memory_space<vmem>> -> memref<128xi32, #tpu.memory_space<vmem>>
      %dma_start3A_62 = arith.constant 0 : i32
      %dma_start3A_63 = arith.constant 0 : i32
      %dma_start3A_64 = tpu.memref_slice %arg6[%dma_start3A_62, %dma_start3A_63] : memref<10000x16xf32, #tpu.memory_space<hbm>> -> memref<10000x16xf32, #tpu.memory_space<hbm>>
      tpu.enqueue_indirect_dma source(%dma_start3A_64 : memref<10000x16xf32, #tpu.memory_space<hbm>>) target(%arg20 : memref<128x16xf32, #tpu.memory_space<vmem>>) offsets(%dma_start3A_61 : memref<128xi32, #tpu.memory_space<vmem>>) semaphore(%arg23 : memref<!tpu.dma_semaphore, #tpu.memory_space<semaphore_mem>>)
      %parallel_loop3A = arith.constant 0 : i32
      %parallel_loop3A_65 = arith.constant 8 : i32
      %parallel_loop3A_66 = arith.constant 1 : i32
      scf.for %parallel_loop3A_97 = %parallel_loop3A to %parallel_loop3A_65 step %parallel_loop3A_66  : i32 {
        %parallel_loop3A_98 = arith.constant 16 : i32
        %parallel_loop3A_99 = arith.muli %parallel_loop3A_97, %parallel_loop3A_98 : i32
        %parallel_loop3A_100 = arith.index_cast %mul3A_54 : i32 to index
        %parallel_loop3A_101 = arith.index_cast %parallel_loop3A_99 : i32 to index
        %parallel_loop3A_102 = tpu.vector_load %arg10[%parallel_loop3A_100, %parallel_loop3A_101] {strides = array<i32>} : memref<79x128xi32, #tpu.memory_space<vmem>>, vector<16xi32>,
        %parallel_loop3A_103 = arith.constant 16 : i32
        %parallel_loop3A_104 = arith.muli %parallel_loop3A_97, %parallel_loop3A_103 : i32
        %parallel_loop3A_105 = arith.index_cast %mul3A_54 : i32 to index
        %parallel_loop3A_106 = arith.index_cast %parallel_loop3A_104 : i32 to index
        %parallel_loop3A_107 = tpu.vector_load %arg11[%parallel_loop3A_105, %parallel_loop3A_106] {strides = array<i32>} : memref<79x128xi32, #tpu.memory_space<vmem>>, vector<16xi32>,
        %parallel_loop3A_108 = tpu.vector_load_idx %arg12[%parallel_loop3A_102] : memref<10000xf32, #tpu.memory_space<vmem>>[vector<16xi32>], vector<16xf32>,
        %parallel_loop3A_109 = tpu.vector_load_idx %arg13[%parallel_loop3A_107] : memref<10000xf32, #tpu.memory_space<vmem>>[vector<16xi32>], vector<16xf32>,
        %parallel_loop3A_110 = arith.addf %parallel_loop3A_108, %parallel_loop3A_109 : vector<16xf32>
        %parallel_loop3A_111 = arith.constant 2.000000e-01 : f32
        %parallel_loop3A_112 = vector.broadcast %parallel_loop3A_111 : f32 to vector<16xf32>
        %parallel_loop3A_113 = arith.mulf %parallel_loop3A_112, %parallel_loop3A_110 : vector<16xf32>
        %parallel_loop3A_114 = arith.maximumf %parallel_loop3A_110, %parallel_loop3A_113 : vector<16xf32>
        %parallel_loop3A_115 = arith.subf %parallel_loop3A_114, %get3A_16 : vector<16xf32>
        %parallel_loop3A_116 = math.exp %parallel_loop3A_115 : vector<16xf32>
        %parallel_loop3A_117 = arith.constant 16 : i32
        %parallel_loop3A_118 = arith.muli %parallel_loop3A_97, %parallel_loop3A_117 : i32
        %parallel_loop3A_119 = arith.index_cast %parallel_loop3A_118 : i32 to index
        %parallel_loop3A_120 = tpu.vector_load %arg18[%parallel_loop3A_119] {strides = array<i32>} : memref<128xf32, #tpu.memory_space<vmem>>, vector<16xf32>,
        tpu.vector_store %arg18[%parallel_loop3A_119], %parallel_loop3A_116 {strides = array<i32>} : memref<128xf32, #tpu.memory_space<vmem>>, vector<16xf32>,
      } {sc.loop_unroll_factor = 2 : i64, sc.parallel_access}
      %dma_wait3A_67 = arith.constant 0 : i32
      %dma_wait3A_68 = tpu.memref_slice %arg10[%mul3A_54, %dma_wait3A_67] : memref<79x128xi32, #tpu.memory_space<vmem>> -> memref<1x128xi32, #tpu.memory_space<vmem>>
      %dma_wait3A_69 = tpu.memref_squeeze %dma_wait3A_68 : memref<1x128xi32, #tpu.memory_space<vmem>> -> memref<128xi32, #tpu.memory_space<vmem>>
      %dma_wait3A_70 = arith.constant 0 : i32
      %dma_wait3A_71 = arith.constant 0 : i32
      %dma_wait3A_72 = tpu.memref_slice %arg6[%dma_wait3A_70, %dma_wait3A_71] : memref<10000x16xf32, #tpu.memory_space<hbm>> -> memref<10000x16xf32, #tpu.memory_space<hbm>>
      tpu.wait_indirect_dma semaphore(%arg19 : memref<!tpu.dma_semaphore, #tpu.memory_space<semaphore_mem>>) src(%dma_wait3A_72 : memref<10000x16xf32, #tpu.memory_space<hbm>>) dst(%arg16 : memref<128x16xf32, #tpu.memory_space<vmem>>)
      %parallel_loop3A_73 = arith.constant 0 : i32
      %parallel_loop3A_74 = arith.constant 8 : i32
      %parallel_loop3A_75 = arith.constant 1 : i32
      scf.for %parallel_loop3A_97 = %parallel_loop3A_73 to %parallel_loop3A_74 step %parallel_loop3A_75  : i32 {
        %parallel_loop3A_98 = arith.constant 16 : i32
        %parallel_loop3A_99 = arith.muli %parallel_loop3A_97, %parallel_loop3A_98 : i32
        %parallel_loop3A_100 = arith.index_cast %parallel_loop3A_99 : i32 to index
        %parallel_loop3A_101 = tpu.vector_load %arg18[%parallel_loop3A_100] {strides = array<i32>} : memref<128xf32, #tpu.memory_space<vmem>>, vector<16xf32>,
        %parallel_loop3A_102 = arith.constant 16 : i32
        %parallel_loop3A_103 = arith.muli %parallel_loop3A_97, %parallel_loop3A_102 : i32
        %parallel_loop3A_104 = arith.constant 0 : i32
        %parallel_loop3A_105 = arith.addi %parallel_loop3A_103, %parallel_loop3A_104 : i32
        %parallel_loop3A_106 = vector.extract_strided_slice %parallel_loop3A_101 {offsets = [0], sizes = [1], strides = [1]} : vector<16xf32> to vector<1xf32>
        %parallel_loop3A_107 = vector.extract %parallel_loop3A_106[0] : f32 from vector<1xf32>
        %parallel_loop3A_108 = vector.broadcast %parallel_loop3A_107 : f32 to vector<16xf32>
        %parallel_loop3A_109 = arith.index_cast %parallel_loop3A_105 : i32 to index
        %parallel_loop3A_110 = arith.constant 0 : index
        %parallel_loop3A_111 = tpu.vector_load %arg16[%parallel_loop3A_109, %parallel_loop3A_110] {strides = array<i32>} : memref<128x16xf32, #tpu.memory_space<vmem>>, vector<16xf32>,
        %parallel_loop3A_112 = arith.mulf %parallel_loop3A_111, %parallel_loop3A_108 : vector<16xf32>
        %parallel_loop3A_113 = arith.index_cast %parallel_loop3A_105 : i32 to index
        %parallel_loop3A_114 = arith.constant 0 : index
        %parallel_loop3A_115 = tpu.vector_load %arg17[%parallel_loop3A_113, %parallel_loop3A_114] {strides = array<i32>} : memref<128x32xf32, #tpu.memory_space<vmem>>, vector<16xf32>,
        tpu.vector_store %arg17[%parallel_loop3A_113, %parallel_loop3A_114], %parallel_loop3A_112 {strides = array<i32>} : memref<128x32xf32, #tpu.memory_space<vmem>>, vector<16xf32>,
        %parallel_loop3A_116 = arith.index_cast %parallel_loop3A_105 : i32 to index
        %parallel_loop3A_117 = arith.constant 16 : index
        %parallel_loop3A_118 = tpu.vector_load %arg17[%parallel_loop3A_116, %parallel_loop3A_117] {strides = array<i32>} : memref<128x32xf32, #tpu.memory_space<vmem>>, vector<16xf32>,
        tpu.vector_store %arg17[%parallel_loop3A_116, %parallel_loop3A_117], %parallel_loop3A_108 {strides = array<i32>} : memref<128x32xf32, #tpu.memory_space<vmem>>, vector<16xf32>,
        %parallel_loop3A_119 = arith.constant 16 : i32
        %parallel_loop3A_120 = arith.muli %parallel_loop3A_97, %parallel_loop3A_119 : i32
        %parallel_loop3A_121 = arith.constant 1 : i32
        %parallel_loop3A_122 = arith.addi %parallel_loop3A_120, %parallel_loop3A_121 : i32
        %parallel_loop3A_123 = vector.extract_strided_slice %parallel_loop3A_101 {offsets = [1], sizes = [1], strides = [1]} : vector<16xf32> to vector<1xf32>
        %parallel_loop3A_124 = vector.extract %parallel_loop3A_123[0] : f32 from vector<1xf32>
        %parallel_loop3A_125 = vector.broadcast %parallel_loop3A_124 : f32 to vector<16xf32>
        %parallel_loop3A_126 = arith.index_cast %parallel_loop3A_122 : i32 to index
        %parallel_loop3A_127 = arith.constant 0 : index
        %parallel_loop3A_128 = tpu.vector_load %arg16[%parallel_loop3A_126, %parallel_loop3A_127] {strides = array<i32>} : memref<128x16xf32, #tpu.memory_space<vmem>>, vector<16xf32>,
        %parallel_loop3A_129 = arith.mulf %parallel_loop3A_128, %parallel_loop3A_125 : vector<16xf32>
        %parallel_loop3A_130 = arith.index_cast %parallel_loop3A_122 : i32 to index
        %parallel_loop3A_131 = arith.constant 0 : index
        %parallel_loop3A_132 = tpu.vector_load %arg17[%parallel_loop3A_130, %parallel_loop3A_131] {strides = array<i32>} : memref<128x32xf32, #tpu.memory_space<vmem>>, vector<16xf32>,
        tpu.vector_store %arg17[%parallel_loop3A_130, %parallel_loop3A_131], %parallel_loop3A_129 {strides = array<i32>} : memref<128x32xf32, #tpu.memory_space<vmem>>, vector<16xf32>,
        %parallel_loop3A_133 = arith.index_cast %parallel_loop3A_122 : i32 to index
        %parallel_loop3A_134 = arith.constant 16 : index
        %parallel_loop3A_135 = tpu.vector_load %arg17[%parallel_loop3A_133, %parallel_loop3A_134] {strides = array<i32>} : memref<128x32xf32, #tpu.memory_space<vmem>>, vector<16xf32>,
        tpu.vector_store %arg17[%parallel_loop3A_133, %parallel_loop3A_134], %parallel_loop3A_125 {strides = array<i32>} : memref<128x32xf32, #tpu.memory_space<vmem>>, vector<16xf32>,
        %parallel_loop3A_136 = arith.constant 16 : i32
        %parallel_loop3A_137 = arith.muli %parallel_loop3A_97, %parallel_loop3A_136 : i32
        %parallel_loop3A_138 = arith.constant 2 : i32
        %parallel_loop3A_139 = arith.addi %parallel_loop3A_137, %parallel_loop3A_138 : i32
        %parallel_loop3A_140 = vector.extract_strided_slice %parallel_loop3A_101 {offsets = [2], sizes = [1], strides = [1]} : vector<16xf32> to vector<1xf32>
        %parallel_loop3A_141 = vector.extract %parallel_loop3A_140[0] : f32 from vector<1xf32>
        %parallel_loop3A_142 = vector.broadcast %parallel_loop3A_141 : f32 to vector<16xf32>
        %parallel_loop3A_143 = arith.index_cast %parallel_loop3A_139 : i32 to index
        %parallel_loop3A_144 = arith.constant 0 : index
        %parallel_loop3A_145 = tpu.vector_load %arg16[%parallel_loop3A_143, %parallel_loop3A_144] {strides = array<i32>} : memref<128x16xf32, #tpu.memory_space<vmem>>, vector<16xf32>,
        %parallel_loop3A_146 = arith.mulf %parallel_loop3A_145, %parallel_loop3A_142 : vector<16xf32>
        %parallel_loop3A_147 = arith.index_cast %parallel_loop3A_139 : i32 to index
        %parallel_loop3A_148 = arith.constant 0 : index
        %parallel_loop3A_149 = tpu.vector_load %arg17[%parallel_loop3A_147, %parallel_loop3A_148] {strides = array<i32>} : memref<128x32xf32, #tpu.memory_space<vmem>>, vector<16xf32>,
        tpu.vector_store %arg17[%parallel_loop3A_147, %parallel_loop3A_148], %parallel_loop3A_146 {strides = array<i32>} : memref<128x32xf32, #tpu.memory_space<vmem>>, vector<16xf32>,
        %parallel_loop3A_150 = arith.index_cast %parallel_loop3A_139 : i32 to index
        %parallel_loop3A_151 = arith.constant 16 : index
        %parallel_loop3A_152 = tpu.vector_load %arg17[%parallel_loop3A_150, %parallel_loop3A_151] {strides = array<i32>} : memref<128x32xf32, #tpu.memory_space<vmem>>, vector<16xf32>,
        tpu.vector_store %arg17[%parallel_loop3A_150, %parallel_loop3A_151], %parallel_loop3A_142 {strides = array<i32>} : memref<128x32xf32, #tpu.memory_space<vmem>>, vector<16xf32>,
        %parallel_loop3A_153 = arith.constant 16 : i32
        %parallel_loop3A_154 = arith.muli %parallel_loop3A_97, %parallel_loop3A_153 : i32
        %parallel_loop3A_155 = arith.constant 3 : i32
        %parallel_loop3A_156 = arith.addi %parallel_loop3A_154, %parallel_loop3A_155 : i32
        %parallel_loop3A_157 = vector.extract_strided_slice %parallel_loop3A_101 {offsets = [3], sizes = [1], strides = [1]} : vector<16xf32> to vector<1xf32>
        %parallel_loop3A_158 = vector.extract %parallel_loop3A_157[0] : f32 from vector<1xf32>
        %parallel_loop3A_159 = vector.broadcast %parallel_loop3A_158 : f32 to vector<16xf32>
        %parallel_loop3A_160 = arith.index_cast %parallel_loop3A_156 : i32 to index
        %parallel_loop3A_161 = arith.constant 0 : index
        %parallel_loop3A_162 = tpu.vector_load %arg16[%parallel_loop3A_160, %parallel_loop3A_161] {strides = array<i32>} : memref<128x16xf32, #tpu.memory_space<vmem>>, vector<16xf32>,
        %parallel_loop3A_163 = arith.mulf %parallel_loop3A_162, %parallel_loop3A_159 : vector<16xf32>
        %parallel_loop3A_164 = arith.index_cast %parallel_loop3A_156 : i32 to index
        %parallel_loop3A_165 = arith.constant 0 : index
        %parallel_loop3A_166 = tpu.vector_load %arg17[%parallel_loop3A_164, %parallel_loop3A_165] {strides = array<i32>} : memref<128x32xf32, #tpu.memory_space<vmem>>, vector<16xf32>,
        tpu.vector_store %arg17[%parallel_loop3A_164, %parallel_loop3A_165], %parallel_loop3A_163 {strides = array<i32>} : memref<128x32xf32, #tpu.memory_space<vmem>>, vector<16xf32>,
        %parallel_loop3A_167 = arith.index_cast %parallel_loop3A_156 : i32 to index
        %parallel_loop3A_168 = arith.constant 16 : index
        %parallel_loop3A_169 = tpu.vector_load %arg17[%parallel_loop3A_167, %parallel_loop3A_168] {strides = array<i32>} : memref<128x32xf32, #tpu.memory_space<vmem>>, vector<16xf32>,
        tpu.vector_store %arg17[%parallel_loop3A_167, %parallel_loop3A_168], %parallel_loop3A_159 {strides = array<i32>} : memref<128x32xf32, #tpu.memory_space<vmem>>, vector<16xf32>,
        %parallel_loop3A_170 = arith.constant 16 : i32
        %parallel_loop3A_171 = arith.muli %parallel_loop3A_97, %parallel_loop3A_170 : i32
        %parallel_loop3A_172 = arith.constant 4 : i32
        %parallel_loop3A_173 = arith.addi %parallel_loop3A_171, %parallel_loop3A_172 : i32
        %parallel_loop3A_174 = vector.extract_strided_slice %parallel_loop3A_101 {offsets = [4], sizes = [1], strides = [1]} : vector<16xf32> to vector<1xf32>
        %parallel_loop3A_175 = vector.extract %parallel_loop3A_174[0] : f32 from vector<1xf32>
        %parallel_loop3A_176 = vector.broadcast %parallel_loop3A_175 : f32 to vector<16xf32>
        %parallel_loop3A_177 = arith.index_cast %parallel_loop3A_173 : i32 to index
        %parallel_loop3A_178 = arith.constant 0 : index
        %parallel_loop3A_179 = tpu.vector_load %arg16[%parallel_loop3A_177, %parallel_loop3A_178] {strides = array<i32>} : memref<128x16xf32, #tpu.memory_space<vmem>>, vector<16xf32>,
        %parallel_loop3A_180 = arith.mulf %parallel_loop3A_179, %parallel_loop3A_176 : vector<16xf32>
        %parallel_loop3A_181 = arith.index_cast %parallel_loop3A_173 : i32 to index
        %parallel_loop3A_182 = arith.constant 0 : index
        %parallel_loop3A_183 = tpu.vector_load %arg17[%parallel_loop3A_181, %parallel_loop3A_182] {strides = array<i32>} : memref<128x32xf32, #tpu.memory_space<vmem>>, vector<16xf32>,
        tpu.vector_store %arg17[%parallel_loop3A_181, %parallel_loop3A_182], %parallel_loop3A_180 {strides = array<i32>} : memref<128x32xf32, #tpu.memory_space<vmem>>, vector<16xf32>,
        %parallel_loop3A_184 = arith.index_cast %parallel_loop3A_173 : i32 to index
        %parallel_loop3A_185 = arith.constant 16 : index
        %parallel_loop3A_186 = tpu.vector_load %arg17[%parallel_loop3A_184, %parallel_loop3A_185] {strides = array<i32>} : memref<128x32xf32, #tpu.memory_space<vmem>>, vector<16xf32>,
        tpu.vector_store %arg17[%parallel_loop3A_184, %parallel_loop3A_185], %parallel_loop3A_176 {strides = array<i32>} : memref<128x32xf32, #tpu.memory_space<vmem>>, vector<16xf32>,
        %parallel_loop3A_187 = arith.constant 16 : i32
        %parallel_loop3A_188 = arith.muli %parallel_loop3A_97, %parallel_loop3A_187 : i32
        %parallel_loop3A_189 = arith.constant 5 : i32
        %parallel_loop3A_190 = arith.addi %parallel_loop3A_188, %parallel_loop3A_189 : i32
        %parallel_loop3A_191 = vector.extract_strided_slice %parallel_loop3A_101 {offsets = [5], sizes = [1], strides = [1]} : vector<16xf32> to vector<1xf32>
        %parallel_loop3A_192 = vector.extract %parallel_loop3A_191[0] : f32 from vector<1xf32>
        %parallel_loop3A_193 = vector.broadcast %parallel_loop3A_192 : f32 to vector<16xf32>
        %parallel_loop3A_194 = arith.index_cast %parallel_loop3A_190 : i32 to index
        %parallel_loop3A_195 = arith.constant 0 : index
        %parallel_loop3A_196 = tpu.vector_load %arg16[%parallel_loop3A_194, %parallel_loop3A_195] {strides = array<i32>} : memref<128x16xf32, #tpu.memory_space<vmem>>, vector<16xf32>,
        %parallel_loop3A_197 = arith.mulf %parallel_loop3A_196, %parallel_loop3A_193 : vector<16xf32>
        %parallel_loop3A_198 = arith.index_cast %parallel_loop3A_190 : i32 to index
        %parallel_loop3A_199 = arith.constant 0 : index
        %parallel_loop3A_200 = tpu.vector_load %arg17[%parallel_loop3A_198, %parallel_loop3A_199] {strides = array<i32>} : memref<128x32xf32, #tpu.memory_space<vmem>>, vector<16xf32>,
        tpu.vector_store %arg17[%parallel_loop3A_198, %parallel_loop3A_199], %parallel_loop3A_197 {strides = array<i32>} : memref<128x32xf32, #tpu.memory_space<vmem>>, vector<16xf32>,
        %parallel_loop3A_201 = arith.index_cast %parallel_loop3A_190 : i32 to index
        %parallel_loop3A_202 = arith.constant 16 : index
        %parallel_loop3A_203 = tpu.vector_load %arg17[%parallel_loop3A_201, %parallel_loop3A_202] {strides = array<i32>} : memref<128x32xf32, #tpu.memory_space<vmem>>, vector<16xf32>,
        tpu.vector_store %arg17[%parallel_loop3A_201, %parallel_loop3A_202], %parallel_loop3A_193 {strides = array<i32>} : memref<128x32xf32, #tpu.memory_space<vmem>>, vector<16xf32>,
        %parallel_loop3A_204 = arith.constant 16 : i32
        %parallel_loop3A_205 = arith.muli %parallel_loop3A_97, %parallel_loop3A_204 : i32
        %parallel_loop3A_206 = arith.constant 6 : i32
        %parallel_loop3A_207 = arith.addi %parallel_loop3A_205, %parallel_loop3A_206 : i32
        %parallel_loop3A_208 = vector.extract_strided_slice %parallel_loop3A_101 {offsets = [6], sizes = [1], strides = [1]} : vector<16xf32> to vector<1xf32>
        %parallel_loop3A_209 = vector.extract %parallel_loop3A_208[0] : f32 from vector<1xf32>
        %parallel_loop3A_210 = vector.broadcast %parallel_loop3A_209 : f32 to vector<16xf32>
        %parallel_loop3A_211 = arith.index_cast %parallel_loop3A_207 : i32 to index
        %parallel_loop3A_212 = arith.constant 0 : index
        %parallel_loop3A_213 = tpu.vector_load %arg16[%parallel_loop3A_211, %parallel_loop3A_212] {strides = array<i32>} : memref<128x16xf32, #tpu.memory_space<vmem>>, vector<16xf32>,
        %parallel_loop3A_214 = arith.mulf %parallel_loop3A_213, %parallel_loop3A_210 : vector<16xf32>
        %parallel_loop3A_215 = arith.index_cast %parallel_loop3A_207 : i32 to index
        %parallel_loop3A_216 = arith.constant 0 : index
        %parallel_loop3A_217 = tpu.vector_load %arg17[%parallel_loop3A_215, %parallel_loop3A_216] {strides = array<i32>} : memref<128x32xf32, #tpu.memory_space<vmem>>, vector<16xf32>,
        tpu.vector_store %arg17[%parallel_loop3A_215, %parallel_loop3A_216], %parallel_loop3A_214 {strides = array<i32>} : memref<128x32xf32, #tpu.memory_space<vmem>>, vector<16xf32>,
        %parallel_loop3A_218 = arith.index_cast %parallel_loop3A_207 : i32 to index
        %parallel_loop3A_219 = arith.constant 16 : index
        %parallel_loop3A_220 = tpu.vector_load %arg17[%parallel_loop3A_218, %parallel_loop3A_219] {strides = array<i32>} : memref<128x32xf32, #tpu.memory_space<vmem>>, vector<16xf32>,
        tpu.vector_store %arg17[%parallel_loop3A_218, %parallel_loop3A_219], %parallel_loop3A_210 {strides = array<i32>} : memref<128x32xf32, #tpu.memory_space<vmem>>, vector<16xf32>,
        %parallel_loop3A_221 = arith.constant 16 : i32
        %parallel_loop3A_222 = arith.muli %parallel_loop3A_97, %parallel_loop3A_221 : i32
        %parallel_loop3A_223 = arith.constant 7 : i32
        %parallel_loop3A_224 = arith.addi %parallel_loop3A_222, %parallel_loop3A_223 : i32
        %parallel_loop3A_225 = vector.extract_strided_slice %parallel_loop3A_101 {offsets = [7], sizes = [1], strides = [1]} : vector<16xf32> to vector<1xf32>
        %parallel_loop3A_226 = vector.extract %parallel_loop3A_225[0] : f32 from vector<1xf32>
        %parallel_loop3A_227 = vector.broadcast %parallel_loop3A_226 : f32 to vector<16xf32>
        %parallel_loop3A_228 = arith.index_cast %parallel_loop3A_224 : i32 to index
        %parallel_loop3A_229 = arith.constant 0 : index
        %parallel_loop3A_230 = tpu.vector_load %arg16[%parallel_loop3A_228, %parallel_loop3A_229] {strides = array<i32>} : memref<128x16xf32, #tpu.memory_space<vmem>>, vector<16xf32>,
        %parallel_loop3A_231 = arith.mulf %parallel_loop3A_230, %parallel_loop3A_227 : vector<16xf32>
        %parallel_loop3A_232 = arith.index_cast %parallel_loop3A_224 : i32 to index
        %parallel_loop3A_233 = arith.constant 0 : index
        %parallel_loop3A_234 = tpu.vector_load %arg17[%parallel_loop3A_232, %parallel_loop3A_233] {strides = array<i32>} : memref<128x32xf32, #tpu.memory_space<vmem>>, vector<16xf32>,
        tpu.vector_store %arg17[%parallel_loop3A_232, %parallel_loop3A_233], %parallel_loop3A_231 {strides = array<i32>} : memref<128x32xf32, #tpu.memory_space<vmem>>, vector<16xf32>,
        %parallel_loop3A_235 = arith.index_cast %parallel_loop3A_224 : i32 to index
        %parallel_loop3A_236 = arith.constant 16 : index
        %parallel_loop3A_237 = tpu.vector_load %arg17[%parallel_loop3A_235, %parallel_loop3A_236] {strides = array<i32>} : memref<128x32xf32, #tpu.memory_space<vmem>>, vector<16xf32>,
        tpu.vector_store %arg17[%parallel_loop3A_235, %parallel_loop3A_236], %parallel_loop3A_227 {strides = array<i32>} : memref<128x32xf32, #tpu.memory_space<vmem>>, vector<16xf32>,
        %parallel_loop3A_238 = arith.constant 16 : i32
        %parallel_loop3A_239 = arith.muli %parallel_loop3A_97, %parallel_loop3A_238 : i32
        %parallel_loop3A_240 = arith.constant 8 : i32
        %parallel_loop3A_241 = arith.addi %parallel_loop3A_239, %parallel_loop3A_240 : i32
        %parallel_loop3A_242 = vector.extract_strided_slice %parallel_loop3A_101 {offsets = [8], sizes = [1], strides = [1]} : vector<16xf32> to vector<1xf32>
        %parallel_loop3A_243 = vector.extract %parallel_loop3A_242[0] : f32 from vector<1xf32>
        %parallel_loop3A_244 = vector.broadcast %parallel_loop3A_243 : f32 to vector<16xf32>
        %parallel_loop3A_245 = arith.index_cast %parallel_loop3A_241 : i32 to index
        %parallel_loop3A_246 = arith.constant 0 : index
        %parallel_loop3A_247 = tpu.vector_load %arg16[%parallel_loop3A_245, %parallel_loop3A_246] {strides = array<i32>} : memref<128x16xf32, #tpu.memory_space<vmem>>, vector<16xf32>,
        %parallel_loop3A_248 = arith.mulf %parallel_loop3A_247, %parallel_loop3A_244 : vector<16xf32>
        %parallel_loop3A_249 = arith.index_cast %parallel_loop3A_241 : i32 to index
        %parallel_loop3A_250 = arith.constant 0 : index
        %parallel_loop3A_251 = tpu.vector_load %arg17[%parallel_loop3A_249, %parallel_loop3A_250] {strides = array<i32>} : memref<128x32xf32, #tpu.memory_space<vmem>>, vector<16xf32>,
        tpu.vector_store %arg17[%parallel_loop3A_249, %parallel_loop3A_250], %parallel_loop3A_248 {strides = array<i32>} : memref<128x32xf32, #tpu.memory_space<vmem>>, vector<16xf32>,
        %parallel_loop3A_252 = arith.index_cast %parallel_loop3A_241 : i32 to index
        %parallel_loop3A_253 = arith.constant 16 : index
        %parallel_loop3A_254 = tpu.vector_load %arg17[%parallel_loop3A_252, %parallel_loop3A_253] {strides = array<i32>} : memref<128x32xf32, #tpu.memory_space<vmem>>, vector<16xf32>,
        tpu.vector_store %arg17[%parallel_loop3A_252, %parallel_loop3A_253], %parallel_loop3A_244 {strides = array<i32>} : memref<128x32xf32, #tpu.memory_space<vmem>>, vector<16xf32>,
        %parallel_loop3A_255 = arith.constant 16 : i32
        %parallel_loop3A_256 = arith.muli %parallel_loop3A_97, %parallel_loop3A_255 : i32
        %parallel_loop3A_257 = arith.constant 9 : i32
        %parallel_loop3A_258 = arith.addi %parallel_loop3A_256, %parallel_loop3A_257 : i32
        %parallel_loop3A_259 = vector.extract_strided_slice %parallel_loop3A_101 {offsets = [9], sizes = [1], strides = [1]} : vector<16xf32> to vector<1xf32>
        %parallel_loop3A_260 = vector.extract %parallel_loop3A_259[0] : f32 from vector<1xf32>
        %parallel_loop3A_261 = vector.broadcast %parallel_loop3A_260 : f32 to vector<16xf32>
        %parallel_loop3A_262 = arith.index_cast %parallel_loop3A_258 : i32 to index
        %parallel_loop3A_263 = arith.constant 0 : index
        %parallel_loop3A_264 = tpu.vector_load %arg16[%parallel_loop3A_262, %parallel_loop3A_263] {strides = array<i32>} : memref<128x16xf32, #tpu.memory_space<vmem>>, vector<16xf32>,
        %parallel_loop3A_265 = arith.mulf %parallel_loop3A_264, %parallel_loop3A_261 : vector<16xf32>
        %parallel_loop3A_266 = arith.index_cast %parallel_loop3A_258 : i32 to index
        %parallel_loop3A_267 = arith.constant 0 : index
        %parallel_loop3A_268 = tpu.vector_load %arg17[%parallel_loop3A_266, %parallel_loop3A_267] {strides = array<i32>} : memref<128x32xf32, #tpu.memory_space<vmem>>, vector<16xf32>,
        tpu.vector_store %arg17[%parallel_loop3A_266, %parallel_loop3A_267], %parallel_loop3A_265 {strides = array<i32>} : memref<128x32xf32, #tpu.memory_space<vmem>>, vector<16xf32>,
        %parallel_loop3A_269 = arith.index_cast %parallel_loop3A_258 : i32 to index
        %parallel_loop3A_270 = arith.constant 16 : index
        %parallel_loop3A_271 = tpu.vector_load %arg17[%parallel_loop3A_269, %parallel_loop3A_270] {strides = array<i32>} : memref<128x32xf32, #tpu.memory_space<vmem>>, vector<16xf32>,
        tpu.vector_store %arg17[%parallel_loop3A_269, %parallel_loop3A_270], %parallel_loop3A_261 {strides = array<i32>} : memref<128x32xf32, #tpu.memory_space<vmem>>, vector<16xf32>,
        %parallel_loop3A_272 = arith.constant 16 : i32
        %parallel_loop3A_273 = arith.muli %parallel_loop3A_97, %parallel_loop3A_272 : i32
        %parallel_loop3A_274 = arith.constant 10 : i32
        %parallel_loop3A_275 = arith.addi %parallel_loop3A_273, %parallel_loop3A_274 : i32
        %parallel_loop3A_276 = vector.extract_strided_slice %parallel_loop3A_101 {offsets = [10], sizes = [1], strides = [1]} : vector<16xf32> to vector<1xf32>
        %parallel_loop3A_277 = vector.extract %parallel_loop3A_276[0] : f32 from vector<1xf32>
        %parallel_loop3A_278 = vector.broadcast %parallel_loop3A_277 : f32 to vector<16xf32>
        %parallel_loop3A_279 = arith.index_cast %parallel_loop3A_275 : i32 to index
        %parallel_loop3A_280 = arith.constant 0 : index
        %parallel_loop3A_281 = tpu.vector_load %arg16[%parallel_loop3A_279, %parallel_loop3A_280] {strides = array<i32>} : memref<128x16xf32, #tpu.memory_space<vmem>>, vector<16xf32>,
        %parallel_loop3A_282 = arith.mulf %parallel_loop3A_281, %parallel_loop3A_278 : vector<16xf32>
        %parallel_loop3A_283 = arith.index_cast %parallel_loop3A_275 : i32 to index
        %parallel_loop3A_284 = arith.constant 0 : index
        %parallel_loop3A_285 = tpu.vector_load %arg17[%parallel_loop3A_283, %parallel_loop3A_284] {strides = array<i32>} : memref<128x32xf32, #tpu.memory_space<vmem>>, vector<16xf32>,
        tpu.vector_store %arg17[%parallel_loop3A_283, %parallel_loop3A_284], %parallel_loop3A_282 {strides = array<i32>} : memref<128x32xf32, #tpu.memory_space<vmem>>, vector<16xf32>,
        %parallel_loop3A_286 = arith.index_cast %parallel_loop3A_275 : i32 to index
        %parallel_loop3A_287 = arith.constant 16 : index
        %parallel_loop3A_288 = tpu.vector_load %arg17[%parallel_loop3A_286, %parallel_loop3A_287] {strides = array<i32>} : memref<128x32xf32, #tpu.memory_space<vmem>>, vector<16xf32>,
        tpu.vector_store %arg17[%parallel_loop3A_286, %parallel_loop3A_287], %parallel_loop3A_278 {strides = array<i32>} : memref<128x32xf32, #tpu.memory_space<vmem>>, vector<16xf32>,
        %parallel_loop3A_289 = arith.constant 16 : i32
        %parallel_loop3A_290 = arith.muli %parallel_loop3A_97, %parallel_loop3A_289 : i32
        %parallel_loop3A_291 = arith.constant 11 : i32
        %parallel_loop3A_292 = arith.addi %parallel_loop3A_290, %parallel_loop3A_291 : i32
        %parallel_loop3A_293 = vector.extract_strided_slice %parallel_loop3A_101 {offsets = [11], sizes = [1], strides = [1]} : vector<16xf32> to vector<1xf32>
        %parallel_loop3A_294 = vector.extract %parallel_loop3A_293[0] : f32 from vector<1xf32>
        %parallel_loop3A_295 = vector.broadcast %parallel_loop3A_294 : f32 to vector<16xf32>
        %parallel_loop3A_296 = arith.index_cast %parallel_loop3A_292 : i32 to index
        %parallel_loop3A_297 = arith.constant 0 : index
        %parallel_loop3A_298 = tpu.vector_load %arg16[%parallel_loop3A_296, %parallel_loop3A_297] {strides = array<i32>} : memref<128x16xf32, #tpu.memory_space<vmem>>, vector<16xf32>,
        %parallel_loop3A_299 = arith.mulf %parallel_loop3A_298, %parallel_loop3A_295 : vector<16xf32>
        %parallel_loop3A_300 = arith.index_cast %parallel_loop3A_292 : i32 to index
        %parallel_loop3A_301 = arith.constant 0 : index
        %parallel_loop3A_302 = tpu.vector_load %arg17[%parallel_loop3A_300, %parallel_loop3A_301] {strides = array<i32>} : memref<128x32xf32, #tpu.memory_space<vmem>>, vector<16xf32>,
        tpu.vector_store %arg17[%parallel_loop3A_300, %parallel_loop3A_301], %parallel_loop3A_299 {strides = array<i32>} : memref<128x32xf32, #tpu.memory_space<vmem>>, vector<16xf32>,
        %parallel_loop3A_303 = arith.index_cast %parallel_loop3A_292 : i32 to index
        %parallel_loop3A_304 = arith.constant 16 : index
        %parallel_loop3A_305 = tpu.vector_load %arg17[%parallel_loop3A_303, %parallel_loop3A_304] {strides = array<i32>} : memref<128x32xf32, #tpu.memory_space<vmem>>, vector<16xf32>,
        tpu.vector_store %arg17[%parallel_loop3A_303, %parallel_loop3A_304], %parallel_loop3A_295 {strides = array<i32>} : memref<128x32xf32, #tpu.memory_space<vmem>>, vector<16xf32>,
        %parallel_loop3A_306 = arith.constant 16 : i32
        %parallel_loop3A_307 = arith.muli %parallel_loop3A_97, %parallel_loop3A_306 : i32
        %parallel_loop3A_308 = arith.constant 12 : i32
        %parallel_loop3A_309 = arith.addi %parallel_loop3A_307, %parallel_loop3A_308 : i32
        %parallel_loop3A_310 = vector.extract_strided_slice %parallel_loop3A_101 {offsets = [12], sizes = [1], strides = [1]} : vector<16xf32> to vector<1xf32>
        %parallel_loop3A_311 = vector.extract %parallel_loop3A_310[0] : f32 from vector<1xf32>
        %parallel_loop3A_312 = vector.broadcast %parallel_loop3A_311 : f32 to vector<16xf32>
        %parallel_loop3A_313 = arith.index_cast %parallel_loop3A_309 : i32 to index
        %parallel_loop3A_314 = arith.constant 0 : index
        %parallel_loop3A_315 = tpu.vector_load %arg16[%parallel_loop3A_313, %parallel_loop3A_314] {strides = array<i32>} : memref<128x16xf32, #tpu.memory_space<vmem>>, vector<16xf32>,
        %parallel_loop3A_316 = arith.mulf %parallel_loop3A_315, %parallel_loop3A_312 : vector<16xf32>
        %parallel_loop3A_317 = arith.index_cast %parallel_loop3A_309 : i32 to index
        %parallel_loop3A_318 = arith.constant 0 : index
        %parallel_loop3A_319 = tpu.vector_load %arg17[%parallel_loop3A_317, %parallel_loop3A_318] {strides = array<i32>} : memref<128x32xf32, #tpu.memory_space<vmem>>, vector<16xf32>,
        tpu.vector_store %arg17[%parallel_loop3A_317, %parallel_loop3A_318], %parallel_loop3A_316 {strides = array<i32>} : memref<128x32xf32, #tpu.memory_space<vmem>>, vector<16xf32>,
        %parallel_loop3A_320 = arith.index_cast %parallel_loop3A_309 : i32 to index
        %parallel_loop3A_321 = arith.constant 16 : index
        %parallel_loop3A_322 = tpu.vector_load %arg17[%parallel_loop3A_320, %parallel_loop3A_321] {strides = array<i32>} : memref<128x32xf32, #tpu.memory_space<vmem>>, vector<16xf32>,
        tpu.vector_store %arg17[%parallel_loop3A_320, %parallel_loop3A_321], %parallel_loop3A_312 {strides = array<i32>} : memref<128x32xf32, #tpu.memory_space<vmem>>, vector<16xf32>,
        %parallel_loop3A_323 = arith.constant 16 : i32
        %parallel_loop3A_324 = arith.muli %parallel_loop3A_97, %parallel_loop3A_323 : i32
        %parallel_loop3A_325 = arith.constant 13 : i32
        %parallel_loop3A_326 = arith.addi %parallel_loop3A_324, %parallel_loop3A_325 : i32
        %parallel_loop3A_327 = vector.extract_strided_slice %parallel_loop3A_101 {offsets = [13], sizes = [1], strides = [1]} : vector<16xf32> to vector<1xf32>
        %parallel_loop3A_328 = vector.extract %parallel_loop3A_327[0] : f32 from vector<1xf32>
        %parallel_loop3A_329 = vector.broadcast %parallel_loop3A_328 : f32 to vector<16xf32>
        %parallel_loop3A_330 = arith.index_cast %parallel_loop3A_326 : i32 to index
        %parallel_loop3A_331 = arith.constant 0 : index
        %parallel_loop3A_332 = tpu.vector_load %arg16[%parallel_loop3A_330, %parallel_loop3A_331] {strides = array<i32>} : memref<128x16xf32, #tpu.memory_space<vmem>>, vector<16xf32>,
        %parallel_loop3A_333 = arith.mulf %parallel_loop3A_332, %parallel_loop3A_329 : vector<16xf32>
        %parallel_loop3A_334 = arith.index_cast %parallel_loop3A_326 : i32 to index
        %parallel_loop3A_335 = arith.constant 0 : index
        %parallel_loop3A_336 = tpu.vector_load %arg17[%parallel_loop3A_334, %parallel_loop3A_335] {strides = array<i32>} : memref<128x32xf32, #tpu.memory_space<vmem>>, vector<16xf32>,
        tpu.vector_store %arg17[%parallel_loop3A_334, %parallel_loop3A_335], %parallel_loop3A_333 {strides = array<i32>} : memref<128x32xf32, #tpu.memory_space<vmem>>, vector<16xf32>,
        %parallel_loop3A_337 = arith.index_cast %parallel_loop3A_326 : i32 to index
        %parallel_loop3A_338 = arith.constant 16 : index
        %parallel_loop3A_339 = tpu.vector_load %arg17[%parallel_loop3A_337, %parallel_loop3A_338] {strides = array<i32>} : memref<128x32xf32, #tpu.memory_space<vmem>>, vector<16xf32>,
        tpu.vector_store %arg17[%parallel_loop3A_337, %parallel_loop3A_338], %parallel_loop3A_329 {strides = array<i32>} : memref<128x32xf32, #tpu.memory_space<vmem>>, vector<16xf32>,
        %parallel_loop3A_340 = arith.constant 16 : i32
        %parallel_loop3A_341 = arith.muli %parallel_loop3A_97, %parallel_loop3A_340 : i32
        %parallel_loop3A_342 = arith.constant 14 : i32
        %parallel_loop3A_343 = arith.addi %parallel_loop3A_341, %parallel_loop3A_342 : i32
        %parallel_loop3A_344 = vector.extract_strided_slice %parallel_loop3A_101 {offsets = [14], sizes = [1], strides = [1]} : vector<16xf32> to vector<1xf32>
        %parallel_loop3A_345 = vector.extract %parallel_loop3A_344[0] : f32 from vector<1xf32>
        %parallel_loop3A_346 = vector.broadcast %parallel_loop3A_345 : f32 to vector<16xf32>
        %parallel_loop3A_347 = arith.index_cast %parallel_loop3A_343 : i32 to index
        %parallel_loop3A_348 = arith.constant 0 : index
        %parallel_loop3A_349 = tpu.vector_load %arg16[%parallel_loop3A_347, %parallel_loop3A_348] {strides = array<i32>} : memref<128x16xf32, #tpu.memory_space<vmem>>, vector<16xf32>,
        %parallel_loop3A_350 = arith.mulf %parallel_loop3A_349, %parallel_loop3A_346 : vector<16xf32>
        %parallel_loop3A_351 = arith.index_cast %parallel_loop3A_343 : i32 to index
        %parallel_loop3A_352 = arith.constant 0 : index
        %parallel_loop3A_353 = tpu.vector_load %arg17[%parallel_loop3A_351, %parallel_loop3A_352] {strides = array<i32>} : memref<128x32xf32, #tpu.memory_space<vmem>>, vector<16xf32>,
        tpu.vector_store %arg17[%parallel_loop3A_351, %parallel_loop3A_352], %parallel_loop3A_350 {strides = array<i32>} : memref<128x32xf32, #tpu.memory_space<vmem>>, vector<16xf32>,
        %parallel_loop3A_354 = arith.index_cast %parallel_loop3A_343 : i32 to index
        %parallel_loop3A_355 = arith.constant 16 : index
        %parallel_loop3A_356 = tpu.vector_load %arg17[%parallel_loop3A_354, %parallel_loop3A_355] {strides = array<i32>} : memref<128x32xf32, #tpu.memory_space<vmem>>, vector<16xf32>,
        tpu.vector_store %arg17[%parallel_loop3A_354, %parallel_loop3A_355], %parallel_loop3A_346 {strides = array<i32>} : memref<128x32xf32, #tpu.memory_space<vmem>>, vector<16xf32>,
        %parallel_loop3A_357 = arith.constant 16 : i32
        %parallel_loop3A_358 = arith.muli %parallel_loop3A_97, %parallel_loop3A_357 : i32
        %parallel_loop3A_359 = arith.constant 15 : i32
        %parallel_loop3A_360 = arith.addi %parallel_loop3A_358, %parallel_loop3A_359 : i32
        %parallel_loop3A_361 = vector.extract_strided_slice %parallel_loop3A_101 {offsets = [15], sizes = [1], strides = [1]} : vector<16xf32> to vector<1xf32>
        %parallel_loop3A_362 = vector.extract %parallel_loop3A_361[0] : f32 from vector<1xf32>
        %parallel_loop3A_363 = vector.broadcast %parallel_loop3A_362 : f32 to vector<16xf32>
        %parallel_loop3A_364 = arith.index_cast %parallel_loop3A_360 : i32 to index
        %parallel_loop3A_365 = arith.constant 0 : index
        %parallel_loop3A_366 = tpu.vector_load %arg16[%parallel_loop3A_364, %parallel_loop3A_365] {strides = array<i32>} : memref<128x16xf32, #tpu.memory_space<vmem>>, vector<16xf32>,
        %parallel_loop3A_367 = arith.mulf %parallel_loop3A_366, %parallel_loop3A_363 : vector<16xf32>
        %parallel_loop3A_368 = arith.index_cast %parallel_loop3A_360 : i32 to index
        %parallel_loop3A_369 = arith.constant 0 : index
        %parallel_loop3A_370 = tpu.vector_load %arg17[%parallel_loop3A_368, %parallel_loop3A_369] {strides = array<i32>} : memref<128x32xf32, #tpu.memory_space<vmem>>, vector<16xf32>,
        tpu.vector_store %arg17[%parallel_loop3A_368, %parallel_loop3A_369], %parallel_loop3A_367 {strides = array<i32>} : memref<128x32xf32, #tpu.memory_space<vmem>>, vector<16xf32>,
        %parallel_loop3A_371 = arith.index_cast %parallel_loop3A_360 : i32 to index
        %parallel_loop3A_372 = arith.constant 16 : index
        %parallel_loop3A_373 = tpu.vector_load %arg17[%parallel_loop3A_371, %parallel_loop3A_372] {strides = array<i32>} : memref<128x32xf32, #tpu.memory_space<vmem>>, vector<16xf32>,
        tpu.vector_store %arg17[%parallel_loop3A_371, %parallel_loop3A_372], %parallel_loop3A_363 {strides = array<i32>} : memref<128x32xf32, #tpu.memory_space<vmem>>, vector<16xf32>,
      } {sc.loop_unroll_factor = 2 : i64, sc.parallel_access}
      "tpu.region"() ({
        %run_scoped3A = tpu.sem_alloc : memref<!tpu.dma_semaphore, #tpu.memory_space<semaphore_mem>>
        %dma_start3A_97 = arith.constant 0 : i32
        %dma_start3A_98 = tpu.memref_slice %arg11[%mul3A_54, %dma_start3A_97] : memref<79x128xi32, #tpu.memory_space<vmem>> -> memref<1x128xi32, #tpu.memory_space<vmem>>
        %dma_start3A_99 = tpu.memref_squeeze %dma_start3A_98 : memref<1x128xi32, #tpu.memory_space<vmem>> -> memref<128xi32, #tpu.memory_space<vmem>>
        %dma_start3A_100 = arith.constant 0 : i32
        %dma_start3A_101 = arith.constant 0 : i32
        %dma_start3A_102 = tpu.memref_slice %arg15[%dma_start3A_100, %dma_start3A_101] : memref<10000x32xf32, #tpu.memory_space<vmem_shared>> -> memref<10000x32xf32, #tpu.memory_space<vmem_shared>>
        tpu.enqueue_indirect_dma source(%arg17 : memref<128x32xf32, #tpu.memory_space<vmem>>) target(%dma_start3A_102 : memref<10000x32xf32, #tpu.memory_space<vmem_shared>>) offsets(%dma_start3A_99 : memref<128xi32, #tpu.memory_space<vmem>>) semaphore(%run_scoped3A : memref<!tpu.dma_semaphore, #tpu.memory_space<semaphore_mem>>) {add = true}
        %dma_wait3A_103 = arith.constant 0 : i32
        %dma_wait3A_104 = tpu.memref_slice %arg11[%mul3A_54, %dma_wait3A_103] : memref<79x128xi32, #tpu.memory_space<vmem>> -> memref<1x128xi32, #tpu.memory_space<vmem>>
        %dma_wait3A_105 = tpu.memref_squeeze %dma_wait3A_104 : memref<1x128xi32, #tpu.memory_space<vmem>> -> memref<128xi32, #tpu.memory_space<vmem>>
        %dma_wait3A_106 = arith.constant 0 : i32
        %dma_wait3A_107 = arith.constant 0 : i32
        %dma_wait3A_108 = tpu.memref_slice %arg15[%dma_wait3A_106, %dma_wait3A_107] : memref<10000x32xf32, #tpu.memory_space<vmem_shared>> -> memref<10000x32xf32, #tpu.memory_space<vmem_shared>>
        tpu.wait_indirect_dma semaphore(%run_scoped3A : memref<!tpu.dma_semaphore, #tpu.memory_space<semaphore_mem>>) src(%arg17 : memref<128x32xf32, #tpu.memory_space<vmem>>) dst(%dma_wait3A_108 : memref<10000x32xf32, #tpu.memory_space<vmem_shared>>)
        tpu.yield
      }) : () -> ()
      %add3A_76 = arith.constant 2 : i32
      %add3A_77 = arith.addi %mul3A_54, %add3A_76 : i32
      %min3A = arith.constant 77 : i32
      %min3A_78 = arith.minsi %add3A_77, %min3A : i32
      %dma_start3A_79 = arith.constant 0 : i32
      %dma_start3A_80 = tpu.memref_slice %arg10[%min3A_78, %dma_start3A_79] : memref<79x128xi32, #tpu.memory_space<vmem>> -> memref<1x128xi32, #tpu.memory_space<vmem>>
      %dma_start3A_81 = tpu.memref_squeeze %dma_start3A_80 : memref<1x128xi32, #tpu.memory_space<vmem>> -> memref<128xi32, #tpu.memory_space<vmem>>
      %dma_start3A_82 = arith.constant 0 : i32
      %dma_start3A_83 = arith.constant 0 : i32
      %dma_start3A_84 = tpu.memref_slice %arg6[%dma_start3A_82, %dma_start3A_83] : memref<10000x16xf32, #tpu.memory_space<hbm>> -> memref<10000x16xf32, #tpu.memory_space<hbm>>
      tpu.enqueue_indirect_dma source(%dma_start3A_84 : memref<10000x16xf32, #tpu.memory_space<hbm>>) target(%arg16 : memref<128x16xf32, #tpu.memory_space<vmem>>) offsets(%dma_start3A_81 : memref<128xi32, #tpu.memory_space<vmem>>) semaphore(%arg19 : memref<!tpu.dma_semaphore, #tpu.memory_space<semaphore_mem>>)
      %parallel_loop3A_85 = arith.constant 0 : i32
      %parallel_loop3A_86 = arith.constant 8 : i32
      %parallel_loop3A_87 = arith.constant 1 : i32
      scf.for %parallel_loop3A_97 = %parallel_loop3A_85 to %parallel_loop3A_86 step %parallel_loop3A_87  : i32 {
        %parallel_loop3A_98 = arith.constant 16 : i32
        %parallel_loop3A_99 = arith.muli %parallel_loop3A_97, %parallel_loop3A_98 : i32
        %parallel_loop3A_100 = arith.index_cast %add3A_58 : i32 to index
        %parallel_loop3A_101 = arith.index_cast %parallel_loop3A_99 : i32 to index
        %parallel_loop3A_102 = tpu.vector_load %arg10[%parallel_loop3A_100, %parallel_loop3A_101] {strides = array<i32>} : memref<79x128xi32, #tpu.memory_space<vmem>>, vector<16xi32>,
        %parallel_loop3A_103 = arith.constant 16 : i32
        %parallel_loop3A_104 = arith.muli %parallel_loop3A_97, %parallel_loop3A_103 : i32
        %parallel_loop3A_105 = arith.index_cast %add3A_58 : i32 to index
        %parallel_loop3A_106 = arith.index_cast %parallel_loop3A_104 : i32 to index
        %parallel_loop3A_107 = tpu.vector_load %arg11[%parallel_loop3A_105, %parallel_loop3A_106] {strides = array<i32>} : memref<79x128xi32, #tpu.memory_space<vmem>>, vector<16xi32>,
        %parallel_loop3A_108 = tpu.vector_load_idx %arg12[%parallel_loop3A_102] : memref<10000xf32, #tpu.memory_space<vmem>>[vector<16xi32>], vector<16xf32>,
        %parallel_loop3A_109 = tpu.vector_load_idx %arg13[%parallel_loop3A_107] : memref<10000xf32, #tpu.memory_space<vmem>>[vector<16xi32>], vector<16xf32>,
        %parallel_loop3A_110 = arith.addf %parallel_loop3A_108, %parallel_loop3A_109 : vector<16xf32>
        %parallel_loop3A_111 = arith.constant 2.000000e-01 : f32
        %parallel_loop3A_112 = vector.broadcast %parallel_loop3A_111 : f32 to vector<16xf32>
        %parallel_loop3A_113 = arith.mulf %parallel_loop3A_112, %parallel_loop3A_110 : vector<16xf32>
        %parallel_loop3A_114 = arith.maximumf %parallel_loop3A_110, %parallel_loop3A_113 : vector<16xf32>
        %parallel_loop3A_115 = arith.subf %parallel_loop3A_114, %get3A_16 : vector<16xf32>
        %parallel_loop3A_116 = math.exp %parallel_loop3A_115 : vector<16xf32>
        %parallel_loop3A_117 = arith.constant 16 : i32
        %parallel_loop3A_118 = arith.muli %parallel_loop3A_97, %parallel_loop3A_117 : i32
        %parallel_loop3A_119 = arith.index_cast %parallel_loop3A_118 : i32 to index
        %parallel_loop3A_120 = tpu.vector_load %arg22[%parallel_loop3A_119] {strides = array<i32>} : memref<128xf32, #tpu.memory_space<vmem>>, vector<16xf32>,
        tpu.vector_store %arg22[%parallel_loop3A_119], %parallel_loop3A_116 {strides = array<i32>} : memref<128xf32, #tpu.memory_space<vmem>>, vector<16xf32>,
      } {sc.loop_unroll_factor = 2 : i64, sc.parallel_access}
      %dma_wait3A_88 = arith.constant 0 : i32
      %dma_wait3A_89 = tpu.memref_slice %arg10[%add3A_58, %dma_wait3A_88] : memref<79x128xi32, #tpu.memory_space<vmem>> -> memref<1x128xi32, #tpu.memory_space<vmem>>
      %dma_wait3A_90 = tpu.memref_squeeze %dma_wait3A_89 : memref<1x128xi32, #tpu.memory_space<vmem>> -> memref<128xi32, #tpu.memory_space<vmem>>
      %dma_wait3A_91 = arith.constant 0 : i32
      %dma_wait3A_92 = arith.constant 0 : i32
      %dma_wait3A_93 = tpu.memref_slice %arg6[%dma_wait3A_91, %dma_wait3A_92] : memref<10000x16xf32, #tpu.memory_space<hbm>> -> memref<10000x16xf32, #tpu.memory_space<hbm>>
      tpu.wait_indirect_dma semaphore(%arg23 : memref<!tpu.dma_semaphore, #tpu.memory_space<semaphore_mem>>) src(%dma_wait3A_93 : memref<10000x16xf32, #tpu.memory_space<hbm>>) dst(%arg20 : memref<128x16xf32, #tpu.memory_space<vmem>>)
      %parallel_loop3A_94 = arith.constant 0 : i32
      %parallel_loop3A_95 = arith.constant 8 : i32
      %parallel_loop3A_96 = arith.constant 1 : i32
      scf.for %parallel_loop3A_97 = %parallel_loop3A_94 to %parallel_loop3A_95 step %parallel_loop3A_96  : i32 {
        %parallel_loop3A_98 = arith.constant 16 : i32
        %parallel_loop3A_99 = arith.muli %parallel_loop3A_97, %parallel_loop3A_98 : i32
        %parallel_loop3A_100 = arith.index_cast %parallel_loop3A_99 : i32 to index
        %parallel_loop3A_101 = tpu.vector_load %arg22[%parallel_loop3A_100] {strides = array<i32>} : memref<128xf32, #tpu.memory_space<vmem>>, vector<16xf32>,
        %parallel_loop3A_102 = arith.constant 16 : i32
        %parallel_loop3A_103 = arith.muli %parallel_loop3A_97, %parallel_loop3A_102 : i32
        %parallel_loop3A_104 = arith.constant 0 : i32
        %parallel_loop3A_105 = arith.addi %parallel_loop3A_103, %parallel_loop3A_104 : i32
        %parallel_loop3A_106 = vector.extract_strided_slice %parallel_loop3A_101 {offsets = [0], sizes = [1], strides = [1]} : vector<16xf32> to vector<1xf32>
        %parallel_loop3A_107 = vector.extract %parallel_loop3A_106[0] : f32 from vector<1xf32>
        %parallel_loop3A_108 = vector.broadcast %parallel_loop3A_107 : f32 to vector<16xf32>
        %parallel_loop3A_109 = arith.index_cast %parallel_loop3A_105 : i32 to index
        %parallel_loop3A_110 = arith.constant 0 : index
        %parallel_loop3A_111 = tpu.vector_load %arg20[%parallel_loop3A_109, %parallel_loop3A_110] {strides = array<i32>} : memref<128x16xf32, #tpu.memory_space<vmem>>, vector<16xf32>,
        %parallel_loop3A_112 = arith.mulf %parallel_loop3A_111, %parallel_loop3A_108 : vector<16xf32>
        %parallel_loop3A_113 = arith.index_cast %parallel_loop3A_105 : i32 to index
        %parallel_loop3A_114 = arith.constant 0 : index
        %parallel_loop3A_115 = tpu.vector_load %arg21[%parallel_loop3A_113, %parallel_loop3A_114] {strides = array<i32>} : memref<128x32xf32, #tpu.memory_space<vmem>>, vector<16xf32>,
        tpu.vector_store %arg21[%parallel_loop3A_113, %parallel_loop3A_114], %parallel_loop3A_112 {strides = array<i32>} : memref<128x32xf32, #tpu.memory_space<vmem>>, vector<16xf32>,
        %parallel_loop3A_116 = arith.index_cast %parallel_loop3A_105 : i32 to index
        %parallel_loop3A_117 = arith.constant 16 : index
        %parallel_loop3A_118 = tpu.vector_load %arg21[%parallel_loop3A_116, %parallel_loop3A_117] {strides = array<i32>} : memref<128x32xf32, #tpu.memory_space<vmem>>, vector<16xf32>,
        tpu.vector_store %arg21[%parallel_loop3A_116, %parallel_loop3A_117], %parallel_loop3A_108 {strides = array<i32>} : memref<128x32xf32, #tpu.memory_space<vmem>>, vector<16xf32>,
        %parallel_loop3A_119 = arith.constant 16 : i32
        %parallel_loop3A_120 = arith.muli %parallel_loop3A_97, %parallel_loop3A_119 : i32
        %parallel_loop3A_121 = arith.constant 1 : i32
        %parallel_loop3A_122 = arith.addi %parallel_loop3A_120, %parallel_loop3A_121 : i32
        %parallel_loop3A_123 = vector.extract_strided_slice %parallel_loop3A_101 {offsets = [1], sizes = [1], strides = [1]} : vector<16xf32> to vector<1xf32>
        %parallel_loop3A_124 = vector.extract %parallel_loop3A_123[0] : f32 from vector<1xf32>
        %parallel_loop3A_125 = vector.broadcast %parallel_loop3A_124 : f32 to vector<16xf32>
        %parallel_loop3A_126 = arith.index_cast %parallel_loop3A_122 : i32 to index
        %parallel_loop3A_127 = arith.constant 0 : index
        %parallel_loop3A_128 = tpu.vector_load %arg20[%parallel_loop3A_126, %parallel_loop3A_127] {strides = array<i32>} : memref<128x16xf32, #tpu.memory_space<vmem>>, vector<16xf32>,
        %parallel_loop3A_129 = arith.mulf %parallel_loop3A_128, %parallel_loop3A_125 : vector<16xf32>
        %parallel_loop3A_130 = arith.index_cast %parallel_loop3A_122 : i32 to index
        %parallel_loop3A_131 = arith.constant 0 : index
        %parallel_loop3A_132 = tpu.vector_load %arg21[%parallel_loop3A_130, %parallel_loop3A_131] {strides = array<i32>} : memref<128x32xf32, #tpu.memory_space<vmem>>, vector<16xf32>,
        tpu.vector_store %arg21[%parallel_loop3A_130, %parallel_loop3A_131], %parallel_loop3A_129 {strides = array<i32>} : memref<128x32xf32, #tpu.memory_space<vmem>>, vector<16xf32>,
        %parallel_loop3A_133 = arith.index_cast %parallel_loop3A_122 : i32 to index
        %parallel_loop3A_134 = arith.constant 16 : index
        %parallel_loop3A_135 = tpu.vector_load %arg21[%parallel_loop3A_133, %parallel_loop3A_134] {strides = array<i32>} : memref<128x32xf32, #tpu.memory_space<vmem>>, vector<16xf32>,
        tpu.vector_store %arg21[%parallel_loop3A_133, %parallel_loop3A_134], %parallel_loop3A_125 {strides = array<i32>} : memref<128x32xf32, #tpu.memory_space<vmem>>, vector<16xf32>,
        %parallel_loop3A_136 = arith.constant 16 : i32
        %parallel_loop3A_137 = arith.muli %parallel_loop3A_97, %parallel_loop3A_136 : i32
        %parallel_loop3A_138 = arith.constant 2 : i32
        %parallel_loop3A_139 = arith.addi %parallel_loop3A_137, %parallel_loop3A_138 : i32
        %parallel_loop3A_140 = vector.extract_strided_slice %parallel_loop3A_101 {offsets = [2], sizes = [1], strides = [1]} : vector<16xf32> to vector<1xf32>
        %parallel_loop3A_141 = vector.extract %parallel_loop3A_140[0] : f32 from vector<1xf32>
        %parallel_loop3A_142 = vector.broadcast %parallel_loop3A_141 : f32 to vector<16xf32>
        %parallel_loop3A_143 = arith.index_cast %parallel_loop3A_139 : i32 to index
        %parallel_loop3A_144 = arith.constant 0 : index
        %parallel_loop3A_145 = tpu.vector_load %arg20[%parallel_loop3A_143, %parallel_loop3A_144] {strides = array<i32>} : memref<128x16xf32, #tpu.memory_space<vmem>>, vector<16xf32>,
        %parallel_loop3A_146 = arith.mulf %parallel_loop3A_145, %parallel_loop3A_142 : vector<16xf32>
        %parallel_loop3A_147 = arith.index_cast %parallel_loop3A_139 : i32 to index
        %parallel_loop3A_148 = arith.constant 0 : index
        %parallel_loop3A_149 = tpu.vector_load %arg21[%parallel_loop3A_147, %parallel_loop3A_148] {strides = array<i32>} : memref<128x32xf32, #tpu.memory_space<vmem>>, vector<16xf32>,
        tpu.vector_store %arg21[%parallel_loop3A_147, %parallel_loop3A_148], %parallel_loop3A_146 {strides = array<i32>} : memref<128x32xf32, #tpu.memory_space<vmem>>, vector<16xf32>,
        %parallel_loop3A_150 = arith.index_cast %parallel_loop3A_139 : i32 to index
        %parallel_loop3A_151 = arith.constant 16 : index
        %parallel_loop3A_152 = tpu.vector_load %arg21[%parallel_loop3A_150, %parallel_loop3A_151] {strides = array<i32>} : memref<128x32xf32, #tpu.memory_space<vmem>>, vector<16xf32>,
        tpu.vector_store %arg21[%parallel_loop3A_150, %parallel_loop3A_151], %parallel_loop3A_142 {strides = array<i32>} : memref<128x32xf32, #tpu.memory_space<vmem>>, vector<16xf32>,
        %parallel_loop3A_153 = arith.constant 16 : i32
        %parallel_loop3A_154 = arith.muli %parallel_loop3A_97, %parallel_loop3A_153 : i32
        %parallel_loop3A_155 = arith.constant 3 : i32
        %parallel_loop3A_156 = arith.addi %parallel_loop3A_154, %parallel_loop3A_155 : i32
        %parallel_loop3A_157 = vector.extract_strided_slice %parallel_loop3A_101 {offsets = [3], sizes = [1], strides = [1]} : vector<16xf32> to vector<1xf32>
        %parallel_loop3A_158 = vector.extract %parallel_loop3A_157[0] : f32 from vector<1xf32>
        %parallel_loop3A_159 = vector.broadcast %parallel_loop3A_158 : f32 to vector<16xf32>
        %parallel_loop3A_160 = arith.index_cast %parallel_loop3A_156 : i32 to index
        %parallel_loop3A_161 = arith.constant 0 : index
        %parallel_loop3A_162 = tpu.vector_load %arg20[%parallel_loop3A_160, %parallel_loop3A_161] {strides = array<i32>} : memref<128x16xf32, #tpu.memory_space<vmem>>, vector<16xf32>,
        %parallel_loop3A_163 = arith.mulf %parallel_loop3A_162, %parallel_loop3A_159 : vector<16xf32>
        %parallel_loop3A_164 = arith.index_cast %parallel_loop3A_156 : i32 to index
        %parallel_loop3A_165 = arith.constant 0 : index
        %parallel_loop3A_166 = tpu.vector_load %arg21[%parallel_loop3A_164, %parallel_loop3A_165] {strides = array<i32>} : memref<128x32xf32, #tpu.memory_space<vmem>>, vector<16xf32>,
        tpu.vector_store %arg21[%parallel_loop3A_164, %parallel_loop3A_165], %parallel_loop3A_163 {strides = array<i32>} : memref<128x32xf32, #tpu.memory_space<vmem>>, vector<16xf32>,
        %parallel_loop3A_167 = arith.index_cast %parallel_loop3A_156 : i32 to index
        %parallel_loop3A_168 = arith.constant 16 : index
        %parallel_loop3A_169 = tpu.vector_load %arg21[%parallel_loop3A_167, %parallel_loop3A_168] {strides = array<i32>} : memref<128x32xf32, #tpu.memory_space<vmem>>, vector<16xf32>,
        tpu.vector_store %arg21[%parallel_loop3A_167, %parallel_loop3A_168], %parallel_loop3A_159 {strides = array<i32>} : memref<128x32xf32, #tpu.memory_space<vmem>>, vector<16xf32>,
        %parallel_loop3A_170 = arith.constant 16 : i32
        %parallel_loop3A_171 = arith.muli %parallel_loop3A_97, %parallel_loop3A_170 : i32
        %parallel_loop3A_172 = arith.constant 4 : i32
        %parallel_loop3A_173 = arith.addi %parallel_loop3A_171, %parallel_loop3A_172 : i32
        %parallel_loop3A_174 = vector.extract_strided_slice %parallel_loop3A_101 {offsets = [4], sizes = [1], strides = [1]} : vector<16xf32> to vector<1xf32>
        %parallel_loop3A_175 = vector.extract %parallel_loop3A_174[0] : f32 from vector<1xf32>
        %parallel_loop3A_176 = vector.broadcast %parallel_loop3A_175 : f32 to vector<16xf32>
        %parallel_loop3A_177 = arith.index_cast %parallel_loop3A_173 : i32 to index
        %parallel_loop3A_178 = arith.constant 0 : index
        %parallel_loop3A_179 = tpu.vector_load %arg20[%parallel_loop3A_177, %parallel_loop3A_178] {strides = array<i32>} : memref<128x16xf32, #tpu.memory_space<vmem>>, vector<16xf32>,
        %parallel_loop3A_180 = arith.mulf %parallel_loop3A_179, %parallel_loop3A_176 : vector<16xf32>
        %parallel_loop3A_181 = arith.index_cast %parallel_loop3A_173 : i32 to index
        %parallel_loop3A_182 = arith.constant 0 : index
        %parallel_loop3A_183 = tpu.vector_load %arg21[%parallel_loop3A_181, %parallel_loop3A_182] {strides = array<i32>} : memref<128x32xf32, #tpu.memory_space<vmem>>, vector<16xf32>,
        tpu.vector_store %arg21[%parallel_loop3A_181, %parallel_loop3A_182], %parallel_loop3A_180 {strides = array<i32>} : memref<128x32xf32, #tpu.memory_space<vmem>>, vector<16xf32>,
        %parallel_loop3A_184 = arith.index_cast %parallel_loop3A_173 : i32 to index
        %parallel_loop3A_185 = arith.constant 16 : index
        %parallel_loop3A_186 = tpu.vector_load %arg21[%parallel_loop3A_184, %parallel_loop3A_185] {strides = array<i32>} : memref<128x32xf32, #tpu.memory_space<vmem>>, vector<16xf32>,
        tpu.vector_store %arg21[%parallel_loop3A_184, %parallel_loop3A_185], %parallel_loop3A_176 {strides = array<i32>} : memref<128x32xf32, #tpu.memory_space<vmem>>, vector<16xf32>,
        %parallel_loop3A_187 = arith.constant 16 : i32
        %parallel_loop3A_188 = arith.muli %parallel_loop3A_97, %parallel_loop3A_187 : i32
        %parallel_loop3A_189 = arith.constant 5 : i32
        %parallel_loop3A_190 = arith.addi %parallel_loop3A_188, %parallel_loop3A_189 : i32
        %parallel_loop3A_191 = vector.extract_strided_slice %parallel_loop3A_101 {offsets = [5], sizes = [1], strides = [1]} : vector<16xf32> to vector<1xf32>
        %parallel_loop3A_192 = vector.extract %parallel_loop3A_191[0] : f32 from vector<1xf32>
        %parallel_loop3A_193 = vector.broadcast %parallel_loop3A_192 : f32 to vector<16xf32>
        %parallel_loop3A_194 = arith.index_cast %parallel_loop3A_190 : i32 to index
        %parallel_loop3A_195 = arith.constant 0 : index
        %parallel_loop3A_196 = tpu.vector_load %arg20[%parallel_loop3A_194, %parallel_loop3A_195] {strides = array<i32>} : memref<128x16xf32, #tpu.memory_space<vmem>>, vector<16xf32>,
        %parallel_loop3A_197 = arith.mulf %parallel_loop3A_196, %parallel_loop3A_193 : vector<16xf32>
        %parallel_loop3A_198 = arith.index_cast %parallel_loop3A_190 : i32 to index
        %parallel_loop3A_199 = arith.constant 0 : index
        %parallel_loop3A_200 = tpu.vector_load %arg21[%parallel_loop3A_198, %parallel_loop3A_199] {strides = array<i32>} : memref<128x32xf32, #tpu.memory_space<vmem>>, vector<16xf32>,
        tpu.vector_store %arg21[%parallel_loop3A_198, %parallel_loop3A_199], %parallel_loop3A_197 {strides = array<i32>} : memref<128x32xf32, #tpu.memory_space<vmem>>, vector<16xf32>,
        %parallel_loop3A_201 = arith.index_cast %parallel_loop3A_190 : i32 to index
        %parallel_loop3A_202 = arith.constant 16 : index
        %parallel_loop3A_203 = tpu.vector_load %arg21[%parallel_loop3A_201, %parallel_loop3A_202] {strides = array<i32>} : memref<128x32xf32, #tpu.memory_space<vmem>>, vector<16xf32>,
        tpu.vector_store %arg21[%parallel_loop3A_201, %parallel_loop3A_202], %parallel_loop3A_193 {strides = array<i32>} : memref<128x32xf32, #tpu.memory_space<vmem>>, vector<16xf32>,
        %parallel_loop3A_204 = arith.constant 16 : i32
        %parallel_loop3A_205 = arith.muli %parallel_loop3A_97, %parallel_loop3A_204 : i32
        %parallel_loop3A_206 = arith.constant 6 : i32
        %parallel_loop3A_207 = arith.addi %parallel_loop3A_205, %parallel_loop3A_206 : i32
        %parallel_loop3A_208 = vector.extract_strided_slice %parallel_loop3A_101 {offsets = [6], sizes = [1], strides = [1]} : vector<16xf32> to vector<1xf32>
        %parallel_loop3A_209 = vector.extract %parallel_loop3A_208[0] : f32 from vector<1xf32>
        %parallel_loop3A_210 = vector.broadcast %parallel_loop3A_209 : f32 to vector<16xf32>
        %parallel_loop3A_211 = arith.index_cast %parallel_loop3A_207 : i32 to index
        %parallel_loop3A_212 = arith.constant 0 : index
        %parallel_loop3A_213 = tpu.vector_load %arg20[%parallel_loop3A_211, %parallel_loop3A_212] {strides = array<i32>} : memref<128x16xf32, #tpu.memory_space<vmem>>, vector<16xf32>,
        %parallel_loop3A_214 = arith.mulf %parallel_loop3A_213, %parallel_loop3A_210 : vector<16xf32>
        %parallel_loop3A_215 = arith.index_cast %parallel_loop3A_207 : i32 to index
        %parallel_loop3A_216 = arith.constant 0 : index
        %parallel_loop3A_217 = tpu.vector_load %arg21[%parallel_loop3A_215, %parallel_loop3A_216] {strides = array<i32>} : memref<128x32xf32, #tpu.memory_space<vmem>>, vector<16xf32>,
        tpu.vector_store %arg21[%parallel_loop3A_215, %parallel_loop3A_216], %parallel_loop3A_214 {strides = array<i32>} : memref<128x32xf32, #tpu.memory_space<vmem>>, vector<16xf32>,
        %parallel_loop3A_218 = arith.index_cast %parallel_loop3A_207 : i32 to index
        %parallel_loop3A_219 = arith.constant 16 : index
        %parallel_loop3A_220 = tpu.vector_load %arg21[%parallel_loop3A_218, %parallel_loop3A_219] {strides = array<i32>} : memref<128x32xf32, #tpu.memory_space<vmem>>, vector<16xf32>,
        tpu.vector_store %arg21[%parallel_loop3A_218, %parallel_loop3A_219], %parallel_loop3A_210 {strides = array<i32>} : memref<128x32xf32, #tpu.memory_space<vmem>>, vector<16xf32>,
        %parallel_loop3A_221 = arith.constant 16 : i32
        %parallel_loop3A_222 = arith.muli %parallel_loop3A_97, %parallel_loop3A_221 : i32
        %parallel_loop3A_223 = arith.constant 7 : i32
        %parallel_loop3A_224 = arith.addi %parallel_loop3A_222, %parallel_loop3A_223 : i32
        %parallel_loop3A_225 = vector.extract_strided_slice %parallel_loop3A_101 {offsets = [7], sizes = [1], strides = [1]} : vector<16xf32> to vector<1xf32>
        %parallel_loop3A_226 = vector.extract %parallel_loop3A_225[0] : f32 from vector<1xf32>
        %parallel_loop3A_227 = vector.broadcast %parallel_loop3A_226 : f32 to vector<16xf32>
        %parallel_loop3A_228 = arith.index_cast %parallel_loop3A_224 : i32 to index
        %parallel_loop3A_229 = arith.constant 0 : index
        %parallel_loop3A_230 = tpu.vector_load %arg20[%parallel_loop3A_228, %parallel_loop3A_229] {strides = array<i32>} : memref<128x16xf32, #tpu.memory_space<vmem>>, vector<16xf32>,
        %parallel_loop3A_231 = arith.mulf %parallel_loop3A_230, %parallel_loop3A_227 : vector<16xf32>
        %parallel_loop3A_232 = arith.index_cast %parallel_loop3A_224 : i32 to index
        %parallel_loop3A_233 = arith.constant 0 : index
        %parallel_loop3A_234 = tpu.vector_load %arg21[%parallel_loop3A_232, %parallel_loop3A_233] {strides = array<i32>} : memref<128x32xf32, #tpu.memory_space<vmem>>, vector<16xf32>,
        tpu.vector_store %arg21[%parallel_loop3A_232, %parallel_loop3A_233], %parallel_loop3A_231 {strides = array<i32>} : memref<128x32xf32, #tpu.memory_space<vmem>>, vector<16xf32>,
        %parallel_loop3A_235 = arith.index_cast %parallel_loop3A_224 : i32 to index
        %parallel_loop3A_236 = arith.constant 16 : index
        %parallel_loop3A_237 = tpu.vector_load %arg21[%parallel_loop3A_235, %parallel_loop3A_236] {strides = array<i32>} : memref<128x32xf32, #tpu.memory_space<vmem>>, vector<16xf32>,
        tpu.vector_store %arg21[%parallel_loop3A_235, %parallel_loop3A_236], %parallel_loop3A_227 {strides = array<i32>} : memref<128x32xf32, #tpu.memory_space<vmem>>, vector<16xf32>,
        %parallel_loop3A_238 = arith.constant 16 : i32
        %parallel_loop3A_239 = arith.muli %parallel_loop3A_97, %parallel_loop3A_238 : i32
        %parallel_loop3A_240 = arith.constant 8 : i32
        %parallel_loop3A_241 = arith.addi %parallel_loop3A_239, %parallel_loop3A_240 : i32
        %parallel_loop3A_242 = vector.extract_strided_slice %parallel_loop3A_101 {offsets = [8], sizes = [1], strides = [1]} : vector<16xf32> to vector<1xf32>
        %parallel_loop3A_243 = vector.extract %parallel_loop3A_242[0] : f32 from vector<1xf32>
        %parallel_loop3A_244 = vector.broadcast %parallel_loop3A_243 : f32 to vector<16xf32>
        %parallel_loop3A_245 = arith.index_cast %parallel_loop3A_241 : i32 to index
        %parallel_loop3A_246 = arith.constant 0 : index
        %parallel_loop3A_247 = tpu.vector_load %arg20[%parallel_loop3A_245, %parallel_loop3A_246] {strides = array<i32>} : memref<128x16xf32, #tpu.memory_space<vmem>>, vector<16xf32>,
        %parallel_loop3A_248 = arith.mulf %parallel_loop3A_247, %parallel_loop3A_244 : vector<16xf32>
        %parallel_loop3A_249 = arith.index_cast %parallel_loop3A_241 : i32 to index
        %parallel_loop3A_250 = arith.constant 0 : index
        %parallel_loop3A_251 = tpu.vector_load %arg21[%parallel_loop3A_249, %parallel_loop3A_250] {strides = array<i32>} : memref<128x32xf32, #tpu.memory_space<vmem>>, vector<16xf32>,
        tpu.vector_store %arg21[%parallel_loop3A_249, %parallel_loop3A_250], %parallel_loop3A_248 {strides = array<i32>} : memref<128x32xf32, #tpu.memory_space<vmem>>, vector<16xf32>,
        %parallel_loop3A_252 = arith.index_cast %parallel_loop3A_241 : i32 to index
        %parallel_loop3A_253 = arith.constant 16 : index
        %parallel_loop3A_254 = tpu.vector_load %arg21[%parallel_loop3A_252, %parallel_loop3A_253] {strides = array<i32>} : memref<128x32xf32, #tpu.memory_space<vmem>>, vector<16xf32>,
        tpu.vector_store %arg21[%parallel_loop3A_252, %parallel_loop3A_253], %parallel_loop3A_244 {strides = array<i32>} : memref<128x32xf32, #tpu.memory_space<vmem>>, vector<16xf32>,
        %parallel_loop3A_255 = arith.constant 16 : i32
        %parallel_loop3A_256 = arith.muli %parallel_loop3A_97, %parallel_loop3A_255 : i32
        %parallel_loop3A_257 = arith.constant 9 : i32
        %parallel_loop3A_258 = arith.addi %parallel_loop3A_256, %parallel_loop3A_257 : i32
        %parallel_loop3A_259 = vector.extract_strided_slice %parallel_loop3A_101 {offsets = [9], sizes = [1], strides = [1]} : vector<16xf32> to vector<1xf32>
        %parallel_loop3A_260 = vector.extract %parallel_loop3A_259[0] : f32 from vector<1xf32>
        %parallel_loop3A_261 = vector.broadcast %parallel_loop3A_260 : f32 to vector<16xf32>
        %parallel_loop3A_262 = arith.index_cast %parallel_loop3A_258 : i32 to index
        %parallel_loop3A_263 = arith.constant 0 : index
        %parallel_loop3A_264 = tpu.vector_load %arg20[%parallel_loop3A_262, %parallel_loop3A_263] {strides = array<i32>} : memref<128x16xf32, #tpu.memory_space<vmem>>, vector<16xf32>,
        %parallel_loop3A_265 = arith.mulf %parallel_loop3A_264, %parallel_loop3A_261 : vector<16xf32>
        %parallel_loop3A_266 = arith.index_cast %parallel_loop3A_258 : i32 to index
        %parallel_loop3A_267 = arith.constant 0 : index
        %parallel_loop3A_268 = tpu.vector_load %arg21[%parallel_loop3A_266, %parallel_loop3A_267] {strides = array<i32>} : memref<128x32xf32, #tpu.memory_space<vmem>>, vector<16xf32>,
        tpu.vector_store %arg21[%parallel_loop3A_266, %parallel_loop3A_267], %parallel_loop3A_265 {strides = array<i32>} : memref<128x32xf32, #tpu.memory_space<vmem>>, vector<16xf32>,
        %parallel_loop3A_269 = arith.index_cast %parallel_loop3A_258 : i32 to index
        %parallel_loop3A_270 = arith.constant 16 : index
        %parallel_loop3A_271 = tpu.vector_load %arg21[%parallel_loop3A_269, %parallel_loop3A_270] {strides = array<i32>} : memref<128x32xf32, #tpu.memory_space<vmem>>, vector<16xf32>,
        tpu.vector_store %arg21[%parallel_loop3A_269, %parallel_loop3A_270], %parallel_loop3A_261 {strides = array<i32>} : memref<128x32xf32, #tpu.memory_space<vmem>>, vector<16xf32>,
        %parallel_loop3A_272 = arith.constant 16 : i32
        %parallel_loop3A_273 = arith.muli %parallel_loop3A_97, %parallel_loop3A_272 : i32
        %parallel_loop3A_274 = arith.constant 10 : i32
        %parallel_loop3A_275 = arith.addi %parallel_loop3A_273, %parallel_loop3A_274 : i32
        %parallel_loop3A_276 = vector.extract_strided_slice %parallel_loop3A_101 {offsets = [10], sizes = [1], strides = [1]} : vector<16xf32> to vector<1xf32>
        %parallel_loop3A_277 = vector.extract %parallel_loop3A_276[0] : f32 from vector<1xf32>
        %parallel_loop3A_278 = vector.broadcast %parallel_loop3A_277 : f32 to vector<16xf32>
        %parallel_loop3A_279 = arith.index_cast %parallel_loop3A_275 : i32 to index
        %parallel_loop3A_280 = arith.constant 0 : index
        %parallel_loop3A_281 = tpu.vector_load %arg20[%parallel_loop3A_279, %parallel_loop3A_280] {strides = array<i32>} : memref<128x16xf32, #tpu.memory_space<vmem>>, vector<16xf32>,
        %parallel_loop3A_282 = arith.mulf %parallel_loop3A_281, %parallel_loop3A_278 : vector<16xf32>
        %parallel_loop3A_283 = arith.index_cast %parallel_loop3A_275 : i32 to index
        %parallel_loop3A_284 = arith.constant 0 : index
        %parallel_loop3A_285 = tpu.vector_load %arg21[%parallel_loop3A_283, %parallel_loop3A_284] {strides = array<i32>} : memref<128x32xf32, #tpu.memory_space<vmem>>, vector<16xf32>,
        tpu.vector_store %arg21[%parallel_loop3A_283, %parallel_loop3A_284], %parallel_loop3A_282 {strides = array<i32>} : memref<128x32xf32, #tpu.memory_space<vmem>>, vector<16xf32>,
        %parallel_loop3A_286 = arith.index_cast %parallel_loop3A_275 : i32 to index
        %parallel_loop3A_287 = arith.constant 16 : index
        %parallel_loop3A_288 = tpu.vector_load %arg21[%parallel_loop3A_286, %parallel_loop3A_287] {strides = array<i32>} : memref<128x32xf32, #tpu.memory_space<vmem>>, vector<16xf32>,
        tpu.vector_store %arg21[%parallel_loop3A_286, %parallel_loop3A_287], %parallel_loop3A_278 {strides = array<i32>} : memref<128x32xf32, #tpu.memory_space<vmem>>, vector<16xf32>,
        %parallel_loop3A_289 = arith.constant 16 : i32
        %parallel_loop3A_290 = arith.muli %parallel_loop3A_97, %parallel_loop3A_289 : i32
        %parallel_loop3A_291 = arith.constant 11 : i32
        %parallel_loop3A_292 = arith.addi %parallel_loop3A_290, %parallel_loop3A_291 : i32
        %parallel_loop3A_293 = vector.extract_strided_slice %parallel_loop3A_101 {offsets = [11], sizes = [1], strides = [1]} : vector<16xf32> to vector<1xf32>
        %parallel_loop3A_294 = vector.extract %parallel_loop3A_293[0] : f32 from vector<1xf32>
        %parallel_loop3A_295 = vector.broadcast %parallel_loop3A_294 : f32 to vector<16xf32>
        %parallel_loop3A_296 = arith.index_cast %parallel_loop3A_292 : i32 to index
        %parallel_loop3A_297 = arith.constant 0 : index
        %parallel_loop3A_298 = tpu.vector_load %arg20[%parallel_loop3A_296, %parallel_loop3A_297] {strides = array<i32>} : memref<128x16xf32, #tpu.memory_space<vmem>>, vector<16xf32>,
        %parallel_loop3A_299 = arith.mulf %parallel_loop3A_298, %parallel_loop3A_295 : vector<16xf32>
        %parallel_loop3A_300 = arith.index_cast %parallel_loop3A_292 : i32 to index
        %parallel_loop3A_301 = arith.constant 0 : index
        %parallel_loop3A_302 = tpu.vector_load %arg21[%parallel_loop3A_300, %parallel_loop3A_301] {strides = array<i32>} : memref<128x32xf32, #tpu.memory_space<vmem>>, vector<16xf32>,
        tpu.vector_store %arg21[%parallel_loop3A_300, %parallel_loop3A_301], %parallel_loop3A_299 {strides = array<i32>} : memref<128x32xf32, #tpu.memory_space<vmem>>, vector<16xf32>,
        %parallel_loop3A_303 = arith.index_cast %parallel_loop3A_292 : i32 to index
        %parallel_loop3A_304 = arith.constant 16 : index
        %parallel_loop3A_305 = tpu.vector_load %arg21[%parallel_loop3A_303, %parallel_loop3A_304] {strides = array<i32>} : memref<128x32xf32, #tpu.memory_space<vmem>>, vector<16xf32>,
        tpu.vector_store %arg21[%parallel_loop3A_303, %parallel_loop3A_304], %parallel_loop3A_295 {strides = array<i32>} : memref<128x32xf32, #tpu.memory_space<vmem>>, vector<16xf32>,
        %parallel_loop3A_306 = arith.constant 16 : i32
        %parallel_loop3A_307 = arith.muli %parallel_loop3A_97, %parallel_loop3A_306 : i32
        %parallel_loop3A_308 = arith.constant 12 : i32
        %parallel_loop3A_309 = arith.addi %parallel_loop3A_307, %parallel_loop3A_308 : i32
        %parallel_loop3A_310 = vector.extract_strided_slice %parallel_loop3A_101 {offsets = [12], sizes = [1], strides = [1]} : vector<16xf32> to vector<1xf32>
        %parallel_loop3A_311 = vector.extract %parallel_loop3A_310[0] : f32 from vector<1xf32>
        %parallel_loop3A_312 = vector.broadcast %parallel_loop3A_311 : f32 to vector<16xf32>
        %parallel_loop3A_313 = arith.index_cast %parallel_loop3A_309 : i32 to index
        %parallel_loop3A_314 = arith.constant 0 : index
        %parallel_loop3A_315 = tpu.vector_load %arg20[%parallel_loop3A_313, %parallel_loop3A_314] {strides = array<i32>} : memref<128x16xf32, #tpu.memory_space<vmem>>, vector<16xf32>,
        %parallel_loop3A_316 = arith.mulf %parallel_loop3A_315, %parallel_loop3A_312 : vector<16xf32>
        %parallel_loop3A_317 = arith.index_cast %parallel_loop3A_309 : i32 to index
        %parallel_loop3A_318 = arith.constant 0 : index
        %parallel_loop3A_319 = tpu.vector_load %arg21[%parallel_loop3A_317, %parallel_loop3A_318] {strides = array<i32>} : memref<128x32xf32, #tpu.memory_space<vmem>>, vector<16xf32>,
        tpu.vector_store %arg21[%parallel_loop3A_317, %parallel_loop3A_318], %parallel_loop3A_316 {strides = array<i32>} : memref<128x32xf32, #tpu.memory_space<vmem>>, vector<16xf32>,
        %parallel_loop3A_320 = arith.index_cast %parallel_loop3A_309 : i32 to index
        %parallel_loop3A_321 = arith.constant 16 : index
        %parallel_loop3A_322 = tpu.vector_load %arg21[%parallel_loop3A_320, %parallel_loop3A_321] {strides = array<i32>} : memref<128x32xf32, #tpu.memory_space<vmem>>, vector<16xf32>,
        tpu.vector_store %arg21[%parallel_loop3A_320, %parallel_loop3A_321], %parallel_loop3A_312 {strides = array<i32>} : memref<128x32xf32, #tpu.memory_space<vmem>>, vector<16xf32>,
        %parallel_loop3A_323 = arith.constant 16 : i32
        %parallel_loop3A_324 = arith.muli %parallel_loop3A_97, %parallel_loop3A_323 : i32
        %parallel_loop3A_325 = arith.constant 13 : i32
        %parallel_loop3A_326 = arith.addi %parallel_loop3A_324, %parallel_loop3A_325 : i32
        %parallel_loop3A_327 = vector.extract_strided_slice %parallel_loop3A_101 {offsets = [13], sizes = [1], strides = [1]} : vector<16xf32> to vector<1xf32>
        %parallel_loop3A_328 = vector.extract %parallel_loop3A_327[0] : f32 from vector<1xf32>
        %parallel_loop3A_329 = vector.broadcast %parallel_loop3A_328 : f32 to vector<16xf32>
        %parallel_loop3A_330 = arith.index_cast %parallel_loop3A_326 : i32 to index
        %parallel_loop3A_331 = arith.constant 0 : index
        %parallel_loop3A_332 = tpu.vector_load %arg20[%parallel_loop3A_330, %parallel_loop3A_331] {strides = array<i32>} : memref<128x16xf32, #tpu.memory_space<vmem>>, vector<16xf32>,
        %parallel_loop3A_333 = arith.mulf %parallel_loop3A_332, %parallel_loop3A_329 : vector<16xf32>
        %parallel_loop3A_334 = arith.index_cast %parallel_loop3A_326 : i32 to index
        %parallel_loop3A_335 = arith.constant 0 : index
        %parallel_loop3A_336 = tpu.vector_load %arg21[%parallel_loop3A_334, %parallel_loop3A_335] {strides = array<i32>} : memref<128x32xf32, #tpu.memory_space<vmem>>, vector<16xf32>,
        tpu.vector_store %arg21[%parallel_loop3A_334, %parallel_loop3A_335], %parallel_loop3A_333 {strides = array<i32>} : memref<128x32xf32, #tpu.memory_space<vmem>>, vector<16xf32>,
        %parallel_loop3A_337 = arith.index_cast %parallel_loop3A_326 : i32 to index
        %parallel_loop3A_338 = arith.constant 16 : index
        %parallel_loop3A_339 = tpu.vector_load %arg21[%parallel_loop3A_337, %parallel_loop3A_338] {strides = array<i32>} : memref<128x32xf32, #tpu.memory_space<vmem>>, vector<16xf32>,
        tpu.vector_store %arg21[%parallel_loop3A_337, %parallel_loop3A_338], %parallel_loop3A_329 {strides = array<i32>} : memref<128x32xf32, #tpu.memory_space<vmem>>, vector<16xf32>,
        %parallel_loop3A_340 = arith.constant 16 : i32
        %parallel_loop3A_341 = arith.muli %parallel_loop3A_97, %parallel_loop3A_340 : i32
        %parallel_loop3A_342 = arith.constant 14 : i32
        %parallel_loop3A_343 = arith.addi %parallel_loop3A_341, %parallel_loop3A_342 : i32
        %parallel_loop3A_344 = vector.extract_strided_slice %parallel_loop3A_101 {offsets = [14], sizes = [1], strides = [1]} : vector<16xf32> to vector<1xf32>
        %parallel_loop3A_345 = vector.extract %parallel_loop3A_344[0] : f32 from vector<1xf32>
        %parallel_loop3A_346 = vector.broadcast %parallel_loop3A_345 : f32 to vector<16xf32>
        %parallel_loop3A_347 = arith.index_cast %parallel_loop3A_343 : i32 to index
        %parallel_loop3A_348 = arith.constant 0 : index
        %parallel_loop3A_349 = tpu.vector_load %arg20[%parallel_loop3A_347, %parallel_loop3A_348] {strides = array<i32>} : memref<128x16xf32, #tpu.memory_space<vmem>>, vector<16xf32>,
        %parallel_loop3A_350 = arith.mulf %parallel_loop3A_349, %parallel_loop3A_346 : vector<16xf32>
        %parallel_loop3A_351 = arith.index_cast %parallel_loop3A_343 : i32 to index
        %parallel_loop3A_352 = arith.constant 0 : index
        %parallel_loop3A_353 = tpu.vector_load %arg21[%parallel_loop3A_351, %parallel_loop3A_352] {strides = array<i32>} : memref<128x32xf32, #tpu.memory_space<vmem>>, vector<16xf32>,
        tpu.vector_store %arg21[%parallel_loop3A_351, %parallel_loop3A_352], %parallel_loop3A_350 {strides = array<i32>} : memref<128x32xf32, #tpu.memory_space<vmem>>, vector<16xf32>,
        %parallel_loop3A_354 = arith.index_cast %parallel_loop3A_343 : i32 to index
        %parallel_loop3A_355 = arith.constant 16 : index
        %parallel_loop3A_356 = tpu.vector_load %arg21[%parallel_loop3A_354, %parallel_loop3A_355] {strides = array<i32>} : memref<128x32xf32, #tpu.memory_space<vmem>>, vector<16xf32>,
        tpu.vector_store %arg21[%parallel_loop3A_354, %parallel_loop3A_355], %parallel_loop3A_346 {strides = array<i32>} : memref<128x32xf32, #tpu.memory_space<vmem>>, vector<16xf32>,
        %parallel_loop3A_357 = arith.constant 16 : i32
        %parallel_loop3A_358 = arith.muli %parallel_loop3A_97, %parallel_loop3A_357 : i32
        %parallel_loop3A_359 = arith.constant 15 : i32
        %parallel_loop3A_360 = arith.addi %parallel_loop3A_358, %parallel_loop3A_359 : i32
        %parallel_loop3A_361 = vector.extract_strided_slice %parallel_loop3A_101 {offsets = [15], sizes = [1], strides = [1]} : vector<16xf32> to vector<1xf32>
        %parallel_loop3A_362 = vector.extract %parallel_loop3A_361[0] : f32 from vector<1xf32>
        %parallel_loop3A_363 = vector.broadcast %parallel_loop3A_362 : f32 to vector<16xf32>
        %parallel_loop3A_364 = arith.index_cast %parallel_loop3A_360 : i32 to index
        %parallel_loop3A_365 = arith.constant 0 : index
        %parallel_loop3A_366 = tpu.vector_load %arg20[%parallel_loop3A_364, %parallel_loop3A_365] {strides = array<i32>} : memref<128x16xf32, #tpu.memory_space<vmem>>, vector<16xf32>,
        %parallel_loop3A_367 = arith.mulf %parallel_loop3A_366, %parallel_loop3A_363 : vector<16xf32>
        %parallel_loop3A_368 = arith.index_cast %parallel_loop3A_360 : i32 to index
        %parallel_loop3A_369 = arith.constant 0 : index
        %parallel_loop3A_370 = tpu.vector_load %arg21[%parallel_loop3A_368, %parallel_loop3A_369] {strides = array<i32>} : memref<128x32xf32, #tpu.memory_space<vmem>>, vector<16xf32>,
        tpu.vector_store %arg21[%parallel_loop3A_368, %parallel_loop3A_369], %parallel_loop3A_367 {strides = array<i32>} : memref<128x32xf32, #tpu.memory_space<vmem>>, vector<16xf32>,
        %parallel_loop3A_371 = arith.index_cast %parallel_loop3A_360 : i32 to index
        %parallel_loop3A_372 = arith.constant 16 : index
        %parallel_loop3A_373 = tpu.vector_load %arg21[%parallel_loop3A_371, %parallel_loop3A_372] {strides = array<i32>} : memref<128x32xf32, #tpu.memory_space<vmem>>, vector<16xf32>,
        tpu.vector_store %arg21[%parallel_loop3A_371, %parallel_loop3A_372], %parallel_loop3A_363 {strides = array<i32>} : memref<128x32xf32, #tpu.memory_space<vmem>>, vector<16xf32>,
      } {sc.loop_unroll_factor = 2 : i64, sc.parallel_access}
      "tpu.region"() ({
        %run_scoped3A = tpu.sem_alloc : memref<!tpu.dma_semaphore, #tpu.memory_space<semaphore_mem>>
        %dma_start3A_97 = arith.constant 0 : i32
        %dma_start3A_98 = tpu.memref_slice %arg11[%add3A_58, %dma_start3A_97] : memref<79x128xi32, #tpu.memory_space<vmem>> -> memref<1x128xi32, #tpu.memory_space<vmem>>
        %dma_start3A_99 = tpu.memref_squeeze %dma_start3A_98 : memref<1x128xi32, #tpu.memory_space<vmem>> -> memref<128xi32, #tpu.memory_space<vmem>>
        %dma_start3A_100 = arith.constant 0 : i32
        %dma_start3A_101 = arith.constant 0 : i32
        %dma_start3A_102 = tpu.memref_slice %arg15[%dma_start3A_100, %dma_start3A_101] : memref<10000x32xf32, #tpu.memory_space<vmem_shared>> -> memref<10000x32xf32, #tpu.memory_space<vmem_shared>>
        tpu.enqueue_indirect_dma source(%arg21 : memref<128x32xf32, #tpu.memory_space<vmem>>) target(%dma_start3A_102 : memref<10000x32xf32, #tpu.memory_space<vmem_shared>>) offsets(%dma_start3A_99 : memref<128xi32, #tpu.memory_space<vmem>>) semaphore(%run_scoped3A : memref<!tpu.dma_semaphore, #tpu.memory_space<semaphore_mem>>) {add = true}
        %dma_wait3A_103 = arith.constant 0 : i32
        %dma_wait3A_104 = tpu.memref_slice %arg11[%add3A_58, %dma_wait3A_103] : memref<79x128xi32, #tpu.memory_space<vmem>> -> memref<1x128xi32, #tpu.memory_space<vmem>>
        %dma_wait3A_105 = tpu.memref_squeeze %dma_wait3A_104 : memref<1x128xi32, #tpu.memory_space<vmem>> -> memref<128xi32, #tpu.memory_space<vmem>>
        %dma_wait3A_106 = arith.constant 0 : i32
        %dma_wait3A_107 = arith.constant 0 : i32
        %dma_wait3A_108 = tpu.memref_slice %arg15[%dma_wait3A_106, %dma_wait3A_107] : memref<10000x32xf32, #tpu.memory_space<vmem_shared>> -> memref<10000x32xf32, #tpu.memory_space<vmem_shared>>
        tpu.wait_indirect_dma semaphore(%run_scoped3A : memref<!tpu.dma_semaphore, #tpu.memory_space<semaphore_mem>>) src(%arg21 : memref<128x32xf32, #tpu.memory_space<vmem>>) dst(%dma_wait3A_108 : memref<10000x32xf32, #tpu.memory_space<vmem_shared>>)
        tpu.yield
      }) : () -> ()
    }
    %scan3A_27 = arith.constant 39 : i32
    %dma_wait3A = arith.constant 77 : i32
    %dma_wait3A_28 = arith.constant 0 : i32
    %dma_wait3A_29 = tpu.memref_slice %arg10[%dma_wait3A, %dma_wait3A_28] : memref<79x128xi32, #tpu.memory_space<vmem>> -> memref<1x128xi32, #tpu.memory_space<vmem>>
    %dma_wait3A_30 = tpu.memref_squeeze %dma_wait3A_29 : memref<1x128xi32, #tpu.memory_space<vmem>> -> memref<128xi32, #tpu.memory_space<vmem>>
    %dma_wait3A_31 = arith.constant 0 : i32
    %dma_wait3A_32 = arith.constant 0 : i32
    %dma_wait3A_33 = tpu.memref_slice %arg6[%dma_wait3A_31, %dma_wait3A_32] : memref<10000x16xf32, #tpu.memory_space<hbm>> -> memref<10000x16xf32, #tpu.memory_space<hbm>>
    tpu.wait_indirect_dma semaphore(%arg19 : memref<!tpu.dma_semaphore, #tpu.memory_space<semaphore_mem>>) src(%dma_wait3A_33 : memref<10000x16xf32, #tpu.memory_space<hbm>>) dst(%arg16 : memref<128x16xf32, #tpu.memory_space<vmem>>)
    %lt3A_34 = arith.constant 4 : i32
    %lt3A_35 = arith.cmpi slt, %add3A, %lt3A_34 : i32
    %convert_element_type3A_36 = arith.extui %lt3A_35 : i1 to i32
    %cond3A_37 = arith.constant 0 : i32
    %cond3A_38 = arith.cmpi ne, %convert_element_type3A_36, %cond3A_37 : i32
    scf.if %cond3A_38 {
      %dma_start3A_52 = arith.constant 78 : i32
      %dma_start3A_53 = arith.constant 0 : i32
      %dma_start3A_54 = tpu.memref_slice %arg10[%dma_start3A_52, %dma_start3A_53] : memref<79x128xi32, #tpu.memory_space<vmem>> -> memref<1x128xi32, #tpu.memory_space<vmem>>
      %dma_start3A_55 = tpu.memref_squeeze %dma_start3A_54 : memref<1x128xi32, #tpu.memory_space<vmem>> -> memref<128xi32, #tpu.memory_space<vmem>>
      %dma_start3A_56 = arith.constant 0 : i32
      %dma_start3A_57 = arith.constant 0 : i32
      %dma_start3A_58 = tpu.memref_slice %arg6[%dma_start3A_56, %dma_start3A_57] : memref<10000x16xf32, #tpu.memory_space<hbm>> -> memref<10000x16xf32, #tpu.memory_space<hbm>>
      tpu.enqueue_indirect_dma source(%dma_start3A_58 : memref<10000x16xf32, #tpu.memory_space<hbm>>) target(%arg16 : memref<128x16xf32, #tpu.memory_space<vmem>>) offsets(%dma_start3A_55 : memref<128xi32, #tpu.memory_space<vmem>>) semaphore(%arg19 : memref<!tpu.dma_semaphore, #tpu.memory_space<semaphore_mem>>)
      %parallel_loop3A = arith.constant 0 : i32
      %parallel_loop3A_59 = arith.constant 8 : i32
      %parallel_loop3A_60 = arith.constant 1 : i32
      scf.for %parallel_loop3A_71 = %parallel_loop3A to %parallel_loop3A_59 step %parallel_loop3A_60  : i32 {
        %parallel_loop3A_72 = arith.constant 16 : i32
        %parallel_loop3A_73 = arith.muli %parallel_loop3A_71, %parallel_loop3A_72 : i32
        %parallel_loop3A_74 = arith.constant 78 : i32
        %parallel_loop3A_75 = arith.index_cast %parallel_loop3A_74 : i32 to index
        %parallel_loop3A_76 = arith.index_cast %parallel_loop3A_73 : i32 to index
        %parallel_loop3A_77 = tpu.vector_load %arg10[%parallel_loop3A_75, %parallel_loop3A_76] {strides = array<i32>} : memref<79x128xi32, #tpu.memory_space<vmem>>, vector<16xi32>,
        %parallel_loop3A_78 = arith.constant 16 : i32
        %parallel_loop3A_79 = arith.muli %parallel_loop3A_71, %parallel_loop3A_78 : i32
        %parallel_loop3A_80 = arith.constant 78 : i32
        %parallel_loop3A_81 = arith.index_cast %parallel_loop3A_80 : i32 to index
        %parallel_loop3A_82 = arith.index_cast %parallel_loop3A_79 : i32 to index
        %parallel_loop3A_83 = tpu.vector_load %arg11[%parallel_loop3A_81, %parallel_loop3A_82] {strides = array<i32>} : memref<79x128xi32, #tpu.memory_space<vmem>>, vector<16xi32>,
        %parallel_loop3A_84 = tpu.vector_load_idx %arg12[%parallel_loop3A_77] : memref<10000xf32, #tpu.memory_space<vmem>>[vector<16xi32>], vector<16xf32>,
        %parallel_loop3A_85 = tpu.vector_load_idx %arg13[%parallel_loop3A_83] : memref<10000xf32, #tpu.memory_space<vmem>>[vector<16xi32>], vector<16xf32>,
        %parallel_loop3A_86 = arith.addf %parallel_loop3A_84, %parallel_loop3A_85 : vector<16xf32>
        %parallel_loop3A_87 = arith.constant 2.000000e-01 : f32
        %parallel_loop3A_88 = vector.broadcast %parallel_loop3A_87 : f32 to vector<16xf32>
        %parallel_loop3A_89 = arith.mulf %parallel_loop3A_88, %parallel_loop3A_86 : vector<16xf32>
        %parallel_loop3A_90 = arith.maximumf %parallel_loop3A_86, %parallel_loop3A_89 : vector<16xf32>
        %parallel_loop3A_91 = arith.subf %parallel_loop3A_90, %get3A_16 : vector<16xf32>
        %parallel_loop3A_92 = math.exp %parallel_loop3A_91 : vector<16xf32>
        %parallel_loop3A_93 = arith.constant 16 : i32
        %parallel_loop3A_94 = arith.muli %parallel_loop3A_71, %parallel_loop3A_93 : i32
        %parallel_loop3A_95 = arith.index_cast %parallel_loop3A_94 : i32 to index
        %parallel_loop3A_96 = tpu.vector_load %arg18[%parallel_loop3A_95] {strides = array<i32>} : memref<128xf32, #tpu.memory_space<vmem>>, vector<16xf32>,
        tpu.vector_store %arg18[%parallel_loop3A_95], %parallel_loop3A_92 {strides = array<i32>} : memref<128xf32, #tpu.memory_space<vmem>>, vector<16xf32>,
      } {sc.loop_unroll_factor = 2 : i64, sc.parallel_access}
      %dma_wait3A_61 = arith.constant 78 : i32
      %dma_wait3A_62 = arith.constant 0 : i32
      %dma_wait3A_63 = tpu.memref_slice %arg10[%dma_wait3A_61, %dma_wait3A_62] : memref<79x128xi32, #tpu.memory_space<vmem>> -> memref<1x128xi32, #tpu.memory_space<vmem>>
      %dma_wait3A_64 = tpu.memref_squeeze %dma_wait3A_63 : memref<1x128xi32, #tpu.memory_space<vmem>> -> memref<128xi32, #tpu.memory_space<vmem>>
      %dma_wait3A_65 = arith.constant 0 : i32
      %dma_wait3A_66 = arith.constant 0 : i32
      %dma_wait3A_67 = tpu.memref_slice %arg6[%dma_wait3A_65, %dma_wait3A_66] : memref<10000x16xf32, #tpu.memory_space<hbm>> -> memref<10000x16xf32, #tpu.memory_space<hbm>>
      tpu.wait_indirect_dma semaphore(%arg19 : memref<!tpu.dma_semaphore, #tpu.memory_space<semaphore_mem>>) src(%dma_wait3A_67 : memref<10000x16xf32, #tpu.memory_space<hbm>>) dst(%arg16 : memref<128x16xf32, #tpu.memory_space<vmem>>)
      %parallel_loop3A_68 = arith.constant 0 : i32
      %parallel_loop3A_69 = arith.constant 8 : i32
      %parallel_loop3A_70 = arith.constant 1 : i32
      scf.for %parallel_loop3A_71 = %parallel_loop3A_68 to %parallel_loop3A_69 step %parallel_loop3A_70  : i32 {
        %parallel_loop3A_72 = arith.constant 16 : i32
        %parallel_loop3A_73 = arith.muli %parallel_loop3A_71, %parallel_loop3A_72 : i32
        %parallel_loop3A_74 = arith.index_cast %parallel_loop3A_73 : i32 to index
        %parallel_loop3A_75 = tpu.vector_load %arg18[%parallel_loop3A_74] {strides = array<i32>} : memref<128xf32, #tpu.memory_space<vmem>>, vector<16xf32>,
        %parallel_loop3A_76 = arith.constant 16 : i32
        %parallel_loop3A_77 = arith.muli %parallel_loop3A_71, %parallel_loop3A_76 : i32
        %parallel_loop3A_78 = arith.constant 0 : i32
        %parallel_loop3A_79 = arith.addi %parallel_loop3A_77, %parallel_loop3A_78 : i32
        %parallel_loop3A_80 = vector.extract_strided_slice %parallel_loop3A_75 {offsets = [0], sizes = [1], strides = [1]} : vector<16xf32> to vector<1xf32>
        %parallel_loop3A_81 = vector.extract %parallel_loop3A_80[0] : f32 from vector<1xf32>
        %parallel_loop3A_82 = vector.broadcast %parallel_loop3A_81 : f32 to vector<16xf32>
        %parallel_loop3A_83 = arith.index_cast %parallel_loop3A_79 : i32 to index
        %parallel_loop3A_84 = arith.constant 0 : index
        %parallel_loop3A_85 = tpu.vector_load %arg16[%parallel_loop3A_83, %parallel_loop3A_84] {strides = array<i32>} : memref<128x16xf32, #tpu.memory_space<vmem>>, vector<16xf32>,
        %parallel_loop3A_86 = arith.mulf %parallel_loop3A_85, %parallel_loop3A_82 : vector<16xf32>
        %parallel_loop3A_87 = arith.index_cast %parallel_loop3A_79 : i32 to index
        %parallel_loop3A_88 = arith.constant 0 : index
        %parallel_loop3A_89 = tpu.vector_load %arg17[%parallel_loop3A_87, %parallel_loop3A_88] {strides = array<i32>} : memref<128x32xf32, #tpu.memory_space<vmem>>, vector<16xf32>,
        tpu.vector_store %arg17[%parallel_loop3A_87, %parallel_loop3A_88], %parallel_loop3A_86 {strides = array<i32>} : memref<128x32xf32, #tpu.memory_space<vmem>>, vector<16xf32>,
        %parallel_loop3A_90 = arith.index_cast %parallel_loop3A_79 : i32 to index
        %parallel_loop3A_91 = arith.constant 16 : index
        %parallel_loop3A_92 = tpu.vector_load %arg17[%parallel_loop3A_90, %parallel_loop3A_91] {strides = array<i32>} : memref<128x32xf32, #tpu.memory_space<vmem>>, vector<16xf32>,
        tpu.vector_store %arg17[%parallel_loop3A_90, %parallel_loop3A_91], %parallel_loop3A_82 {strides = array<i32>} : memref<128x32xf32, #tpu.memory_space<vmem>>, vector<16xf32>,
        %parallel_loop3A_93 = arith.constant 16 : i32
        %parallel_loop3A_94 = arith.muli %parallel_loop3A_71, %parallel_loop3A_93 : i32
        %parallel_loop3A_95 = arith.constant 1 : i32
        %parallel_loop3A_96 = arith.addi %parallel_loop3A_94, %parallel_loop3A_95 : i32
        %parallel_loop3A_97 = vector.extract_strided_slice %parallel_loop3A_75 {offsets = [1], sizes = [1], strides = [1]} : vector<16xf32> to vector<1xf32>
        %parallel_loop3A_98 = vector.extract %parallel_loop3A_97[0] : f32 from vector<1xf32>
        %parallel_loop3A_99 = vector.broadcast %parallel_loop3A_98 : f32 to vector<16xf32>
        %parallel_loop3A_100 = arith.index_cast %parallel_loop3A_96 : i32 to index
        %parallel_loop3A_101 = arith.constant 0 : index
        %parallel_loop3A_102 = tpu.vector_load %arg16[%parallel_loop3A_100, %parallel_loop3A_101] {strides = array<i32>} : memref<128x16xf32, #tpu.memory_space<vmem>>, vector<16xf32>,
        %parallel_loop3A_103 = arith.mulf %parallel_loop3A_102, %parallel_loop3A_99 : vector<16xf32>
        %parallel_loop3A_104 = arith.index_cast %parallel_loop3A_96 : i32 to index
        %parallel_loop3A_105 = arith.constant 0 : index
        %parallel_loop3A_106 = tpu.vector_load %arg17[%parallel_loop3A_104, %parallel_loop3A_105] {strides = array<i32>} : memref<128x32xf32, #tpu.memory_space<vmem>>, vector<16xf32>,
        tpu.vector_store %arg17[%parallel_loop3A_104, %parallel_loop3A_105], %parallel_loop3A_103 {strides = array<i32>} : memref<128x32xf32, #tpu.memory_space<vmem>>, vector<16xf32>,
        %parallel_loop3A_107 = arith.index_cast %parallel_loop3A_96 : i32 to index
        %parallel_loop3A_108 = arith.constant 16 : index
        %parallel_loop3A_109 = tpu.vector_load %arg17[%parallel_loop3A_107, %parallel_loop3A_108] {strides = array<i32>} : memref<128x32xf32, #tpu.memory_space<vmem>>, vector<16xf32>,
        tpu.vector_store %arg17[%parallel_loop3A_107, %parallel_loop3A_108], %parallel_loop3A_99 {strides = array<i32>} : memref<128x32xf32, #tpu.memory_space<vmem>>, vector<16xf32>,
        %parallel_loop3A_110 = arith.constant 16 : i32
        %parallel_loop3A_111 = arith.muli %parallel_loop3A_71, %parallel_loop3A_110 : i32
        %parallel_loop3A_112 = arith.constant 2 : i32
        %parallel_loop3A_113 = arith.addi %parallel_loop3A_111, %parallel_loop3A_112 : i32
        %parallel_loop3A_114 = vector.extract_strided_slice %parallel_loop3A_75 {offsets = [2], sizes = [1], strides = [1]} : vector<16xf32> to vector<1xf32>
        %parallel_loop3A_115 = vector.extract %parallel_loop3A_114[0] : f32 from vector<1xf32>
        %parallel_loop3A_116 = vector.broadcast %parallel_loop3A_115 : f32 to vector<16xf32>
        %parallel_loop3A_117 = arith.index_cast %parallel_loop3A_113 : i32 to index
        %parallel_loop3A_118 = arith.constant 0 : index
        %parallel_loop3A_119 = tpu.vector_load %arg16[%parallel_loop3A_117, %parallel_loop3A_118] {strides = array<i32>} : memref<128x16xf32, #tpu.memory_space<vmem>>, vector<16xf32>,
        %parallel_loop3A_120 = arith.mulf %parallel_loop3A_119, %parallel_loop3A_116 : vector<16xf32>
        %parallel_loop3A_121 = arith.index_cast %parallel_loop3A_113 : i32 to index
        %parallel_loop3A_122 = arith.constant 0 : index
        %parallel_loop3A_123 = tpu.vector_load %arg17[%parallel_loop3A_121, %parallel_loop3A_122] {strides = array<i32>} : memref<128x32xf32, #tpu.memory_space<vmem>>, vector<16xf32>,
        tpu.vector_store %arg17[%parallel_loop3A_121, %parallel_loop3A_122], %parallel_loop3A_120 {strides = array<i32>} : memref<128x32xf32, #tpu.memory_space<vmem>>, vector<16xf32>,
        %parallel_loop3A_124 = arith.index_cast %parallel_loop3A_113 : i32 to index
        %parallel_loop3A_125 = arith.constant 16 : index
        %parallel_loop3A_126 = tpu.vector_load %arg17[%parallel_loop3A_124, %parallel_loop3A_125] {strides = array<i32>} : memref<128x32xf32, #tpu.memory_space<vmem>>, vector<16xf32>,
        tpu.vector_store %arg17[%parallel_loop3A_124, %parallel_loop3A_125], %parallel_loop3A_116 {strides = array<i32>} : memref<128x32xf32, #tpu.memory_space<vmem>>, vector<16xf32>,
        %parallel_loop3A_127 = arith.constant 16 : i32
        %parallel_loop3A_128 = arith.muli %parallel_loop3A_71, %parallel_loop3A_127 : i32
        %parallel_loop3A_129 = arith.constant 3 : i32
        %parallel_loop3A_130 = arith.addi %parallel_loop3A_128, %parallel_loop3A_129 : i32
        %parallel_loop3A_131 = vector.extract_strided_slice %parallel_loop3A_75 {offsets = [3], sizes = [1], strides = [1]} : vector<16xf32> to vector<1xf32>
        %parallel_loop3A_132 = vector.extract %parallel_loop3A_131[0] : f32 from vector<1xf32>
        %parallel_loop3A_133 = vector.broadcast %parallel_loop3A_132 : f32 to vector<16xf32>
        %parallel_loop3A_134 = arith.index_cast %parallel_loop3A_130 : i32 to index
        %parallel_loop3A_135 = arith.constant 0 : index
        %parallel_loop3A_136 = tpu.vector_load %arg16[%parallel_loop3A_134, %parallel_loop3A_135] {strides = array<i32>} : memref<128x16xf32, #tpu.memory_space<vmem>>, vector<16xf32>,
        %parallel_loop3A_137 = arith.mulf %parallel_loop3A_136, %parallel_loop3A_133 : vector<16xf32>
        %parallel_loop3A_138 = arith.index_cast %parallel_loop3A_130 : i32 to index
        %parallel_loop3A_139 = arith.constant 0 : index
        %parallel_loop3A_140 = tpu.vector_load %arg17[%parallel_loop3A_138, %parallel_loop3A_139] {strides = array<i32>} : memref<128x32xf32, #tpu.memory_space<vmem>>, vector<16xf32>,
        tpu.vector_store %arg17[%parallel_loop3A_138, %parallel_loop3A_139], %parallel_loop3A_137 {strides = array<i32>} : memref<128x32xf32, #tpu.memory_space<vmem>>, vector<16xf32>,
        %parallel_loop3A_141 = arith.index_cast %parallel_loop3A_130 : i32 to index
        %parallel_loop3A_142 = arith.constant 16 : index
        %parallel_loop3A_143 = tpu.vector_load %arg17[%parallel_loop3A_141, %parallel_loop3A_142] {strides = array<i32>} : memref<128x32xf32, #tpu.memory_space<vmem>>, vector<16xf32>,
        tpu.vector_store %arg17[%parallel_loop3A_141, %parallel_loop3A_142], %parallel_loop3A_133 {strides = array<i32>} : memref<128x32xf32, #tpu.memory_space<vmem>>, vector<16xf32>,
        %parallel_loop3A_144 = arith.constant 16 : i32
        %parallel_loop3A_145 = arith.muli %parallel_loop3A_71, %parallel_loop3A_144 : i32
        %parallel_loop3A_146 = arith.constant 4 : i32
        %parallel_loop3A_147 = arith.addi %parallel_loop3A_145, %parallel_loop3A_146 : i32
        %parallel_loop3A_148 = vector.extract_strided_slice %parallel_loop3A_75 {offsets = [4], sizes = [1], strides = [1]} : vector<16xf32> to vector<1xf32>
        %parallel_loop3A_149 = vector.extract %parallel_loop3A_148[0] : f32 from vector<1xf32>
        %parallel_loop3A_150 = vector.broadcast %parallel_loop3A_149 : f32 to vector<16xf32>
        %parallel_loop3A_151 = arith.index_cast %parallel_loop3A_147 : i32 to index
        %parallel_loop3A_152 = arith.constant 0 : index
        %parallel_loop3A_153 = tpu.vector_load %arg16[%parallel_loop3A_151, %parallel_loop3A_152] {strides = array<i32>} : memref<128x16xf32, #tpu.memory_space<vmem>>, vector<16xf32>,
        %parallel_loop3A_154 = arith.mulf %parallel_loop3A_153, %parallel_loop3A_150 : vector<16xf32>
        %parallel_loop3A_155 = arith.index_cast %parallel_loop3A_147 : i32 to index
        %parallel_loop3A_156 = arith.constant 0 : index
        %parallel_loop3A_157 = tpu.vector_load %arg17[%parallel_loop3A_155, %parallel_loop3A_156] {strides = array<i32>} : memref<128x32xf32, #tpu.memory_space<vmem>>, vector<16xf32>,
        tpu.vector_store %arg17[%parallel_loop3A_155, %parallel_loop3A_156], %parallel_loop3A_154 {strides = array<i32>} : memref<128x32xf32, #tpu.memory_space<vmem>>, vector<16xf32>,
        %parallel_loop3A_158 = arith.index_cast %parallel_loop3A_147 : i32 to index
        %parallel_loop3A_159 = arith.constant 16 : index
        %parallel_loop3A_160 = tpu.vector_load %arg17[%parallel_loop3A_158, %parallel_loop3A_159] {strides = array<i32>} : memref<128x32xf32, #tpu.memory_space<vmem>>, vector<16xf32>,
        tpu.vector_store %arg17[%parallel_loop3A_158, %parallel_loop3A_159], %parallel_loop3A_150 {strides = array<i32>} : memref<128x32xf32, #tpu.memory_space<vmem>>, vector<16xf32>,
        %parallel_loop3A_161 = arith.constant 16 : i32
        %parallel_loop3A_162 = arith.muli %parallel_loop3A_71, %parallel_loop3A_161 : i32
        %parallel_loop3A_163 = arith.constant 5 : i32
        %parallel_loop3A_164 = arith.addi %parallel_loop3A_162, %parallel_loop3A_163 : i32
        %parallel_loop3A_165 = vector.extract_strided_slice %parallel_loop3A_75 {offsets = [5], sizes = [1], strides = [1]} : vector<16xf32> to vector<1xf32>
        %parallel_loop3A_166 = vector.extract %parallel_loop3A_165[0] : f32 from vector<1xf32>
        %parallel_loop3A_167 = vector.broadcast %parallel_loop3A_166 : f32 to vector<16xf32>
        %parallel_loop3A_168 = arith.index_cast %parallel_loop3A_164 : i32 to index
        %parallel_loop3A_169 = arith.constant 0 : index
        %parallel_loop3A_170 = tpu.vector_load %arg16[%parallel_loop3A_168, %parallel_loop3A_169] {strides = array<i32>} : memref<128x16xf32, #tpu.memory_space<vmem>>, vector<16xf32>,
        %parallel_loop3A_171 = arith.mulf %parallel_loop3A_170, %parallel_loop3A_167 : vector<16xf32>
        %parallel_loop3A_172 = arith.index_cast %parallel_loop3A_164 : i32 to index
        %parallel_loop3A_173 = arith.constant 0 : index
        %parallel_loop3A_174 = tpu.vector_load %arg17[%parallel_loop3A_172, %parallel_loop3A_173] {strides = array<i32>} : memref<128x32xf32, #tpu.memory_space<vmem>>, vector<16xf32>,
        tpu.vector_store %arg17[%parallel_loop3A_172, %parallel_loop3A_173], %parallel_loop3A_171 {strides = array<i32>} : memref<128x32xf32, #tpu.memory_space<vmem>>, vector<16xf32>,
        %parallel_loop3A_175 = arith.index_cast %parallel_loop3A_164 : i32 to index
        %parallel_loop3A_176 = arith.constant 16 : index
        %parallel_loop3A_177 = tpu.vector_load %arg17[%parallel_loop3A_175, %parallel_loop3A_176] {strides = array<i32>} : memref<128x32xf32, #tpu.memory_space<vmem>>, vector<16xf32>,
        tpu.vector_store %arg17[%parallel_loop3A_175, %parallel_loop3A_176], %parallel_loop3A_167 {strides = array<i32>} : memref<128x32xf32, #tpu.memory_space<vmem>>, vector<16xf32>,
        %parallel_loop3A_178 = arith.constant 16 : i32
        %parallel_loop3A_179 = arith.muli %parallel_loop3A_71, %parallel_loop3A_178 : i32
        %parallel_loop3A_180 = arith.constant 6 : i32
        %parallel_loop3A_181 = arith.addi %parallel_loop3A_179, %parallel_loop3A_180 : i32
        %parallel_loop3A_182 = vector.extract_strided_slice %parallel_loop3A_75 {offsets = [6], sizes = [1], strides = [1]} : vector<16xf32> to vector<1xf32>
        %parallel_loop3A_183 = vector.extract %parallel_loop3A_182[0] : f32 from vector<1xf32>
        %parallel_loop3A_184 = vector.broadcast %parallel_loop3A_183 : f32 to vector<16xf32>
        %parallel_loop3A_185 = arith.index_cast %parallel_loop3A_181 : i32 to index
        %parallel_loop3A_186 = arith.constant 0 : index
        %parallel_loop3A_187 = tpu.vector_load %arg16[%parallel_loop3A_185, %parallel_loop3A_186] {strides = array<i32>} : memref<128x16xf32, #tpu.memory_space<vmem>>, vector<16xf32>,
        %parallel_loop3A_188 = arith.mulf %parallel_loop3A_187, %parallel_loop3A_184 : vector<16xf32>
        %parallel_loop3A_189 = arith.index_cast %parallel_loop3A_181 : i32 to index
        %parallel_loop3A_190 = arith.constant 0 : index
        %parallel_loop3A_191 = tpu.vector_load %arg17[%parallel_loop3A_189, %parallel_loop3A_190] {strides = array<i32>} : memref<128x32xf32, #tpu.memory_space<vmem>>, vector<16xf32>,
        tpu.vector_store %arg17[%parallel_loop3A_189, %parallel_loop3A_190], %parallel_loop3A_188 {strides = array<i32>} : memref<128x32xf32, #tpu.memory_space<vmem>>, vector<16xf32>,
        %parallel_loop3A_192 = arith.index_cast %parallel_loop3A_181 : i32 to index
        %parallel_loop3A_193 = arith.constant 16 : index
        %parallel_loop3A_194 = tpu.vector_load %arg17[%parallel_loop3A_192, %parallel_loop3A_193] {strides = array<i32>} : memref<128x32xf32, #tpu.memory_space<vmem>>, vector<16xf32>,
        tpu.vector_store %arg17[%parallel_loop3A_192, %parallel_loop3A_193], %parallel_loop3A_184 {strides = array<i32>} : memref<128x32xf32, #tpu.memory_space<vmem>>, vector<16xf32>,
        %parallel_loop3A_195 = arith.constant 16 : i32
        %parallel_loop3A_196 = arith.muli %parallel_loop3A_71, %parallel_loop3A_195 : i32
        %parallel_loop3A_197 = arith.constant 7 : i32
        %parallel_loop3A_198 = arith.addi %parallel_loop3A_196, %parallel_loop3A_197 : i32
        %parallel_loop3A_199 = vector.extract_strided_slice %parallel_loop3A_75 {offsets = [7], sizes = [1], strides = [1]} : vector<16xf32> to vector<1xf32>
        %parallel_loop3A_200 = vector.extract %parallel_loop3A_199[0] : f32 from vector<1xf32>
        %parallel_loop3A_201 = vector.broadcast %parallel_loop3A_200 : f32 to vector<16xf32>
        %parallel_loop3A_202 = arith.index_cast %parallel_loop3A_198 : i32 to index
        %parallel_loop3A_203 = arith.constant 0 : index
        %parallel_loop3A_204 = tpu.vector_load %arg16[%parallel_loop3A_202, %parallel_loop3A_203] {strides = array<i32>} : memref<128x16xf32, #tpu.memory_space<vmem>>, vector<16xf32>,
        %parallel_loop3A_205 = arith.mulf %parallel_loop3A_204, %parallel_loop3A_201 : vector<16xf32>
        %parallel_loop3A_206 = arith.index_cast %parallel_loop3A_198 : i32 to index
        %parallel_loop3A_207 = arith.constant 0 : index
        %parallel_loop3A_208 = tpu.vector_load %arg17[%parallel_loop3A_206, %parallel_loop3A_207] {strides = array<i32>} : memref<128x32xf32, #tpu.memory_space<vmem>>, vector<16xf32>,
        tpu.vector_store %arg17[%parallel_loop3A_206, %parallel_loop3A_207], %parallel_loop3A_205 {strides = array<i32>} : memref<128x32xf32, #tpu.memory_space<vmem>>, vector<16xf32>,
        %parallel_loop3A_209 = arith.index_cast %parallel_loop3A_198 : i32 to index
        %parallel_loop3A_210 = arith.constant 16 : index
        %parallel_loop3A_211 = tpu.vector_load %arg17[%parallel_loop3A_209, %parallel_loop3A_210] {strides = array<i32>} : memref<128x32xf32, #tpu.memory_space<vmem>>, vector<16xf32>,
        tpu.vector_store %arg17[%parallel_loop3A_209, %parallel_loop3A_210], %parallel_loop3A_201 {strides = array<i32>} : memref<128x32xf32, #tpu.memory_space<vmem>>, vector<16xf32>,
        %parallel_loop3A_212 = arith.constant 16 : i32
        %parallel_loop3A_213 = arith.muli %parallel_loop3A_71, %parallel_loop3A_212 : i32
        %parallel_loop3A_214 = arith.constant 8 : i32
        %parallel_loop3A_215 = arith.addi %parallel_loop3A_213, %parallel_loop3A_214 : i32
        %parallel_loop3A_216 = vector.extract_strided_slice %parallel_loop3A_75 {offsets = [8], sizes = [1], strides = [1]} : vector<16xf32> to vector<1xf32>
        %parallel_loop3A_217 = vector.extract %parallel_loop3A_216[0] : f32 from vector<1xf32>
        %parallel_loop3A_218 = vector.broadcast %parallel_loop3A_217 : f32 to vector<16xf32>
        %parallel_loop3A_219 = arith.index_cast %parallel_loop3A_215 : i32 to index
        %parallel_loop3A_220 = arith.constant 0 : index
        %parallel_loop3A_221 = tpu.vector_load %arg16[%parallel_loop3A_219, %parallel_loop3A_220] {strides = array<i32>} : memref<128x16xf32, #tpu.memory_space<vmem>>, vector<16xf32>,
        %parallel_loop3A_222 = arith.mulf %parallel_loop3A_221, %parallel_loop3A_218 : vector<16xf32>
        %parallel_loop3A_223 = arith.index_cast %parallel_loop3A_215 : i32 to index
        %parallel_loop3A_224 = arith.constant 0 : index
        %parallel_loop3A_225 = tpu.vector_load %arg17[%parallel_loop3A_223, %parallel_loop3A_224] {strides = array<i32>} : memref<128x32xf32, #tpu.memory_space<vmem>>, vector<16xf32>,
        tpu.vector_store %arg17[%parallel_loop3A_223, %parallel_loop3A_224], %parallel_loop3A_222 {strides = array<i32>} : memref<128x32xf32, #tpu.memory_space<vmem>>, vector<16xf32>,
        %parallel_loop3A_226 = arith.index_cast %parallel_loop3A_215 : i32 to index
        %parallel_loop3A_227 = arith.constant 16 : index
        %parallel_loop3A_228 = tpu.vector_load %arg17[%parallel_loop3A_226, %parallel_loop3A_227] {strides = array<i32>} : memref<128x32xf32, #tpu.memory_space<vmem>>, vector<16xf32>,
        tpu.vector_store %arg17[%parallel_loop3A_226, %parallel_loop3A_227], %parallel_loop3A_218 {strides = array<i32>} : memref<128x32xf32, #tpu.memory_space<vmem>>, vector<16xf32>,
        %parallel_loop3A_229 = arith.constant 16 : i32
        %parallel_loop3A_230 = arith.muli %parallel_loop3A_71, %parallel_loop3A_229 : i32
        %parallel_loop3A_231 = arith.constant 9 : i32
        %parallel_loop3A_232 = arith.addi %parallel_loop3A_230, %parallel_loop3A_231 : i32
        %parallel_loop3A_233 = vector.extract_strided_slice %parallel_loop3A_75 {offsets = [9], sizes = [1], strides = [1]} : vector<16xf32> to vector<1xf32>
        %parallel_loop3A_234 = vector.extract %parallel_loop3A_233[0] : f32 from vector<1xf32>
        %parallel_loop3A_235 = vector.broadcast %parallel_loop3A_234 : f32 to vector<16xf32>
        %parallel_loop3A_236 = arith.index_cast %parallel_loop3A_232 : i32 to index
        %parallel_loop3A_237 = arith.constant 0 : index
        %parallel_loop3A_238 = tpu.vector_load %arg16[%parallel_loop3A_236, %parallel_loop3A_237] {strides = array<i32>} : memref<128x16xf32, #tpu.memory_space<vmem>>, vector<16xf32>,
        %parallel_loop3A_239 = arith.mulf %parallel_loop3A_238, %parallel_loop3A_235 : vector<16xf32>
        %parallel_loop3A_240 = arith.index_cast %parallel_loop3A_232 : i32 to index
        %parallel_loop3A_241 = arith.constant 0 : index
        %parallel_loop3A_242 = tpu.vector_load %arg17[%parallel_loop3A_240, %parallel_loop3A_241] {strides = array<i32>} : memref<128x32xf32, #tpu.memory_space<vmem>>, vector<16xf32>,
        tpu.vector_store %arg17[%parallel_loop3A_240, %parallel_loop3A_241], %parallel_loop3A_239 {strides = array<i32>} : memref<128x32xf32, #tpu.memory_space<vmem>>, vector<16xf32>,
        %parallel_loop3A_243 = arith.index_cast %parallel_loop3A_232 : i32 to index
        %parallel_loop3A_244 = arith.constant 16 : index
        %parallel_loop3A_245 = tpu.vector_load %arg17[%parallel_loop3A_243, %parallel_loop3A_244] {strides = array<i32>} : memref<128x32xf32, #tpu.memory_space<vmem>>, vector<16xf32>,
        tpu.vector_store %arg17[%parallel_loop3A_243, %parallel_loop3A_244], %parallel_loop3A_235 {strides = array<i32>} : memref<128x32xf32, #tpu.memory_space<vmem>>, vector<16xf32>,
        %parallel_loop3A_246 = arith.constant 16 : i32
        %parallel_loop3A_247 = arith.muli %parallel_loop3A_71, %parallel_loop3A_246 : i32
        %parallel_loop3A_248 = arith.constant 10 : i32
        %parallel_loop3A_249 = arith.addi %parallel_loop3A_247, %parallel_loop3A_248 : i32
        %parallel_loop3A_250 = vector.extract_strided_slice %parallel_loop3A_75 {offsets = [10], sizes = [1], strides = [1]} : vector<16xf32> to vector<1xf32>
        %parallel_loop3A_251 = vector.extract %parallel_loop3A_250[0] : f32 from vector<1xf32>
        %parallel_loop3A_252 = vector.broadcast %parallel_loop3A_251 : f32 to vector<16xf32>
        %parallel_loop3A_253 = arith.index_cast %parallel_loop3A_249 : i32 to index
        %parallel_loop3A_254 = arith.constant 0 : index
        %parallel_loop3A_255 = tpu.vector_load %arg16[%parallel_loop3A_253, %parallel_loop3A_254] {strides = array<i32>} : memref<128x16xf32, #tpu.memory_space<vmem>>, vector<16xf32>,
        %parallel_loop3A_256 = arith.mulf %parallel_loop3A_255, %parallel_loop3A_252 : vector<16xf32>
        %parallel_loop3A_257 = arith.index_cast %parallel_loop3A_249 : i32 to index
        %parallel_loop3A_258 = arith.constant 0 : index
        %parallel_loop3A_259 = tpu.vector_load %arg17[%parallel_loop3A_257, %parallel_loop3A_258] {strides = array<i32>} : memref<128x32xf32, #tpu.memory_space<vmem>>, vector<16xf32>,
        tpu.vector_store %arg17[%parallel_loop3A_257, %parallel_loop3A_258], %parallel_loop3A_256 {strides = array<i32>} : memref<128x32xf32, #tpu.memory_space<vmem>>, vector<16xf32>,
        %parallel_loop3A_260 = arith.index_cast %parallel_loop3A_249 : i32 to index
        %parallel_loop3A_261 = arith.constant 16 : index
        %parallel_loop3A_262 = tpu.vector_load %arg17[%parallel_loop3A_260, %parallel_loop3A_261] {strides = array<i32>} : memref<128x32xf32, #tpu.memory_space<vmem>>, vector<16xf32>,
        tpu.vector_store %arg17[%parallel_loop3A_260, %parallel_loop3A_261], %parallel_loop3A_252 {strides = array<i32>} : memref<128x32xf32, #tpu.memory_space<vmem>>, vector<16xf32>,
        %parallel_loop3A_263 = arith.constant 16 : i32
        %parallel_loop3A_264 = arith.muli %parallel_loop3A_71, %parallel_loop3A_263 : i32
        %parallel_loop3A_265 = arith.constant 11 : i32
        %parallel_loop3A_266 = arith.addi %parallel_loop3A_264, %parallel_loop3A_265 : i32
        %parallel_loop3A_267 = vector.extract_strided_slice %parallel_loop3A_75 {offsets = [11], sizes = [1], strides = [1]} : vector<16xf32> to vector<1xf32>
        %parallel_loop3A_268 = vector.extract %parallel_loop3A_267[0] : f32 from vector<1xf32>
        %parallel_loop3A_269 = vector.broadcast %parallel_loop3A_268 : f32 to vector<16xf32>
        %parallel_loop3A_270 = arith.index_cast %parallel_loop3A_266 : i32 to index
        %parallel_loop3A_271 = arith.constant 0 : index
        %parallel_loop3A_272 = tpu.vector_load %arg16[%parallel_loop3A_270, %parallel_loop3A_271] {strides = array<i32>} : memref<128x16xf32, #tpu.memory_space<vmem>>, vector<16xf32>,
        %parallel_loop3A_273 = arith.mulf %parallel_loop3A_272, %parallel_loop3A_269 : vector<16xf32>
        %parallel_loop3A_274 = arith.index_cast %parallel_loop3A_266 : i32 to index
        %parallel_loop3A_275 = arith.constant 0 : index
        %parallel_loop3A_276 = tpu.vector_load %arg17[%parallel_loop3A_274, %parallel_loop3A_275] {strides = array<i32>} : memref<128x32xf32, #tpu.memory_space<vmem>>, vector<16xf32>,
        tpu.vector_store %arg17[%parallel_loop3A_274, %parallel_loop3A_275], %parallel_loop3A_273 {strides = array<i32>} : memref<128x32xf32, #tpu.memory_space<vmem>>, vector<16xf32>,
        %parallel_loop3A_277 = arith.index_cast %parallel_loop3A_266 : i32 to index
        %parallel_loop3A_278 = arith.constant 16 : index
        %parallel_loop3A_279 = tpu.vector_load %arg17[%parallel_loop3A_277, %parallel_loop3A_278] {strides = array<i32>} : memref<128x32xf32, #tpu.memory_space<vmem>>, vector<16xf32>,
        tpu.vector_store %arg17[%parallel_loop3A_277, %parallel_loop3A_278], %parallel_loop3A_269 {strides = array<i32>} : memref<128x32xf32, #tpu.memory_space<vmem>>, vector<16xf32>,
        %parallel_loop3A_280 = arith.constant 16 : i32
        %parallel_loop3A_281 = arith.muli %parallel_loop3A_71, %parallel_loop3A_280 : i32
        %parallel_loop3A_282 = arith.constant 12 : i32
        %parallel_loop3A_283 = arith.addi %parallel_loop3A_281, %parallel_loop3A_282 : i32
        %parallel_loop3A_284 = vector.extract_strided_slice %parallel_loop3A_75 {offsets = [12], sizes = [1], strides = [1]} : vector<16xf32> to vector<1xf32>
        %parallel_loop3A_285 = vector.extract %parallel_loop3A_284[0] : f32 from vector<1xf32>
        %parallel_loop3A_286 = vector.broadcast %parallel_loop3A_285 : f32 to vector<16xf32>
        %parallel_loop3A_287 = arith.index_cast %parallel_loop3A_283 : i32 to index
        %parallel_loop3A_288 = arith.constant 0 : index
        %parallel_loop3A_289 = tpu.vector_load %arg16[%parallel_loop3A_287, %parallel_loop3A_288] {strides = array<i32>} : memref<128x16xf32, #tpu.memory_space<vmem>>, vector<16xf32>,
        %parallel_loop3A_290 = arith.mulf %parallel_loop3A_289, %parallel_loop3A_286 : vector<16xf32>
        %parallel_loop3A_291 = arith.index_cast %parallel_loop3A_283 : i32 to index
        %parallel_loop3A_292 = arith.constant 0 : index
        %parallel_loop3A_293 = tpu.vector_load %arg17[%parallel_loop3A_291, %parallel_loop3A_292] {strides = array<i32>} : memref<128x32xf32, #tpu.memory_space<vmem>>, vector<16xf32>,
        tpu.vector_store %arg17[%parallel_loop3A_291, %parallel_loop3A_292], %parallel_loop3A_290 {strides = array<i32>} : memref<128x32xf32, #tpu.memory_space<vmem>>, vector<16xf32>,
        %parallel_loop3A_294 = arith.index_cast %parallel_loop3A_283 : i32 to index
        %parallel_loop3A_295 = arith.constant 16 : index
        %parallel_loop3A_296 = tpu.vector_load %arg17[%parallel_loop3A_294, %parallel_loop3A_295] {strides = array<i32>} : memref<128x32xf32, #tpu.memory_space<vmem>>, vector<16xf32>,
        tpu.vector_store %arg17[%parallel_loop3A_294, %parallel_loop3A_295], %parallel_loop3A_286 {strides = array<i32>} : memref<128x32xf32, #tpu.memory_space<vmem>>, vector<16xf32>,
        %parallel_loop3A_297 = arith.constant 16 : i32
        %parallel_loop3A_298 = arith.muli %parallel_loop3A_71, %parallel_loop3A_297 : i32
        %parallel_loop3A_299 = arith.constant 13 : i32
        %parallel_loop3A_300 = arith.addi %parallel_loop3A_298, %parallel_loop3A_299 : i32
        %parallel_loop3A_301 = vector.extract_strided_slice %parallel_loop3A_75 {offsets = [13], sizes = [1], strides = [1]} : vector<16xf32> to vector<1xf32>
        %parallel_loop3A_302 = vector.extract %parallel_loop3A_301[0] : f32 from vector<1xf32>
        %parallel_loop3A_303 = vector.broadcast %parallel_loop3A_302 : f32 to vector<16xf32>
        %parallel_loop3A_304 = arith.index_cast %parallel_loop3A_300 : i32 to index
        %parallel_loop3A_305 = arith.constant 0 : index
        %parallel_loop3A_306 = tpu.vector_load %arg16[%parallel_loop3A_304, %parallel_loop3A_305] {strides = array<i32>} : memref<128x16xf32, #tpu.memory_space<vmem>>, vector<16xf32>,
        %parallel_loop3A_307 = arith.mulf %parallel_loop3A_306, %parallel_loop3A_303 : vector<16xf32>
        %parallel_loop3A_308 = arith.index_cast %parallel_loop3A_300 : i32 to index
        %parallel_loop3A_309 = arith.constant 0 : index
        %parallel_loop3A_310 = tpu.vector_load %arg17[%parallel_loop3A_308, %parallel_loop3A_309] {strides = array<i32>} : memref<128x32xf32, #tpu.memory_space<vmem>>, vector<16xf32>,
        tpu.vector_store %arg17[%parallel_loop3A_308, %parallel_loop3A_309], %parallel_loop3A_307 {strides = array<i32>} : memref<128x32xf32, #tpu.memory_space<vmem>>, vector<16xf32>,
        %parallel_loop3A_311 = arith.index_cast %parallel_loop3A_300 : i32 to index
        %parallel_loop3A_312 = arith.constant 16 : index
        %parallel_loop3A_313 = tpu.vector_load %arg17[%parallel_loop3A_311, %parallel_loop3A_312] {strides = array<i32>} : memref<128x32xf32, #tpu.memory_space<vmem>>, vector<16xf32>,
        tpu.vector_store %arg17[%parallel_loop3A_311, %parallel_loop3A_312], %parallel_loop3A_303 {strides = array<i32>} : memref<128x32xf32, #tpu.memory_space<vmem>>, vector<16xf32>,
        %parallel_loop3A_314 = arith.constant 16 : i32
        %parallel_loop3A_315 = arith.muli %parallel_loop3A_71, %parallel_loop3A_314 : i32
        %parallel_loop3A_316 = arith.constant 14 : i32
        %parallel_loop3A_317 = arith.addi %parallel_loop3A_315, %parallel_loop3A_316 : i32
        %parallel_loop3A_318 = vector.extract_strided_slice %parallel_loop3A_75 {offsets = [14], sizes = [1], strides = [1]} : vector<16xf32> to vector<1xf32>
        %parallel_loop3A_319 = vector.extract %parallel_loop3A_318[0] : f32 from vector<1xf32>
        %parallel_loop3A_320 = vector.broadcast %parallel_loop3A_319 : f32 to vector<16xf32>
        %parallel_loop3A_321 = arith.index_cast %parallel_loop3A_317 : i32 to index
        %parallel_loop3A_322 = arith.constant 0 : index
        %parallel_loop3A_323 = tpu.vector_load %arg16[%parallel_loop3A_321, %parallel_loop3A_322] {strides = array<i32>} : memref<128x16xf32, #tpu.memory_space<vmem>>, vector<16xf32>,
        %parallel_loop3A_324 = arith.mulf %parallel_loop3A_323, %parallel_loop3A_320 : vector<16xf32>
        %parallel_loop3A_325 = arith.index_cast %parallel_loop3A_317 : i32 to index
        %parallel_loop3A_326 = arith.constant 0 : index
        %parallel_loop3A_327 = tpu.vector_load %arg17[%parallel_loop3A_325, %parallel_loop3A_326] {strides = array<i32>} : memref<128x32xf32, #tpu.memory_space<vmem>>, vector<16xf32>,
        tpu.vector_store %arg17[%parallel_loop3A_325, %parallel_loop3A_326], %parallel_loop3A_324 {strides = array<i32>} : memref<128x32xf32, #tpu.memory_space<vmem>>, vector<16xf32>,
        %parallel_loop3A_328 = arith.index_cast %parallel_loop3A_317 : i32 to index
        %parallel_loop3A_329 = arith.constant 16 : index
        %parallel_loop3A_330 = tpu.vector_load %arg17[%parallel_loop3A_328, %parallel_loop3A_329] {strides = array<i32>} : memref<128x32xf32, #tpu.memory_space<vmem>>, vector<16xf32>,
        tpu.vector_store %arg17[%parallel_loop3A_328, %parallel_loop3A_329], %parallel_loop3A_320 {strides = array<i32>} : memref<128x32xf32, #tpu.memory_space<vmem>>, vector<16xf32>,
        %parallel_loop3A_331 = arith.constant 16 : i32
        %parallel_loop3A_332 = arith.muli %parallel_loop3A_71, %parallel_loop3A_331 : i32
        %parallel_loop3A_333 = arith.constant 15 : i32
        %parallel_loop3A_334 = arith.addi %parallel_loop3A_332, %parallel_loop3A_333 : i32
        %parallel_loop3A_335 = vector.extract_strided_slice %parallel_loop3A_75 {offsets = [15], sizes = [1], strides = [1]} : vector<16xf32> to vector<1xf32>
        %parallel_loop3A_336 = vector.extract %parallel_loop3A_335[0] : f32 from vector<1xf32>
        %parallel_loop3A_337 = vector.broadcast %parallel_loop3A_336 : f32 to vector<16xf32>
        %parallel_loop3A_338 = arith.index_cast %parallel_loop3A_334 : i32 to index
        %parallel_loop3A_339 = arith.constant 0 : index
        %parallel_loop3A_340 = tpu.vector_load %arg16[%parallel_loop3A_338, %parallel_loop3A_339] {strides = array<i32>} : memref<128x16xf32, #tpu.memory_space<vmem>>, vector<16xf32>,
        %parallel_loop3A_341 = arith.mulf %parallel_loop3A_340, %parallel_loop3A_337 : vector<16xf32>
        %parallel_loop3A_342 = arith.index_cast %parallel_loop3A_334 : i32 to index
        %parallel_loop3A_343 = arith.constant 0 : index
        %parallel_loop3A_344 = tpu.vector_load %arg17[%parallel_loop3A_342, %parallel_loop3A_343] {strides = array<i32>} : memref<128x32xf32, #tpu.memory_space<vmem>>, vector<16xf32>,
        tpu.vector_store %arg17[%parallel_loop3A_342, %parallel_loop3A_343], %parallel_loop3A_341 {strides = array<i32>} : memref<128x32xf32, #tpu.memory_space<vmem>>, vector<16xf32>,
        %parallel_loop3A_345 = arith.index_cast %parallel_loop3A_334 : i32 to index
        %parallel_loop3A_346 = arith.constant 16 : index
        %parallel_loop3A_347 = tpu.vector_load %arg17[%parallel_loop3A_345, %parallel_loop3A_346] {strides = array<i32>} : memref<128x32xf32, #tpu.memory_space<vmem>>, vector<16xf32>,
        tpu.vector_store %arg17[%parallel_loop3A_345, %parallel_loop3A_346], %parallel_loop3A_337 {strides = array<i32>} : memref<128x32xf32, #tpu.memory_space<vmem>>, vector<16xf32>,
      } {sc.loop_unroll_factor = 2 : i64, sc.parallel_access}
      %run_scoped3A = arith.constant 78 : i32
      "tpu.region"() ({
        %run_scoped3A_71 = tpu.sem_alloc : memref<!tpu.dma_semaphore, #tpu.memory_space<semaphore_mem>>
        %dma_start3A_72 = arith.constant 0 : i32
        %dma_start3A_73 = tpu.memref_slice %arg11[%run_scoped3A, %dma_start3A_72] : memref<79x128xi32, #tpu.memory_space<vmem>> -> memref<1x128xi32, #tpu.memory_space<vmem>>
        %dma_start3A_74 = tpu.memref_squeeze %dma_start3A_73 : memref<1x128xi32, #tpu.memory_space<vmem>> -> memref<128xi32, #tpu.memory_space<vmem>>
        %dma_start3A_75 = arith.constant 0 : i32
        %dma_start3A_76 = arith.constant 0 : i32
        %dma_start3A_77 = tpu.memref_slice %arg15[%dma_start3A_75, %dma_start3A_76] : memref<10000x32xf32, #tpu.memory_space<vmem_shared>> -> memref<10000x32xf32, #tpu.memory_space<vmem_shared>>
        tpu.enqueue_indirect_dma source(%arg17 : memref<128x32xf32, #tpu.memory_space<vmem>>) target(%dma_start3A_77 : memref<10000x32xf32, #tpu.memory_space<vmem_shared>>) offsets(%dma_start3A_74 : memref<128xi32, #tpu.memory_space<vmem>>) semaphore(%run_scoped3A_71 : memref<!tpu.dma_semaphore, #tpu.memory_space<semaphore_mem>>) {add = true}
        %dma_wait3A_78 = arith.constant 0 : i32
        %dma_wait3A_79 = tpu.memref_slice %arg11[%run_scoped3A, %dma_wait3A_78] : memref<79x128xi32, #tpu.memory_space<vmem>> -> memref<1x128xi32, #tpu.memory_space<vmem>>
        %dma_wait3A_80 = tpu.memref_squeeze %dma_wait3A_79 : memref<1x128xi32, #tpu.memory_space<vmem>> -> memref<128xi32, #tpu.memory_space<vmem>>
        %dma_wait3A_81 = arith.constant 0 : i32
        %dma_wait3A_82 = arith.constant 0 : i32
        %dma_wait3A_83 = tpu.memref_slice %arg15[%dma_wait3A_81, %dma_wait3A_82] : memref<10000x32xf32, #tpu.memory_space<vmem_shared>> -> memref<10000x32xf32, #tpu.memory_space<vmem_shared>>
        tpu.wait_indirect_dma semaphore(%run_scoped3A_71 : memref<!tpu.dma_semaphore, #tpu.memory_space<semaphore_mem>>) src(%arg17 : memref<128x32xf32, #tpu.memory_space<vmem>>) dst(%dma_wait3A_83 : memref<10000x32xf32, #tpu.memory_space<vmem_shared>>)
        tpu.yield
      }) : () -> ()
    } else {
    }
    %barrier3A_39 = arith.constant 0 : index
    tpu.barrier barrier_id(%barrier3A_39)
    %mul3A_40 = arith.constant 624 : i32
    %mul3A_41 = arith.muli %arg1, %mul3A_40 : i32
    %lt3A_42 = arith.constant 15 : i32
    %lt3A_43 = arith.cmpi slt, %arg1, %lt3A_42 : i32
    %convert_element_type3A_44 = arith.extui %lt3A_43 : i1 to i32
    %cond3A_45 = arith.constant 0 : i32
    %cond3A_46 = arith.cmpi ne, %convert_element_type3A_44, %cond3A_45 : i32
    scf.if %cond3A_46 {
      "tpu.region"() ({
        %run_scoped3A = tpu.sem_alloc : memref<!tpu.dma_semaphore, #tpu.memory_space<semaphore_mem>>
        %dma_start3A_52 = arith.constant 0 : i32
        %dma_start3A_53 = tpu.memref_slice %arg9[%arg0, %mul3A_41, %dma_start3A_52] : memref<2x10000x32xf32, #tpu.memory_space<hbm>> -> memref<1x624x32xf32, #tpu.memory_space<hbm>>
        %dma_start3A_54 = tpu.memref_squeeze %dma_start3A_53 : memref<1x624x32xf32, #tpu.memory_space<hbm>> -> memref<624x32xf32, #tpu.memory_space<hbm>>
        %dma_start3A_55 = arith.constant 0 : i32
        %dma_start3A_56 = tpu.memref_slice %arg15[%mul3A_41, %dma_start3A_55] : memref<10000x32xf32, #tpu.memory_space<vmem_shared>> -> memref<624x32xf32, #tpu.memory_space<vmem_shared>>
        tpu.enqueue_dma source(%dma_start3A_56 : memref<624x32xf32, #tpu.memory_space<vmem_shared>>) target(%dma_start3A_54 : memref<624x32xf32, #tpu.memory_space<hbm>>) target_semaphore(%run_scoped3A : memref<!tpu.dma_semaphore, #tpu.memory_space<semaphore_mem>>)
        %dma_wait3A_57 = arith.constant 0 : i32
        %dma_wait3A_58 = tpu.memref_slice %arg9[%arg0, %mul3A_41, %dma_wait3A_57] : memref<2x10000x32xf32, #tpu.memory_space<hbm>> -> memref<1x624x32xf32, #tpu.memory_space<hbm>>
        %dma_wait3A_59 = tpu.memref_squeeze %dma_wait3A_58 : memref<1x624x32xf32, #tpu.memory_space<hbm>> -> memref<624x32xf32, #tpu.memory_space<hbm>>
        %dma_wait3A_60 = arith.constant 0 : i32
        %dma_wait3A_61 = tpu.memref_slice %arg15[%mul3A_41, %dma_wait3A_60] : memref<10000x32xf32, #tpu.memory_space<vmem_shared>> -> memref<624x32xf32, #tpu.memory_space<vmem_shared>>
        tpu.wait_dma2 semaphore(%run_scoped3A : memref<!tpu.dma_semaphore, #tpu.memory_space<semaphore_mem>>) src(%dma_wait3A_61 : memref<624x32xf32, #tpu.memory_space<vmem_shared>>) dst(%dma_wait3A_59 : memref<624x32xf32, #tpu.memory_space<hbm>>)
        tpu.yield
      }) : () -> ()
    } else {
    }
    %eq3A_47 = arith.constant 15 : i32
    %eq3A_48 = arith.cmpi eq, %arg1, %eq3A_47 : i32
    %convert_element_type3A_49 = arith.extui %eq3A_48 : i1 to i32
    %cond3A_50 = arith.constant 0 : i32
    %cond3A_51 = arith.cmpi ne, %convert_element_type3A_49, %cond3A_50 : i32
    scf.if %cond3A_51 {
      "tpu.region"() ({
        %run_scoped3A = tpu.sem_alloc : memref<!tpu.dma_semaphore, #tpu.memory_space<semaphore_mem>>
        %dma_start3A_52 = arith.constant 0 : i32
        %dma_start3A_53 = tpu.memref_slice %arg9[%arg0, %mul3A_41, %dma_start3A_52] : memref<2x10000x32xf32, #tpu.memory_space<hbm>> -> memref<1x640x32xf32, #tpu.memory_space<hbm>>
        %dma_start3A_54 = tpu.memref_squeeze %dma_start3A_53 : memref<1x640x32xf32, #tpu.memory_space<hbm>> -> memref<640x32xf32, #tpu.memory_space<hbm>>
        %dma_start3A_55 = arith.constant 0 : i32
        %dma_start3A_56 = tpu.memref_slice %arg15[%mul3A_41, %dma_start3A_55] : memref<10000x32xf32, #tpu.memory_space<vmem_shared>> -> memref<640x32xf32, #tpu.memory_space<vmem_shared>>
        tpu.enqueue_dma source(%dma_start3A_56 : memref<640x32xf32, #tpu.memory_space<vmem_shared>>) target(%dma_start3A_54 : memref<640x32xf32, #tpu.memory_space<hbm>>) target_semaphore(%run_scoped3A : memref<!tpu.dma_semaphore, #tpu.memory_space<semaphore_mem>>)
        %dma_wait3A_57 = arith.constant 0 : i32
        %dma_wait3A_58 = tpu.memref_slice %arg9[%arg0, %mul3A_41, %dma_wait3A_57] : memref<2x10000x32xf32, #tpu.memory_space<hbm>> -> memref<1x640x32xf32, #tpu.memory_space<hbm>>
        %dma_wait3A_59 = tpu.memref_squeeze %dma_wait3A_58 : memref<1x640x32xf32, #tpu.memory_space<hbm>> -> memref<640x32xf32, #tpu.memory_space<hbm>>
        %dma_wait3A_60 = arith.constant 0 : i32
        %dma_wait3A_61 = tpu.memref_slice %arg15[%mul3A_41, %dma_wait3A_60] : memref<10000x32xf32, #tpu.memory_space<vmem_shared>> -> memref<640x32xf32, #tpu.memory_space<vmem_shared>>
        tpu.wait_dma2 semaphore(%run_scoped3A : memref<!tpu.dma_semaphore, #tpu.memory_space<semaphore_mem>>) src(%dma_wait3A_61 : memref<640x32xf32, #tpu.memory_space<vmem_shared>>) dst(%dma_wait3A_59 : memref<640x32xf32, #tpu.memory_space<hbm>>)
        tpu.yield
      }) : () -> ()
    } else {
    }
    return
  }
}

module attributes {stable_mosaic.version = 14 : i64} {
  func.func @_tc1_body(%arg0: i32, %arg1: memref<1000x128xf32, #tpu.memory_space<vmem>>, %arg2: memref<128x128xf32, #tpu.memory_space<vmem>>, %arg3: memref<128x16xf32, #tpu.memory_space<vmem>>, %arg4: memref<1000x64xf32, #tpu.memory_space<vmem>>, %arg5: memref<1000x64xf32, #tpu.memory_space<vmem>>, %arg6: memref<1000x16xf32, #tpu.memory_space<vmem>>, %arg7: memref<1000x16xf32, #tpu.memory_space<vmem>>, %arg8: memref<8x16xf32, #tpu.memory_space<vmem>>) attributes {dimension_semantics = [#tpu.dimension_semantics<arbitrary>], iteration_bounds = array<i64: 10>, scalar_prefetch = 0 : i64, scratch_operands = 0 : i64, tpu.core_type = #tpu.core_type<tc>, window_params = [{transform_indices = @transform_0, window_bounds = array<i64: 1000, 128>}, {pipeline_mode = #tpu.pipeline_mode<synchronous>, transform_indices = @transform_1, window_bounds = array<i64: 128, 128>}, {pipeline_mode = #tpu.pipeline_mode<synchronous>, transform_indices = @transform_2, window_bounds = array<i64: 128, 16>}, {transform_indices = @transform_3, window_bounds = array<i64: 1000, 64>}, {transform_indices = @transform_4, window_bounds = array<i64: 1000, 64>}, {transform_indices = @transform_5, window_bounds = array<i64: 1000, 16>}, {transform_indices = @transform_6, window_bounds = array<i64: 1000, 16>}, {pipeline_mode = #tpu.pipeline_mode<synchronous>, transform_indices = @transform_7, window_bounds = array<i64: 8, 16>}]} {
    %get3A = arith.constant 0 : index
    %get3A_0 = arith.constant 0 : index
    %get3A_1 = vector.load %arg1[%get3A, %get3A_0] : memref<1000x128xf32, #tpu.memory_space<vmem>>, vector<1000x128xf32>
    %get3A_2 = arith.constant 0 : index
    %get3A_3 = arith.constant 0 : index
    %get3A_4 = vector.load %arg2[%get3A_2, %get3A_3] : memref<128x128xf32, #tpu.memory_space<vmem>>, vector<128x128xf32>
    %dot_general3A = arith.constant dense<0.000000e+00> : vector<1000x128xf32>
    %dot_general3A_5 = tpu.matmul %get3A_1, %get3A_4, %dot_general3A {dimension_numbers = #tpu.dot_dimension_numbers<[1], [0], [0], [1], [0, 0, 1, 1], [], []>, transpose_lhs_hint = false} : vector<1000x128xf32>, vector<128x128xf32>, vector<1000x128xf32> -> vector<1000x128xf32>
    %slice3A = vector.extract_strided_slice %dot_general3A_5 {offsets = [0, 0], sizes = [1000, 64], strides = [1, 1]} : vector<1000x128xf32> to vector<1000x64xf32>
    %swap3A = arith.constant 0 : index
    %swap3A_6 = arith.constant 0 : index
    %swap3A_7 = vector.load %arg4[%swap3A, %swap3A_6] : memref<1000x64xf32, #tpu.memory_space<vmem>>, vector<1000x64xf32>
    tpu.vector_store %arg4[%swap3A, %swap3A_6], %slice3A {strides = array<i32>} : memref<1000x64xf32, #tpu.memory_space<vmem>>, vector<1000x64xf32>,
    %slice3A_8 = vector.extract_strided_slice %dot_general3A_5 {offsets = [0, 64], sizes = [1000, 64], strides = [1, 1]} : vector<1000x128xf32> to vector<1000x64xf32>
    %swap3A_9 = arith.constant 0 : index
    %swap3A_10 = arith.constant 0 : index
    %swap3A_11 = vector.load %arg5[%swap3A_9, %swap3A_10] : memref<1000x64xf32, #tpu.memory_space<vmem>>, vector<1000x64xf32>
    tpu.vector_store %arg5[%swap3A_9, %swap3A_10], %slice3A_8 {strides = array<i32>} : memref<1000x64xf32, #tpu.memory_space<vmem>>, vector<1000x64xf32>,
    %get3A_12 = arith.constant 0 : index
    %get3A_13 = arith.constant 0 : index
    %get3A_14 = vector.load %arg3[%get3A_12, %get3A_13] : memref<128x16xf32, #tpu.memory_space<vmem>>, vector<128x16xf32>
    %dot_general3A_15 = arith.constant dense<0.000000e+00> : vector<1000x16xf32>
    %dot_general3A_16 = tpu.matmul %dot_general3A_5, %get3A_14, %dot_general3A_15 {dimension_numbers = #tpu.dot_dimension_numbers<[1], [0], [0], [1], [0, 0, 1, 1], [], []>, transpose_lhs_hint = false} : vector<1000x128xf32>, vector<128x16xf32>, vector<1000x16xf32> -> vector<1000x16xf32>
    %swap3A_17 = arith.constant 0 : index
    %swap3A_18 = arith.constant 0 : index
    %swap3A_19 = vector.load %arg6[%swap3A_17, %swap3A_18] : memref<1000x16xf32, #tpu.memory_space<vmem>>, vector<1000x16xf32>
    tpu.vector_store %arg6[%swap3A_17, %swap3A_18], %dot_general3A_16 {strides = array<i32>} : memref<1000x16xf32, #tpu.memory_space<vmem>>, vector<1000x16xf32>,
    %slice3A_20 = vector.extract_strided_slice %dot_general3A_16 {offsets = [0, 8], sizes = [1000, 8], strides = [1, 1]} : vector<1000x16xf32> to vector<1000x8xf32>
    %slice3A_21 = vector.extract_strided_slice %dot_general3A_16 {offsets = [0, 0], sizes = [1000, 8], strides = [1, 1]} : vector<1000x16xf32> to vector<1000x8xf32>
    %concatenate3A = tpu.concatenate %slice3A_20, %slice3A_21 in 1 : vector<1000x8xf32>, vector<1000x8xf32> -> vector<1000x16xf32>
    %swap3A_22 = arith.constant 0 : index
    %swap3A_23 = arith.constant 0 : index
    %swap3A_24 = vector.load %arg7[%swap3A_22, %swap3A_23] : memref<1000x16xf32, #tpu.memory_space<vmem>>, vector<1000x16xf32>
    tpu.vector_store %arg7[%swap3A_22, %swap3A_23], %concatenate3A {strides = array<i32>} : memref<1000x16xf32, #tpu.memory_space<vmem>>, vector<1000x16xf32>,
    %reduce_max3A = arith.constant dense<0xFF800000> : vector<16xf32>
    %reduce_max3A_25 = vector.multi_reduction <maximumf>, %dot_general3A_16, %reduce_max3A [0] : vector<1000x16xf32> to vector<16xf32>
    %broadcast_in_dim3A = vector.shape_cast %reduce_max3A_25 : vector<16xf32> to vector<1x16xf32>
    %broadcast_in_dim3A_26 = vector.shape_cast %broadcast_in_dim3A : vector<1x16xf32> to vector<1x16xf32>
    %broadcast_in_dim3A_27 = vector.broadcast %broadcast_in_dim3A_26 : vector<1x16xf32> to vector<8x16xf32>
    %eq3A = arith.constant 0 : i32
    %eq3A_28 = arith.cmpi eq, %arg0, %eq3A : i32
    %convert_element_type3A = arith.extui %eq3A_28 : i1 to i32
    %cond3A = arith.constant 0 : i32
    %cond3A_29 = arith.cmpi ne, %convert_element_type3A, %cond3A : i32
    scf.if %cond3A_29 {
      %swap3A_34 = arith.constant 0 : index
      %swap3A_35 = arith.constant 0 : index
      %swap3A_36 = vector.load %arg8[%swap3A_34, %swap3A_35] : memref<8x16xf32, #tpu.memory_space<vmem>>, vector<8x16xf32>
      tpu.vector_store %arg8[%swap3A_34, %swap3A_35], %broadcast_in_dim3A_27 {strides = array<i32>} : memref<8x16xf32, #tpu.memory_space<vmem>>, vector<8x16xf32>,
    } else {
    }
    %ne3A = arith.constant 0 : i32
    %ne3A_30 = arith.cmpi ne, %arg0, %ne3A : i32
    %convert_element_type3A_31 = arith.extui %ne3A_30 : i1 to i32
    %cond3A_32 = arith.constant 0 : i32
    %cond3A_33 = arith.cmpi ne, %convert_element_type3A_31, %cond3A_32 : i32
    scf.if %cond3A_33 {
      %get3A_34 = arith.constant 0 : index
      %get3A_35 = arith.constant 0 : index
      %get3A_36 = vector.load %arg8[%get3A_34, %get3A_35] : memref<8x16xf32, #tpu.memory_space<vmem>>, vector<8x16xf32>
      %max3A = arith.maximumf %get3A_36, %broadcast_in_dim3A_27 : vector<8x16xf32>
      %swap3A_37 = arith.constant 0 : index
      %swap3A_38 = arith.constant 0 : index
      %swap3A_39 = vector.load %arg8[%swap3A_37, %swap3A_38] : memref<8x16xf32, #tpu.memory_space<vmem>>, vector<8x16xf32>
      tpu.vector_store %arg8[%swap3A_37, %swap3A_38], %max3A {strides = array<i32>} : memref<8x16xf32, #tpu.memory_space<vmem>>, vector<8x16xf32>,
    } else {
    }
    return
  }
  func.func @transform_0(%arg0: i32) -> (i32, i32) {
    %c0_i32 = arith.constant 0 : i32
    %c0_i32_0 = arith.constant 0 : i32
    return %arg0, %c0_i32 : i32, i32
  }
  func.func @transform_1(%arg0: i32) -> (i32, i32) {
    %c0_i32 = arith.constant 0 : i32
    %c0_i32_0 = arith.constant 0 : i32
    %c0_i32_1 = arith.constant 0 : i32
    return %c0_i32, %c0_i32_0 : i32, i32
  }
  func.func @transform_2(%arg0: i32) -> (i32, i32) {
    %c0_i32 = arith.constant 0 : i32
    %c0_i32_0 = arith.constant 0 : i32
    %c0_i32_1 = arith.constant 0 : i32
    return %c0_i32, %c0_i32_0 : i32, i32
  }
  func.func @transform_3(%arg0: i32) -> (i32, i32) {
    %c0_i32 = arith.constant 0 : i32
    %c0_i32_0 = arith.constant 0 : i32
    return %arg0, %c0_i32 : i32, i32
  }
  func.func @transform_4(%arg0: i32) -> (i32, i32) {
    %c0_i32 = arith.constant 0 : i32
    %c0_i32_0 = arith.constant 0 : i32
    return %arg0, %c0_i32 : i32, i32
  }
  func.func @transform_5(%arg0: i32) -> (i32, i32) {
    %c0_i32 = arith.constant 0 : i32
    %c0_i32_0 = arith.constant 0 : i32
    return %arg0, %c0_i32 : i32, i32
  }
  func.func @transform_6(%arg0: i32) -> (i32, i32) {
    %c0_i32 = arith.constant 0 : i32
    %c0_i32_0 = arith.constant 0 : i32
    return %arg0, %c0_i32 : i32, i32
  }
  func.func @transform_7(%arg0: i32) -> (i32, i32) {
    %c0_i32 = arith.constant 0 : i32
    %c0_i32_0 = arith.constant 0 : i32
    %c0_i32_1 = arith.constant 0 : i32
    return %c0_i32, %c0_i32_0 : i32, i32
  }
}

module attributes {stable_mosaic.version = 14 : i64} {
  func.func @_tc2_body(%arg0: i32, %arg1: memref<1x1000x80xf32, #tpu.memory_space<vmem>>, %arg2: memref<1x1000x80xf32, #tpu.memory_space<vmem>>, %arg3: memref<8x128xf32, #tpu.memory_space<vmem>>, %arg4: memref<1x128xf32, #tpu.memory_space<vmem>>, %arg5: memref<128x16xf32, #tpu.memory_space<vmem>>, %arg6: memref<16x16xf32, #tpu.memory_space<vmem>>, %arg7: memref<1000x16xf32, #tpu.memory_space<vmem>>, %arg8: memref<1000x16xf32, #tpu.memory_space<vmem>>, %arg9: memref<8x16xf32, #tpu.memory_space<vmem>>) attributes {dimension_semantics = [#tpu.dimension_semantics<arbitrary>], iteration_bounds = array<i64: 10>, scalar_prefetch = 0 : i64, scratch_operands = 0 : i64, tpu.core_type = #tpu.core_type<tc>, window_params = [{transform_indices = @transform_0, window_bounds = array<i64: 1, 1000, 80>}, {transform_indices = @transform_1, window_bounds = array<i64: 1, 1000, 80>}, {pipeline_mode = #tpu.pipeline_mode<synchronous>, transform_indices = @transform_2, window_bounds = array<i64: 8, 128>}, {pipeline_mode = #tpu.pipeline_mode<synchronous>, transform_indices = @transform_3, window_bounds = array<i64: 1, 128>}, {pipeline_mode = #tpu.pipeline_mode<synchronous>, transform_indices = @transform_4, window_bounds = array<i64: 128, 16>}, {pipeline_mode = #tpu.pipeline_mode<synchronous>, transform_indices = @transform_5, window_bounds = array<i64: 16, 16>}, {transform_indices = @transform_6, window_bounds = array<i64: 1000, 16>}, {transform_indices = @transform_7, window_bounds = array<i64: 1000, 16>}, {pipeline_mode = #tpu.pipeline_mode<synchronous>, transform_indices = @transform_8, window_bounds = array<i64: 8, 16>}]} {
    %get3A = arith.constant 0 : index
    %get3A_0 = arith.constant 0 : index
    %get3A_1 = arith.constant 0 : index
    %get3A_2 = vector.load %arg1[%get3A, %get3A_0, %get3A_1] : memref<1x1000x80xf32, #tpu.memory_space<vmem>>, vector<1x1000x80xf32>
    %get3A_3 = vector.shape_cast %get3A_2 : vector<1x1000x80xf32> to vector<1000x80xf32>
    %get3A_4 = arith.constant 0 : index
    %get3A_5 = arith.constant 0 : index
    %get3A_6 = arith.constant 0 : index
    %get3A_7 = vector.load %arg2[%get3A_4, %get3A_5, %get3A_6] : memref<1x1000x80xf32, #tpu.memory_space<vmem>>, vector<1x1000x80xf32>
    %get3A_8 = vector.shape_cast %get3A_7 : vector<1x1000x80xf32> to vector<1000x80xf32>
    %slice3A = vector.extract_strided_slice %get3A_3 {offsets = [0, 0], sizes = [1000, 64], strides = [1, 1]} : vector<1000x80xf32> to vector<1000x64xf32>
    %slice3A_9 = vector.extract_strided_slice %get3A_8 {offsets = [0, 0], sizes = [1000, 64], strides = [1, 1]} : vector<1000x80xf32> to vector<1000x64xf32>
    %concatenate3A = tpu.concatenate %slice3A, %slice3A_9 in 1 : vector<1000x64xf32>, vector<1000x64xf32> -> vector<1000x128xf32>
    %slice3A_10 = vector.extract_strided_slice %get3A_3 {offsets = [0, 64], sizes = [1000, 8], strides = [1, 1]} : vector<1000x80xf32> to vector<1000x8xf32>
    %get3A_11 = arith.constant 0 : index
    %get3A_12 = arith.constant 0 : index
    %get3A_13 = vector.load %arg3[%get3A_11, %get3A_12] : memref<8x128xf32, #tpu.memory_space<vmem>>, vector<8x128xf32>
    %dot_general3A = arith.constant dense<0.000000e+00> : vector<1000x128xf32>
    %dot_general3A_14 = tpu.matmul %slice3A_10, %get3A_13, %dot_general3A {dimension_numbers = #tpu.dot_dimension_numbers<[1], [0], [0], [1], [0, 0, 1, 1], [], []>, transpose_lhs_hint = false} : vector<1000x8xf32>, vector<8x128xf32>, vector<1000x128xf32> -> vector<1000x128xf32>
    %add3A = arith.constant 1.000000e-16 : f32
    %add3A_15 = vector.broadcast %add3A : f32 to vector<1000x128xf32>
    %add3A_16 = arith.addf %dot_general3A_14, %add3A_15 : vector<1000x128xf32>
    %div3A = arith.divf %concatenate3A, %add3A_16 : vector<1000x128xf32>
    %get3A_17 = arith.constant 0 : index
    %get3A_18 = arith.constant 0 : index
    %get3A_19 = vector.load %arg4[%get3A_17, %get3A_18] : memref<1x128xf32, #tpu.memory_space<vmem>>, vector<1x128xf32>
    %add3A_20 = vector.broadcast %get3A_19 : vector<1x128xf32> to vector<1000x128xf32>
    %add3A_21 = arith.addf %div3A, %add3A_20 : vector<1000x128xf32>
    %gt3A = arith.constant 0.000000e+00 : f32
    %gt3A_22 = vector.broadcast %gt3A : f32 to vector<1000x128xf32>
    %gt3A_23 = arith.cmpf ogt, %add3A_21, %gt3A_22 : vector<1000x128xf32>
    %min3A = arith.constant 0.000000e+00 : f32
    %min3A_24 = vector.broadcast %min3A : f32 to vector<1000x128xf32>
    %min3A_25 = arith.minimumf %add3A_21, %min3A_24 : vector<1000x128xf32>
    %exp3A = math.exp %min3A_25 : vector<1000x128xf32>
    %sub3A = arith.constant 1.000000e+00 : f32
    %sub3A_26 = vector.broadcast %sub3A : f32 to vector<1000x128xf32>
    %sub3A_27 = arith.subf %exp3A, %sub3A_26 : vector<1000x128xf32>
    %select_n3A = arith.select %gt3A_23, %add3A_21, %sub3A_27 : vector<1000x128xi1>, vector<1000x128xf32>
    %get3A_28 = arith.constant 0 : index
    %get3A_29 = arith.constant 0 : index
    %get3A_30 = vector.load %arg5[%get3A_28, %get3A_29] : memref<128x16xf32, #tpu.memory_space<vmem>>, vector<128x16xf32>
    %dot_general3A_31 = arith.constant dense<0.000000e+00> : vector<1000x16xf32>
    %dot_general3A_32 = tpu.matmul %select_n3A, %get3A_30, %dot_general3A_31 {dimension_numbers = #tpu.dot_dimension_numbers<[1], [0], [0], [1], [0, 0, 1, 1], [], []>, transpose_lhs_hint = false} : vector<1000x128xf32>, vector<128x16xf32>, vector<1000x16xf32> -> vector<1000x16xf32>
    %swap3A = arith.constant 0 : index
    %swap3A_33 = arith.constant 0 : index
    %swap3A_34 = vector.load %arg7[%swap3A, %swap3A_33] : memref<1000x16xf32, #tpu.memory_space<vmem>>, vector<1000x16xf32>
    tpu.vector_store %arg7[%swap3A, %swap3A_33], %dot_general3A_32 {strides = array<i32>} : memref<1000x16xf32, #tpu.memory_space<vmem>>, vector<1000x16xf32>,
    %get3A_35 = arith.constant 0 : index
    %get3A_36 = arith.constant 0 : index
    %get3A_37 = vector.load %arg6[%get3A_35, %get3A_36] : memref<16x16xf32, #tpu.memory_space<vmem>>, vector<16x16xf32>
    %dot_general3A_38 = arith.constant dense<0.000000e+00> : vector<1000x16xf32>
    %dot_general3A_39 = tpu.matmul %dot_general3A_32, %get3A_37, %dot_general3A_38 {dimension_numbers = #tpu.dot_dimension_numbers<[1], [0], [0], [1], [0, 0, 1, 1], [], []>, transpose_lhs_hint = false} : vector<1000x16xf32>, vector<16x16xf32>, vector<1000x16xf32> -> vector<1000x16xf32>
    %swap3A_40 = arith.constant 0 : index
    %swap3A_41 = arith.constant 0 : index
    %swap3A_42 = vector.load %arg8[%swap3A_40, %swap3A_41] : memref<1000x16xf32, #tpu.memory_space<vmem>>, vector<1000x16xf32>
    tpu.vector_store %arg8[%swap3A_40, %swap3A_41], %dot_general3A_39 {strides = array<i32>} : memref<1000x16xf32, #tpu.memory_space<vmem>>, vector<1000x16xf32>,
    %reduce_max3A = arith.constant dense<0xFF800000> : vector<16xf32>
    %reduce_max3A_43 = vector.multi_reduction <maximumf>, %dot_general3A_39, %reduce_max3A [0] : vector<1000x16xf32> to vector<16xf32>
    %broadcast_in_dim3A = vector.shape_cast %reduce_max3A_43 : vector<16xf32> to vector<1x16xf32>
    %broadcast_in_dim3A_44 = vector.shape_cast %broadcast_in_dim3A : vector<1x16xf32> to vector<1x16xf32>
    %broadcast_in_dim3A_45 = vector.broadcast %broadcast_in_dim3A_44 : vector<1x16xf32> to vector<8x16xf32>
    %eq3A = arith.constant 0 : i32
    %eq3A_46 = arith.cmpi eq, %arg0, %eq3A : i32
    %convert_element_type3A = arith.extui %eq3A_46 : i1 to i32
    %cond3A = arith.constant 0 : i32
    %cond3A_47 = arith.cmpi ne, %convert_element_type3A, %cond3A : i32
    scf.if %cond3A_47 {
      %swap3A_52 = arith.constant 0 : index
      %swap3A_53 = arith.constant 0 : index
      %swap3A_54 = vector.load %arg9[%swap3A_52, %swap3A_53] : memref<8x16xf32, #tpu.memory_space<vmem>>, vector<8x16xf32>
      tpu.vector_store %arg9[%swap3A_52, %swap3A_53], %broadcast_in_dim3A_45 {strides = array<i32>} : memref<8x16xf32, #tpu.memory_space<vmem>>, vector<8x16xf32>,
    } else {
    }
    %ne3A = arith.constant 0 : i32
    %ne3A_48 = arith.cmpi ne, %arg0, %ne3A : i32
    %convert_element_type3A_49 = arith.extui %ne3A_48 : i1 to i32
    %cond3A_50 = arith.constant 0 : i32
    %cond3A_51 = arith.cmpi ne, %convert_element_type3A_49, %cond3A_50 : i32
    scf.if %cond3A_51 {
      %get3A_52 = arith.constant 0 : index
      %get3A_53 = arith.constant 0 : index
      %get3A_54 = vector.load %arg9[%get3A_52, %get3A_53] : memref<8x16xf32, #tpu.memory_space<vmem>>, vector<8x16xf32>
      %max3A = arith.maximumf %get3A_54, %broadcast_in_dim3A_45 : vector<8x16xf32>
      %swap3A_55 = arith.constant 0 : index
      %swap3A_56 = arith.constant 0 : index
      %swap3A_57 = vector.load %arg9[%swap3A_55, %swap3A_56] : memref<8x16xf32, #tpu.memory_space<vmem>>, vector<8x16xf32>
      tpu.vector_store %arg9[%swap3A_55, %swap3A_56], %max3A {strides = array<i32>} : memref<8x16xf32, #tpu.memory_space<vmem>>, vector<8x16xf32>,
    } else {
    }
    return
  }
  func.func @transform_0(%arg0: i32) -> (i32, i32, i32) {
    %c0_i32 = arith.constant 0 : i32
    %c0_i32_0 = arith.constant 0 : i32
    %c0_i32_1 = arith.constant 0 : i32
    return %c0_i32, %arg0, %c0_i32_0 : i32, i32, i32
  }
  func.func @transform_1(%arg0: i32) -> (i32, i32, i32) {
    %c1_i32 = arith.constant 1 : i32
    %c0_i32 = arith.constant 0 : i32
    %c0_i32_0 = arith.constant 0 : i32
    return %c1_i32, %arg0, %c0_i32 : i32, i32, i32
  }
  func.func @transform_2(%arg0: i32) -> (i32, i32) {
    %c0_i32 = arith.constant 0 : i32
    %c0_i32_0 = arith.constant 0 : i32
    %c0_i32_1 = arith.constant 0 : i32
    return %c0_i32, %c0_i32_0 : i32, i32
  }
  func.func @transform_3(%arg0: i32) -> (i32, i32) {
    %c0_i32 = arith.constant 0 : i32
    %c0_i32_0 = arith.constant 0 : i32
    %c0_i32_1 = arith.constant 0 : i32
    return %c0_i32, %c0_i32_0 : i32, i32
  }
  func.func @transform_4(%arg0: i32) -> (i32, i32) {
    %c0_i32 = arith.constant 0 : i32
    %c0_i32_0 = arith.constant 0 : i32
    %c0_i32_1 = arith.constant 0 : i32
    return %c0_i32, %c0_i32_0 : i32, i32
  }
  func.func @transform_5(%arg0: i32) -> (i32, i32) {
    %c0_i32 = arith.constant 0 : i32
    %c0_i32_0 = arith.constant 0 : i32
    %c0_i32_1 = arith.constant 0 : i32
    return %c0_i32, %c0_i32_0 : i32, i32
  }
  func.func @transform_6(%arg0: i32) -> (i32, i32) {
    %c0_i32 = arith.constant 0 : i32
    %c0_i32_0 = arith.constant 0 : i32
    return %arg0, %c0_i32 : i32, i32
  }
  func.func @transform_7(%arg0: i32) -> (i32, i32) {
    %c0_i32 = arith.constant 0 : i32
    %c0_i32_0 = arith.constant 0 : i32
    return %arg0, %c0_i32 : i32, i32
  }
  func.func @transform_8(%arg0: i32) -> (i32, i32) {
    %c0_i32 = arith.constant 0 : i32
    %c0_i32_0 = arith.constant 0 : i32
    %c0_i32_1 = arith.constant 0 : i32
    return %c0_i32, %c0_i32_0 : i32, i32
  }
}

module attributes {stable_mosaic.version = 14 : i64} {
  func.func @_tc3_body(%arg0: i32, %arg1: memref<1x1000x32xf32, #tpu.memory_space<vmem>>, %arg2: memref<1x1000x32xf32, #tpu.memory_space<vmem>>, %arg3: memref<1x16xf32, #tpu.memory_space<vmem>>, %arg4: memref<1000x16xf32, #tpu.memory_space<vmem>>) attributes {dimension_semantics = [#tpu.dimension_semantics<arbitrary>], iteration_bounds = array<i64: 10>, scalar_prefetch = 0 : i64, scratch_operands = 0 : i64, tpu.core_type = #tpu.core_type<tc>, window_params = [{transform_indices = @transform_0, window_bounds = array<i64: 1, 1000, 32>}, {transform_indices = @transform_1, window_bounds = array<i64: 1, 1000, 32>}, {pipeline_mode = #tpu.pipeline_mode<synchronous>, transform_indices = @transform_2, window_bounds = array<i64: 1, 16>}, {transform_indices = @transform_3, window_bounds = array<i64: 1000, 16>}]} {
    %get3A = arith.constant 0 : index
    %get3A_0 = arith.constant 0 : index
    %get3A_1 = arith.constant 0 : index
    %get3A_2 = vector.load %arg1[%get3A, %get3A_0, %get3A_1] : memref<1x1000x32xf32, #tpu.memory_space<vmem>>, vector<1x1000x32xf32>
    %get3A_3 = vector.shape_cast %get3A_2 : vector<1x1000x32xf32> to vector<1000x32xf32>
    %get3A_4 = arith.constant 0 : index
    %get3A_5 = arith.constant 0 : index
    %get3A_6 = arith.constant 0 : index
    %get3A_7 = vector.load %arg2[%get3A_4, %get3A_5, %get3A_6] : memref<1x1000x32xf32, #tpu.memory_space<vmem>>, vector<1x1000x32xf32>
    %get3A_8 = vector.shape_cast %get3A_7 : vector<1x1000x32xf32> to vector<1000x32xf32>
    %add3A = arith.addf %get3A_3, %get3A_8 : vector<1000x32xf32>
    %slice3A = vector.extract_strided_slice %add3A {offsets = [0, 0], sizes = [1000, 16], strides = [1, 1]} : vector<1000x32xf32> to vector<1000x16xf32>
    %slice3A_9 = vector.extract_strided_slice %add3A {offsets = [0, 16], sizes = [1000, 16], strides = [1, 1]} : vector<1000x32xf32> to vector<1000x16xf32>
    %add3A_10 = arith.constant 1.000000e-16 : f32
    %add3A_11 = vector.broadcast %add3A_10 : f32 to vector<1000x16xf32>
    %add3A_12 = arith.addf %slice3A_9, %add3A_11 : vector<1000x16xf32>
    %div3A = arith.divf %slice3A, %add3A_12 : vector<1000x16xf32>
    %get3A_13 = arith.constant 0 : index
    %get3A_14 = arith.constant 0 : index
    %get3A_15 = vector.load %arg3[%get3A_13, %get3A_14] : memref<1x16xf32, #tpu.memory_space<vmem>>, vector<1x16xf32>
    %add3A_16 = vector.broadcast %get3A_15 : vector<1x16xf32> to vector<1000x16xf32>
    %add3A_17 = arith.addf %div3A, %add3A_16 : vector<1000x16xf32>
    %swap3A = arith.constant 0 : index
    %swap3A_18 = arith.constant 0 : index
    %swap3A_19 = vector.load %arg4[%swap3A, %swap3A_18] : memref<1000x16xf32, #tpu.memory_space<vmem>>, vector<1000x16xf32>
    tpu.vector_store %arg4[%swap3A, %swap3A_18], %add3A_17 {strides = array<i32>} : memref<1000x16xf32, #tpu.memory_space<vmem>>, vector<1000x16xf32>,
    return
  }
  func.func @transform_0(%arg0: i32) -> (i32, i32, i32) {
    %c0_i32 = arith.constant 0 : i32
    %c0_i32_0 = arith.constant 0 : i32
    %c0_i32_1 = arith.constant 0 : i32
    return %c0_i32, %arg0, %c0_i32_0 : i32, i32, i32
  }
  func.func @transform_1(%arg0: i32) -> (i32, i32, i32) {
    %c1_i32 = arith.constant 1 : i32
    %c0_i32 = arith.constant 0 : i32
    %c0_i32_0 = arith.constant 0 : i32
    return %c1_i32, %arg0, %c0_i32 : i32, i32, i32
  }
  func.func @transform_2(%arg0: i32) -> (i32, i32) {
    %c0_i32 = arith.constant 0 : i32
    %c0_i32_0 = arith.constant 0 : i32
    %c0_i32_1 = arith.constant 0 : i32
    return %c0_i32, %c0_i32_0 : i32, i32
  }
  func.func @transform_3(%arg0: i32) -> (i32, i32) {
    %c0_i32 = arith.constant 0 : i32
    %c0_i32_0 = arith.constant 0 : i32
    return %arg0, %c0_i32 : i32, i32
  }
}

</mosaic_0001>

<sc_bundles>
// kernel: kernel.10.cloned.1.call-start
scs
__scs_entry_jumppad:
0x0: {  	(pc) =	sbr.rel $0x88, $3  }
0x1: {  	(tag) =	ssettag $0x0;
	lr =	simm.s32 $0x1  }
0x2: {  	[smem:$0x3F97] =	sst lr;
	_ =	strace $0xD0000000  }
0x3: {  	_ = 	snop  }
0x4: {  	_ = 	snop  }
0x5: {  	_ = 	snop  }
0x6: {  	_ = 	snop  }
0x7: {  	_ = 	snop  }
__scs_overlays_trampoline_lowered:
0x8: {  	[smem:$0x3FA6] =	sst s0  }
0x9: {  	[smem:$0x3FA7] =	sst s1  }
0xa: {  	[smem:$0x3FA8] =	sst s2  }
0xb: {  	[smem:$0x3FA9] =	sst s3  }
0xc: {  	[smem:$0x3FAA] =	sst s4  }
0xd: {  	[smem:$0x3FAB] =	sst s5  }
0xe: {  	[smem:$0x3FAC] =	sst s6  }
0xf: {  	[smem:$0x3FAD] =	sst s7  }
0x10: {  	[smem:$0x3FAE] =	sst s8  }
0x11: {  	[smem:$0x3FAF] =	sst s9;
	s0 =	simm.s32 @!p0 $0x0  }
0x12: {  	s1 =	sld [smem:$0x3F95];
	s0 =	simm.s32 @p0 $0x1  }
0x13: {  	[smem:$0x3FB0] =	sst s0;
	s0 =	simm.s32 @!p1 $0x0  }
0x14: {  	s2 =	sld [smem:$0x3F94];
	s0 =	simm.s32 @p1 $0x1  }
0x15: {  	[smem:$0x3FB1] =	sst s0;
	s0 =	simm.s32 @!p2 $0x0  }
0x16: {  	s3 =	sld [smem:$0x3FDB];
	s0 =	simm.s32 @p2 $0x1  }
0x17: {  	s4 =	simm.s32 $0x1BF5;
	[smem:$0x3FB3] =	sst s0  }
0x18: {  	s0 =	sld [smem:$0x3F96];
	_ =	swait.ge [sflag:s4], $0x0  }
0x19: {  	s7 =	sld [smem:$0x3F97]  }
0x1a: {  	s8 =	sadd.s32 $0xFFFFE003, lr  }
0x1b: {  	s9 =	sadd.s32 $0xFFFFFEF7, lr;
	s5 =	simm.s32 $0xFFFFFFFF;
	p2 =	slt.u32 s8, $0xFFFFF086  }
0x1c: {  	p1 =	slt.u32 s9, $0xF7A;
	s5 =	simm.s32 @!p2 $0x0  }
0x1d: {  	s5 =	simm.s32 @p1 $0x1;
	p0 =	seq.s32 s7, s2  }
0x1e: {  	s7 =	smul.u32 @!p0 $0xF7A, s2;
	p2 =	seq.s32 @!p0 s5, $0x0  }
0x1f: {  	s9 =	smul.u32 $0xF7A, s1;
	s8 =	simm.s32 @!p0 $0x1BF5;
	p2 =	por !p2, p0  }
0x20: {  	[sflag:s8] =	ssyncset.s32 @!p0 $0xFFFFF086;
	s6 =	sadd.s32 @!p0 s3, s7;
	s7 =	simm.s32 @!p0 $0x108  }
0x21: {  	s3 =	sadd.s32 s3, s9;
	s6 =	sadd.s32 @!p0 $0x88, s6;
	s7 =	simm.s32 @p2 $0x1082  }
0x22: {  	[simem:s7], [sflag:s8] =	dma.local @!p0 [hbm:s6], $0xF7A  }
0x23: {  	s9 =	sor.u32 $0xD0000000, s2;
	s6 =	simm.s32 $0x108;
	_ =	swait.ge @!p0 [sflag:s8], $0x0  }
0x24: {  	s3 =	sadd.s32 $0x88, s3;
	s6 =	simm.s32 @!p1 $0x1082;
	[sflag:s4] =	ssyncset.s32 $0xFFFFF086  }
0x25: {  	[simem:s6], [sflag:s4] =	dma.local [hbm:s3], $0xF7A  }
0x26: {  	[smem:$0x3F97] =	sst s1;
	(tag) =	ssettag s2;
	_ =	strace s9  }
0x27: {  	s1 =	sld [smem:$0x3FA7]  }
0x28: {  	s2 =	sld [smem:$0x3FA8]  }
0x29: {  	s4 =	sld [smem:$0x3FAA]  }
0x2a: {  	p0 =	seq.s32 s5, $0x0;
	s5 =	sld [smem:$0x3FAB]  }
0x2b: {  	s6 =	sld [smem:$0x3FAC]  }
0x2c: {  	s7 =	sld [smem:$0x3FAD]  }
0x2d: {  	s3 =	simm.s32 $0x108;
	s8 =	sld [smem:$0x3FAE]  }
0x2e: {  	s3 =	simm.s32 @!p0 $0x1082;
	s9 =	sld [smem:$0x3FAF]  }
0x2f: {  	lr =	sadd.s32 s0, s3;
	s0 =	sld [smem:$0x3FA6]  }
0x30: {  	s3 =	sld [smem:$0x3FA9]  }
0x31: {  	[smem:$0x3FB2] =	sst s10  }
0x32: {  	s10 =	sld [smem:$0x3FB0];
	_ =	sdelay $0x3  }
0x33: {  	p0 =	seq.s32 s10, $0x1;
	s10 =	sld [smem:$0x3FB2];
	_ =	sdelay $0x3  }
0x34: {  	[smem:$0x3FB2] =	sst s10  }
0x35: {  	s10 =	sld [smem:$0x3FB1];
	_ =	sdelay $0x3  }
0x36: {  	p1 =	seq.s32 s10, $0x1;
	s10 =	sld [smem:$0x3FB2];
	_ =	sdelay $0x3  }
0x37: {  	[smem:$0x3FB2] =	sst s10  }
0x38: {  	s10 =	sld [smem:$0x3FB3]  }
0x39: {  	_ = 	snop;
	(pc) =	sbr.ind lr, $3  }
0x3a: {  	_ = 	snop  }
0x3b: {  	_ = 	snop  }
0x3c: {  	p2 =	seq.s32 s10, $0x1;
	s10 =	sld [smem:$0x3FB2]  }
0x3d: {  	_ =	shalt  }
0x3e: {  	_ =	shalt  }
0x3f: {  	_ =	shalt  }
0x40: {  	_ =	shalt  }
0x41: {  	_ =	shalt  }
0x42: {  	_ =	shalt  }
0x43: {  	_ =	shalt  }
0x44: {  	_ =	shalt  }
0x45: {  	_ =	shalt  }
0x46: {  	_ =	shalt  }
0x47: {  	_ =	shalt  }
0x48: {  	_ =	shalt  }
0x49: {  	_ =	shalt  }
0x4a: {  	_ =	shalt  }
0x4b: {  	_ =	shalt  }
0x4c: {  	_ =	shalt  }
0x4d: {  	_ =	shalt  }
0x4e: {  	_ =	shalt  }
0x4f: {  	_ =	shalt  }
0x50: {  	_ =	shalt  }
0x51: {  	_ =	shalt  }
0x52: {  	_ =	shalt  }
0x53: {  	_ =	shalt  }
0x54: {  	_ =	shalt  }
0x55: {  	_ =	shalt  }
0x56: {  	_ =	shalt  }
0x57: {  	_ =	shalt  }
0x58: {  	_ =	shalt  }
0x59: {  	_ =	shalt  }
0x5a: {  	_ =	shalt  }
0x5b: {  	_ =	shalt  }
0x5c: {  	_ =	shalt  }
0x5d: {  	_ =	shalt  }
0x5e: {  	_ =	shalt  }
0x5f: {  	_ =	shalt  }
0x60: {  	_ =	shalt  }
0x61: {  	_ =	shalt  }
0x62: {  	_ =	shalt  }
0x63: {  	_ =	shalt  }
0x64: {  	_ =	shalt  }
0x65: {  	_ =	shalt  }
0x66: {  	_ =	shalt  }
0x67: {  	_ =	shalt  }
0x68: {  	_ =	shalt  }
0x69: {  	_ =	shalt  }
0x6a: {  	_ =	shalt  }
0x6b: {  	_ =	shalt  }
0x6c: {  	_ =	shalt  }
0x6d: {  	_ =	shalt  }
0x6e: {  	_ =	shalt  }
0x6f: {  	_ =	shalt  }
0x70: {  	_ =	shalt  }
0x71: {  	_ =	shalt  }
0x72: {  	_ =	shalt  }
0x73: {  	_ =	shalt  }
0x74: {  	_ =	shalt  }
0x75: {  	_ =	shalt  }
0x76: {  	_ =	shalt  }
0x77: {  	_ =	shalt  }
0x78: {  	_ =	shalt  }
0x79: {  	_ =	shalt  }
0x7a: {  	_ =	shalt  }
0x7b: {  	_ =	shalt  }
0x7c: {  	_ =	shalt  }
0x7d: {  	_ =	shalt  }
0x7e: {  	_ =	shalt  }
0x7f: {  	_ =	shalt  }
0x80: {  	_ =	shalt  }
0x81: {  	_ =	shalt  }
0x82: {  	_ =	shalt  }
0x83: {  	_ =	shalt  }
0x84: {  	_ =	shalt  }
0x85: {  	_ =	shalt  }
0x86: {  	_ =	shalt  }
0x87: {  	_ =	shalt  }
.Lfunc_end0:
.L_simem_size_0:
called_computation.1_lowered:
.L_overlay_start_0:
0x88: {  	s2 =	sld [smem:$0x3FD9]  }
0x89: {  	s3 =	sld [smem:$0x3FFE];
	_ =	sdelay $0x1  }
0x8a: {  	s1 =	srdreg.scid  }
0x8b: {  	s0 =	sand.u32 $0x1, s1  }
0x8c: {  	s17 =	sshll.u32 s0, $0xA;
	s2 =	sadd.s32 s3, s2  }
0x8d: {  	s2 =	sadd.s32 s2, s17  }
0x8e: {  	[smem:$0x3FBE] =	sst s2  }
0x8f: {  	_ = 	snop  }
0x90: {  	s2 =	sld [smem:$0x3FD0];
	(tm) =	ssettm $0x1  }
0x91: {  	s18 =	sld [smem:$0x3FFB];
	_ =	sdelay $0x3  }
0x92: {  	_ =	strace s18  }
0x93: {  	s3 =	sld [smem:$0x3FFC];
	_ =	sdelay $0x3  }
0x94: {  	_ =	strace s3  }
0x95: {  	s3 =	sld [smem:$0x3FFD];
	_ =	sdelay $0x3  }
0x96: {  	_ =	strace s3  }
0x97: {  	_ =	strace $0x8FFFFFFF  }
0x98: {  	s19 =	sld [smem:$0x3FDB];
	_ =	sdelay $0x1  }
0x99: {  	s4 =	simm.s32 $_scs_section_size  }
0x9a: {  	s5 =	simm.s32 $_size__tile_overlayer_lowered;
	s6 =	simm.s32 $_tile_overlayer_lowered  }
0x9b: {  	s22 =	simm.s32 $0x1BFF;
	s21 =	sshll.u32 s6, $0x1;
	s3 =	sadd.s32 s4, s19  }
0x9c: {  	s7 =	simm.s32 $0x0;
	s20 =	sshll.u32 s5, $0x1;
	s5 =	sadd.s32 s21, s3  }
0x9d: {  	[timem:s7], [sflag:s22] =	dma.local [hbm:s5], s20  }
0x9e: {  	_ =	swait.ge [sflag:s22], s20  }
0x9f: {  	s4 =	ssub.s32 $0x0, s20;
	[sflag:s22] =	ssyncset.done $0x0  }
0xa0: {  	[sflag:s22] =	ssyncadd.s32 s4;
	_ =	sdelay $0x1  }
0xa1: {  	s23 =	simm.s32 $0x1B8B  }
0xa2: {  	_ =	swait.ge [sflag:s23], $0x1  }
0xa3: {  	[sflag:s23] =	ssyncset.done $0x0  }
0xa4: {  	s25 =	simm.s32 $0x1B8E;
	s24 =	sld [smem:$0x3FFE];
	[sflag:s23] =	ssyncadd.s32 $0xFFFFFFFF  }
0xa5: {  	s26 =	simm.s32 $execute0_lowered;
	[smem:$0x3FD2] =	sst s25  }
0xa6: {  	s5 =	sshll.u32 s26, $0x1;
	_ =	strace $0x80000049;
	[dreg:$0x1] =	wrdreg $0xFFFFFFFF  }
0xa7: {  	s28 =	simm.s32 $_size_execute0_lowered;
	s3 =	sadd.s32 s3, s5;
	[dreg:$0x0] =	wrdreg $0x0  }
0xa8: {  	s5 =	sshll.u32 s28, $0x1;
	[dreg:$0x2] =	wrdreg s3  }
0xa9: {  	[dreg:$0x3] =	wrdreg s5  }
0xaa: {  	[dreg:$0x4] =	wrdreg $0xC0  }
0xab: {  	_ =	task [dreg:s7], $0x5FFFF  }
0xac: {  	[dreg:$0x1] =	wrdreg $0xFFFFFFFF  }
0xad: {  	[dreg:$0x0] =	wrdreg $0x60  }
0xae: {  	[dreg:$0x2] =	wrdreg s24  }
0xaf: {  	[dreg:$0x3] =	wrdreg s2  }
0xb0: {  	[dreg:$0x4] =	wrdreg $0x9D300  }
0xb1: {  	[dreg:$0x5] =	wrdreg $0x9  }
0xb2: {  	_ =	task.clear_ibuf [dreg:s7], $0x6FFFF;
	_ =	strace $0x90000049  }
0xb3: {  	s29 =	simm.s32 $0x9;
	_ =	strace $0x8000004B  }
0xb4: {  	_ =	swait.ge [sflag:s29], $0x1  }
0xb5: {  	[sflag:s29] =	ssyncadd.s32 $0xFFFFFFFF  }
0xb6: {  	_ =	strace $0x9000004B  }
0xb7: {  	_ =	sfence  }
0xb8: {  	s30 =	sld [smem:$0x0];
	_ =	sdelay $0x2  }
0xb9: {  	s31 =	sshll.u32 s1, $0xD;
	s1 =	sshrl.u32 s1, $0x2  }
0xba: {  	s3 =	sand.u32 $0x4000, s31;
	s1 =	sadd.s32 s1, s30  }
0xbb: {  	s0 =	sor.u32 s3, s0;
	s1 =	sshll.u32 s1, $0x11  }
0xbc: {  	s0 =	sor.u32 s1, s0  }
0xbd: {  	s0 =	sadd.s32 $0x8F2B, s0  }
0xbe: {  	[sflag:s0] =	ssyncadd.remote.s32 $0x1  }
0xbf: {  	_ =	sfence.sel $0xFFFF  }
0xc0: {  	[dreg:$0x0] =	wrdreg $0xFFFFFFFF;
	(pc) =	sbr.abs _section_cstart, $3  }
0xc1: {  	[dreg:$0x1] =	wrdreg $0xFFFFFFFF  }
0xc2: {  	_ =	task.clear_ibuf [dreg:s7], $0x2FFFF;
	_ =	strace $0x9FFFFFFF  }
0xc3: {  	(tm) =	ssettm $0x7FFFFFFF  }
tec
execute0_lowered:
.L_overlay_start_1:
0x0: {  	(tag) =	ssettag $0x1  }
0x1: {  	s0 =	rddreg [dreg:$0x0]  }
0x2: {  	s1 =	rddreg [dreg:$0x1]  }
0x3: {  	s2 =	rddreg [dreg:$0x2]  }
0x4: {  	s3 =	simm.s32 $0x0;
	s7 =	srdreg.scid;
	s28 =	simm.s32 $0xEB50  }
0x5: {  	s29 =	simm.s32 $0x103D0;
	s30 =	simm.s32 $0x1;
	s31 =	simm.s32 $0xF350  }
0x6: {  	[smem:$0x7FF] =	sst s3;
	s5 =	sadd.s32 $0x37400, s0;
	s6 =	sadd.s32 $0x2D600, s0  }
0x7: {  	s4 =	sadd.s32 $0x1600, s0;
	s15 =	sadd.s32 $0x1000, s0;
	s7 =	sand.u32 $0x1, s7  }
0x8: {  	s10 =	sadd.s32 $0x1C00, s0;
	_ =	strace $0x8000004A;
	[dreg:$0x4] =	wrdreg s4  }
0x9: {  	s19 =	sadd.s32 $0x49200, s2;
	[dreg:$0x5] =	wrdreg s15;
	s4 =	stileid.u32  }
0xa: {  	[dreg:$0x6] =	wrdreg s10;
	s16 =	ssub.s32 $0x2, s7;
	s15 =	sadd.s32 $0xBC00, s0  }
0xb: {  	[dreg:$0x9] =	wrdreg s19;
	s19 =	simm.s32 $0x0;
	s8 =	smul.u32 $0x4E00, s4  }
0xc: {  	s9 =	sshll.u32 s4, $0x1;
	s12 =	sshrl.u32 s16, $0x1;
	p0 =	sgt.u32 s4, $0x1  }
0xd: {  	p1 =	seq.s32 s4, $0xF;
	s9 =	sor.u32 s7, s9;
	s7 =	smul.u32 $0x4E200, s7  }
0xe: {  	s10 =	ssub.s32 s16, s12;
	s11 =	sshrl.u32 s8, $0x3;
	s13 =	smul.u32 $0x4E0, s9  }
0xf: {  	s9 =	sshll.u32 s9, $0x4;
	s14 =	sadd.s32 s8, s2;
	s26 =	smax.u32 s10, $0x1  }
0x10: {  	s11 =	sadd.s32 s11, s0;
	s9 =	sor.u32 $0x9C00, s9;
	s0 =	sadd.s32 $0xB040, s0  }
0x11: {  	s22 =	sadd.s32 s8, s7;
	s23 =	sshrl.u32 s7, $0x3;
	[dreg:$0x10] =	wrdreg s26  }
0x12: {  	s26 =	simm.s32 $0x80;
	s17 =	sadd.s32 s5, s13;
	[dreg:$0xa] =	wrdreg s0  }
0x13: {  	s18 =	sadd.s32 s6, s13;
	s20 =	sadd.s32 s5, s9;
	[dreg:$0x7] =	wrdreg s17  }
0x14: {  	s21 =	sadd.s32 s6, s9;
	s24 =	sadd.s32 $0x1E00, s11;
	[dreg:$0x8] =	wrdreg s18  }
.Ltmp0:
0x15: {  	s0 =	sshrl.u32 s22, $0x3;
	[dreg:$0xb] =	wrdreg s20;
	(pc) =	sbr.rel .LBB2_1-.Ltmp0, $4  }
0x16: {  	s5 =	sadd.s32 s15, s23;
	s22 =	simm.s32 $0x7610;
	[dreg:$0xc] =	wrdreg s21  }
0x17: {  	s11 =	simm.s32 $0x10BD0;
	[dreg:$0xd] =	wrdreg s24;
	s0 =	sadd.s32 s15, s0  }
0x18: {  	s25 =	sadd.s32 $0x9240, s5;
	s20 =	simm.s32 $0x3;
	[dreg:$0xe] =	wrdreg s0  }
0x19: {  	s21 =	simm.s32 $0x4F00;
	[dreg:$0xf] =	wrdreg s25;
	s0 =	simm.s32 $0x2  }
.LBB2_22:
0x1a: {  	[bflag:$0x0] =	sbarrier.arrive $0xFFFF  }
0x1b: {  	s5 =	sshll.u32 @p2 s4, $0x6;
	s6 =	rddreg [dreg:$0x9]  }
0x1c: {  	s5 =	sor.u32 @p2 $0x1C03, s5;
	s7 =	rddreg [dreg:$0xf];
	s6 =	sshrl.u32 @p2 s6, $0x3  }
0x1d: {  	[hbm:s7], [sflag:s5] =	dma.local @p2 [spmem:s6], $0xA00  }
0x1e: {  	s5 =	simm.s32 @p2 $0x3  }
0x1f: {  	_ =	swait.ge @p2 [sflag:s5], $0xA00  }
0x20: {  	s6 =	sshll.u32 @!p2 s4, $0x6;
	[sflag:s5] =	ssyncset.done @p2 $0x0;
	s7 =	rddreg [dreg:$0xe]  }
0x21: {  	[sflag:s5] =	ssyncadd.s32 @p2 $0xFFFFF600;
	s5 =	sor.u32 @!p2 $0x1C03, s6;
	s6 =	sshrl.u32 @!p2 s14, $0x3  }
0x22: {  	[hbm:s7], [sflag:s5] =	dma.local @!p2 [spmem:s6], $0x9C0  }
0x23: {  	s5 =	simm.s32 @!p2 $0x3  }
0x24: {  	_ =	swait.ge @!p2 [sflag:s5], $0x9C0  }
0x25: {  	s19 =	sadd.s32 $0x1, s19;
	s25 =	rddreg [dreg:$0x10]  }
0x26: {  	p3 =	sne.s32 s19, s25  }
.Ltmp1:
0x27: {  	_ = 	snop;
	(pc) =	sbr.rel @!p3 .LBB2_23-.Ltmp1, $3  }
0x28: {  	_ =	sdelay $0x1  }
0x29: {  	[sflag:s5] =	ssyncset.done @!p2 $0x0  }
0x2a: {  	[sflag:s5] =	ssyncadd.s32 @!p2 $0xFFFFF640  }
.LBB2_1:
0x2b: {  	s5 =	rddreg [dreg:$0x6];
	s6 =	simm.s32 $0x9D20  }
0x2c: {  	[tilespmem:s6], [sflag:$0x3] =	stream.linear.gather [hbm4b:s5+s3], $0x10, $0x38;
	[tilespmem:$0x11C50] =	vst v63  }
0x2d: {  	_ =	swait.ge [sflag:s20], $0x10  }
0x2e: {  	[sflag:s20] =	ssyncset.done $0x0  }
0x2f: {  	s17 =	rddreg [dreg:$0x4];
	[sflag:s20] =	ssyncadd.s32 $0xFFFFFFF0  }
0x30: {  	[tilespmem:s21], [sflag:$0x3] =	stream.linear.gather [hbm4b:s17+s3], $0x2710, $0x38;
	[tilespmem:$0x11C50] =	vst v63  }
0x31: {  	_ =	swait.ge [sflag:s20], $0x2710  }
0x32: {  	[sflag:s20] =	ssyncset.done $0x0  }
0x33: {  	s18 =	rddreg [dreg:$0x5];
	[sflag:s20] =	ssyncadd.s32 $0xFFFFD8F0  }
0x34: {  	[tilespmem:s22], [sflag:$0x3] =	stream.linear.gather [hbm4b:s18+s3], $0x2710, $0x38;
	[tilespmem:$0x11C50] =	vst v63  }
0x35: {  	_ =	swait.ge [sflag:s20], $0x2710  }
0x36: {  	[sflag:s20] =	ssyncset.done $0x0  }
0x37: {  	s23 =	rddreg [dreg:$0x7];
	[sflag:s20] =	ssyncadd.s32 $0xFFFFD8F0  }
0x38: {  	[tilespmem:s3], [sflag:$0x3] =	stream.linear.gather [hbm4b:s23+s3], $0x2700, $0x38;
	[tilespmem:$0x11C50] =	vst v63  }
0x39: {  	_ =	swait.ge [sflag:s20], $0x2700  }
0x3a: {  	s25 =	simm.s32 $0x2780;
	[sflag:s20] =	ssyncset.done $0x0  }
.Ltmp2:
0x3b: {  	s24 =	rddreg [dreg:$0x8];
	[sflag:s20] =	ssyncadd.s32 $0xFFFFD900;
	(pc) =	sbr.rel @p0 .LBB2_3-.Ltmp2, $4  }
0x3c: {  	[tilespmem:s25], [sflag:$0x3] =	stream.linear.gather [hbm4b:s24+s3], $0x2700, $0x38;
	[tilespmem:$0x11C50] =	vst v63  }
0x3d: {  	_ =	swait.ge [sflag:s20], $0x2700  }
0x3e: {  	[sflag:s20] =	ssyncset.done $0x0  }
0x3f: {  	[sflag:s20] =	ssyncadd.s32 $0xFFFFD900  }
0x40: {  	s5 =	rddreg [dreg:$0xb];
	s6 =	simm.s32 $0x2700  }
0x41: {  	[tilespmem:s6], [sflag:$0x3] =	stream.linear.gather [hbm4b:s5+s3], $0x80, $0x38;
	[tilespmem:$0x11C50] =	vst v63  }
0x42: {  	_ =	swait.ge [sflag:s20], $0x80  }
0x43: {  	s25 =	simm.s32 $0x4E80;
	[sflag:s20] =	ssyncset.done $0x0  }
.Ltmp3:
0x44: {  	s24 =	rddreg [dreg:$0xc];
	[sflag:s20] =	ssyncadd.s32 $0xFFFFFF80;
	(pc) =	sbr.rel .LBB2_4-.Ltmp3, $4  }
0x45: {  	[tilespmem:s25], [sflag:$0x3] =	stream.linear.gather [hbm4b:s24+s3], $0x80, $0x38;
	[tilespmem:$0x11C50] =	vst v63  }
0x46: {  	_ =	swait.ge [sflag:s20], $0x80  }
0x47: {  	[sflag:s20] =	ssyncset.done $0x0  }
0x48: {  	[sflag:s20] =	ssyncadd.s32 $0xFFFFFF80  }
.LBB2_3:
.Ltmp4:
0x49: {  	(pc) =	sbr.rel @!p1 .LBB2_4-.Ltmp4, $1  }
0x4a: {  	_ =	sdelay $0x3  }
0x4b: {  	s5 =	rddreg [dreg:$0x9]  }
0x4c: {  	s6 =	rddreg [dreg:$0xa]  }
.Ltmp5:
0x4d: {  	s7 =	simm.s32 $0x1FC3;
	s5 =	sshrl.u32 s5, $0x3;
	(pc) =	sbr.rel .LBB2_6-.Ltmp5, $4  }
0x4e: {  	[spmem:s5], [sflag:s7] =	dma.local [hbm:s6], $0xA00  }
0x4f: {  	_ =	swait.ge [sflag:s20], $0xA00  }
0x50: {  	[sflag:s20] =	ssyncset.done $0x0  }
0x51: {  	p2 =	por $0x1, $0x1;
	[sflag:s20] =	ssyncadd.s32 $0xFFFFF600  }
.LBB2_4:
0x52: {  	s5 =	sshll.u32 s4, $0x6  }
0x53: {  	s6 =	sshrl.u32 s14, $0x3;
	s7 =	rddreg [dreg:$0xd];
	s5 =	sor.u32 $0x1C03, s5  }
0x54: {  	[spmem:s6], [sflag:s5] =	dma.local [hbm:s7], $0x9C0  }
0x55: {  	_ =	swait.ge [sflag:s20], $0x9C0  }
0x56: {  	[sflag:s20] =	ssyncset.done $0x0  }
0x57: {  	p2 =	por $0x0, $0x0;
	[sflag:s20] =	ssyncadd.s32 $0xFFFFF640  }
.LBB2_6:
0x58: {  	[bflag:$0x0] =	sbarrier.arrive $0xFFFF;
	s23 =	simm.s32 $0x0;
	s24 =	simm.s32 $0x2790  }
0x59: {  	s25 =	simm.s32 $0x10;
	s12 =	simm.s32 $0x2810;
	s13 =	simm.s32 $0x90  }
0x5a: {  	v0 =	vld [tilespmem:$0x9D20];
	[tilespmem:s28], [sflag:$0x1] =	stream.indirect.gather [hbm4b:s1+s26], $0x10, s23, s26, $0xb8  }
.LBB2_7:
0x5b: {  	s5 =	sshll.u32 s23, $0x8  }
0x5c: {  	s15 =	sor.u32 $0x80, s5  }
0x5d: {  	[tilespmem:s29], [sflag:$0x2] =	stream.indirect.gather [hbm4b:s1+s26], $0x10, s15, s26, $0xb8;
	[tilespmem:$0x11C50] =	vst v63  }
0x5e: {  	v1 =	vld [tilespmem:s25+$0x0]  }
0x5f: {  	v2 =	vld [tilespmem:s24+$0x0]  }
0x60: {  	v3 =	vld [tilespmem:s24+$0xFFFFFFF0]  }
0x61: {  	v4 =	vld [tilespmem:s25+$0xFFFFFFF0];
	_ =	sdelay $0x2  }
0x62: {  	s6 =	sadd.s32 $0x20, s25  }
0x63: {  	v5 =	vld [tilespmem:s6+$0x0]  }
0x64: {  	v1 =	vld.idx.msk [tilespmem:v1+s21+$0x0], $0xffff  }
0x65: {  	v2 =	vld.idx.msk [tilespmem:v2+s22+$0x0], $0xffff  }
0x66: {  	v3 =	vld.idx.msk [tilespmem:v3+s22+$0x0], $0xffff  }
0x67: {  	s7 =	sadd.s32 $0x20, s24;
	v4 =	vld.idx.msk [tilespmem:v4+s21+$0x0], $0xffff  }
0x68: {  	v6 =	vld [tilespmem:s7+$0x0]  }
0x69: {  	v7 =	vld [tilespmem:s7+$0xFFFFFFF0]  }
0x6a: {  	v8 =	vld [tilespmem:s6+$0xFFFFFFF0]  }
0x6b: {  	v1 =	vadd.f32 v2, v1  }
0x6c: {  	v2 =	vadd.f32 v3, v4  }
0x6d: {  	v3 =	vmul.f32 $2.000000030e-01, v1  }
0x6e: {  	v4 =	vmul.f32 $2.000000030e-01, v2  }
0x6f: {  	v1 =	vmax.f32 v1, v3;
	v3 =	vld.idx.msk [tilespmem:v5+s21+$0x0], $0xffff  }
0x70: {  	v5 =	vld.idx.msk [tilespmem:v6+s22+$0x0], $0xffff;
	v2 =	vmax.f32 v2, v4;
	v1 =	vsub.f32 v1, v0  }
0x71: {  	v4 =	vld.idx.msk [tilespmem:v7+s22+$0x0], $0xffff;
	v2 =	vsub.f32 v2, v0  }
0x72: {  	s9 =	sadd.s32 $0x20, s6;
	v6 =	vld.idx.msk [tilespmem:v8+s21+$0x0], $0xffff;
	v1 =	vmul.f32 $1.442695020e+00, v1  }
0x73: {  	s7 =	sadd.s32 $0x20, s7;
	v7 =	vld [tilespmem:s9+$0x0];
	v2 =	vmul.f32 $1.442695020e+00, v2  }
0x74: {  	v9 =	vld [tilespmem:s7+$0xFFFFFFF0];
	(erf) = vpow2.f32 v1  }
0x75: {  	v8 =	vld [tilespmem:s7+$0x0];
	(erf) = vpow2.f32 v2  }
0x76: {  	v10 =	vld [tilespmem:s9+$0xFFFFFFF0];
	v1 =	vadd.f32 v5, v3;
	_ =	sdelay $0x1  }
0x77: {  	v3 =	vadd.f32 v4, v6;
	v2 =	vmul.f32 $2.000000030e-01, v1;
	_ =	sdelay $0x1  }
0x78: {  	v4 =	vmul.f32 $2.000000030e-01, v3;
	v2 =	vmax.f32 v1, v2  }
0x79: {  	v1 =	vld.idx.msk [tilespmem:v7+s21+$0x0], $0xffff;
	v5 =	vsub.f32 v2, v0  }
0x7a: {  	v4 =	vmax.f32 v3, v4;
	v3 =	vld.idx.msk [tilespmem:v9+s22+$0x0], $0xffff  }
0x7b: {  	s6 =	simm.s32 $0x10360;
	v2 =	vld.idx.msk [tilespmem:v8+s22+$0x0], $0xffff;
	v6 =	vsub.f32 v4, v0;
	v5 =	vmul.f32 $1.442695020e+00, v5;
	v7 =	vpop (erf)  }
0x7c: {  	s8 =	simm.s32 $0x4;
	s9 =	sadd.s32 $0x20, s9;
	v4 =	vld.idx.msk [tilespmem:v10+s21+$0x0], $0xffff;
	[tilespmem:s6+$0x0] =	vst v7;
	v7 =	vpop (erf)  }
.LBB2_8:
0x7d: {  	v8 =	vld [tilespmem:s9+$0x0];
	s7 =	sadd.s32 $0x20, s7;
	v6 =	vmul.f32 $1.442695020e+00, v6;
	(erf) = vpow2.f32 v5;
	[tilespmem:s6+$0xFFFFFFF0] =	vst v7  }
0x7e: {  	s8 =	sadd.s32 $0x2, s8;
	v5 =	vld [tilespmem:s7+$0x0]  }
0x7f: {  	p3 =	slt.u32 s8, $0x6;
	v7 =	vld [tilespmem:s7+$0xFFFFFFF0];
	(erf) = vpow2.f32 v6  }
0x80: {  	v1 =	vadd.f32 v2, v1;
	v9 =	vld [tilespmem:s9+$0xFFFFFFF0];
	_ =	sdelay $0x1  }
0x81: {  	v3 =	vadd.f32 v3, v4;
	v2 =	vmul.f32 $2.000000030e-01, v1;
	_ =	sdelay $0x1  }
.Ltmp6:
0x82: {  	v4 =	vmul.f32 $2.000000030e-01, v3;
	v2 =	vmax.f32 v1, v2;
	(pc) =	sbr.rel @p3 .LBB2_8-.Ltmp6, $4  }
0x83: {  	v1 =	vld.idx.msk [tilespmem:v8+s21+$0x0], $0xffff;
	v8 =	vsub.f32 v2, v0  }
0x84: {  	s6 =	sadd.s32 $0x20, s6;
	v4 =	vmax.f32 v3, v4;
	v2 =	vld.idx.msk [tilespmem:v5+s22+$0x0], $0xffff;
	v10 =	vpop (erf)  }
0x85: {  	v6 =	vsub.f32 v4, v0;
	v3 =	vld.idx.msk [tilespmem:v7+s22+$0x0], $0xffff;
	v5 =	vmul.f32 $1.442695020e+00, v8;
	[tilespmem:s6+$0x0] =	vst v10  }
0x86: {  	s9 =	sadd.s32 $0x20, s9;
	v4 =	vld.idx.msk [tilespmem:v9+s21+$0x0], $0xffff;
	v7 =	vpop (erf)  }
0x87: {  	_ =	sdelay $0x2  }
0x88: {  	v1 =	vadd.f32 v2, v1  }
0x89: {  	v2 =	vadd.f32 v3, v4  }
0x8a: {  	v3 =	vmul.f32 $2.000000030e-01, v1  }
0x8b: {  	v4 =	vmul.f32 $2.000000030e-01, v2  }
0x8c: {  	v1 =	vmax.f32 v1, v3  }
0x8d: {  	v1 =	vsub.f32 v1, v0;
	v2 =	vmax.f32 v2, v4  }
0x8e: {  	v3 =	vmul.f32 $1.442695020e+00, v6;
	v2 =	vsub.f32 v2, v0  }
0x8f: {  	(erf) = vpow2.f32 v5;
	v1 =	vmul.f32 $1.442695020e+00, v1  }
0x90: {  	(erf) = vpow2.f32 v3;
	v2 =	vmul.f32 $1.442695020e+00, v2  }
0x91: {  	(erf) = vpow2.f32 v1  }
0x92: {  	(erf) = vpow2.f32 v2;
	_ =	sdelay $0x5  }
0x93: {  	[tilespmem:s6+$0xFFFFFFF0] =	vst v7;
	s17 =	sadd.s32 $0x20, s6;
	v1 =	vpop (erf)  }
0x94: {  	[tilespmem:s17+$0x0] =	vst v1;
	v2 =	vpop (erf)  }
0x95: {  	s6 =	sadd.s32 $0x20, s17;
	[tilespmem:s17+$0xFFFFFFF0] =	vst v2;
	v1 =	vpop (erf)  }
0x96: {  	[tilespmem:s6+$0x0] =	vst v1;
	v1 =	vpop (erf)  }
0x97: {  	[tilespmem:s6+$0xFFFFFFF0] =	vst v1  }
0x98: {  	_ =	swait.ge [sflag:s30], $0x800  }
0x99: {  	[sflag:s30] =	ssyncset.done $0x0  }
0x9a: {  	s18 =	simm.s32 $0x10360;
	[sflag:s30] =	ssyncadd.s32 $0xFFFFF800  }
0x9b: {  	v1 =	vld [tilespmem:s18+$0x0]  }
0x9c: {  	s17 =	simm.s32 $0xEC50  }
0x9d: {  	v2 =	vld [tilespmem:s17+$0x0]  }
0x9e: {  	v3 =	vld [tilespmem:s18+$0xFFFFFFF0];
	_ =	sdelay $0x1  }
0x9f: {  	v4 =	vld [tilespmem:s17+$0xFFFFFF00];
	v5 =	vbroadcast v1, $0x0;
	_ =	sdelay $0x1  }
0xa0: {  	s6 =	simm.s32 $0xF550;
	v2 =	vmul.f32 v5, v2  }
0xa1: {  	v6 =	vbroadcast v3, $0x0;
	[tilespmem:s6+$0x10] =	vst v5  }
0xa2: {  	[tilespmem:s6+$0x0] =	vst v2  }
0xa3: {  	v4 =	vmul.f32 v6, v4;
	v2 =	vld [tilespmem:s17+$0x10]  }
0xa4: {  	[tilespmem:s6+$0xFFFFFE10] =	vst v6  }
0xa5: {  	[tilespmem:s6+$0xFFFFFE00] =	vst v4  }
0xa6: {  	v4 =	vbroadcast v1, $0x1;
	v5 =	vld [tilespmem:s17+$0xFFFFFF10];
	_ =	sdelay $0x1  }
0xa7: {  	v2 =	vmul.f32 v2, v4  }
0xa8: {  	v6 =	vbroadcast v3, $0x1;
	[tilespmem:s6+$0x30] =	vst v4  }
0xa9: {  	[tilespmem:s6+$0x20] =	vst v2  }
0xaa: {  	v4 =	vmul.f32 v5, v6;
	v2 =	vld [tilespmem:s17+$0x20]  }
0xab: {  	[tilespmem:s6+$0xFFFFFE30] =	vst v6  }
0xac: {  	[tilespmem:s6+$0xFFFFFE20] =	vst v4  }
0xad: {  	v4 =	vbroadcast v1, $0x2;
	v5 =	vld [tilespmem:s17+$0xFFFFFF20];
	_ =	sdelay $0x1  }
0xae: {  	v2 =	vmul.f32 v2, v4  }
0xaf: {  	v6 =	vbroadcast v3, $0x2;
	[tilespmem:s6+$0x50] =	vst v4  }
0xb0: {  	[tilespmem:s6+$0x40] =	vst v2  }
0xb1: {  	v4 =	vmul.f32 v5, v6;
	v2 =	vld [tilespmem:s17+$0x30]  }
0xb2: {  	[tilespmem:s6+$0xFFFFFE50] =	vst v6  }
0xb3: {  	[tilespmem:s6+$0xFFFFFE40] =	vst v4  }
0xb4: {  	v4 =	vbroadcast v1, $0x3;
	v5 =	vld [tilespmem:s17+$0xFFFFFF30];
	_ =	sdelay $0x1  }
0xb5: {  	v2 =	vmul.f32 v2, v4  }
0xb6: {  	v6 =	vbroadcast v3, $0x3;
	[tilespmem:s6+$0x70] =	vst v4  }
0xb7: {  	[tilespmem:s6+$0x60] =	vst v2  }
0xb8: {  	v4 =	vmul.f32 v5, v6;
	v2 =	vld [tilespmem:s17+$0x40]  }
0xb9: {  	[tilespmem:s6+$0xFFFFFE70] =	vst v6  }
0xba: {  	[tilespmem:s6+$0xFFFFFE60] =	vst v4  }
0xbb: {  	v4 =	vbroadcast v1, $0x4;
	v5 =	vld [tilespmem:s17+$0xFFFFFF40];
	_ =	sdelay $0x1  }
0xbc: {  	v2 =	vmul.f32 v2, v4  }
0xbd: {  	v6 =	vbroadcast v3, $0x4;
	[tilespmem:s6+$0x90] =	vst v4  }
0xbe: {  	[tilespmem:s6+$0x80] =	vst v2  }
0xbf: {  	v4 =	vmul.f32 v5, v6;
	v2 =	vld [tilespmem:s17+$0x50]  }
0xc0: {  	[tilespmem:s6+$0xFFFFFE90] =	vst v6  }
0xc1: {  	[tilespmem:s6+$0xFFFFFE80] =	vst v4  }
0xc2: {  	v4 =	vbroadcast v1, $0x5;
	v5 =	vld [tilespmem:s17+$0xFFFFFF50];
	_ =	sdelay $0x1  }
0xc3: {  	v2 =	vmul.f32 v2, v4  }
0xc4: {  	v6 =	vbroadcast v3, $0x5;
	[tilespmem:s6+$0xB0] =	vst v4  }
0xc5: {  	[tilespmem:s6+$0xA0] =	vst v2  }
0xc6: {  	v4 =	vmul.f32 v5, v6;
	v2 =	vld [tilespmem:s17+$0x60]  }
0xc7: {  	[tilespmem:s6+$0xFFFFFEB0] =	vst v6  }
0xc8: {  	[tilespmem:s6+$0xFFFFFEA0] =	vst v4  }
0xc9: {  	v4 =	vbroadcast v1, $0x6;
	v5 =	vld [tilespmem:s17+$0xFFFFFF60];
	_ =	sdelay $0x1  }
0xca: {  	v2 =	vmul.f32 v2, v4  }
0xcb: {  	v6 =	vbroadcast v3, $0x6;
	[tilespmem:s6+$0xD0] =	vst v4  }
0xcc: {  	[tilespmem:s6+$0xC0] =	vst v2  }
0xcd: {  	v2 =	vmul.f32 v5, v6;
	v5 =	vld [tilespmem:s17+$0x70]  }
0xce: {  	s7 =	simm.s32 $0x10380;
	[tilespmem:s6+$0xFFFFFED0] =	vst v6  }
0xcf: {  	v4 =	vld [tilespmem:s7+$0x0];
	[tilespmem:s6+$0xFFFFFEC0] =	vst v2  }
0xd0: {  	v2 =	vbroadcast v1, $0x7;
	v6 =	vld [tilespmem:s17+$0xFFFFFF70]  }
0xd1: {  	s8 =	simm.s32 $0xEE50  }
0xd2: {  	v7 =	vld [tilespmem:s8+$0x0];
	v5 =	vmul.f32 v5, v2  }
0xd3: {  	v8 =	vbroadcast v3, $0x7;
	[tilespmem:s6+$0xF0] =	vst v2  }
0xd4: {  	v2 =	vld [tilespmem:s7+$0xFFFFFFF0];
	[tilespmem:s6+$0xE0] =	vst v5  }
0xd5: {  	v10 =	vbroadcast v4, $0x0;
	v6 =	vmul.f32 v6, v8;
	v5 =	vld [tilespmem:s17+$0x80]  }
0xd6: {  	v9 =	vld [tilespmem:s8+$0xFFFFFF00];
	[tilespmem:s6+$0xFFFFFEF0] =	vst v8  }
0xd7: {  	s7 =	simm.s32 $0xF950;
	[tilespmem:s6+$0xFFFFFEE0] =	vst v6;
	v6 =	vmul.f32 v10, v7  }
0xd8: {  	[tilespmem:s7+$0x10] =	vst v10;
	v7 =	vbroadcast v1, $0x8  }
0xd9: {  	v8 =	vbroadcast v2, $0x0;
	v10 =	vld [tilespmem:s17+$0xFFFFFF80];
	[tilespmem:s7+$0x0] =	vst v6  }
0xda: {  	[tilespmem:s6+$0x110] =	vst v7;
	v5 =	vmul.f32 v5, v7  }
0xdb: {  	v6 =	vmul.f32 v8, v9;
	[tilespmem:s7+$0xFFFFFE10] =	vst v8;
	v7 =	vld [tilespmem:s8+$0x10]  }
0xdc: {  	[tilespmem:s6+$0x100] =	vst v5;
	v5 =	vbroadcast v3, $0x8  }
0xdd: {  	v8 =	vbroadcast v4, $0x1;
	[tilespmem:s7+$0xFFFFFE00] =	vst v6;
	v9 =	vld [tilespmem:s17+$0x90]  }
0xde: {  	[tilespmem:s6+$0xFFFFFF10] =	vst v5;
	v5 =	vmul.f32 v10, v5;
	v10 =	vld [tilespmem:s8+$0xFFFFFF10]  }
0xdf: {  	v6 =	vbroadcast v2, $0x1;
	[tilespmem:s7+$0x30] =	vst v8  }
0xe0: {  	v7 =	vmul.f32 v7, v8;
	[tilespmem:s6+$0xFFFFFF00] =	vst v5;
	v5 =	vbroadcast v1, $0x9  }
0xe1: {  	[tilespmem:s7+$0xFFFFFE30] =	vst v6;
	v8 =	vld [tilespmem:s17+$0xFFFFFF90]  }
0xe2: {  	[tilespmem:s7+$0x20] =	vst v7;
	v7 =	vmul.f32 v9, v5  }
0xe3: {  	v9 =	vld [tilespmem:s8+$0x20];
	[tilespmem:s6+$0x130] =	vst v5;
	v5 =	vmul.f32 v10, v6  }
0xe4: {  	v6 =	vbroadcast v3, $0x9;
	[tilespmem:s6+$0x120] =	vst v7  }
0xe5: {  	v7 =	vbroadcast v2, $0x2;
	v10 =	vld [tilespmem:s17+$0xA0];
	[tilespmem:s7+$0xFFFFFE20] =	vst v5  }
0xe6: {  	[tilespmem:s6+$0xFFFFFF30] =	vst v6;
	v5 =	vbroadcast v4, $0x2;
	v6 =	vmul.f32 v8, v6;
	v8 =	vld [tilespmem:s8+$0xFFFFFF20]  }
0xe7: {  	[tilespmem:s7+$0xFFFFFE50] =	vst v7  }
0xe8: {  	v9 =	vmul.f32 v9, v5;
	[tilespmem:s6+$0xFFFFFF20] =	vst v6;
	v6 =	vbroadcast v1, $0xA  }
0xe9: {  	[tilespmem:s7+$0x50] =	vst v5;
	v5 =	vld [tilespmem:s17+$0xFFFFFFA0]  }
0xea: {  	[tilespmem:s7+$0x40] =	vst v9;
	v9 =	vmul.f32 v10, v6  }
0xeb: {  	v10 =	vld [tilespmem:s8+$0x30];
	[tilespmem:s6+$0x150] =	vst v6;
	v6 =	vmul.f32 v8, v7  }
0xec: {  	v7 =	vbroadcast v3, $0xA;
	[tilespmem:s6+$0x140] =	vst v9  }
0xed: {  	v8 =	vbroadcast v2, $0x3;
	v9 =	vld [tilespmem:s17+$0xB0];
	[tilespmem:s7+$0xFFFFFE40] =	vst v6  }
0xee: {  	[tilespmem:s6+$0xFFFFFF50] =	vst v7;
	v6 =	vbroadcast v4, $0x3;
	v5 =	vmul.f32 v5, v7;
	v7 =	vld [tilespmem:s8+$0xFFFFFF30]  }
0xef: {  	[tilespmem:s7+$0xFFFFFE70] =	vst v8  }
0xf0: {  	v10 =	vmul.f32 v10, v6;
	[tilespmem:s6+$0xFFFFFF40] =	vst v5;
	v5 =	vbroadcast v1, $0xB  }
0xf1: {  	[tilespmem:s7+$0x70] =	vst v6;
	v6 =	vld [tilespmem:s17+$0xFFFFFFB0]  }
0xf2: {  	[tilespmem:s7+$0x60] =	vst v10;
	v9 =	vmul.f32 v9, v5  }
0xf3: {  	v10 =	vld [tilespmem:s8+$0x40];
	[tilespmem:s6+$0x170] =	vst v5;
	v5 =	vmul.f32 v7, v8  }
0xf4: {  	v7 =	vbroadcast v3, $0xB;
	[tilespmem:s6+$0x160] =	vst v9  }
0xf5: {  	v8 =	vbroadcast v2, $0x4;
	v9 =	vld [tilespmem:s17+$0xC0];
	[tilespmem:s7+$0xFFFFFE60] =	vst v5  }
0xf6: {  	[tilespmem:s6+$0xFFFFFF70] =	vst v7;
	v5 =	vbroadcast v4, $0x4;
	v6 =	vmul.f32 v6, v7;
	v7 =	vld [tilespmem:s8+$0xFFFFFF40]  }
0xf7: {  	[tilespmem:s7+$0xFFFFFE90] =	vst v8  }
0xf8: {  	v10 =	vmul.f32 v10, v5;
	[tilespmem:s6+$0xFFFFFF60] =	vst v6;
	v6 =	vbroadcast v1, $0xC  }
0xf9: {  	[tilespmem:s7+$0x90] =	vst v5;
	v5 =	vld [tilespmem:s17+$0xFFFFFFC0]  }
0xfa: {  	[tilespmem:s7+$0x80] =	vst v10;
	v9 =	vmul.f32 v9, v6  }
0xfb: {  	v10 =	vld [tilespmem:s8+$0x50];
	[tilespmem:s6+$0x190] =	vst v6;
	v6 =	vmul.f32 v7, v8  }
0xfc: {  	v7 =	vbroadcast v3, $0xC;
	[tilespmem:s6+$0x180] =	vst v9  }
0xfd: {  	v8 =	vbroadcast v2, $0x5;
	v9 =	vld [tilespmem:s17+$0xD0];
	[tilespmem:s7+$0xFFFFFE80] =	vst v6  }
0xfe: {  	[tilespmem:s6+$0xFFFFFF90] =	vst v7;
	v6 =	vbroadcast v4, $0x5;
	v5 =	vmul.f32 v5, v7;
	v7 =	vld [tilespmem:s8+$0xFFFFFF50]  }
0xff: {  	[tilespmem:s7+$0xFFFFFEB0] =	vst v8  }
0x100: {  	v10 =	vmul.f32 v10, v6;
	[tilespmem:s6+$0xFFFFFF80] =	vst v5;
	v5 =	vbroadcast v1, $0xD  }
0x101: {  	[tilespmem:s7+$0xB0] =	vst v6;
	v6 =	vld [tilespmem:s17+$0xFFFFFFD0]  }
0x102: {  	[tilespmem:s7+$0xA0] =	vst v10;
	v9 =	vmul.f32 v9, v5  }
0x103: {  	v10 =	vld [tilespmem:s8+$0x60];
	[tilespmem:s6+$0x1B0] =	vst v5;
	v5 =	vmul.f32 v7, v8  }
0x104: {  	v7 =	vbroadcast v3, $0xD;
	[tilespmem:s6+$0x1A0] =	vst v9  }
0x105: {  	v8 =	vbroadcast v2, $0x6;
	v9 =	vld [tilespmem:s17+$0xE0];
	[tilespmem:s7+$0xFFFFFEA0] =	vst v5  }
0x106: {  	[tilespmem:s6+$0xFFFFFFB0] =	vst v7;
	v5 =	vbroadcast v4, $0x6;
	v6 =	vmul.f32 v6, v7;
	v7 =	vld [tilespmem:s8+$0xFFFFFF60]  }
0x107: {  	[tilespmem:s7+$0xFFFFFED0] =	vst v8  }
0x108: {  	v10 =	vmul.f32 v10, v5;
	[tilespmem:s6+$0xFFFFFFA0] =	vst v6;
	v6 =	vbroadcast v1, $0xE  }
0x109: {  	[tilespmem:s7+$0xD0] =	vst v5;
	v5 =	vld [tilespmem:s17+$0xFFFFFFE0]  }
0x10a: {  	s9 =	simm.s32 $0x103A0;
	[tilespmem:s7+$0xC0] =	vst v10;
	v9 =	vmul.f32 v9, v6  }
0x10b: {  	v13 =	vld [tilespmem:s9+$0xFFFFFFF0];
	[tilespmem:s6+$0x1D0] =	vst v6;
	v6 =	vmul.f32 v7, v8  }
0x10c: {  	v7 =	vld [tilespmem:s8+$0x70];
	v8 =	vbroadcast v3, $0xE;
	[tilespmem:s6+$0x1C0] =	vst v9  }
0x10d: {  	v11 =	vbroadcast v1, $0xF;
	v1 =	vld [tilespmem:s9+$0x0];
	[tilespmem:s7+$0xFFFFFEC0] =	vst v6  }
0x10e: {  	v9 =	vld [tilespmem:s17+$0xF0];
	[tilespmem:s6+$0xFFFFFFD0] =	vst v8;
	v5 =	vmul.f32 v5, v8  }
0x10f: {  	[tilespmem:s6+$0x1F0] =	vst v11;
	v10 =	vld [tilespmem:s8+$0xFFFFFF70];
	v8 =	vbroadcast v4, $0x7  }
0x110: {  	s16 =	simm.s32 $0xF050;
	v6 =	vbroadcast v2, $0x7;
	[tilespmem:s6+$0xFFFFFFC0] =	vst v5  }
0x111: {  	v5 =	vmul.f32 v7, v8;
	[tilespmem:s7+$0xF0] =	vst v8;
	v8 =	vld [tilespmem:s16+$0x0]  }
0x112: {  	v12 =	vbroadcast v13, $0x0;
	[tilespmem:s7+$0xFFFFFEF0] =	vst v6  }
0x113: {  	s9 =	simm.s32 $0xFD50;
	v7 =	vmul.f32 v9, v11;
	[tilespmem:s7+$0xE0] =	vst v5;
	v9 =	vld [tilespmem:s16+$0xFFFFFF00]  }
0x114: {  	[tilespmem:s9+$0xFFFFFE10] =	vst v12;
	v5 =	vmul.f32 v10, v6;
	v6 =	vld [tilespmem:s8+$0x80];
	v10 =	vbroadcast v1, $0x0  }
0x115: {  	[tilespmem:s6+$0x1E0] =	vst v7  }
0x116: {  	[tilespmem:s7+$0xFFFFFEE0] =	vst v5;
	v8 =	vmul.f32 v10, v8  }
0x117: {  	v11 =	vbroadcast v4, $0x8;
	[tilespmem:s9+$0x10] =	vst v10;
	v5 =	vld [tilespmem:s8+$0xFFFFFF80]  }
0x118: {  	[tilespmem:s9+$0x0] =	vst v8;
	v8 =	vmul.f32 v12, v9  }
0x119: {  	[tilespmem:s7+$0x110] =	vst v11;
	v6 =	vmul.f32 v6, v11;
	v9 =	vld [tilespmem:s16+$0x10]  }
0x11a: {  	v7 =	vbroadcast v2, $0x8;
	[tilespmem:s9+$0xFFFFFE00] =	vst v8  }
0x11b: {  	v14 =	vbroadcast v3, $0xF;
	v3 =	vbroadcast v13, $0x1;
	[tilespmem:s7+$0x100] =	vst v6;
	v8 =	vld [tilespmem:s16+$0xFFFFFF10]  }
0x11c: {  	[tilespmem:s7+$0xFFFFFF10] =	vst v7;
	v6 =	vld [tilespmem:s8+$0x90];
	v5 =	vmul.f32 v5, v7;
	v7 =	vbroadcast v1, $0x1  }
0x11d: {  	[tilespmem:s9+$0xFFFFFE30] =	vst v3  }
0x11e: {  	v9 =	vmul.f32 v9, v7;
	[tilespmem:s7+$0xFFFFFF00] =	vst v5  }
0x11f: {  	v5 =	vbroadcast v4, $0x9;
	[tilespmem:s9+$0x30] =	vst v7;
	v7 =	vld [tilespmem:s8+$0xFFFFFF90]  }
0x120: {  	[tilespmem:s9+$0x20] =	vst v9;
	v3 =	vmul.f32 v8, v3  }
0x121: {  	[tilespmem:s7+$0x130] =	vst v5;
	v6 =	vmul.f32 v6, v5  }
0x122: {  	v9 =	vld [tilespmem:s16+$0x20];
	v5 =	vbroadcast v2, $0x9;
	[tilespmem:s9+$0xFFFFFE20] =	vst v3  }
0x123: {  	v15 =	vld [tilespmem:s17+$0xFFFFFFF0];
	[tilespmem:s7+$0x120] =	vst v6  }
0x124: {  	[tilespmem:s7+$0xFFFFFF30] =	vst v5;
	v8 =	vld [tilespmem:s8+$0xA0];
	v5 =	vmul.f32 v7, v5  }
0x125: {  	[tilespmem:s6+$0xFFFFFFF0] =	vst v14;
	v3 =	vbroadcast v1, $0x2;
	v7 =	vld [tilespmem:s16+$0xFFFFFF20]  }
0x126: {  	v6 =	vbroadcast v13, $0x2;
	[tilespmem:s7+$0xFFFFFF20] =	vst v5  }
0x127: {  	[tilespmem:s9+$0x50] =	vst v3;
	v9 =	vmul.f32 v9, v3;
	v5 =	vbroadcast v4, $0xA;
	v3 =	vld [tilespmem:s8+$0xFFFFFFA0]  }
0x128: {  	[tilespmem:s9+$0xFFFFFE50] =	vst v6  }
0x129: {  	[tilespmem:s9+$0x40] =	vst v9;
	v8 =	vmul.f32 v8, v5  }
0x12a: {  	[tilespmem:s7+$0x150] =	vst v5;
	v9 =	vld [tilespmem:s16+$0x30];
	v5 =	vmul.f32 v7, v6;
	v6 =	vbroadcast v2, $0xA  }
0x12b: {  	[tilespmem:s7+$0x140] =	vst v8  }
0x12c: {  	[tilespmem:s9+$0xFFFFFE40] =	vst v5;
	v8 =	vld [tilespmem:s8+$0xB0];
	v3 =	vmul.f32 v3, v6  }
0x12d: {  	[tilespmem:s7+$0xFFFFFF50] =	vst v6;
	v5 =	vbroadcast v1, $0x3;
	v6 =	vld [tilespmem:s16+$0xFFFFFF30]  }
0x12e: {  	v7 =	vbroadcast v13, $0x3;
	[tilespmem:s7+$0xFFFFFF40] =	vst v3  }
0x12f: {  	[tilespmem:s9+$0x70] =	vst v5;
	v9 =	vmul.f32 v9, v5;
	v3 =	vbroadcast v4, $0xB;
	v5 =	vld [tilespmem:s8+$0xFFFFFFB0]  }
0x130: {  	[tilespmem:s9+$0xFFFFFE70] =	vst v7  }
0x131: {  	[tilespmem:s9+$0x60] =	vst v9;
	v8 =	vmul.f32 v8, v3  }
0x132: {  	[tilespmem:s7+$0x170] =	vst v3;
	v9 =	vld [tilespmem:s16+$0x40];
	v3 =	vmul.f32 v6, v7;
	v6 =	vbroadcast v2, $0xB  }
0x133: {  	[tilespmem:s7+$0x160] =	vst v8  }
0x134: {  	[tilespmem:s9+$0xFFFFFE60] =	vst v3;
	v8 =	vld [tilespmem:s8+$0xC0];
	v5 =	vmul.f32 v5, v6  }
0x135: {  	[tilespmem:s7+$0xFFFFFF70] =	vst v6;
	v3 =	vbroadcast v1, $0x4;
	v6 =	vld [tilespmem:s16+$0xFFFFFF40]  }
0x136: {  	v7 =	vbroadcast v13, $0x4;
	[tilespmem:s7+$0xFFFFFF60] =	vst v5  }
0x137: {  	[tilespmem:s9+$0x90] =	vst v3;
	v9 =	vmul.f32 v9, v3;
	v5 =	vbroadcast v4, $0xC;
	v3 =	vld [tilespmem:s8+$0xFFFFFFC0]  }
0x138: {  	[tilespmem:s9+$0xFFFFFE90] =	vst v7  }
0x139: {  	[tilespmem:s9+$0x80] =	vst v9;
	v8 =	vmul.f32 v8, v5  }
0x13a: {  	[tilespmem:s7+$0x190] =	vst v5;
	v9 =	vld [tilespmem:s16+$0x50];
	v5 =	vmul.f32 v6, v7;
	v6 =	vbroadcast v2, $0xC  }
0x13b: {  	[tilespmem:s7+$0x180] =	vst v8  }
0x13c: {  	[tilespmem:s9+$0xFFFFFE80] =	vst v5;
	v8 =	vld [tilespmem:s8+$0xD0];
	v3 =	vmul.f32 v3, v6  }
0x13d: {  	[tilespmem:s7+$0xFFFFFF90] =	vst v6;
	v5 =	vbroadcast v1, $0x5;
	v6 =	vld [tilespmem:s16+$0xFFFFFF50]  }
0x13e: {  	v7 =	vbroadcast v13, $0x5;
	[tilespmem:s7+$0xFFFFFF80] =	vst v3  }
0x13f: {  	[tilespmem:s9+$0xB0] =	vst v5;
	v9 =	vmul.f32 v9, v5;
	v3 =	vbroadcast v4, $0xD;
	v5 =	vld [tilespmem:s8+$0xFFFFFFD0]  }
0x140: {  	[tilespmem:s9+$0xFFFFFEB0] =	vst v7  }
0x141: {  	[tilespmem:s9+$0xA0] =	vst v9;
	v8 =	vmul.f32 v8, v3  }
0x142: {  	[tilespmem:s7+$0x1B0] =	vst v3;
	v9 =	vld [tilespmem:s16+$0x60];
	v3 =	vmul.f32 v6, v7;
	v6 =	vbroadcast v2, $0xD  }
0x143: {  	[tilespmem:s7+$0x1A0] =	vst v8  }
0x144: {  	[tilespmem:s9+$0xFFFFFEA0] =	vst v3;
	v8 =	vld [tilespmem:s8+$0xE0];
	v5 =	vmul.f32 v5, v6  }
0x145: {  	[tilespmem:s7+$0xFFFFFFB0] =	vst v6;
	v3 =	vbroadcast v1, $0x6;
	v6 =	vld [tilespmem:s16+$0xFFFFFF60]  }
0x146: {  	v16 =	vbroadcast v2, $0xE;
	v7 =	vbroadcast v13, $0x6;
	[tilespmem:s7+$0xFFFFFFA0] =	vst v5  }
0x147: {  	[tilespmem:s9+$0xD0] =	vst v3;
	v9 =	vmul.f32 v9, v3;
	v5 =	vbroadcast v4, $0xE;
	v3 =	vld [tilespmem:s8+$0xFFFFFFE0]  }
0x148: {  	v10 =	vbroadcast v13, $0x9;
	v12 =	vbroadcast v13, $0x7;
	[tilespmem:s9+$0xFFFFFED0] =	vst v7  }
0x149: {  	v11 =	vbroadcast v13, $0x8;
	[tilespmem:s9+$0xC0] =	vst v9;
	v17 =	vmul.f32 v8, v5  }
0x14a: {  	[tilespmem:s7+$0x1D0] =	vst v5;
	v9 =	vbroadcast v13, $0xA;
	v5 =	vmul.f32 v6, v7  }
0x14b: {  	v8 =	vbroadcast v13, $0xB;
	v7 =	vbroadcast v13, $0xC;
	v18 =	vld [tilespmem:s16+$0x70];
	[tilespmem:s7+$0x1C0] =	vst v17  }
0x14c: {  	[tilespmem:s7+$0xFFFFFFD0] =	vst v16;
	v6 =	vbroadcast v13, $0xD;
	v19 =	vmul.f32 v3, v16;
	v16 =	vld [tilespmem:s8+$0xF0]  }
0x14d: {  	[tilespmem:s9+$0xFFFFFEC0] =	vst v5;
	v5 =	vbroadcast v13, $0xE;
	v3 =	vbroadcast v13, $0xF  }
0x14e: {  	v17 =	vld [tilespmem:s16+$0xFFFFFF70];
	v13 =	vmul.f32 v15, v14;
	[tilespmem:s9+$0xFFFFFEF0] =	vst v12;
	v15 =	vbroadcast v1, $0x7  }
0x14f: {  	s10 =	simm.s32 $0x103C0;
	s18 =	simm.s32 $0x4;
	s17 =	simm.s32 $0xF050;
	v2 =	vbroadcast v2, $0xF;
	v14 =	vbroadcast v4, $0xF;
	[tilespmem:s7+$0xFFFFFFC0] =	vst v19  }
.LBB2_10:
0x150: {  	v4 =	vld [tilespmem:s10+$0x0];
	v18 =	vmul.f32 v18, v15;
	[tilespmem:s6+$0xFFFFFFE0] =	vst v13;
	s6 =	smov.u32 s7;
	s7 =	smov.u32 s9  }
0x151: {  	s16 =	sadd.s32 $0x200, s16;
	v19 =	vld [tilespmem:s10+$0xFFFFFFF0];
	[tilespmem:s9+$0xF0] =	vst v15;
	v13 =	vmul.f32 v16, v14  }
0x152: {  	s18 =	sadd.s32 $0x2, s18;
	v15 =	vld [tilespmem:s16+$0x0];
	[tilespmem:s9+$0xE0] =	vst v18  }
0x153: {  	p3 =	slt.u32 s18, $0x6;
	v16 =	vld [tilespmem:s16+$0xFFFFFF00];
	v12 =	vmul.f32 v17, v12;
	[tilespmem:s6+$0x1E0] =	vst v13  }
0x154: {  	v13 =	vld [tilespmem:s17+$0x80];
	[tilespmem:s6+$0x1F0] =	vst v14  }
0x155: {  	v14 =	vbroadcast v4, $0x0;
	[tilespmem:s9+$0xFFFFFEE0] =	vst v12;
	v18 =	vld [tilespmem:s8+$0xFFFFFFF0];
	s8 =	smov.u32 s17;
	s17 =	smov.u32 s16  }
0x156: {  	v17 =	vbroadcast v19, $0x0;
	v20 =	vbroadcast v19, $0x1;
	v21 =	vld [tilespmem:s8+$0xFFFFFF80];
	[tilespmem:s9+$0xFFFFFF10] =	vst v11  }
0x157: {  	s9 =	sadd.s32 $0x400, s9;
	v12 =	vmul.f32 v14, v15;
	v15 =	vbroadcast v1, $0x8;
	[tilespmem:s6+$0xFFFFFFF0] =	vst v2  }
0x158: {  	v23 =	vbroadcast v19, $0x2;
	v22 =	vmul.f32 v17, v16;
	[tilespmem:s9+$0x10] =	vst v14  }
0x159: {  	v24 =	vbroadcast v19, $0x3;
	[tilespmem:s9+$0x0] =	vst v12;
	v13 =	vmul.f32 v13, v15  }
0x15a: {  	v25 =	vbroadcast v19, $0x4;
	v16 =	vbroadcast v19, $0x5;
	v26 =	vld [tilespmem:s16+$0x10];
	[tilespmem:s7+$0x110] =	vst v15  }
0x15b: {  	v14 =	vbroadcast v19, $0x6;
	v12 =	vbroadcast v19, $0x7;
	[tilespmem:s7+$0x100] =	vst v13  }
0x15c: {  	v13 =	vmul.f32 v21, v11;
	v11 =	vbroadcast v19, $0x8;
	[tilespmem:s9+$0xFFFFFE00] =	vst v22;
	v21 =	vld [tilespmem:s8+$0x90]  }
0x15d: {  	v15 =	vbroadcast v4, $0x1;
	v22 =	vbroadcast v19, $0x9;
	[tilespmem:s9+$0xFFFFFE10] =	vst v17  }
0x15e: {  	v28 =	vbroadcast v19, $0xA;
	v29 =	vbroadcast v19, $0xB;
	v27 =	vld [tilespmem:s16+$0xFFFFFF10];
	[tilespmem:s9+$0xFFFFFE30] =	vst v20  }
0x15f: {  	v26 =	vmul.f32 v26, v15;
	[tilespmem:s7+$0xFFFFFF00] =	vst v13;
	v13 =	vbroadcast v1, $0x9  }
0x160: {  	v30 =	vbroadcast v19, $0xC;
	v17 =	vbroadcast v19, $0xD;
	[tilespmem:s9+$0x30] =	vst v15;
	v31 =	vld [tilespmem:s8+$0xFFFFFF90]  }
0x161: {  	v15 =	vbroadcast v19, $0xE;
	[tilespmem:s9+$0x20] =	vst v26;
	v21 =	vmul.f32 v21, v13  }
0x162: {  	v26 =	vld [tilespmem:s16+$0x20];
	[tilespmem:s7+$0x130] =	vst v13;
	v13 =	vmul.f32 v18, v2;
	v2 =	vmov v3;
	v3 =	vbroadcast v19, $0xF  }
0x163: {  	v18 =	vmul.f32 v27, v20;
	[tilespmem:s7+$0x120] =	vst v21  }
0x164: {  	[tilespmem:s7+$0xFFFFFF30] =	vst v10;
	v19 =	vld [tilespmem:s8+$0xA0]  }
0x165: {  	[tilespmem:s9+$0xFFFFFE20] =	vst v18;
	v18 =	vbroadcast v4, $0x2;
	v20 =	vmul.f32 v31, v10;
	v10 =	vmov v22  }
0x166: {  	v21 =	vld [tilespmem:s16+$0xFFFFFF20];
	[tilespmem:s9+$0xFFFFFE50] =	vst v23  }
0x167: {  	v22 =	vmul.f32 v26, v18;
	[tilespmem:s7+$0xFFFFFF20] =	vst v20;
	v20 =	vbroadcast v1, $0xA  }
0x168: {  	[tilespmem:s9+$0x50] =	vst v18;
	v18 =	vld [tilespmem:s8+$0xFFFFFFA0]  }
0x169: {  	[tilespmem:s9+$0x40] =	vst v22;
	v19 =	vmul.f32 v19, v20  }
0x16a: {  	v22 =	vld [tilespmem:s16+$0x30];
	[tilespmem:s7+$0x150] =	vst v20  }
0x16b: {  	v20 =	vmul.f32 v21, v23;
	[tilespmem:s7+$0x140] =	vst v19  }
0x16c: {  	[tilespmem:s7+$0xFFFFFF50] =	vst v9;
	v19 =	vld [tilespmem:s8+$0xB0]  }
0x16d: {  	[tilespmem:s9+$0xFFFFFE40] =	vst v20;
	v20 =	vbroadcast v4, $0x3;
	v18 =	vmul.f32 v18, v9;
	v9 =	vmov v28  }
0x16e: {  	v21 =	vld [tilespmem:s16+$0xFFFFFF30];
	[tilespmem:s9+$0xFFFFFE70] =	vst v24  }
0x16f: {  	v22 =	vmul.f32 v22, v20;
	[tilespmem:s7+$0xFFFFFF40] =	vst v18;
	v18 =	vbroadcast v1, $0xB  }
0x170: {  	[tilespmem:s9+$0x70] =	vst v20;
	v20 =	vld [tilespmem:s8+$0xFFFFFFB0]  }
0x171: {  	[tilespmem:s9+$0x60] =	vst v22;
	v19 =	vmul.f32 v19, v18  }
0x172: {  	v22 =	vld [tilespmem:s16+$0x40];
	[tilespmem:s7+$0x170] =	vst v18  }
0x173: {  	v18 =	vmul.f32 v21, v24;
	[tilespmem:s7+$0x160] =	vst v19  }
0x174: {  	[tilespmem:s7+$0xFFFFFF70] =	vst v8;
	v19 =	vld [tilespmem:s8+$0xC0]  }
0x175: {  	[tilespmem:s9+$0xFFFFFE60] =	vst v18;
	v18 =	vbroadcast v4, $0x4;
	v20 =	vmul.f32 v20, v8;
	v8 =	vmov v29  }
0x176: {  	v21 =	vld [tilespmem:s16+$0xFFFFFF40];
	[tilespmem:s9+$0xFFFFFE90] =	vst v25  }
0x177: {  	v22 =	vmul.f32 v22, v18;
	[tilespmem:s7+$0xFFFFFF60] =	vst v20;
	v20 =	vbroadcast v1, $0xC  }
0x178: {  	[tilespmem:s9+$0x90] =	vst v18;
	v18 =	vld [tilespmem:s8+$0xFFFFFFC0]  }
0x179: {  	[tilespmem:s9+$0x80] =	vst v22;
	v19 =	vmul.f32 v19, v20  }
0x17a: {  	v22 =	vld [tilespmem:s16+$0x50];
	[tilespmem:s7+$0x190] =	vst v20  }
0x17b: {  	v20 =	vmul.f32 v21, v25;
	[tilespmem:s7+$0x180] =	vst v19  }
0x17c: {  	[tilespmem:s7+$0xFFFFFF90] =	vst v7;
	v19 =	vld [tilespmem:s8+$0xD0]  }
0x17d: {  	[tilespmem:s9+$0xFFFFFE80] =	vst v20;
	v20 =	vbroadcast v4, $0x5;
	v18 =	vmul.f32 v18, v7;
	v7 =	vmov v30  }
0x17e: {  	v21 =	vld [tilespmem:s16+$0xFFFFFF50];
	[tilespmem:s9+$0xFFFFFEB0] =	vst v16  }
0x17f: {  	v22 =	vmul.f32 v22, v20;
	[tilespmem:s7+$0xFFFFFF80] =	vst v18;
	v18 =	vbroadcast v1, $0xD  }
0x180: {  	[tilespmem:s9+$0xB0] =	vst v20;
	v20 =	vld [tilespmem:s8+$0xFFFFFFD0]  }
0x181: {  	[tilespmem:s9+$0xA0] =	vst v22;
	v19 =	vmul.f32 v19, v18  }
0x182: {  	v22 =	vld [tilespmem:s16+$0x60];
	[tilespmem:s7+$0x1B0] =	vst v18  }
0x183: {  	v16 =	vmul.f32 v21, v16;
	[tilespmem:s7+$0x1A0] =	vst v19  }
0x184: {  	[tilespmem:s7+$0xFFFFFFB0] =	vst v6;
	v18 =	vld [tilespmem:s8+$0xE0]  }
0x185: {  	[tilespmem:s9+$0xFFFFFEA0] =	vst v16;
	v16 =	vbroadcast v4, $0x6;
	v19 =	vmul.f32 v20, v6;
	v6 =	vmov v17  }
0x186: {  	v17 =	vld [tilespmem:s16+$0xFFFFFF60];
	[tilespmem:s9+$0xFFFFFED0] =	vst v14  }
0x187: {  	v20 =	vmul.f32 v22, v16;
	[tilespmem:s7+$0xFFFFFFA0] =	vst v19;
	v19 =	vbroadcast v1, $0xE  }
0x188: {  	[tilespmem:s9+$0xD0] =	vst v16;
	v21 =	vld [tilespmem:s8+$0xFFFFFFE0]  }
0x189: {  	[tilespmem:s9+$0xC0] =	vst v20;
	v16 =	vmul.f32 v18, v19  }
0x18a: {  	[tilespmem:s7+$0x1D0] =	vst v19  }
.Ltmp7:
0x18b: {  	v14 =	vmul.f32 v17, v14;
	v18 =	vld [tilespmem:s16+$0x70];
	[tilespmem:s7+$0x1C0] =	vst v16;
	(pc) =	sbr.rel @p3 .LBB2_10-.Ltmp7, $4  }
0x18c: {  	[tilespmem:s7+$0xFFFFFFD0] =	vst v5;
	v16 =	vld [tilespmem:s8+$0xF0]  }
0x18d: {  	[tilespmem:s9+$0xFFFFFEC0] =	vst v14;
	v14 =	vmul.f32 v21, v5;
	v5 =	vmov v15  }
0x18e: {  	v15 =	vbroadcast v4, $0x7;
	v17 =	vld [tilespmem:s16+$0xFFFFFF70];
	[tilespmem:s9+$0xFFFFFEF0] =	vst v12  }
0x18f: {  	s10 =	sadd.s32 $0x20, s10;
	[tilespmem:s7+$0xFFFFFFC0] =	vst v14;
	v14 =	vbroadcast v1, $0xF;
	v1 =	vmov v4  }
0x190: {  	_ = 	snop  }
0x191: {  	v4 =	vmul.f32 v18, v15;
	_ =	sdelay $0x1  }
0x192: {  	[tilespmem:s9+$0xE0] =	vst v4;
	v4 =	vmul.f32 v17, v12  }
0x193: {  	[tilespmem:s9+$0xF0] =	vst v15  }
0x194: {  	v56 =	vld [tilespmem:s17+$0x80];
	[tilespmem:s9+$0xFFFFFEE0] =	vst v4  }
0x195: {  	v4 =	vld [tilespmem:s17+$0xFFFFFF80];
	_ =	sdelay $0x1  }
0x196: {  	v57 =	vbroadcast v1, $0x8;
	_ =	sdelay $0x1  }
0x197: {  	[tilespmem:s9+$0x110] =	vst v57;
	v12 =	vmul.f32 v56, v57  }
0x198: {  	[tilespmem:s9+$0xFFFFFF10] =	vst v11;
	v4 =	vmul.f32 v4, v11  }
0x199: {  	[tilespmem:s9+$0x100] =	vst v12  }
0x19a: {  	v12 =	vld [tilespmem:s17+$0x90];
	[tilespmem:s9+$0xFFFFFF00] =	vst v4  }
0x19b: {  	v11 =	vld [tilespmem:s17+$0xFFFFFF90];
	_ =	sdelay $0x1  }
0x19c: {  	v4 =	vbroadcast v1, $0x9;
	_ =	sdelay $0x1  }
0x19d: {  	[tilespmem:s9+$0xFFFFFF30] =	vst v10;
	v12 =	vmul.f32 v12, v4  }
0x19e: {  	[tilespmem:s9+$0x130] =	vst v4;
	v11 =	vmul.f32 v11, v10  }
0x19f: {  	[tilespmem:s9+$0x120] =	vst v12  }
0x1a0: {  	v4 =	vld [tilespmem:s17+$0xA0];
	[tilespmem:s9+$0xFFFFFF20] =	vst v11  }
0x1a1: {  	v11 =	vld [tilespmem:s17+$0xFFFFFFA0];
	_ =	sdelay $0x1  }
0x1a2: {  	v58 =	vbroadcast v1, $0xA;
	_ =	sdelay $0x1  }
0x1a3: {  	[tilespmem:s9+$0x150] =	vst v58;
	v4 =	vmul.f32 v4, v58  }
0x1a4: {  	[tilespmem:s9+$0xFFFFFF50] =	vst v9;
	v59 =	vmul.f32 v11, v9  }
0x1a5: {  	[tilespmem:s9+$0x140] =	vst v4  }
0x1a6: {  	v4 =	vld [tilespmem:s17+$0xB0];
	[tilespmem:s9+$0xFFFFFF40] =	vst v59  }
0x1a7: {  	v10 =	vld [tilespmem:s17+$0xFFFFFFB0];
	_ =	sdelay $0x1  }
0x1a8: {  	v60 =	vbroadcast v1, $0xB;
	_ =	sdelay $0x1  }
0x1a9: {  	[tilespmem:s9+$0x170] =	vst v60;
	v4 =	vmul.f32 v4, v60  }
0x1aa: {  	[tilespmem:s9+$0xFFFFFF70] =	vst v8;
	v61 =	vmul.f32 v10, v8  }
0x1ab: {  	[tilespmem:s9+$0x160] =	vst v4  }
0x1ac: {  	v4 =	vld [tilespmem:s17+$0xC0];
	[tilespmem:s9+$0xFFFFFF60] =	vst v61  }
0x1ad: {  	v9 =	vld [tilespmem:s17+$0xFFFFFFC0];
	_ =	sdelay $0x1  }
0x1ae: {  	v8 =	vbroadcast v1, $0xC;
	_ =	sdelay $0x1  }
0x1af: {  	[tilespmem:s9+$0x190] =	vst v8;
	v4 =	vmul.f32 v4, v8  }
0x1b0: {  	[tilespmem:s9+$0xFFFFFF90] =	vst v7;
	v8 =	vmul.f32 v9, v7  }
0x1b1: {  	[tilespmem:s9+$0x180] =	vst v4  }
0x1b2: {  	v4 =	vld [tilespmem:s17+$0xD0];
	[tilespmem:s9+$0xFFFFFF80] =	vst v8  }
0x1b3: {  	v8 =	vld [tilespmem:s17+$0xFFFFFFD0];
	_ =	sdelay $0x1  }
0x1b4: {  	v7 =	vbroadcast v1, $0xD;
	_ =	sdelay $0x1  }
0x1b5: {  	[tilespmem:s9+$0x1B0] =	vst v7;
	v4 =	vmul.f32 v4, v7  }
0x1b6: {  	[tilespmem:s9+$0xFFFFFFB0] =	vst v6;
	v7 =	vmul.f32 v8, v6  }
0x1b7: {  	[tilespmem:s9+$0x1A0] =	vst v4  }
0x1b8: {  	v4 =	vld [tilespmem:s17+$0xE0];
	[tilespmem:s9+$0xFFFFFFA0] =	vst v7  }
0x1b9: {  	v7 =	vld [tilespmem:s17+$0xFFFFFFE0];
	_ =	sdelay $0x1  }
0x1ba: {  	v6 =	vbroadcast v1, $0xE  }
0x1bb: {  	[tilespmem:s6+$0xFFFFFFE0] =	vst v13  }
0x1bc: {  	[tilespmem:s9+$0x1D0] =	vst v6;
	v4 =	vmul.f32 v4, v6  }
0x1bd: {  	[tilespmem:s9+$0xFFFFFFD0] =	vst v5;
	v7 =	vmul.f32 v7, v5  }
0x1be: {  	v6 =	vld [tilespmem:s8+$0xFFFFFFF0];
	[tilespmem:s9+$0x1C0] =	vst v4  }
0x1bf: {  	v8 =	vmul.f32 v16, v14;
	v4 =	vld [tilespmem:s17+$0xF0];
	[tilespmem:s9+$0xFFFFFFC0] =	vst v7  }
0x1c0: {  	[tilespmem:s7+$0x1F0] =	vst v14;
	v5 =	vld [tilespmem:s17+$0xFFFFFFF0]  }
0x1c1: {  	v1 =	vbroadcast v1, $0xF;
	[tilespmem:s7+$0x1E0] =	vst v8  }
0x1c2: {  	[tilespmem:s7+$0xFFFFFFF0] =	vst v2  }
0x1c3: {  	[tilespmem:s9+$0x1F0] =	vst v1;
	v6 =	vmul.f32 v6, v2  }
0x1c4: {  	[tilespmem:s9+$0xFFFFFFF0] =	vst v3;
	v2 =	vmul.f32 v4, v1  }
0x1c5: {  	[tilespmem:s7+$0xFFFFFFE0] =	vst v6;
	v1 =	vmul.f32 v5, v3  }
0x1c6: {  	s5 =	sand.u32 $0x3FFFFF00, s5;
	[tilespmem:s9+$0x1E0] =	vst v2  }
0x1c7: {  	s5 =	sadd.s32 $0x2780, s5;
	[tilespmem:s9+$0xFFFFFFE0] =	vst v1;
	s9 =	sshll.u32 s23, $0x1  }
0x1c8: {  	[spmem:s2] =	stream.indirect.scatter.add.f32 [tilespmem:s31], [sflag:$0x3], $0x20, s5, s26, $0xb8;
	[tilespmem:$0x11C50] =	vst v63  }
0x1c9: {  	s10 =	smin.u32 s9, $0x4B;
	_ =	swait.ge [sflag:s20], $0x1000  }
0x1ca: {  	s5 =	sshll.u32 s10, $0x7;
	[sflag:s20] =	ssyncset.done $0x0  }
0x1cb: {  	s5 =	sadd.s32 $0x100, s5;
	[sflag:s20] =	ssyncadd.s32 $0xFFFFF000  }
0x1cc: {  	[tilespmem:s28], [sflag:$0x1] =	stream.indirect.gather [hbm4b:s1+s26], $0x10, s5, s26, $0xb8;
	[tilespmem:$0x11C50] =	vst v63  }
0x1cd: {  	v1 =	vld [tilespmem:s13+$0x0]  }
0x1ce: {  	v2 =	vld [tilespmem:s12+$0x0]  }
0x1cf: {  	v3 =	vld [tilespmem:s12+$0xFFFFFFF0]  }
0x1d0: {  	v4 =	vld [tilespmem:s13+$0xFFFFFFF0];
	_ =	sdelay $0x2  }
0x1d1: {  	s16 =	sadd.s32 $0x20, s13  }
0x1d2: {  	v5 =	vld [tilespmem:s16+$0x0]  }
0x1d3: {  	v1 =	vld.idx.msk [tilespmem:v1+s21+$0x0], $0xffff  }
0x1d4: {  	v2 =	vld.idx.msk [tilespmem:v2+s22+$0x0], $0xffff  }
0x1d5: {  	v3 =	vld.idx.msk [tilespmem:v3+s22+$0x0], $0xffff  }
0x1d6: {  	s17 =	sadd.s32 $0x20, s12;
	v4 =	vld.idx.msk [tilespmem:v4+s21+$0x0], $0xffff  }
0x1d7: {  	v6 =	vld [tilespmem:s17+$0x0]  }
0x1d8: {  	v7 =	vld [tilespmem:s17+$0xFFFFFFF0]  }
0x1d9: {  	v8 =	vld [tilespmem:s16+$0xFFFFFFF0]  }
0x1da: {  	v1 =	vadd.f32 v2, v1  }
0x1db: {  	v2 =	vadd.f32 v3, v4  }
0x1dc: {  	v3 =	vmul.f32 $2.000000030e-01, v1  }
0x1dd: {  	v4 =	vmul.f32 $2.000000030e-01, v2  }
0x1de: {  	v1 =	vmax.f32 v1, v3;
	v3 =	vld.idx.msk [tilespmem:v5+s21+$0x0], $0xffff  }
0x1df: {  	v5 =	vld.idx.msk [tilespmem:v6+s22+$0x0], $0xffff;
	v2 =	vmax.f32 v2, v4;
	v1 =	vsub.f32 v1, v0  }
0x1e0: {  	v4 =	vld.idx.msk [tilespmem:v7+s22+$0x0], $0xffff;
	v2 =	vsub.f32 v2, v0  }
0x1e1: {  	s18 =	sadd.s32 $0x20, s16;
	v6 =	vld.idx.msk [tilespmem:v8+s21+$0x0], $0xffff;
	v1 =	vmul.f32 $1.442695020e+00, v1  }
0x1e2: {  	s6 =	sadd.s32 $0x20, s17;
	v7 =	vld [tilespmem:s18+$0x0];
	v2 =	vmul.f32 $1.442695020e+00, v2  }
0x1e3: {  	v62 =	vld [tilespmem:s6+$0xFFFFFFF0];
	(erf) = vpow2.f32 v1  }
0x1e4: {  	v8 =	vld [tilespmem:s6+$0x0];
	(erf) = vpow2.f32 v2  }
0x1e5: {  	v63 =	vld [tilespmem:s18+$0xFFFFFFF0];
	v1 =	vadd.f32 v5, v3;
	_ =	sdelay $0x1  }
0x1e6: {  	v3 =	vadd.f32 v4, v6;
	v2 =	vmul.f32 $2.000000030e-01, v1;
	_ =	sdelay $0x1  }
0x1e7: {  	v4 =	vmul.f32 $2.000000030e-01, v3;
	v2 =	vmax.f32 v1, v2  }
0x1e8: {  	v1 =	vld.idx.msk [tilespmem:v7+s21+$0x0], $0xffff;
	v5 =	vsub.f32 v2, v0  }
0x1e9: {  	v4 =	vmax.f32 v3, v4;
	v3 =	vld.idx.msk [tilespmem:v62+s22+$0x0], $0xffff  }
0x1ea: {  	s5 =	simm.s32 $0x11BE0;
	v2 =	vld.idx.msk [tilespmem:v8+s22+$0x0], $0xffff;
	v6 =	vsub.f32 v4, v0;
	v5 =	vmul.f32 $1.442695020e+00, v5;
	v7 =	vpop (erf)  }
0x1eb: {  	s8 =	sadd.s32 $0x20, s18;
	s7 =	simm.s32 $0x4;
	v4 =	vld.idx.msk [tilespmem:v63+s21+$0x0], $0xffff;
	[tilespmem:s5+$0x0] =	vst v7;
	v7 =	vpop (erf)  }
.LBB2_12:
0x1ec: {  	v8 =	vld [tilespmem:s8+$0x0];
	s6 =	sadd.s32 $0x20, s6;
	v6 =	vmul.f32 $1.442695020e+00, v6;
	(erf) = vpow2.f32 v5;
	[tilespmem:s5+$0xFFFFFFF0] =	vst v7  }
0x1ed: {  	s7 =	sadd.s32 $0x2, s7;
	v5 =	vld [tilespmem:s6+$0x0]  }
0x1ee: {  	p3 =	slt.u32 s7, $0x6;
	v7 =	vld [tilespmem:s6+$0xFFFFFFF0];
	(erf) = vpow2.f32 v6  }
0x1ef: {  	v1 =	vadd.f32 v2, v1;
	v9 =	vld [tilespmem:s8+$0xFFFFFFF0];
	_ =	sdelay $0x1  }
0x1f0: {  	v3 =	vadd.f32 v3, v4;
	v2 =	vmul.f32 $2.000000030e-01, v1;
	_ =	sdelay $0x1  }
.Ltmp8:
0x1f1: {  	v4 =	vmul.f32 $2.000000030e-01, v3;
	v2 =	vmax.f32 v1, v2;
	(pc) =	sbr.rel @p3 .LBB2_12-.Ltmp8, $4  }
0x1f2: {  	v1 =	vld.idx.msk [tilespmem:v8+s21+$0x0], $0xffff;
	v8 =	vsub.f32 v2, v0  }
0x1f3: {  	s5 =	sadd.s32 $0x20, s5;
	v4 =	vmax.f32 v3, v4;
	v2 =	vld.idx.msk [tilespmem:v5+s22+$0x0], $0xffff;
	v10 =	vpop (erf)  }
0x1f4: {  	v6 =	vsub.f32 v4, v0;
	v3 =	vld.idx.msk [tilespmem:v7+s22+$0x0], $0xffff;
	v5 =	vmul.f32 $1.442695020e+00, v8;
	[tilespmem:s5+$0x0] =	vst v10  }
0x1f5: {  	s8 =	sadd.s32 $0x20, s8;
	v4 =	vld.idx.msk [tilespmem:v9+s21+$0x0], $0xffff;
	v7 =	vpop (erf)  }
0x1f6: {  	_ =	sdelay $0x2  }
0x1f7: {  	v1 =	vadd.f32 v2, v1  }
0x1f8: {  	v2 =	vadd.f32 v3, v4  }
0x1f9: {  	v3 =	vmul.f32 $2.000000030e-01, v1  }
0x1fa: {  	v4 =	vmul.f32 $2.000000030e-01, v2  }
0x1fb: {  	v1 =	vmax.f32 v1, v3  }
0x1fc: {  	v1 =	vsub.f32 v1, v0;
	v2 =	vmax.f32 v2, v4  }
0x1fd: {  	v3 =	vmul.f32 $1.442695020e+00, v6;
	v2 =	vsub.f32 v2, v0  }
0x1fe: {  	(erf) = vpow2.f32 v5;
	v1 =	vmul.f32 $1.442695020e+00, v1  }
0x1ff: {  	(erf) = vpow2.f32 v3;
	v2 =	vmul.f32 $1.442695020e+00, v2  }
0x200: {  	(erf) = vpow2.f32 v1  }
0x201: {  	(erf) = vpow2.f32 v2;
	_ =	sdelay $0x5  }
0x202: {  	[tilespmem:s5+$0xFFFFFFF0] =	vst v7;
	s17 =	sadd.s32 $0x20, s5;
	v1 =	vpop (erf)  }
0x203: {  	[tilespmem:s17+$0x0] =	vst v1;
	v2 =	vpop (erf)  }
0x204: {  	s5 =	sadd.s32 $0x20, s17;
	[tilespmem:s17+$0xFFFFFFF0] =	vst v2;
	v1 =	vpop (erf)  }
0x205: {  	[tilespmem:s5+$0x0] =	vst v1;
	v1 =	vpop (erf)  }
0x206: {  	[tilespmem:s5+$0xFFFFFFF0] =	vst v1  }
0x207: {  	_ =	swait.ge [sflag:s0], $0x800  }
0x208: {  	[sflag:s0] =	ssyncset.done $0x0  }
0x209: {  	s18 =	simm.s32 $0x11BE0;
	[sflag:s0] =	ssyncadd.s32 $0xFFFFF800  }
0x20a: {  	v1 =	vld [tilespmem:s18+$0x0]  }
0x20b: {  	s16 =	simm.s32 $0x104D0  }
0x20c: {  	v2 =	vld [tilespmem:s16+$0x0]  }
0x20d: {  	v3 =	vld [tilespmem:s18+$0xFFFFFFF0];
	_ =	sdelay $0x1  }
0x20e: {  	v4 =	vld [tilespmem:s16+$0xFFFFFF00];
	v5 =	vbroadcast v1, $0x0;
	_ =	sdelay $0x1  }
0x20f: {  	s5 =	simm.s32 $0x10DD0;
	v2 =	vmul.f32 v5, v2  }
0x210: {  	v6 =	vbroadcast v3, $0x0;
	[tilespmem:s5+$0x10] =	vst v5  }
0x211: {  	[tilespmem:s5+$0x0] =	vst v2  }
0x212: {  	v4 =	vmul.f32 v6, v4;
	v2 =	vld [tilespmem:s16+$0x10]  }
0x213: {  	[tilespmem:s5+$0xFFFFFE10] =	vst v6  }
0x214: {  	[tilespmem:s5+$0xFFFFFE00] =	vst v4  }
0x215: {  	v4 =	vbroadcast v1, $0x1;
	v5 =	vld [tilespmem:s16+$0xFFFFFF10];
	_ =	sdelay $0x1  }
0x216: {  	v2 =	vmul.f32 v2, v4  }
0x217: {  	v6 =	vbroadcast v3, $0x1;
	[tilespmem:s5+$0x30] =	vst v4  }
0x218: {  	[tilespmem:s5+$0x20] =	vst v2  }
0x219: {  	v4 =	vmul.f32 v5, v6;
	v2 =	vld [tilespmem:s16+$0x20]  }
0x21a: {  	[tilespmem:s5+$0xFFFFFE30] =	vst v6  }
0x21b: {  	[tilespmem:s5+$0xFFFFFE20] =	vst v4  }
0x21c: {  	v4 =	vbroadcast v1, $0x2;
	v5 =	vld [tilespmem:s16+$0xFFFFFF20];
	_ =	sdelay $0x1  }
0x21d: {  	v2 =	vmul.f32 v2, v4  }
0x21e: {  	v6 =	vbroadcast v3, $0x2;
	[tilespmem:s5+$0x50] =	vst v4  }
0x21f: {  	[tilespmem:s5+$0x40] =	vst v2  }
0x220: {  	v4 =	vmul.f32 v5, v6;
	v2 =	vld [tilespmem:s16+$0x30]  }
0x221: {  	[tilespmem:s5+$0xFFFFFE50] =	vst v6  }
0x222: {  	[tilespmem:s5+$0xFFFFFE40] =	vst v4  }
0x223: {  	v4 =	vbroadcast v1, $0x3;
	v5 =	vld [tilespmem:s16+$0xFFFFFF30];
	_ =	sdelay $0x1  }
0x224: {  	v2 =	vmul.f32 v2, v4  }
0x225: {  	v6 =	vbroadcast v3, $0x3;
	[tilespmem:s5+$0x70] =	vst v4  }
0x226: {  	[tilespmem:s5+$0x60] =	vst v2  }
0x227: {  	v4 =	vmul.f32 v5, v6;
	v2 =	vld [tilespmem:s16+$0x40]  }
0x228: {  	[tilespmem:s5+$0xFFFFFE70] =	vst v6  }
0x229: {  	[tilespmem:s5+$0xFFFFFE60] =	vst v4  }
0x22a: {  	v4 =	vbroadcast v1, $0x4;
	v5 =	vld [tilespmem:s16+$0xFFFFFF40];
	_ =	sdelay $0x1  }
0x22b: {  	v2 =	vmul.f32 v2, v4  }
0x22c: {  	v6 =	vbroadcast v3, $0x4;
	[tilespmem:s5+$0x90] =	vst v4  }
0x22d: {  	[tilespmem:s5+$0x80] =	vst v2  }
0x22e: {  	v4 =	vmul.f32 v5, v6;
	v2 =	vld [tilespmem:s16+$0x50]  }
0x22f: {  	[tilespmem:s5+$0xFFFFFE90] =	vst v6  }
0x230: {  	[tilespmem:s5+$0xFFFFFE80] =	vst v4  }
0x231: {  	v4 =	vbroadcast v1, $0x5;
	v5 =	vld [tilespmem:s16+$0xFFFFFF50];
	_ =	sdelay $0x1  }
0x232: {  	v2 =	vmul.f32 v2, v4  }
0x233: {  	v6 =	vbroadcast v3, $0x5;
	[tilespmem:s5+$0xB0] =	vst v4  }
0x234: {  	[tilespmem:s5+$0xA0] =	vst v2  }
0x235: {  	v4 =	vmul.f32 v5, v6;
	v2 =	vld [tilespmem:s16+$0x60]  }
0x236: {  	[tilespmem:s5+$0xFFFFFEB0] =	vst v6  }
0x237: {  	[tilespmem:s5+$0xFFFFFEA0] =	vst v4  }
0x238: {  	v4 =	vbroadcast v1, $0x6;
	v5 =	vld [tilespmem:s16+$0xFFFFFF60];
	_ =	sdelay $0x1  }
0x239: {  	v2 =	vmul.f32 v2, v4  }
0x23a: {  	v6 =	vbroadcast v3, $0x6;
	[tilespmem:s5+$0xD0] =	vst v4  }
0x23b: {  	[tilespmem:s5+$0xC0] =	vst v2  }
0x23c: {  	v2 =	vmul.f32 v5, v6;
	v5 =	vld [tilespmem:s16+$0x70]  }
0x23d: {  	s6 =	simm.s32 $0x11C00;
	[tilespmem:s5+$0xFFFFFED0] =	vst v6  }
0x23e: {  	v4 =	vld [tilespmem:s6+$0x0];
	[tilespmem:s5+$0xFFFFFEC0] =	vst v2  }
0x23f: {  	v2 =	vbroadcast v1, $0x7;
	v6 =	vld [tilespmem:s16+$0xFFFFFF70]  }
0x240: {  	s7 =	simm.s32 $0x106D0  }
0x241: {  	v7 =	vld [tilespmem:s7+$0x0];
	v5 =	vmul.f32 v5, v2  }
0x242: {  	v8 =	vbroadcast v3, $0x7;
	[tilespmem:s5+$0xF0] =	vst v2  }
0x243: {  	v2 =	vld [tilespmem:s6+$0xFFFFFFF0];
	[tilespmem:s5+$0xE0] =	vst v5  }
0x244: {  	v10 =	vbroadcast v4, $0x0;
	v6 =	vmul.f32 v6, v8;
	v5 =	vld [tilespmem:s16+$0x80]  }
0x245: {  	v9 =	vld [tilespmem:s7+$0xFFFFFF00];
	[tilespmem:s5+$0xFFFFFEF0] =	vst v8  }
0x246: {  	s6 =	simm.s32 $0x111D0;
	[tilespmem:s5+$0xFFFFFEE0] =	vst v6;
	v6 =	vmul.f32 v10, v7  }
0x247: {  	[tilespmem:s6+$0x10] =	vst v10;
	v7 =	vbroadcast v1, $0x8  }
0x248: {  	v8 =	vbroadcast v2, $0x0;
	v10 =	vld [tilespmem:s16+$0xFFFFFF80];
	[tilespmem:s6+$0x0] =	vst v6  }
0x249: {  	[tilespmem:s5+$0x110] =	vst v7;
	v5 =	vmul.f32 v5, v7  }
0x24a: {  	v6 =	vmul.f32 v8, v9;
	[tilespmem:s6+$0xFFFFFE10] =	vst v8;
	v7 =	vld [tilespmem:s7+$0x10]  }
0x24b: {  	[tilespmem:s5+$0x100] =	vst v5;
	v5 =	vbroadcast v3, $0x8  }
0x24c: {  	v8 =	vbroadcast v4, $0x1;
	[tilespmem:s6+$0xFFFFFE00] =	vst v6;
	v9 =	vld [tilespmem:s16+$0x90]  }
0x24d: {  	[tilespmem:s5+$0xFFFFFF10] =	vst v5;
	v5 =	vmul.f32 v10, v5;
	v10 =	vld [tilespmem:s7+$0xFFFFFF10]  }
0x24e: {  	v6 =	vbroadcast v2, $0x1;
	[tilespmem:s6+$0x30] =	vst v8  }
0x24f: {  	v7 =	vmul.f32 v7, v8;
	[tilespmem:s5+$0xFFFFFF00] =	vst v5;
	v5 =	vbroadcast v1, $0x9  }
0x250: {  	[tilespmem:s6+$0xFFFFFE30] =	vst v6;
	v8 =	vld [tilespmem:s16+$0xFFFFFF90]  }
0x251: {  	[tilespmem:s6+$0x20] =	vst v7;
	v7 =	vmul.f32 v9, v5  }
0x252: {  	v9 =	vld [tilespmem:s7+$0x20];
	[tilespmem:s5+$0x130] =	vst v5;
	v5 =	vmul.f32 v10, v6  }
0x253: {  	v6 =	vbroadcast v3, $0x9;
	[tilespmem:s5+$0x120] =	vst v7  }
0x254: {  	v7 =	vbroadcast v2, $0x2;
	v10 =	vld [tilespmem:s16+$0xA0];
	[tilespmem:s6+$0xFFFFFE20] =	vst v5  }
0x255: {  	[tilespmem:s5+$0xFFFFFF30] =	vst v6;
	v5 =	vbroadcast v4, $0x2;
	v6 =	vmul.f32 v8, v6;
	v8 =	vld [tilespmem:s7+$0xFFFFFF20]  }
0x256: {  	[tilespmem:s6+$0xFFFFFE50] =	vst v7  }
0x257: {  	v9 =	vmul.f32 v9, v5;
	[tilespmem:s5+$0xFFFFFF20] =	vst v6;
	v6 =	vbroadcast v1, $0xA  }
0x258: {  	[tilespmem:s6+$0x50] =	vst v5;
	v5 =	vld [tilespmem:s16+$0xFFFFFFA0]  }
0x259: {  	[tilespmem:s6+$0x40] =	vst v9;
	v9 =	vmul.f32 v10, v6  }
0x25a: {  	v10 =	vld [tilespmem:s7+$0x30];
	[tilespmem:s5+$0x150] =	vst v6;
	v6 =	vmul.f32 v8, v7  }
0x25b: {  	v7 =	vbroadcast v3, $0xA;
	[tilespmem:s5+$0x140] =	vst v9  }
0x25c: {  	v8 =	vbroadcast v2, $0x3;
	v9 =	vld [tilespmem:s16+$0xB0];
	[tilespmem:s6+$0xFFFFFE40] =	vst v6  }
0x25d: {  	[tilespmem:s5+$0xFFFFFF50] =	vst v7;
	v6 =	vbroadcast v4, $0x3;
	v5 =	vmul.f32 v5, v7;
	v7 =	vld [tilespmem:s7+$0xFFFFFF30]  }
0x25e: {  	[tilespmem:s6+$0xFFFFFE70] =	vst v8  }
0x25f: {  	v10 =	vmul.f32 v10, v6;
	[tilespmem:s5+$0xFFFFFF40] =	vst v5;
	v5 =	vbroadcast v1, $0xB  }
0x260: {  	[tilespmem:s6+$0x70] =	vst v6;
	v6 =	vld [tilespmem:s16+$0xFFFFFFB0]  }
0x261: {  	[tilespmem:s6+$0x60] =	vst v10;
	v9 =	vmul.f32 v9, v5  }
0x262: {  	v10 =	vld [tilespmem:s7+$0x40];
	[tilespmem:s5+$0x170] =	vst v5;
	v5 =	vmul.f32 v7, v8  }
0x263: {  	v7 =	vbroadcast v3, $0xB;
	[tilespmem:s5+$0x160] =	vst v9  }
0x264: {  	v8 =	vbroadcast v2, $0x4;
	v9 =	vld [tilespmem:s16+$0xC0];
	[tilespmem:s6+$0xFFFFFE60] =	vst v5  }
0x265: {  	[tilespmem:s5+$0xFFFFFF70] =	vst v7;
	v5 =	vbroadcast v4, $0x4;
	v6 =	vmul.f32 v6, v7;
	v7 =	vld [tilespmem:s7+$0xFFFFFF40]  }
0x266: {  	[tilespmem:s6+$0xFFFFFE90] =	vst v8  }
0x267: {  	v10 =	vmul.f32 v10, v5;
	[tilespmem:s5+$0xFFFFFF60] =	vst v6;
	v6 =	vbroadcast v1, $0xC  }
0x268: {  	[tilespmem:s6+$0x90] =	vst v5;
	v5 =	vld [tilespmem:s16+$0xFFFFFFC0]  }
0x269: {  	[tilespmem:s6+$0x80] =	vst v10;
	v9 =	vmul.f32 v9, v6  }
0x26a: {  	v10 =	vld [tilespmem:s7+$0x50];
	[tilespmem:s5+$0x190] =	vst v6;
	v6 =	vmul.f32 v7, v8  }
0x26b: {  	v7 =	vbroadcast v3, $0xC;
	[tilespmem:s5+$0x180] =	vst v9  }
0x26c: {  	v8 =	vbroadcast v2, $0x5;
	v9 =	vld [tilespmem:s16+$0xD0];
	[tilespmem:s6+$0xFFFFFE80] =	vst v6  }
0x26d: {  	[tilespmem:s5+$0xFFFFFF90] =	vst v7;
	v6 =	vbroadcast v4, $0x5;
	v5 =	vmul.f32 v5, v7;
	v7 =	vld [tilespmem:s7+$0xFFFFFF50]  }
0x26e: {  	[tilespmem:s6+$0xFFFFFEB0] =	vst v8  }
0x26f: {  	v10 =	vmul.f32 v10, v6;
	[tilespmem:s5+$0xFFFFFF80] =	vst v5;
	v5 =	vbroadcast v1, $0xD  }
0x270: {  	[tilespmem:s6+$0xB0] =	vst v6;
	v6 =	vld [tilespmem:s16+$0xFFFFFFD0]  }
0x271: {  	[tilespmem:s6+$0xA0] =	vst v10;
	v9 =	vmul.f32 v9, v5  }
0x272: {  	v10 =	vld [tilespmem:s7+$0x60];
	[tilespmem:s5+$0x1B0] =	vst v5;
	v5 =	vmul.f32 v7, v8  }
0x273: {  	v7 =	vbroadcast v3, $0xD;
	[tilespmem:s5+$0x1A0] =	vst v9  }
0x274: {  	v8 =	vbroadcast v2, $0x6;
	v9 =	vld [tilespmem:s16+$0xE0];
	[tilespmem:s6+$0xFFFFFEA0] =	vst v5  }
0x275: {  	[tilespmem:s5+$0xFFFFFFB0] =	vst v7;
	v5 =	vbroadcast v4, $0x6;
	v6 =	vmul.f32 v6, v7;
	v7 =	vld [tilespmem:s7+$0xFFFFFF60]  }
0x276: {  	[tilespmem:s6+$0xFFFFFED0] =	vst v8  }
0x277: {  	v10 =	vmul.f32 v10, v5;
	[tilespmem:s5+$0xFFFFFFA0] =	vst v6;
	v6 =	vbroadcast v1, $0xE  }
0x278: {  	[tilespmem:s6+$0xD0] =	vst v5;
	v5 =	vld [tilespmem:s16+$0xFFFFFFE0]  }
0x279: {  	s8 =	simm.s32 $0x11C20;
	[tilespmem:s6+$0xC0] =	vst v10;
	v9 =	vmul.f32 v9, v6  }
0x27a: {  	v13 =	vld [tilespmem:s8+$0xFFFFFFF0];
	[tilespmem:s5+$0x1D0] =	vst v6;
	v6 =	vmul.f32 v7, v8  }
0x27b: {  	v7 =	vld [tilespmem:s7+$0x70];
	v8 =	vbroadcast v3, $0xE;
	[tilespmem:s5+$0x1C0] =	vst v9  }
0x27c: {  	v11 =	vbroadcast v1, $0xF;
	v1 =	vld [tilespmem:s8+$0x0];
	[tilespmem:s6+$0xFFFFFEC0] =	vst v6  }
0x27d: {  	v9 =	vld [tilespmem:s16+$0xF0];
	[tilespmem:s5+$0xFFFFFFD0] =	vst v8;
	v5 =	vmul.f32 v5, v8  }
0x27e: {  	[tilespmem:s5+$0x1F0] =	vst v11;
	v10 =	vld [tilespmem:s7+$0xFFFFFF70];
	v8 =	vbroadcast v4, $0x7  }
0x27f: {  	s9 =	simm.s32 $0x108D0;
	v6 =	vbroadcast v2, $0x7;
	[tilespmem:s5+$0xFFFFFFC0] =	vst v5  }
0x280: {  	v5 =	vmul.f32 v7, v8;
	[tilespmem:s6+$0xF0] =	vst v8;
	v8 =	vld [tilespmem:s9+$0x0]  }
0x281: {  	v12 =	vbroadcast v13, $0x0;
	[tilespmem:s6+$0xFFFFFEF0] =	vst v6  }
0x282: {  	s8 =	simm.s32 $0x115D0;
	v7 =	vmul.f32 v9, v11;
	[tilespmem:s6+$0xE0] =	vst v5;
	v9 =	vld [tilespmem:s9+$0xFFFFFF00]  }
0x283: {  	[tilespmem:s8+$0xFFFFFE10] =	vst v12;
	v5 =	vmul.f32 v10, v6;
	v6 =	vld [tilespmem:s7+$0x80];
	v10 =	vbroadcast v1, $0x0  }
0x284: {  	[tilespmem:s5+$0x1E0] =	vst v7  }
0x285: {  	[tilespmem:s6+$0xFFFFFEE0] =	vst v5;
	v8 =	vmul.f32 v10, v8  }
0x286: {  	v11 =	vbroadcast v4, $0x8;
	[tilespmem:s8+$0x10] =	vst v10;
	v5 =	vld [tilespmem:s7+$0xFFFFFF80]  }
0x287: {  	[tilespmem:s8+$0x0] =	vst v8;
	v8 =	vmul.f32 v12, v9  }
0x288: {  	[tilespmem:s6+$0x110] =	vst v11;
	v6 =	vmul.f32 v6, v11;
	v9 =	vld [tilespmem:s9+$0x10]  }
0x289: {  	v7 =	vbroadcast v2, $0x8;
	[tilespmem:s8+$0xFFFFFE00] =	vst v8  }
0x28a: {  	v14 =	vbroadcast v3, $0xF;
	v3 =	vbroadcast v13, $0x1;
	[tilespmem:s6+$0x100] =	vst v6;
	v8 =	vld [tilespmem:s9+$0xFFFFFF10]  }
0x28b: {  	[tilespmem:s6+$0xFFFFFF10] =	vst v7;
	v6 =	vld [tilespmem:s7+$0x90];
	v5 =	vmul.f32 v5, v7;
	v7 =	vbroadcast v1, $0x1  }
0x28c: {  	[tilespmem:s8+$0xFFFFFE30] =	vst v3  }
0x28d: {  	v9 =	vmul.f32 v9, v7;
	[tilespmem:s6+$0xFFFFFF00] =	vst v5  }
0x28e: {  	v5 =	vbroadcast v4, $0x9;
	[tilespmem:s8+$0x30] =	vst v7;
	v7 =	vld [tilespmem:s7+$0xFFFFFF90]  }
0x28f: {  	[tilespmem:s8+$0x20] =	vst v9;
	v3 =	vmul.f32 v8, v3  }
0x290: {  	[tilespmem:s6+$0x130] =	vst v5;
	v6 =	vmul.f32 v6, v5  }
0x291: {  	v9 =	vld [tilespmem:s9+$0x20];
	v5 =	vbroadcast v2, $0x9;
	[tilespmem:s8+$0xFFFFFE20] =	vst v3  }
0x292: {  	v15 =	vld [tilespmem:s16+$0xFFFFFFF0];
	[tilespmem:s6+$0x120] =	vst v6  }
0x293: {  	[tilespmem:s6+$0xFFFFFF30] =	vst v5;
	v8 =	vld [tilespmem:s7+$0xA0];
	v5 =	vmul.f32 v7, v5  }
0x294: {  	[tilespmem:s5+$0xFFFFFFF0] =	vst v14;
	v3 =	vbroadcast v1, $0x2;
	v7 =	vld [tilespmem:s9+$0xFFFFFF20]  }
0x295: {  	v6 =	vbroadcast v13, $0x2;
	[tilespmem:s6+$0xFFFFFF20] =	vst v5  }
0x296: {  	[tilespmem:s8+$0x50] =	vst v3;
	v9 =	vmul.f32 v9, v3;
	v5 =	vbroadcast v4, $0xA;
	v3 =	vld [tilespmem:s7+$0xFFFFFFA0]  }
0x297: {  	[tilespmem:s8+$0xFFFFFE50] =	vst v6  }
0x298: {  	[tilespmem:s8+$0x40] =	vst v9;
	v8 =	vmul.f32 v8, v5  }
0x299: {  	[tilespmem:s6+$0x150] =	vst v5;
	v9 =	vld [tilespmem:s9+$0x30];
	v5 =	vmul.f32 v7, v6;
	v6 =	vbroadcast v2, $0xA  }
0x29a: {  	[tilespmem:s6+$0x140] =	vst v8  }
0x29b: {  	[tilespmem:s8+$0xFFFFFE40] =	vst v5;
	v8 =	vld [tilespmem:s7+$0xB0];
	v3 =	vmul.f32 v3, v6  }
0x29c: {  	[tilespmem:s6+$0xFFFFFF50] =	vst v6;
	v5 =	vbroadcast v1, $0x3;
	v6 =	vld [tilespmem:s9+$0xFFFFFF30]  }
0x29d: {  	v7 =	vbroadcast v13, $0x3;
	[tilespmem:s6+$0xFFFFFF40] =	vst v3  }
0x29e: {  	[tilespmem:s8+$0x70] =	vst v5;
	v9 =	vmul.f32 v9, v5;
	v3 =	vbroadcast v4, $0xB;
	v5 =	vld [tilespmem:s7+$0xFFFFFFB0]  }
0x29f: {  	[tilespmem:s8+$0xFFFFFE70] =	vst v7  }
0x2a0: {  	[tilespmem:s8+$0x60] =	vst v9;
	v8 =	vmul.f32 v8, v3  }
0x2a1: {  	[tilespmem:s6+$0x170] =	vst v3;
	v9 =	vld [tilespmem:s9+$0x40];
	v3 =	vmul.f32 v6, v7;
	v6 =	vbroadcast v2, $0xB  }
0x2a2: {  	[tilespmem:s6+$0x160] =	vst v8  }
0x2a3: {  	[tilespmem:s8+$0xFFFFFE60] =	vst v3;
	v8 =	vld [tilespmem:s7+$0xC0];
	v5 =	vmul.f32 v5, v6  }
0x2a4: {  	[tilespmem:s6+$0xFFFFFF70] =	vst v6;
	v3 =	vbroadcast v1, $0x4;
	v6 =	vld [tilespmem:s9+$0xFFFFFF40]  }
0x2a5: {  	v7 =	vbroadcast v13, $0x4;
	[tilespmem:s6+$0xFFFFFF60] =	vst v5  }
0x2a6: {  	[tilespmem:s8+$0x90] =	vst v3;
	v9 =	vmul.f32 v9, v3;
	v5 =	vbroadcast v4, $0xC;
	v3 =	vld [tilespmem:s7+$0xFFFFFFC0]  }
0x2a7: {  	[tilespmem:s8+$0xFFFFFE90] =	vst v7  }
0x2a8: {  	[tilespmem:s8+$0x80] =	vst v9;
	v8 =	vmul.f32 v8, v5  }
0x2a9: {  	[tilespmem:s6+$0x190] =	vst v5;
	v9 =	vld [tilespmem:s9+$0x50];
	v5 =	vmul.f32 v6, v7;
	v6 =	vbroadcast v2, $0xC  }
0x2aa: {  	[tilespmem:s6+$0x180] =	vst v8  }
0x2ab: {  	[tilespmem:s8+$0xFFFFFE80] =	vst v5;
	v8 =	vld [tilespmem:s7+$0xD0];
	v3 =	vmul.f32 v3, v6  }
0x2ac: {  	[tilespmem:s6+$0xFFFFFF90] =	vst v6;
	v5 =	vbroadcast v1, $0x5;
	v6 =	vld [tilespmem:s9+$0xFFFFFF50]  }
0x2ad: {  	v7 =	vbroadcast v13, $0x5;
	[tilespmem:s6+$0xFFFFFF80] =	vst v3  }
0x2ae: {  	[tilespmem:s8+$0xB0] =	vst v5;
	v9 =	vmul.f32 v9, v5;
	v3 =	vbroadcast v4, $0xD;
	v5 =	vld [tilespmem:s7+$0xFFFFFFD0]  }
0x2af: {  	[tilespmem:s8+$0xFFFFFEB0] =	vst v7  }
0x2b0: {  	[tilespmem:s8+$0xA0] =	vst v9;
	v8 =	vmul.f32 v8, v3  }
0x2b1: {  	[tilespmem:s6+$0x1B0] =	vst v3;
	v9 =	vld [tilespmem:s9+$0x60];
	v3 =	vmul.f32 v6, v7;
	v6 =	vbroadcast v2, $0xD  }
0x2b2: {  	[tilespmem:s6+$0x1A0] =	vst v8  }
0x2b3: {  	[tilespmem:s8+$0xFFFFFEA0] =	vst v3;
	v8 =	vld [tilespmem:s7+$0xE0];
	v5 =	vmul.f32 v5, v6  }
0x2b4: {  	[tilespmem:s6+$0xFFFFFFB0] =	vst v6;
	v3 =	vbroadcast v1, $0x6;
	v6 =	vld [tilespmem:s9+$0xFFFFFF60]  }
0x2b5: {  	v16 =	vbroadcast v2, $0xE;
	v7 =	vbroadcast v13, $0x6;
	[tilespmem:s6+$0xFFFFFFA0] =	vst v5  }
0x2b6: {  	[tilespmem:s8+$0xD0] =	vst v3;
	v9 =	vmul.f32 v9, v3;
	v5 =	vbroadcast v4, $0xE;
	v3 =	vld [tilespmem:s7+$0xFFFFFFE0]  }
0x2b7: {  	v10 =	vbroadcast v13, $0x9;
	v12 =	vbroadcast v13, $0x7;
	[tilespmem:s8+$0xFFFFFED0] =	vst v7  }
0x2b8: {  	v11 =	vbroadcast v13, $0x8;
	[tilespmem:s8+$0xC0] =	vst v9;
	v17 =	vmul.f32 v8, v5  }
0x2b9: {  	[tilespmem:s6+$0x1D0] =	vst v5;
	v9 =	vbroadcast v13, $0xA;
	v5 =	vmul.f32 v6, v7  }
0x2ba: {  	v8 =	vbroadcast v13, $0xB;
	v7 =	vbroadcast v13, $0xC;
	v18 =	vld [tilespmem:s9+$0x70];
	[tilespmem:s6+$0x1C0] =	vst v17  }
0x2bb: {  	[tilespmem:s6+$0xFFFFFFD0] =	vst v16;
	v6 =	vbroadcast v13, $0xD;
	v19 =	vmul.f32 v3, v16;
	v16 =	vld [tilespmem:s7+$0xF0]  }
0x2bc: {  	[tilespmem:s8+$0xFFFFFEC0] =	vst v5;
	v5 =	vbroadcast v13, $0xE;
	v3 =	vbroadcast v13, $0xF  }
0x2bd: {  	v17 =	vld [tilespmem:s9+$0xFFFFFF70];
	v13 =	vmul.f32 v15, v14;
	[tilespmem:s8+$0xFFFFFEF0] =	vst v12;
	v15 =	vbroadcast v1, $0x7  }
0x2be: {  	s10 =	simm.s32 $0x11C40;
	s17 =	simm.s32 $0x4;
	s16 =	simm.s32 $0x108D0;
	v2 =	vbroadcast v2, $0xF;
	v14 =	vbroadcast v4, $0xF;
	[tilespmem:s6+$0xFFFFFFC0] =	vst v19  }
.LBB2_14:
0x2bf: {  	v4 =	vld [tilespmem:s10+$0x0];
	v18 =	vmul.f32 v18, v15;
	[tilespmem:s5+$0xFFFFFFE0] =	vst v13;
	s5 =	smov.u32 s6;
	s6 =	smov.u32 s8  }
0x2c0: {  	s9 =	sadd.s32 $0x200, s9;
	v19 =	vld [tilespmem:s10+$0xFFFFFFF0];
	[tilespmem:s8+$0xF0] =	vst v15;
	v13 =	vmul.f32 v16, v14  }
0x2c1: {  	s17 =	sadd.s32 $0x2, s17;
	v15 =	vld [tilespmem:s9+$0x0];
	[tilespmem:s8+$0xE0] =	vst v18  }
0x2c2: {  	p3 =	slt.u32 s17, $0x6;
	v16 =	vld [tilespmem:s9+$0xFFFFFF00];
	v12 =	vmul.f32 v17, v12;
	[tilespmem:s5+$0x1E0] =	vst v13  }
0x2c3: {  	v13 =	vld [tilespmem:s16+$0x80];
	[tilespmem:s5+$0x1F0] =	vst v14  }
0x2c4: {  	v14 =	vbroadcast v4, $0x0;
	[tilespmem:s8+$0xFFFFFEE0] =	vst v12;
	v18 =	vld [tilespmem:s7+$0xFFFFFFF0];
	s7 =	smov.u32 s16;
	s16 =	smov.u32 s9  }
0x2c5: {  	v17 =	vbroadcast v19, $0x0;
	v20 =	vbroadcast v19, $0x1;
	v21 =	vld [tilespmem:s7+$0xFFFFFF80];
	[tilespmem:s8+$0xFFFFFF10] =	vst v11  }
0x2c6: {  	s8 =	sadd.s32 $0x400, s8;
	v12 =	vmul.f32 v14, v15;
	v15 =	vbroadcast v1, $0x8;
	[tilespmem:s5+$0xFFFFFFF0] =	vst v2  }
0x2c7: {  	v23 =	vbroadcast v19, $0x2;
	v22 =	vmul.f32 v17, v16;
	[tilespmem:s8+$0x10] =	vst v14  }
0x2c8: {  	v24 =	vbroadcast v19, $0x3;
	[tilespmem:s8+$0x0] =	vst v12;
	v13 =	vmul.f32 v13, v15  }
0x2c9: {  	v25 =	vbroadcast v19, $0x4;
	v16 =	vbroadcast v19, $0x5;
	v26 =	vld [tilespmem:s9+$0x10];
	[tilespmem:s6+$0x110] =	vst v15  }
0x2ca: {  	v14 =	vbroadcast v19, $0x6;
	v12 =	vbroadcast v19, $0x7;
	[tilespmem:s6+$0x100] =	vst v13  }
0x2cb: {  	v13 =	vmul.f32 v21, v11;
	v11 =	vbroadcast v19, $0x8;
	[tilespmem:s8+$0xFFFFFE00] =	vst v22;
	v21 =	vld [tilespmem:s7+$0x90]  }
0x2cc: {  	v15 =	vbroadcast v4, $0x1;
	v22 =	vbroadcast v19, $0x9;
	[tilespmem:s8+$0xFFFFFE10] =	vst v17  }
0x2cd: {  	v28 =	vbroadcast v19, $0xA;
	v29 =	vbroadcast v19, $0xB;
	v27 =	vld [tilespmem:s9+$0xFFFFFF10];
	[tilespmem:s8+$0xFFFFFE30] =	vst v20  }
0x2ce: {  	v26 =	vmul.f32 v26, v15;
	[tilespmem:s6+$0xFFFFFF00] =	vst v13;
	v13 =	vbroadcast v1, $0x9  }
0x2cf: {  	v30 =	vbroadcast v19, $0xC;
	v17 =	vbroadcast v19, $0xD;
	[tilespmem:s8+$0x30] =	vst v15;
	v31 =	vld [tilespmem:s7+$0xFFFFFF90]  }
0x2d0: {  	v15 =	vbroadcast v19, $0xE;
	[tilespmem:s8+$0x20] =	vst v26;
	v21 =	vmul.f32 v21, v13  }
0x2d1: {  	v26 =	vld [tilespmem:s9+$0x20];
	[tilespmem:s6+$0x130] =	vst v13;
	v13 =	vmul.f32 v18, v2;
	v2 =	vmov v3;
	v3 =	vbroadcast v19, $0xF  }
0x2d2: {  	v18 =	vmul.f32 v27, v20;
	[tilespmem:s6+$0x120] =	vst v21  }
0x2d3: {  	[tilespmem:s6+$0xFFFFFF30] =	vst v10;
	v19 =	vld [tilespmem:s7+$0xA0]  }
0x2d4: {  	[tilespmem:s8+$0xFFFFFE20] =	vst v18;
	v18 =	vbroadcast v4, $0x2;
	v20 =	vmul.f32 v31, v10;
	v10 =	vmov v22  }
0x2d5: {  	v21 =	vld [tilespmem:s9+$0xFFFFFF20];
	[tilespmem:s8+$0xFFFFFE50] =	vst v23  }
0x2d6: {  	v22 =	vmul.f32 v26, v18;
	[tilespmem:s6+$0xFFFFFF20] =	vst v20;
	v20 =	vbroadcast v1, $0xA  }
0x2d7: {  	[tilespmem:s8+$0x50] =	vst v18;
	v18 =	vld [tilespmem:s7+$0xFFFFFFA0]  }
0x2d8: {  	[tilespmem:s8+$0x40] =	vst v22;
	v19 =	vmul.f32 v19, v20  }
0x2d9: {  	v22 =	vld [tilespmem:s9+$0x30];
	[tilespmem:s6+$0x150] =	vst v20  }
0x2da: {  	v20 =	vmul.f32 v21, v23;
	[tilespmem:s6+$0x140] =	vst v19  }
0x2db: {  	[tilespmem:s6+$0xFFFFFF50] =	vst v9;
	v19 =	vld [tilespmem:s7+$0xB0]  }
0x2dc: {  	[tilespmem:s8+$0xFFFFFE40] =	vst v20;
	v20 =	vbroadcast v4, $0x3;
	v18 =	vmul.f32 v18, v9;
	v9 =	vmov v28  }
0x2dd: {  	v21 =	vld [tilespmem:s9+$0xFFFFFF30];
	[tilespmem:s8+$0xFFFFFE70] =	vst v24  }
0x2de: {  	v22 =	vmul.f32 v22, v20;
	[tilespmem:s6+$0xFFFFFF40] =	vst v18;
	v18 =	vbroadcast v1, $0xB  }
0x2df: {  	[tilespmem:s8+$0x70] =	vst v20;
	v20 =	vld [tilespmem:s7+$0xFFFFFFB0]  }
0x2e0: {  	[tilespmem:s8+$0x60] =	vst v22;
	v19 =	vmul.f32 v19, v18  }
0x2e1: {  	v22 =	vld [tilespmem:s9+$0x40];
	[tilespmem:s6+$0x170] =	vst v18  }
0x2e2: {  	v18 =	vmul.f32 v21, v24;
	[tilespmem:s6+$0x160] =	vst v19  }
0x2e3: {  	[tilespmem:s6+$0xFFFFFF70] =	vst v8;
	v19 =	vld [tilespmem:s7+$0xC0]  }
0x2e4: {  	[tilespmem:s8+$0xFFFFFE60] =	vst v18;
	v18 =	vbroadcast v4, $0x4;
	v20 =	vmul.f32 v20, v8;
	v8 =	vmov v29  }
0x2e5: {  	v21 =	vld [tilespmem:s9+$0xFFFFFF40];
	[tilespmem:s8+$0xFFFFFE90] =	vst v25  }
0x2e6: {  	v22 =	vmul.f32 v22, v18;
	[tilespmem:s6+$0xFFFFFF60] =	vst v20;
	v20 =	vbroadcast v1, $0xC  }
0x2e7: {  	[tilespmem:s8+$0x90] =	vst v18;
	v18 =	vld [tilespmem:s7+$0xFFFFFFC0]  }
0x2e8: {  	[tilespmem:s8+$0x80] =	vst v22;
	v19 =	vmul.f32 v19, v20  }
0x2e9: {  	v22 =	vld [tilespmem:s9+$0x50];
	[tilespmem:s6+$0x190] =	vst v20  }
0x2ea: {  	v20 =	vmul.f32 v21, v25;
	[tilespmem:s6+$0x180] =	vst v19  }
0x2eb: {  	[tilespmem:s6+$0xFFFFFF90] =	vst v7;
	v19 =	vld [tilespmem:s7+$0xD0]  }
0x2ec: {  	[tilespmem:s8+$0xFFFFFE80] =	vst v20;
	v20 =	vbroadcast v4, $0x5;
	v18 =	vmul.f32 v18, v7;
	v7 =	vmov v30  }
0x2ed: {  	v21 =	vld [tilespmem:s9+$0xFFFFFF50];
	[tilespmem:s8+$0xFFFFFEB0] =	vst v16  }
0x2ee: {  	v22 =	vmul.f32 v22, v20;
	[tilespmem:s6+$0xFFFFFF80] =	vst v18;
	v18 =	vbroadcast v1, $0xD  }
0x2ef: {  	[tilespmem:s8+$0xB0] =	vst v20;
	v20 =	vld [tilespmem:s7+$0xFFFFFFD0]  }
0x2f0: {  	[tilespmem:s8+$0xA0] =	vst v22;
	v19 =	vmul.f32 v19, v18  }
0x2f1: {  	v22 =	vld [tilespmem:s9+$0x60];
	[tilespmem:s6+$0x1B0] =	vst v18  }
0x2f2: {  	v16 =	vmul.f32 v21, v16;
	[tilespmem:s6+$0x1A0] =	vst v19  }
0x2f3: {  	[tilespmem:s6+$0xFFFFFFB0] =	vst v6;
	v18 =	vld [tilespmem:s7+$0xE0]  }
0x2f4: {  	[tilespmem:s8+$0xFFFFFEA0] =	vst v16;
	v16 =	vbroadcast v4, $0x6;
	v19 =	vmul.f32 v20, v6;
	v6 =	vmov v17  }
0x2f5: {  	v17 =	vld [tilespmem:s9+$0xFFFFFF60];
	[tilespmem:s8+$0xFFFFFED0] =	vst v14  }
0x2f6: {  	v20 =	vmul.f32 v22, v16;
	[tilespmem:s6+$0xFFFFFFA0] =	vst v19;
	v19 =	vbroadcast v1, $0xE  }
0x2f7: {  	[tilespmem:s8+$0xD0] =	vst v16;
	v21 =	vld [tilespmem:s7+$0xFFFFFFE0]  }
0x2f8: {  	[tilespmem:s8+$0xC0] =	vst v20;
	v16 =	vmul.f32 v18, v19  }
0x2f9: {  	[tilespmem:s6+$0x1D0] =	vst v19  }
.Ltmp9:
0x2fa: {  	v14 =	vmul.f32 v17, v14;
	v18 =	vld [tilespmem:s9+$0x70];
	[tilespmem:s6+$0x1C0] =	vst v16;
	(pc) =	sbr.rel @p3 .LBB2_14-.Ltmp9, $4  }
0x2fb: {  	[tilespmem:s6+$0xFFFFFFD0] =	vst v5;
	v16 =	vld [tilespmem:s7+$0xF0]  }
0x2fc: {  	[tilespmem:s8+$0xFFFFFEC0] =	vst v14;
	v14 =	vmul.f32 v21, v5;
	v5 =	vmov v15  }
0x2fd: {  	v15 =	vbroadcast v4, $0x7;
	v17 =	vld [tilespmem:s9+$0xFFFFFF70];
	[tilespmem:s8+$0xFFFFFEF0] =	vst v12  }
0x2fe: {  	s10 =	sadd.s32 $0x20, s10;
	[tilespmem:s6+$0xFFFFFFC0] =	vst v14;
	v14 =	vbroadcast v1, $0xF;
	v1 =	vmov v4  }
0x2ff: {  	_ =	sdelay $0x1  }
0x300: {  	v4 =	vmul.f32 v18, v15  }
0x301: {  	[tilespmem:s8+$0xF0] =	vst v15;
	v49 =	vmul.f32 v17, v12  }
0x302: {  	[tilespmem:s8+$0xE0] =	vst v4  }
0x303: {  	v50 =	vld [tilespmem:s16+$0x80];
	[tilespmem:s8+$0xFFFFFEE0] =	vst v49  }
0x304: {  	v4 =	vld [tilespmem:s16+$0xFFFFFF80];
	_ =	sdelay $0x1  }
0x305: {  	v51 =	vbroadcast v1, $0x8;
	_ =	sdelay $0x1  }
0x306: {  	[tilespmem:s8+$0x110] =	vst v51;
	v12 =	vmul.f32 v50, v51  }
0x307: {  	[tilespmem:s8+$0xFFFFFF10] =	vst v11;
	v4 =	vmul.f32 v4, v11  }
0x308: {  	[tilespmem:s8+$0x100] =	vst v12  }
0x309: {  	v12 =	vld [tilespmem:s16+$0x90];
	[tilespmem:s8+$0xFFFFFF00] =	vst v4  }
0x30a: {  	v11 =	vld [tilespmem:s16+$0xFFFFFF90];
	_ =	sdelay $0x1  }
0x30b: {  	v52 =	vbroadcast v1, $0x9;
	_ =	sdelay $0x1  }
0x30c: {  	[tilespmem:s8+$0x130] =	vst v52;
	v12 =	vmul.f32 v12, v52  }
0x30d: {  	[tilespmem:s8+$0xFFFFFF30] =	vst v10;
	v11 =	vmul.f32 v11, v10  }
0x30e: {  	[tilespmem:s8+$0x120] =	vst v12  }
0x30f: {  	v4 =	vld [tilespmem:s16+$0xA0];
	[tilespmem:s8+$0xFFFFFF20] =	vst v11  }
0x310: {  	v11 =	vld [tilespmem:s16+$0xFFFFFFA0];
	_ =	sdelay $0x1  }
0x311: {  	v53 =	vbroadcast v1, $0xA;
	_ =	sdelay $0x1  }
0x312: {  	[tilespmem:s8+$0x150] =	vst v53;
	v4 =	vmul.f32 v4, v53  }
0x313: {  	[tilespmem:s8+$0xFFFFFF50] =	vst v9;
	v54 =	vmul.f32 v11, v9  }
0x314: {  	[tilespmem:s8+$0x140] =	vst v4  }
0x315: {  	v4 =	vld [tilespmem:s16+$0xB0];
	[tilespmem:s8+$0xFFFFFF40] =	vst v54  }
0x316: {  	v10 =	vld [tilespmem:s16+$0xFFFFFFB0];
	_ =	sdelay $0x1  }
0x317: {  	v55 =	vbroadcast v1, $0xB;
	_ =	sdelay $0x1  }
0x318: {  	[tilespmem:s8+$0x170] =	vst v55;
	v4 =	vmul.f32 v4, v55  }
0x319: {  	[tilespmem:s8+$0xFFFFFF70] =	vst v8;
	v56 =	vmul.f32 v10, v8  }
0x31a: {  	[tilespmem:s8+$0x160] =	vst v4  }
0x31b: {  	v4 =	vld [tilespmem:s16+$0xC0];
	[tilespmem:s8+$0xFFFFFF60] =	vst v56  }
0x31c: {  	v9 =	vld [tilespmem:s16+$0xFFFFFFC0];
	_ =	sdelay $0x1  }
0x31d: {  	v57 =	vbroadcast v1, $0xC;
	_ =	sdelay $0x1  }
0x31e: {  	[tilespmem:s8+$0x190] =	vst v57;
	v4 =	vmul.f32 v4, v57  }
0x31f: {  	[tilespmem:s8+$0xFFFFFF90] =	vst v7;
	v58 =	vmul.f32 v9, v7  }
0x320: {  	[tilespmem:s8+$0x180] =	vst v4  }
0x321: {  	v4 =	vld [tilespmem:s16+$0xD0];
	[tilespmem:s8+$0xFFFFFF80] =	vst v58  }
0x322: {  	v8 =	vld [tilespmem:s16+$0xFFFFFFD0];
	_ =	sdelay $0x1  }
0x323: {  	v59 =	vbroadcast v1, $0xD;
	_ =	sdelay $0x1  }
0x324: {  	[tilespmem:s8+$0x1B0] =	vst v59;
	v4 =	vmul.f32 v4, v59  }
0x325: {  	[tilespmem:s8+$0xFFFFFFB0] =	vst v6;
	v60 =	vmul.f32 v8, v6  }
0x326: {  	[tilespmem:s8+$0x1A0] =	vst v4  }
0x327: {  	v4 =	vld [tilespmem:s16+$0xE0];
	[tilespmem:s8+$0xFFFFFFA0] =	vst v60  }
0x328: {  	v7 =	vld [tilespmem:s16+$0xFFFFFFE0];
	_ =	sdelay $0x1  }
0x329: {  	v61 =	vbroadcast v1, $0xE  }
0x32a: {  	[tilespmem:s5+$0xFFFFFFE0] =	vst v13  }
0x32b: {  	v62 =	vld [tilespmem:s7+$0xFFFFFFF0];
	[tilespmem:s8+$0x1D0] =	vst v61;
	v4 =	vmul.f32 v4, v61  }
0x32c: {  	[tilespmem:s8+$0xFFFFFFD0] =	vst v5;
	v7 =	vmul.f32 v7, v5  }
0x32d: {  	[tilespmem:s8+$0x1C0] =	vst v4  }
0x32e: {  	v4 =	vld [tilespmem:s16+$0xF0];
	[tilespmem:s8+$0xFFFFFFC0] =	vst v7  }
0x32f: {  	[tilespmem:s6+$0xFFFFFFF0] =	vst v2;
	v63 =	vmul.f32 v16, v14;
	v5 =	vld [tilespmem:s16+$0xFFFFFFF0]  }
0x330: {  	[tilespmem:s6+$0x1F0] =	vst v14;
	v6 =	vmul.f32 v62, v2  }
0x331: {  	v1 =	vbroadcast v1, $0xF;
	[tilespmem:s6+$0x1E0] =	vst v63  }
0x332: {  	[tilespmem:s6+$0xFFFFFFE0] =	vst v6  }
0x333: {  	[tilespmem:s8+$0x1F0] =	vst v1;
	v2 =	vmul.f32 v4, v1  }
0x334: {  	s23 =	sadd.s32 $0x1, s23;
	[tilespmem:s8+$0xFFFFFFF0] =	vst v3;
	v1 =	vmul.f32 v5, v3  }
0x335: {  	p3 =	sne.s32 s23, $0x27;
	[tilespmem:s8+$0x1E0] =	vst v2  }
.Ltmp10:
0x336: {  	s18 =	sadd.s32 $0x2780, s15;
	[tilespmem:s8+$0xFFFFFFE0] =	vst v1;
	(pc) =	sbr.rel @p3 .LBB2_7-.Ltmp10, $4  }
0x337: {  	[spmem:s2] =	stream.indirect.scatter.add.f32 [tilespmem:s11], [sflag:$0x3], $0x20, s18, s26, $0xb8;
	[tilespmem:$0x11C50] =	vst v63  }
0x338: {  	_ =	swait.ge [sflag:s20], $0x1000  }
0x339: {  	s24 =	sadd.s32 $0x100, s24;
	s25 =	sadd.s32 $0x100, s25;
	[sflag:s20] =	ssyncset.done $0x0  }
0x33a: {  	s12 =	sadd.s32 $0x100, s12;
	s13 =	sadd.s32 $0x100, s13;
	[sflag:s20] =	ssyncadd.s32 $0xFFFFF000  }
.Ltmp11:
0x33b: {  	(pc) =	sbr.rel @p0 .LBB2_22-.Ltmp11, $4  }
0x33c: {  	_ = 	snop  }
0x33d: {  	_ =	swait.ge [sflag:s30], $0x800  }
0x33e: {  	[sflag:s30] =	ssyncset.done $0x0  }
0x33f: {  	[sflag:s30] =	ssyncadd.s32 $0xFFFFF800  }
0x340: {  	s5 =	simm.s32 $0x2700;
	s18 =	simm.s32 $0x2710  }
0x341: {  	[tilespmem:s28], [sflag:$0x1] =	stream.indirect.gather [hbm4b:s1+s26], $0x10, s5, s26, $0xb8;
	[tilespmem:$0x11C50] =	vst v63  }
0x342: {  	s6 =	simm.s32 $0x4E90;
	v1 =	vld [tilespmem:s18+$0x0]  }
0x343: {  	v2 =	vld [tilespmem:s6+$0x0]  }
0x344: {  	v3 =	vld [tilespmem:s6+$0xFFFFFFF0]  }
0x345: {  	v4 =	vld [tilespmem:s18+$0xFFFFFFF0];
	_ =	sdelay $0x2  }
0x346: {  	s23 =	simm.s32 $0x2730  }
0x347: {  	v5 =	vld [tilespmem:s23+$0x0]  }
0x348: {  	v1 =	vld.idx.msk [tilespmem:v1+s21+$0x0], $0xffff  }
0x349: {  	v2 =	vld.idx.msk [tilespmem:v2+s22+$0x0], $0xffff  }
0x34a: {  	v3 =	vld.idx.msk [tilespmem:v3+s22+$0x0], $0xffff  }
0x34b: {  	s24 =	simm.s32 $0x4EB0;
	v4 =	vld.idx.msk [tilespmem:v4+s21+$0x0], $0xffff  }
0x34c: {  	v6 =	vld [tilespmem:s24+$0x0]  }
0x34d: {  	v7 =	vld [tilespmem:s24+$0xFFFFFFF0]  }
0x34e: {  	v8 =	vld [tilespmem:s23+$0xFFFFFFF0]  }
0x34f: {  	v1 =	vadd.f32 v2, v1  }
0x350: {  	v2 =	vadd.f32 v3, v4  }
0x351: {  	v3 =	vmul.f32 $2.000000030e-01, v1  }
0x352: {  	v4 =	vmul.f32 $2.000000030e-01, v2  }
0x353: {  	v1 =	vmax.f32 v1, v3;
	v3 =	vld.idx.msk [tilespmem:v5+s21+$0x0], $0xffff  }
0x354: {  	v5 =	vld.idx.msk [tilespmem:v6+s22+$0x0], $0xffff;
	v2 =	vmax.f32 v2, v4;
	v1 =	vsub.f32 v1, v0  }
0x355: {  	v4 =	vld.idx.msk [tilespmem:v7+s22+$0x0], $0xffff;
	v2 =	vsub.f32 v2, v0  }
0x356: {  	s25 =	simm.s32 $0x2750;
	v6 =	vld.idx.msk [tilespmem:v8+s21+$0x0], $0xffff;
	v1 =	vmul.f32 $1.442695020e+00, v1  }
0x357: {  	s6 =	simm.s32 $0x4ED0;
	v7 =	vld [tilespmem:s25+$0x0];
	v2 =	vmul.f32 $1.442695020e+00, v2  }
0x358: {  	v9 =	vld [tilespmem:s6+$0xFFFFFFF0];
	(erf) = vpow2.f32 v1  }
0x359: {  	v8 =	vld [tilespmem:s6+$0x0];
	(erf) = vpow2.f32 v2  }
0x35a: {  	v10 =	vld [tilespmem:s25+$0xFFFFFFF0];
	v1 =	vadd.f32 v5, v3;
	_ =	sdelay $0x1  }
0x35b: {  	v3 =	vadd.f32 v4, v6;
	v2 =	vmul.f32 $2.000000030e-01, v1;
	_ =	sdelay $0x1  }
0x35c: {  	v4 =	vmul.f32 $2.000000030e-01, v3;
	v2 =	vmax.f32 v1, v2  }
0x35d: {  	v1 =	vld.idx.msk [tilespmem:v7+s21+$0x0], $0xffff;
	v5 =	vsub.f32 v2, v0  }
0x35e: {  	v4 =	vmax.f32 v3, v4;
	v3 =	vld.idx.msk [tilespmem:v9+s22+$0x0], $0xffff  }
0x35f: {  	s5 =	simm.s32 $0x10360;
	v2 =	vld.idx.msk [tilespmem:v8+s22+$0x0], $0xffff;
	v6 =	vsub.f32 v4, v0;
	v5 =	vmul.f32 $1.442695020e+00, v5;
	v7 =	vpop (erf)  }
0x360: {  	s7 =	simm.s32 $0x4;
	s8 =	simm.s32 $0x2770;
	v4 =	vld.idx.msk [tilespmem:v10+s21+$0x0], $0xffff;
	[tilespmem:s5+$0x0] =	vst v7;
	v7 =	vpop (erf)  }
.LBB2_18:
0x361: {  	v8 =	vld [tilespmem:s8+$0x0];
	s6 =	sadd.s32 $0x20, s6;
	v6 =	vmul.f32 $1.442695020e+00, v6;
	(erf) = vpow2.f32 v5;
	[tilespmem:s5+$0xFFFFFFF0] =	vst v7  }
0x362: {  	s7 =	sadd.s32 $0x2, s7;
	v5 =	vld [tilespmem:s6+$0x0]  }
0x363: {  	p3 =	slt.u32 s7, $0x6;
	v7 =	vld [tilespmem:s6+$0xFFFFFFF0];
	(erf) = vpow2.f32 v6  }
0x364: {  	v1 =	vadd.f32 v2, v1;
	v9 =	vld [tilespmem:s8+$0xFFFFFFF0];
	_ =	sdelay $0x1  }
0x365: {  	v3 =	vadd.f32 v3, v4;
	v2 =	vmul.f32 $2.000000030e-01, v1;
	_ =	sdelay $0x1  }
.Ltmp12:
0x366: {  	v4 =	vmul.f32 $2.000000030e-01, v3;
	v2 =	vmax.f32 v1, v2;
	(pc) =	sbr.rel @p3 .LBB2_18-.Ltmp12, $4  }
0x367: {  	v1 =	vld.idx.msk [tilespmem:v8+s21+$0x0], $0xffff;
	v8 =	vsub.f32 v2, v0  }
0x368: {  	s5 =	sadd.s32 $0x20, s5;
	v4 =	vmax.f32 v3, v4;
	v2 =	vld.idx.msk [tilespmem:v5+s22+$0x0], $0xffff;
	v10 =	vpop (erf)  }
0x369: {  	v6 =	vsub.f32 v4, v0;
	v3 =	vld.idx.msk [tilespmem:v7+s22+$0x0], $0xffff;
	v5 =	vmul.f32 $1.442695020e+00, v8;
	[tilespmem:s5+$0x0] =	vst v10  }
0x36a: {  	s8 =	sadd.s32 $0x20, s8;
	v4 =	vld.idx.msk [tilespmem:v9+s21+$0x0], $0xffff;
	v7 =	vpop (erf)  }
0x36b: {  	_ =	sdelay $0x2  }
0x36c: {  	v1 =	vadd.f32 v2, v1  }
0x36d: {  	v2 =	vadd.f32 v3, v4  }
0x36e: {  	v3 =	vmul.f32 $2.000000030e-01, v1  }
0x36f: {  	v4 =	vmul.f32 $2.000000030e-01, v2  }
0x370: {  	v1 =	vmax.f32 v1, v3  }
0x371: {  	v1 =	vsub.f32 v1, v0;
	v2 =	vmax.f32 v2, v4  }
0x372: {  	v3 =	vmul.f32 $1.442695020e+00, v6;
	v0 =	vsub.f32 v2, v0  }
0x373: {  	(erf) = vpow2.f32 v5;
	v1 =	vmul.f32 $1.442695020e+00, v1  }
0x374: {  	(erf) = vpow2.f32 v3;
	v0 =	vmul.f32 $1.442695020e+00, v0  }
0x375: {  	(erf) = vpow2.f32 v1  }
0x376: {  	(erf) = vpow2.f32 v0;
	_ =	sdelay $0x5  }
0x377: {  	[tilespmem:s5+$0xFFFFFFF0] =	vst v7;
	s24 =	sadd.s32 $0x20, s5;
	v0 =	vpop (erf)  }
0x378: {  	[tilespmem:s24+$0x0] =	vst v0;
	v1 =	vpop (erf)  }
0x379: {  	s5 =	sadd.s32 $0x20, s24;
	[tilespmem:s24+$0xFFFFFFF0] =	vst v1;
	v0 =	vpop (erf)  }
0x37a: {  	[tilespmem:s5+$0x0] =	vst v0;
	v0 =	vpop (erf)  }
0x37b: {  	[tilespmem:s5+$0xFFFFFFF0] =	vst v0  }
0x37c: {  	_ =	swait.ge [sflag:s30], $0x800  }
0x37d: {  	[sflag:s30] =	ssyncset.done $0x0  }
0x37e: {  	s25 =	simm.s32 $0x10360;
	[sflag:s30] =	ssyncadd.s32 $0xFFFFF800  }
0x37f: {  	v0 =	vld [tilespmem:s25+$0x0]  }
0x380: {  	s12 =	simm.s32 $0xEC50  }
0x381: {  	v1 =	vld [tilespmem:s12+$0x0]  }
0x382: {  	v2 =	vld [tilespmem:s25+$0xFFFFFFF0];
	_ =	sdelay $0x1  }
0x383: {  	v3 =	vld [tilespmem:s12+$0xFFFFFF00];
	v4 =	vbroadcast v0, $0x0;
	_ =	sdelay $0x1  }
0x384: {  	s5 =	simm.s32 $0xF550;
	v1 =	vmul.f32 v4, v1  }
0x385: {  	v5 =	vbroadcast v2, $0x0;
	[tilespmem:s5+$0x10] =	vst v4  }
0x386: {  	[tilespmem:s5+$0x0] =	vst v1  }
0x387: {  	v3 =	vmul.f32 v5, v3;
	v1 =	vld [tilespmem:s12+$0x10]  }
0x388: {  	[tilespmem:s5+$0xFFFFFE10] =	vst v5  }
0x389: {  	[tilespmem:s5+$0xFFFFFE00] =	vst v3  }
0x38a: {  	v3 =	vbroadcast v0, $0x1;
	v4 =	vld [tilespmem:s12+$0xFFFFFF10];
	_ =	sdelay $0x1  }
0x38b: {  	v1 =	vmul.f32 v1, v3  }
0x38c: {  	v5 =	vbroadcast v2, $0x1;
	[tilespmem:s5+$0x30] =	vst v3  }
0x38d: {  	[tilespmem:s5+$0x20] =	vst v1  }
0x38e: {  	v3 =	vmul.f32 v4, v5;
	v1 =	vld [tilespmem:s12+$0x20]  }
0x38f: {  	[tilespmem:s5+$0xFFFFFE30] =	vst v5  }
0x390: {  	[tilespmem:s5+$0xFFFFFE20] =	vst v3  }
0x391: {  	v3 =	vbroadcast v0, $0x2;
	v4 =	vld [tilespmem:s12+$0xFFFFFF20];
	_ =	sdelay $0x1  }
0x392: {  	v1 =	vmul.f32 v1, v3  }
0x393: {  	v5 =	vbroadcast v2, $0x2;
	[tilespmem:s5+$0x50] =	vst v3  }
0x394: {  	[tilespmem:s5+$0x40] =	vst v1  }
0x395: {  	v3 =	vmul.f32 v4, v5;
	v1 =	vld [tilespmem:s12+$0x30]  }
0x396: {  	[tilespmem:s5+$0xFFFFFE50] =	vst v5  }
0x397: {  	[tilespmem:s5+$0xFFFFFE40] =	vst v3  }
0x398: {  	v3 =	vbroadcast v0, $0x3;
	v4 =	vld [tilespmem:s12+$0xFFFFFF30];
	_ =	sdelay $0x1  }
0x399: {  	v1 =	vmul.f32 v1, v3  }
0x39a: {  	v5 =	vbroadcast v2, $0x3;
	[tilespmem:s5+$0x70] =	vst v3  }
0x39b: {  	[tilespmem:s5+$0x60] =	vst v1  }
0x39c: {  	v3 =	vmul.f32 v4, v5;
	v1 =	vld [tilespmem:s12+$0x40]  }
0x39d: {  	[tilespmem:s5+$0xFFFFFE70] =	vst v5  }
0x39e: {  	[tilespmem:s5+$0xFFFFFE60] =	vst v3  }
0x39f: {  	v3 =	vbroadcast v0, $0x4;
	v4 =	vld [tilespmem:s12+$0xFFFFFF40];
	_ =	sdelay $0x1  }
0x3a0: {  	v1 =	vmul.f32 v1, v3  }
0x3a1: {  	v5 =	vbroadcast v2, $0x4;
	[tilespmem:s5+$0x90] =	vst v3  }
0x3a2: {  	[tilespmem:s5+$0x80] =	vst v1  }
0x3a3: {  	v3 =	vmul.f32 v4, v5;
	v1 =	vld [tilespmem:s12+$0x50]  }
0x3a4: {  	[tilespmem:s5+$0xFFFFFE90] =	vst v5  }
0x3a5: {  	[tilespmem:s5+$0xFFFFFE80] =	vst v3  }
0x3a6: {  	v3 =	vbroadcast v0, $0x5;
	v4 =	vld [tilespmem:s12+$0xFFFFFF50];
	_ =	sdelay $0x1  }
0x3a7: {  	v1 =	vmul.f32 v1, v3  }
0x3a8: {  	v5 =	vbroadcast v2, $0x5;
	[tilespmem:s5+$0xB0] =	vst v3  }
0x3a9: {  	[tilespmem:s5+$0xA0] =	vst v1  }
0x3aa: {  	v3 =	vmul.f32 v4, v5;
	v1 =	vld [tilespmem:s12+$0x60]  }
0x3ab: {  	[tilespmem:s5+$0xFFFFFEB0] =	vst v5  }
0x3ac: {  	[tilespmem:s5+$0xFFFFFEA0] =	vst v3  }
0x3ad: {  	v3 =	vbroadcast v0, $0x6;
	v4 =	vld [tilespmem:s12+$0xFFFFFF60];
	_ =	sdelay $0x1  }
0x3ae: {  	v1 =	vmul.f32 v1, v3  }
0x3af: {  	v5 =	vbroadcast v2, $0x6;
	[tilespmem:s5+$0xD0] =	vst v3  }
0x3b0: {  	[tilespmem:s5+$0xC0] =	vst v1  }
0x3b1: {  	v1 =	vmul.f32 v4, v5;
	v4 =	vld [tilespmem:s12+$0x70]  }
0x3b2: {  	s6 =	simm.s32 $0x10380;
	[tilespmem:s5+$0xFFFFFED0] =	vst v5  }
0x3b3: {  	v3 =	vld [tilespmem:s6+$0x0];
	[tilespmem:s5+$0xFFFFFEC0] =	vst v1  }
0x3b4: {  	v1 =	vbroadcast v0, $0x7;
	v5 =	vld [tilespmem:s12+$0xFFFFFF70]  }
0x3b5: {  	s7 =	simm.s32 $0xEE50  }
0x3b6: {  	v6 =	vld [tilespmem:s7+$0x0];
	v4 =	vmul.f32 v4, v1  }
0x3b7: {  	v7 =	vbroadcast v2, $0x7;
	[tilespmem:s5+$0xF0] =	vst v1  }
0x3b8: {  	v1 =	vld [tilespmem:s6+$0xFFFFFFF0];
	[tilespmem:s5+$0xE0] =	vst v4  }
0x3b9: {  	v9 =	vbroadcast v3, $0x0;
	v5 =	vmul.f32 v5, v7;
	v4 =	vld [tilespmem:s12+$0x80]  }
0x3ba: {  	v8 =	vld [tilespmem:s7+$0xFFFFFF00];
	[tilespmem:s5+$0xFFFFFEF0] =	vst v7  }
0x3bb: {  	s6 =	simm.s32 $0xF950;
	[tilespmem:s5+$0xFFFFFEE0] =	vst v5;
	v5 =	vmul.f32 v9, v6  }
0x3bc: {  	[tilespmem:s6+$0x10] =	vst v9;
	v6 =	vbroadcast v0, $0x8  }
0x3bd: {  	v7 =	vbroadcast v1, $0x0;
	v9 =	vld [tilespmem:s12+$0xFFFFFF80];
	[tilespmem:s6+$0x0] =	vst v5  }
0x3be: {  	[tilespmem:s5+$0x110] =	vst v6;
	v4 =	vmul.f32 v4, v6  }
0x3bf: {  	v5 =	vmul.f32 v7, v8;
	[tilespmem:s6+$0xFFFFFE10] =	vst v7;
	v6 =	vld [tilespmem:s7+$0x10]  }
0x3c0: {  	[tilespmem:s5+$0x100] =	vst v4;
	v4 =	vbroadcast v2, $0x8  }
0x3c1: {  	v7 =	vbroadcast v3, $0x1;
	[tilespmem:s6+$0xFFFFFE00] =	vst v5;
	v8 =	vld [tilespmem:s12+$0x90]  }
0x3c2: {  	[tilespmem:s5+$0xFFFFFF10] =	vst v4;
	v4 =	vmul.f32 v9, v4;
	v9 =	vld [tilespmem:s7+$0xFFFFFF10]  }
0x3c3: {  	v5 =	vbroadcast v1, $0x1;
	[tilespmem:s6+$0x30] =	vst v7  }
0x3c4: {  	v6 =	vmul.f32 v6, v7;
	[tilespmem:s5+$0xFFFFFF00] =	vst v4;
	v4 =	vbroadcast v0, $0x9  }
0x3c5: {  	[tilespmem:s6+$0xFFFFFE30] =	vst v5;
	v7 =	vld [tilespmem:s12+$0xFFFFFF90]  }
0x3c6: {  	[tilespmem:s6+$0x20] =	vst v6;
	v6 =	vmul.f32 v8, v4  }
0x3c7: {  	v8 =	vld [tilespmem:s7+$0x20];
	[tilespmem:s5+$0x130] =	vst v4;
	v4 =	vmul.f32 v9, v5  }
0x3c8: {  	v5 =	vbroadcast v2, $0x9;
	[tilespmem:s5+$0x120] =	vst v6  }
0x3c9: {  	v6 =	vbroadcast v1, $0x2;
	v9 =	vld [tilespmem:s12+$0xA0];
	[tilespmem:s6+$0xFFFFFE20] =	vst v4  }
0x3ca: {  	[tilespmem:s5+$0xFFFFFF30] =	vst v5;
	v4 =	vbroadcast v3, $0x2;
	v5 =	vmul.f32 v7, v5;
	v7 =	vld [tilespmem:s7+$0xFFFFFF20]  }
0x3cb: {  	[tilespmem:s6+$0xFFFFFE50] =	vst v6  }
0x3cc: {  	v8 =	vmul.f32 v8, v4;
	[tilespmem:s5+$0xFFFFFF20] =	vst v5;
	v5 =	vbroadcast v0, $0xA  }
0x3cd: {  	[tilespmem:s6+$0x50] =	vst v4;
	v4 =	vld [tilespmem:s12+$0xFFFFFFA0]  }
0x3ce: {  	[tilespmem:s6+$0x40] =	vst v8;
	v8 =	vmul.f32 v9, v5  }
0x3cf: {  	v9 =	vld [tilespmem:s7+$0x30];
	[tilespmem:s5+$0x150] =	vst v5;
	v5 =	vmul.f32 v7, v6  }
0x3d0: {  	v6 =	vbroadcast v2, $0xA;
	[tilespmem:s5+$0x140] =	vst v8  }
0x3d1: {  	v7 =	vbroadcast v1, $0x3;
	v8 =	vld [tilespmem:s12+$0xB0];
	[tilespmem:s6+$0xFFFFFE40] =	vst v5  }
0x3d2: {  	[tilespmem:s5+$0xFFFFFF50] =	vst v6;
	v5 =	vbroadcast v3, $0x3;
	v4 =	vmul.f32 v4, v6;
	v6 =	vld [tilespmem:s7+$0xFFFFFF30]  }
0x3d3: {  	[tilespmem:s6+$0xFFFFFE70] =	vst v7  }
0x3d4: {  	v9 =	vmul.f32 v9, v5;
	[tilespmem:s5+$0xFFFFFF40] =	vst v4;
	v4 =	vbroadcast v0, $0xB  }
0x3d5: {  	[tilespmem:s6+$0x70] =	vst v5;
	v5 =	vld [tilespmem:s12+$0xFFFFFFB0]  }
0x3d6: {  	[tilespmem:s6+$0x60] =	vst v9;
	v8 =	vmul.f32 v8, v4  }
0x3d7: {  	v9 =	vld [tilespmem:s7+$0x40];
	[tilespmem:s5+$0x170] =	vst v4;
	v4 =	vmul.f32 v6, v7  }
0x3d8: {  	v6 =	vbroadcast v2, $0xB;
	[tilespmem:s5+$0x160] =	vst v8  }
0x3d9: {  	v7 =	vbroadcast v1, $0x4;
	v8 =	vld [tilespmem:s12+$0xC0];
	[tilespmem:s6+$0xFFFFFE60] =	vst v4  }
0x3da: {  	[tilespmem:s5+$0xFFFFFF70] =	vst v6;
	v4 =	vbroadcast v3, $0x4;
	v5 =	vmul.f32 v5, v6;
	v6 =	vld [tilespmem:s7+$0xFFFFFF40]  }
0x3db: {  	[tilespmem:s6+$0xFFFFFE90] =	vst v7  }
0x3dc: {  	v9 =	vmul.f32 v9, v4;
	[tilespmem:s5+$0xFFFFFF60] =	vst v5;
	v5 =	vbroadcast v0, $0xC  }
0x3dd: {  	[tilespmem:s6+$0x90] =	vst v4;
	v4 =	vld [tilespmem:s12+$0xFFFFFFC0]  }
0x3de: {  	[tilespmem:s6+$0x80] =	vst v9;
	v8 =	vmul.f32 v8, v5  }
0x3df: {  	v9 =	vld [tilespmem:s7+$0x50];
	[tilespmem:s5+$0x190] =	vst v5;
	v5 =	vmul.f32 v6, v7  }
0x3e0: {  	v6 =	vbroadcast v2, $0xC;
	[tilespmem:s5+$0x180] =	vst v8  }
0x3e1: {  	v7 =	vbroadcast v1, $0x5;
	v8 =	vld [tilespmem:s12+$0xD0];
	[tilespmem:s6+$0xFFFFFE80] =	vst v5  }
0x3e2: {  	[tilespmem:s5+$0xFFFFFF90] =	vst v6;
	v5 =	vbroadcast v3, $0x5;
	v4 =	vmul.f32 v4, v6;
	v6 =	vld [tilespmem:s7+$0xFFFFFF50]  }
0x3e3: {  	[tilespmem:s6+$0xFFFFFEB0] =	vst v7  }
0x3e4: {  	v9 =	vmul.f32 v9, v5;
	[tilespmem:s5+$0xFFFFFF80] =	vst v4;
	v4 =	vbroadcast v0, $0xD  }
0x3e5: {  	[tilespmem:s6+$0xB0] =	vst v5;
	v5 =	vld [tilespmem:s12+$0xFFFFFFD0]  }
0x3e6: {  	[tilespmem:s6+$0xA0] =	vst v9;
	v8 =	vmul.f32 v8, v4  }
0x3e7: {  	v9 =	vld [tilespmem:s7+$0x60];
	[tilespmem:s5+$0x1B0] =	vst v4;
	v4 =	vmul.f32 v6, v7  }
0x3e8: {  	v6 =	vbroadcast v2, $0xD;
	[tilespmem:s5+$0x1A0] =	vst v8  }
0x3e9: {  	v7 =	vbroadcast v1, $0x6;
	v8 =	vld [tilespmem:s12+$0xE0];
	[tilespmem:s6+$0xFFFFFEA0] =	vst v4  }
0x3ea: {  	[tilespmem:s5+$0xFFFFFFB0] =	vst v6;
	v4 =	vbroadcast v3, $0x6;
	v5 =	vmul.f32 v5, v6;
	v6 =	vld [tilespmem:s7+$0xFFFFFF60]  }
0x3eb: {  	[tilespmem:s6+$0xFFFFFED0] =	vst v7  }
0x3ec: {  	v9 =	vmul.f32 v9, v4;
	[tilespmem:s5+$0xFFFFFFA0] =	vst v5;
	v5 =	vbroadcast v0, $0xE  }
0x3ed: {  	[tilespmem:s6+$0xD0] =	vst v4;
	v4 =	vld [tilespmem:s12+$0xFFFFFFE0]  }
0x3ee: {  	s8 =	simm.s32 $0x103A0;
	[tilespmem:s6+$0xC0] =	vst v9;
	v8 =	vmul.f32 v8, v5  }
0x3ef: {  	v12 =	vld [tilespmem:s8+$0xFFFFFFF0];
	[tilespmem:s5+$0x1D0] =	vst v5;
	v5 =	vmul.f32 v6, v7  }
0x3f0: {  	v6 =	vld [tilespmem:s7+$0x70];
	v7 =	vbroadcast v2, $0xE;
	[tilespmem:s5+$0x1C0] =	vst v8  }
0x3f1: {  	v10 =	vbroadcast v0, $0xF;
	v0 =	vld [tilespmem:s8+$0x0];
	[tilespmem:s6+$0xFFFFFEC0] =	vst v5  }
0x3f2: {  	v8 =	vld [tilespmem:s12+$0xF0];
	[tilespmem:s5+$0xFFFFFFD0] =	vst v7;
	v4 =	vmul.f32 v4, v7  }
0x3f3: {  	[tilespmem:s5+$0x1F0] =	vst v10;
	v9 =	vld [tilespmem:s7+$0xFFFFFF70];
	v7 =	vbroadcast v3, $0x7  }
0x3f4: {  	s9 =	simm.s32 $0xF050;
	v5 =	vbroadcast v1, $0x7;
	[tilespmem:s5+$0xFFFFFFC0] =	vst v4  }
0x3f5: {  	v4 =	vmul.f32 v6, v7;
	[tilespmem:s6+$0xF0] =	vst v7;
	v7 =	vld [tilespmem:s9+$0x0]  }
0x3f6: {  	v11 =	vbroadcast v12, $0x0;
	[tilespmem:s6+$0xFFFFFEF0] =	vst v5  }
0x3f7: {  	s8 =	simm.s32 $0xFD50;
	v6 =	vmul.f32 v8, v10;
	[tilespmem:s6+$0xE0] =	vst v4;
	v8 =	vld [tilespmem:s9+$0xFFFFFF00]  }
0x3f8: {  	[tilespmem:s8+$0xFFFFFE10] =	vst v11;
	v4 =	vmul.f32 v9, v5;
	v5 =	vld [tilespmem:s7+$0x80];
	v9 =	vbroadcast v0, $0x0  }
0x3f9: {  	[tilespmem:s5+$0x1E0] =	vst v6  }
0x3fa: {  	[tilespmem:s6+$0xFFFFFEE0] =	vst v4;
	v7 =	vmul.f32 v9, v7  }
0x3fb: {  	v10 =	vbroadcast v3, $0x8;
	[tilespmem:s8+$0x10] =	vst v9;
	v4 =	vld [tilespmem:s7+$0xFFFFFF80]  }
0x3fc: {  	[tilespmem:s8+$0x0] =	vst v7;
	v7 =	vmul.f32 v11, v8  }
0x3fd: {  	[tilespmem:s6+$0x110] =	vst v10;
	v5 =	vmul.f32 v5, v10;
	v8 =	vld [tilespmem:s9+$0x10]  }
0x3fe: {  	v6 =	vbroadcast v1, $0x8;
	[tilespmem:s8+$0xFFFFFE00] =	vst v7  }
0x3ff: {  	v13 =	vbroadcast v2, $0xF;
	v2 =	vbroadcast v12, $0x1;
	[tilespmem:s6+$0x100] =	vst v5;
	v7 =	vld [tilespmem:s9+$0xFFFFFF10]  }
0x400: {  	[tilespmem:s6+$0xFFFFFF10] =	vst v6;
	v5 =	vld [tilespmem:s7+$0x90];
	v4 =	vmul.f32 v4, v6;
	v6 =	vbroadcast v0, $0x1  }
0x401: {  	[tilespmem:s8+$0xFFFFFE30] =	vst v2  }
0x402: {  	v8 =	vmul.f32 v8, v6;
	[tilespmem:s6+$0xFFFFFF00] =	vst v4  }
0x403: {  	v4 =	vbroadcast v3, $0x9;
	[tilespmem:s8+$0x30] =	vst v6;
	v6 =	vld [tilespmem:s7+$0xFFFFFF90]  }
0x404: {  	[tilespmem:s8+$0x20] =	vst v8;
	v2 =	vmul.f32 v7, v2  }
0x405: {  	[tilespmem:s6+$0x130] =	vst v4;
	v5 =	vmul.f32 v5, v4  }
0x406: {  	v8 =	vld [tilespmem:s9+$0x20];
	v4 =	vbroadcast v1, $0x9;
	[tilespmem:s8+$0xFFFFFE20] =	vst v2  }
0x407: {  	v14 =	vld [tilespmem:s12+$0xFFFFFFF0];
	[tilespmem:s6+$0x120] =	vst v5  }
0x408: {  	[tilespmem:s6+$0xFFFFFF30] =	vst v4;
	v7 =	vld [tilespmem:s7+$0xA0];
	v4 =	vmul.f32 v6, v4  }
0x409: {  	[tilespmem:s5+$0xFFFFFFF0] =	vst v13;
	v2 =	vbroadcast v0, $0x2;
	v6 =	vld [tilespmem:s9+$0xFFFFFF20]  }
0x40a: {  	v5 =	vbroadcast v12, $0x2;
	[tilespmem:s6+$0xFFFFFF20] =	vst v4  }
0x40b: {  	[tilespmem:s8+$0x50] =	vst v2;
	v8 =	vmul.f32 v8, v2;
	v4 =	vbroadcast v3, $0xA;
	v2 =	vld [tilespmem:s7+$0xFFFFFFA0]  }
0x40c: {  	[tilespmem:s8+$0xFFFFFE50] =	vst v5  }
0x40d: {  	[tilespmem:s8+$0x40] =	vst v8;
	v7 =	vmul.f32 v7, v4  }
0x40e: {  	[tilespmem:s6+$0x150] =	vst v4;
	v8 =	vld [tilespmem:s9+$0x30];
	v4 =	vmul.f32 v6, v5;
	v5 =	vbroadcast v1, $0xA  }
0x40f: {  	[tilespmem:s6+$0x140] =	vst v7  }
0x410: {  	[tilespmem:s8+$0xFFFFFE40] =	vst v4;
	v7 =	vld [tilespmem:s7+$0xB0];
	v2 =	vmul.f32 v2, v5  }
0x411: {  	[tilespmem:s6+$0xFFFFFF50] =	vst v5;
	v4 =	vbroadcast v0, $0x3;
	v5 =	vld [tilespmem:s9+$0xFFFFFF30]  }
0x412: {  	v6 =	vbroadcast v12, $0x3;
	[tilespmem:s6+$0xFFFFFF40] =	vst v2  }
0x413: {  	[tilespmem:s8+$0x70] =	vst v4;
	v8 =	vmul.f32 v8, v4;
	v2 =	vbroadcast v3, $0xB;
	v4 =	vld [tilespmem:s7+$0xFFFFFFB0]  }
0x414: {  	[tilespmem:s8+$0xFFFFFE70] =	vst v6  }
0x415: {  	[tilespmem:s8+$0x60] =	vst v8;
	v7 =	vmul.f32 v7, v2  }
0x416: {  	[tilespmem:s6+$0x170] =	vst v2;
	v8 =	vld [tilespmem:s9+$0x40];
	v2 =	vmul.f32 v5, v6;
	v5 =	vbroadcast v1, $0xB  }
0x417: {  	[tilespmem:s6+$0x160] =	vst v7  }
0x418: {  	[tilespmem:s8+$0xFFFFFE60] =	vst v2;
	v7 =	vld [tilespmem:s7+$0xC0];
	v4 =	vmul.f32 v4, v5  }
0x419: {  	[tilespmem:s6+$0xFFFFFF70] =	vst v5;
	v2 =	vbroadcast v0, $0x4;
	v5 =	vld [tilespmem:s9+$0xFFFFFF40]  }
0x41a: {  	v6 =	vbroadcast v12, $0x4;
	[tilespmem:s6+$0xFFFFFF60] =	vst v4  }
0x41b: {  	[tilespmem:s8+$0x90] =	vst v2;
	v8 =	vmul.f32 v8, v2;
	v4 =	vbroadcast v3, $0xC;
	v2 =	vld [tilespmem:s7+$0xFFFFFFC0]  }
0x41c: {  	[tilespmem:s8+$0xFFFFFE90] =	vst v6  }
0x41d: {  	[tilespmem:s8+$0x80] =	vst v8;
	v7 =	vmul.f32 v7, v4  }
0x41e: {  	[tilespmem:s6+$0x190] =	vst v4;
	v8 =	vld [tilespmem:s9+$0x50];
	v4 =	vmul.f32 v5, v6;
	v5 =	vbroadcast v1, $0xC  }
0x41f: {  	[tilespmem:s6+$0x180] =	vst v7  }
0x420: {  	[tilespmem:s8+$0xFFFFFE80] =	vst v4;
	v7 =	vld [tilespmem:s7+$0xD0];
	v2 =	vmul.f32 v2, v5  }
0x421: {  	[tilespmem:s6+$0xFFFFFF90] =	vst v5;
	v4 =	vbroadcast v0, $0x5;
	v5 =	vld [tilespmem:s9+$0xFFFFFF50]  }
0x422: {  	v6 =	vbroadcast v12, $0x5;
	[tilespmem:s6+$0xFFFFFF80] =	vst v2  }
0x423: {  	[tilespmem:s8+$0xB0] =	vst v4;
	v8 =	vmul.f32 v8, v4;
	v2 =	vbroadcast v3, $0xD;
	v4 =	vld [tilespmem:s7+$0xFFFFFFD0]  }
0x424: {  	[tilespmem:s8+$0xFFFFFEB0] =	vst v6  }
0x425: {  	[tilespmem:s8+$0xA0] =	vst v8;
	v7 =	vmul.f32 v7, v2  }
0x426: {  	[tilespmem:s6+$0x1B0] =	vst v2;
	v8 =	vld [tilespmem:s9+$0x60];
	v2 =	vmul.f32 v5, v6;
	v5 =	vbroadcast v1, $0xD  }
0x427: {  	[tilespmem:s6+$0x1A0] =	vst v7  }
0x428: {  	[tilespmem:s8+$0xFFFFFEA0] =	vst v2;
	v7 =	vld [tilespmem:s7+$0xE0];
	v4 =	vmul.f32 v4, v5  }
0x429: {  	[tilespmem:s6+$0xFFFFFFB0] =	vst v5;
	v2 =	vbroadcast v0, $0x6;
	v5 =	vld [tilespmem:s9+$0xFFFFFF60]  }
0x42a: {  	v15 =	vbroadcast v1, $0xE;
	v6 =	vbroadcast v12, $0x6;
	[tilespmem:s6+$0xFFFFFFA0] =	vst v4  }
0x42b: {  	[tilespmem:s8+$0xD0] =	vst v2;
	v8 =	vmul.f32 v8, v2;
	v4 =	vbroadcast v3, $0xE;
	v2 =	vld [tilespmem:s7+$0xFFFFFFE0]  }
0x42c: {  	v9 =	vbroadcast v12, $0x9;
	v11 =	vbroadcast v12, $0x7;
	[tilespmem:s8+$0xFFFFFED0] =	vst v6  }
0x42d: {  	v10 =	vbroadcast v12, $0x8;
	[tilespmem:s8+$0xC0] =	vst v8;
	v16 =	vmul.f32 v7, v4  }
0x42e: {  	[tilespmem:s6+$0x1D0] =	vst v4;
	v8 =	vbroadcast v12, $0xA;
	v4 =	vmul.f32 v5, v6  }
0x42f: {  	v7 =	vbroadcast v12, $0xB;
	v6 =	vbroadcast v12, $0xC;
	v17 =	vld [tilespmem:s9+$0x70];
	[tilespmem:s6+$0x1C0] =	vst v16  }
0x430: {  	[tilespmem:s6+$0xFFFFFFD0] =	vst v15;
	v5 =	vbroadcast v12, $0xD;
	v18 =	vmul.f32 v2, v15;
	v15 =	vld [tilespmem:s7+$0xF0]  }
0x431: {  	[tilespmem:s8+$0xFFFFFEC0] =	vst v4;
	v4 =	vbroadcast v12, $0xE;
	v2 =	vbroadcast v12, $0xF  }
0x432: {  	v16 =	vld [tilespmem:s9+$0xFFFFFF70];
	v12 =	vmul.f32 v14, v13;
	[tilespmem:s8+$0xFFFFFEF0] =	vst v11;
	v14 =	vbroadcast v0, $0x7  }
0x433: {  	s13 =	simm.s32 $0x4;
	s10 =	simm.s32 $0x103C0;
	s12 =	simm.s32 $0xF050;
	v1 =	vbroadcast v1, $0xF;
	v13 =	vbroadcast v3, $0xF;
	[tilespmem:s6+$0xFFFFFFC0] =	vst v18  }
.LBB2_20:
0x434: {  	v3 =	vld [tilespmem:s10+$0x0];
	v17 =	vmul.f32 v17, v14;
	[tilespmem:s5+$0xFFFFFFE0] =	vst v12;
	s5 =	smov.u32 s6;
	s6 =	smov.u32 s8  }
0x435: {  	s9 =	sadd.s32 $0x200, s9;
	v18 =	vld [tilespmem:s10+$0xFFFFFFF0];
	[tilespmem:s8+$0xF0] =	vst v14;
	v12 =	vmul.f32 v15, v13  }
0x436: {  	s13 =	sadd.s32 $0x2, s13;
	v14 =	vld [tilespmem:s9+$0x0];
	[tilespmem:s8+$0xE0] =	vst v17  }
0x437: {  	p3 =	slt.u32 s13, $0x6;
	v15 =	vld [tilespmem:s9+$0xFFFFFF00];
	v11 =	vmul.f32 v16, v11;
	[tilespmem:s5+$0x1E0] =	vst v12  }
0x438: {  	v12 =	vld [tilespmem:s12+$0x80];
	[tilespmem:s5+$0x1F0] =	vst v13  }
0x439: {  	v13 =	vbroadcast v3, $0x0;
	[tilespmem:s8+$0xFFFFFEE0] =	vst v11;
	v17 =	vld [tilespmem:s7+$0xFFFFFFF0];
	s7 =	smov.u32 s12;
	s12 =	smov.u32 s9  }
0x43a: {  	v16 =	vbroadcast v18, $0x0;
	v19 =	vbroadcast v18, $0x1;
	v20 =	vld [tilespmem:s7+$0xFFFFFF80];
	[tilespmem:s8+$0xFFFFFF10] =	vst v10  }
0x43b: {  	s8 =	sadd.s32 $0x400, s8;
	v11 =	vmul.f32 v13, v14;
	v14 =	vbroadcast v0, $0x8;
	[tilespmem:s5+$0xFFFFFFF0] =	vst v1  }
0x43c: {  	v22 =	vbroadcast v18, $0x2;
	v21 =	vmul.f32 v16, v15;
	[tilespmem:s8+$0x10] =	vst v13  }
0x43d: {  	v23 =	vbroadcast v18, $0x3;
	[tilespmem:s8+$0x0] =	vst v11;
	v12 =	vmul.f32 v12, v14  }
0x43e: {  	v24 =	vbroadcast v18, $0x4;
	v15 =	vbroadcast v18, $0x5;
	v25 =	vld [tilespmem:s9+$0x10];
	[tilespmem:s6+$0x110] =	vst v14  }
0x43f: {  	v13 =	vbroadcast v18, $0x6;
	v11 =	vbroadcast v18, $0x7;
	[tilespmem:s6+$0x100] =	vst v12  }
0x440: {  	v12 =	vmul.f32 v20, v10;
	v10 =	vbroadcast v18, $0x8;
	[tilespmem:s8+$0xFFFFFE00] =	vst v21;
	v20 =	vld [tilespmem:s7+$0x90]  }
0x441: {  	v14 =	vbroadcast v3, $0x1;
	v21 =	vbroadcast v18, $0x9;
	[tilespmem:s8+$0xFFFFFE10] =	vst v16  }
0x442: {  	v27 =	vbroadcast v18, $0xA;
	v28 =	vbroadcast v18, $0xB;
	v26 =	vld [tilespmem:s9+$0xFFFFFF10];
	[tilespmem:s8+$0xFFFFFE30] =	vst v19  }
0x443: {  	v25 =	vmul.f32 v25, v14;
	[tilespmem:s6+$0xFFFFFF00] =	vst v12;
	v12 =	vbroadcast v0, $0x9  }
0x444: {  	v29 =	vbroadcast v18, $0xC;
	v16 =	vbroadcast v18, $0xD;
	[tilespmem:s8+$0x30] =	vst v14;
	v30 =	vld [tilespmem:s7+$0xFFFFFF90]  }
0x445: {  	v14 =	vbroadcast v18, $0xE;
	[tilespmem:s8+$0x20] =	vst v25;
	v20 =	vmul.f32 v20, v12  }
0x446: {  	v25 =	vld [tilespmem:s9+$0x20];
	[tilespmem:s6+$0x130] =	vst v12;
	v12 =	vmul.f32 v17, v1;
	v1 =	vmov v2;
	v2 =	vbroadcast v18, $0xF  }
0x447: {  	v17 =	vmul.f32 v26, v19;
	[tilespmem:s6+$0x120] =	vst v20  }
0x448: {  	[tilespmem:s6+$0xFFFFFF30] =	vst v9;
	v18 =	vld [tilespmem:s7+$0xA0]  }
0x449: {  	[tilespmem:s8+$0xFFFFFE20] =	vst v17;
	v17 =	vbroadcast v3, $0x2;
	v19 =	vmul.f32 v30, v9;
	v9 =	vmov v21  }
0x44a: {  	v20 =	vld [tilespmem:s9+$0xFFFFFF20];
	[tilespmem:s8+$0xFFFFFE50] =	vst v22  }
0x44b: {  	v21 =	vmul.f32 v25, v17;
	[tilespmem:s6+$0xFFFFFF20] =	vst v19;
	v19 =	vbroadcast v0, $0xA  }
0x44c: {  	[tilespmem:s8+$0x50] =	vst v17;
	v17 =	vld [tilespmem:s7+$0xFFFFFFA0]  }
0x44d: {  	[tilespmem:s8+$0x40] =	vst v21;
	v18 =	vmul.f32 v18, v19  }
0x44e: {  	v21 =	vld [tilespmem:s9+$0x30];
	[tilespmem:s6+$0x150] =	vst v19  }
0x44f: {  	v19 =	vmul.f32 v20, v22;
	[tilespmem:s6+$0x140] =	vst v18  }
0x450: {  	[tilespmem:s6+$0xFFFFFF50] =	vst v8;
	v18 =	vld [tilespmem:s7+$0xB0]  }
0x451: {  	[tilespmem:s8+$0xFFFFFE40] =	vst v19;
	v19 =	vbroadcast v3, $0x3;
	v17 =	vmul.f32 v17, v8;
	v8 =	vmov v27  }
0x452: {  	v20 =	vld [tilespmem:s9+$0xFFFFFF30];
	[tilespmem:s8+$0xFFFFFE70] =	vst v23  }
0x453: {  	v21 =	vmul.f32 v21, v19;
	[tilespmem:s6+$0xFFFFFF40] =	vst v17;
	v17 =	vbroadcast v0, $0xB  }
0x454: {  	[tilespmem:s8+$0x70] =	vst v19;
	v19 =	vld [tilespmem:s7+$0xFFFFFFB0]  }
0x455: {  	[tilespmem:s8+$0x60] =	vst v21;
	v18 =	vmul.f32 v18, v17  }
0x456: {  	v21 =	vld [tilespmem:s9+$0x40];
	[tilespmem:s6+$0x170] =	vst v17  }
0x457: {  	v17 =	vmul.f32 v20, v23;
	[tilespmem:s6+$0x160] =	vst v18  }
0x458: {  	[tilespmem:s6+$0xFFFFFF70] =	vst v7;
	v18 =	vld [tilespmem:s7+$0xC0]  }
0x459: {  	[tilespmem:s8+$0xFFFFFE60] =	vst v17;
	v17 =	vbroadcast v3, $0x4;
	v19 =	vmul.f32 v19, v7;
	v7 =	vmov v28  }
0x45a: {  	v20 =	vld [tilespmem:s9+$0xFFFFFF40];
	[tilespmem:s8+$0xFFFFFE90] =	vst v24  }
0x45b: {  	v21 =	vmul.f32 v21, v17;
	[tilespmem:s6+$0xFFFFFF60] =	vst v19;
	v19 =	vbroadcast v0, $0xC  }
0x45c: {  	[tilespmem:s8+$0x90] =	vst v17;
	v17 =	vld [tilespmem:s7+$0xFFFFFFC0]  }
0x45d: {  	[tilespmem:s8+$0x80] =	vst v21;
	v18 =	vmul.f32 v18, v19  }
0x45e: {  	v21 =	vld [tilespmem:s9+$0x50];
	[tilespmem:s6+$0x190] =	vst v19  }
0x45f: {  	v19 =	vmul.f32 v20, v24;
	[tilespmem:s6+$0x180] =	vst v18  }
0x460: {  	[tilespmem:s6+$0xFFFFFF90] =	vst v6;
	v18 =	vld [tilespmem:s7+$0xD0]  }
0x461: {  	[tilespmem:s8+$0xFFFFFE80] =	vst v19;
	v19 =	vbroadcast v3, $0x5;
	v17 =	vmul.f32 v17, v6;
	v6 =	vmov v29  }
0x462: {  	v20 =	vld [tilespmem:s9+$0xFFFFFF50];
	[tilespmem:s8+$0xFFFFFEB0] =	vst v15  }
0x463: {  	v21 =	vmul.f32 v21, v19;
	[tilespmem:s6+$0xFFFFFF80] =	vst v17;
	v17 =	vbroadcast v0, $0xD  }
0x464: {  	[tilespmem:s8+$0xB0] =	vst v19;
	v19 =	vld [tilespmem:s7+$0xFFFFFFD0]  }
0x465: {  	[tilespmem:s8+$0xA0] =	vst v21;
	v18 =	vmul.f32 v18, v17  }
0x466: {  	v21 =	vld [tilespmem:s9+$0x60];
	[tilespmem:s6+$0x1B0] =	vst v17  }
0x467: {  	v15 =	vmul.f32 v20, v15;
	[tilespmem:s6+$0x1A0] =	vst v18  }
0x468: {  	[tilespmem:s6+$0xFFFFFFB0] =	vst v5;
	v17 =	vld [tilespmem:s7+$0xE0]  }
0x469: {  	[tilespmem:s8+$0xFFFFFEA0] =	vst v15;
	v15 =	vbroadcast v3, $0x6;
	v18 =	vmul.f32 v19, v5;
	v5 =	vmov v16  }
0x46a: {  	v16 =	vld [tilespmem:s9+$0xFFFFFF60];
	[tilespmem:s8+$0xFFFFFED0] =	vst v13  }
0x46b: {  	v19 =	vmul.f32 v21, v15;
	[tilespmem:s6+$0xFFFFFFA0] =	vst v18;
	v18 =	vbroadcast v0, $0xE  }
0x46c: {  	[tilespmem:s8+$0xD0] =	vst v15;
	v20 =	vld [tilespmem:s7+$0xFFFFFFE0]  }
0x46d: {  	[tilespmem:s8+$0xC0] =	vst v19;
	v15 =	vmul.f32 v17, v18  }
0x46e: {  	[tilespmem:s6+$0x1D0] =	vst v18  }
.Ltmp13:
0x46f: {  	v13 =	vmul.f32 v16, v13;
	v17 =	vld [tilespmem:s9+$0x70];
	[tilespmem:s6+$0x1C0] =	vst v15;
	(pc) =	sbr.rel @p3 .LBB2_20-.Ltmp13, $4  }
0x470: {  	[tilespmem:s6+$0xFFFFFFD0] =	vst v4;
	v15 =	vld [tilespmem:s7+$0xF0]  }
0x471: {  	[tilespmem:s8+$0xFFFFFEC0] =	vst v13;
	v13 =	vmul.f32 v20, v4;
	v4 =	vmov v14  }
0x472: {  	v14 =	vbroadcast v3, $0x7;
	v16 =	vld [tilespmem:s9+$0xFFFFFF70];
	[tilespmem:s8+$0xFFFFFEF0] =	vst v11  }
0x473: {  	s10 =	sadd.s32 $0x20, s10;
	[tilespmem:s6+$0xFFFFFFC0] =	vst v13;
	v13 =	vbroadcast v0, $0xF;
	v0 =	vmov v3  }
0x474: {  	_ =	sdelay $0x1  }
0x475: {  	v3 =	vmul.f32 v17, v14  }
0x476: {  	[tilespmem:s8+$0xF0] =	vst v14;
	v46 =	vmul.f32 v16, v11  }
0x477: {  	[tilespmem:s8+$0xE0] =	vst v3  }
0x478: {  	v47 =	vld [tilespmem:s12+$0x80];
	[tilespmem:s8+$0xFFFFFEE0] =	vst v46  }
0x479: {  	v3 =	vld [tilespmem:s12+$0xFFFFFF80];
	_ =	sdelay $0x1  }
0x47a: {  	v48 =	vbroadcast v0, $0x8;
	_ =	sdelay $0x1  }
0x47b: {  	[tilespmem:s8+$0x110] =	vst v48;
	v11 =	vmul.f32 v47, v48  }
0x47c: {  	[tilespmem:s8+$0xFFFFFF10] =	vst v10;
	v3 =	vmul.f32 v3, v10  }
0x47d: {  	[tilespmem:s8+$0x100] =	vst v11  }
0x47e: {  	v11 =	vld [tilespmem:s12+$0x90];
	[tilespmem:s8+$0xFFFFFF00] =	vst v3  }
0x47f: {  	v10 =	vld [tilespmem:s12+$0xFFFFFF90];
	_ =	sdelay $0x1  }
0x480: {  	v49 =	vbroadcast v0, $0x9;
	_ =	sdelay $0x1  }
0x481: {  	[tilespmem:s8+$0x130] =	vst v49;
	v11 =	vmul.f32 v11, v49  }
0x482: {  	[tilespmem:s8+$0xFFFFFF30] =	vst v9;
	v10 =	vmul.f32 v10, v9  }
0x483: {  	[tilespmem:s8+$0x120] =	vst v11  }
0x484: {  	v3 =	vld [tilespmem:s12+$0xA0];
	[tilespmem:s8+$0xFFFFFF20] =	vst v10  }
0x485: {  	v10 =	vld [tilespmem:s12+$0xFFFFFFA0];
	_ =	sdelay $0x1  }
0x486: {  	v50 =	vbroadcast v0, $0xA;
	_ =	sdelay $0x1  }
0x487: {  	[tilespmem:s8+$0x150] =	vst v50;
	v3 =	vmul.f32 v3, v50  }
0x488: {  	[tilespmem:s8+$0xFFFFFF50] =	vst v8;
	v51 =	vmul.f32 v10, v8  }
0x489: {  	[tilespmem:s8+$0x140] =	vst v3  }
0x48a: {  	v3 =	vld [tilespmem:s12+$0xB0];
	[tilespmem:s8+$0xFFFFFF40] =	vst v51  }
0x48b: {  	v9 =	vld [tilespmem:s12+$0xFFFFFFB0];
	_ =	sdelay $0x1  }
0x48c: {  	v52 =	vbroadcast v0, $0xB;
	_ =	sdelay $0x1  }
0x48d: {  	[tilespmem:s8+$0x170] =	vst v52;
	v3 =	vmul.f32 v3, v52  }
0x48e: {  	[tilespmem:s8+$0xFFFFFF70] =	vst v7;
	v53 =	vmul.f32 v9, v7  }
0x48f: {  	[tilespmem:s8+$0x160] =	vst v3  }
0x490: {  	v3 =	vld [tilespmem:s12+$0xC0];
	[tilespmem:s8+$0xFFFFFF60] =	vst v53  }
0x491: {  	v8 =	vld [tilespmem:s12+$0xFFFFFFC0];
	_ =	sdelay $0x1  }
0x492: {  	v54 =	vbroadcast v0, $0xC;
	_ =	sdelay $0x1  }
0x493: {  	[tilespmem:s8+$0x190] =	vst v54;
	v3 =	vmul.f32 v3, v54  }
0x494: {  	[tilespmem:s8+$0xFFFFFF90] =	vst v6;
	v55 =	vmul.f32 v8, v6  }
0x495: {  	[tilespmem:s8+$0x180] =	vst v3  }
0x496: {  	v3 =	vld [tilespmem:s12+$0xD0];
	[tilespmem:s8+$0xFFFFFF80] =	vst v55  }
0x497: {  	v7 =	vld [tilespmem:s12+$0xFFFFFFD0];
	_ =	sdelay $0x1  }
0x498: {  	v56 =	vbroadcast v0, $0xD;
	_ =	sdelay $0x1  }
0x499: {  	[tilespmem:s8+$0x1B0] =	vst v56;
	v3 =	vmul.f32 v3, v56  }
0x49a: {  	[tilespmem:s8+$0xFFFFFFB0] =	vst v5;
	v57 =	vmul.f32 v7, v5  }
0x49b: {  	[tilespmem:s8+$0x1A0] =	vst v3  }
0x49c: {  	v3 =	vld [tilespmem:s12+$0xE0];
	[tilespmem:s8+$0xFFFFFFA0] =	vst v57  }
0x49d: {  	v6 =	vld [tilespmem:s12+$0xFFFFFFE0];
	_ =	sdelay $0x1  }
0x49e: {  	v58 =	vbroadcast v0, $0xE  }
0x49f: {  	[tilespmem:s5+$0xFFFFFFE0] =	vst v12  }
0x4a0: {  	v59 =	vld [tilespmem:s7+$0xFFFFFFF0];
	[tilespmem:s8+$0x1D0] =	vst v58;
	v3 =	vmul.f32 v3, v58  }
0x4a1: {  	[tilespmem:s8+$0xFFFFFFD0] =	vst v4;
	v6 =	vmul.f32 v6, v4  }
0x4a2: {  	[tilespmem:s8+$0x1C0] =	vst v3  }
0x4a3: {  	v3 =	vld [tilespmem:s12+$0xF0];
	[tilespmem:s8+$0xFFFFFFC0] =	vst v6  }
0x4a4: {  	[tilespmem:s6+$0xFFFFFFF0] =	vst v1;
	v60 =	vmul.f32 v15, v13;
	v4 =	vld [tilespmem:s12+$0xFFFFFFF0]  }
0x4a5: {  	[tilespmem:s6+$0x1F0] =	vst v13;
	v5 =	vmul.f32 v59, v1  }
0x4a6: {  	v61 =	vbroadcast v0, $0xF;
	[tilespmem:s6+$0x1E0] =	vst v60  }
0x4a7: {  	[tilespmem:s6+$0xFFFFFFE0] =	vst v5  }
0x4a8: {  	[tilespmem:s8+$0x1F0] =	vst v61;
	v62 =	vmul.f32 v3, v61  }
0x4a9: {  	[tilespmem:s8+$0xFFFFFFF0] =	vst v2;
	v63 =	vmul.f32 v4, v2  }
0x4aa: {  	[tilespmem:s8+$0x1E0] =	vst v62  }
.Ltmp14:
0x4ab: {  	s25 =	simm.s32 $0x4E80;
	[tilespmem:s8+$0xFFFFFFE0] =	vst v63;
	(pc) =	sbr.rel .LBB2_22-.Ltmp14, $4  }
0x4ac: {  	[spmem:s2] =	stream.indirect.scatter.add.f32 [tilespmem:s31], [sflag:$0x3], $0x20, s25, s26, $0xb8;
	[tilespmem:$0x11C50] =	vst v63  }
0x4ad: {  	_ =	swait.ge [sflag:s20], $0x1000  }
0x4ae: {  	[sflag:s20] =	ssyncset.done $0x0  }
0x4af: {  	[sflag:s20] =	ssyncadd.s32 $0xFFFFF000  }
.LBB2_23:
0x4b0: {  	_ =	sfence.sel $0x180000  }
0x4b1: {  	[bflag:$0x0] =	sbarrier.arrive $0xFFFF  }
0x4b2: {  	_ =	strace $0x9000004A  }
0x4b3: {  	[bflag:$0x2] =	sbarrier.arrive $0xFFFF  }
0x4b4: {  	p0 =	sne.s32 s4, $0x0;
	s0 =	rddreg [dreg:$0x3]  }
0x4b5: {  	s0 =	sadd.s32 @!p0 $0x100000, s0  }
0x4b6: {  	[sflag:s0] =	ssyncadd.tile.s32 @!p0 $0x1;
	_ =	shalt  }
.Lfunc_end2:
_tile_overlayer_lowered:
.L_overlay_start_2:
0x4b7: {  	(tag) =	ssettag $0x2  }
0x4b8: {  	s0 =	rddreg [dreg:$0x0];
	s2 =	stileid.u32  }
0x4b9: {  	s1 =	rddreg [dreg:$0x1];
	p0 =	sne.s32 s2, $0x0  }
0x4ba: {  	s3 =	rddreg [dreg:$0x2];
	[bflag:$0x3] =	sbarrier.arrive $0xFFFF;
	s2 =	simm.s32 @!p0 $0x1C03  }
0x4bb: {  	[timem:s3], [sflag:s2] =	dma.local @!p0 [hbm:s0], s1  }
0x4bc: {  	s0 =	simm.s32 @!p0 $0x3  }
0x4bd: {  	_ =	swait.ge @!p0 [sflag:s0], s1  }
0x4be: {  	s1 =	ssub.s32 @!p0 $0x0, s1;
	[sflag:s0] =	ssyncset.done @!p0 $0x0  }
0x4bf: {  	[sflag:s0] =	ssyncadd.s32 @!p0 s1  }
0x4c0: {  	[bflag:$0x3] =	sbarrier.arrive $0xFFFF  }
0x4c1: {  	_ =	shalt  }

// kernel: kernel.7.cloned.1.call-start
scs
__scs_entry_jumppad:
0x0: {  	(pc) =	sbr.rel $0x88, $3  }
0x1: {  	(tag) =	ssettag $0x0;
	lr =	simm.s32 $0x1  }
0x2: {  	[smem:$0x3F97] =	sst lr;
	_ =	strace $0xD0000000  }
0x3: {  	_ = 	snop  }
0x4: {  	_ = 	snop  }
0x5: {  	_ = 	snop  }
0x6: {  	_ = 	snop  }
0x7: {  	_ = 	snop  }
__scs_overlays_trampoline_lowered:
0x8: {  	[smem:$0x3FA6] =	sst s0  }
0x9: {  	[smem:$0x3FA7] =	sst s1  }
0xa: {  	[smem:$0x3FA8] =	sst s2  }
0xb: {  	[smem:$0x3FA9] =	sst s3  }
0xc: {  	[smem:$0x3FAA] =	sst s4  }
0xd: {  	[smem:$0x3FAB] =	sst s5  }
0xe: {  	[smem:$0x3FAC] =	sst s6  }
0xf: {  	[smem:$0x3FAD] =	sst s7  }
0x10: {  	[smem:$0x3FAE] =	sst s8  }
0x11: {  	[smem:$0x3FAF] =	sst s9;
	s0 =	simm.s32 @!p0 $0x0  }
0x12: {  	s1 =	sld [smem:$0x3F95];
	s0 =	simm.s32 @p0 $0x1  }
0x13: {  	[smem:$0x3FB0] =	sst s0;
	s0 =	simm.s32 @!p1 $0x0  }
0x14: {  	s2 =	sld [smem:$0x3F94];
	s0 =	simm.s32 @p1 $0x1  }
0x15: {  	[smem:$0x3FB1] =	sst s0;
	s0 =	simm.s32 @!p2 $0x0  }
0x16: {  	s3 =	sld [smem:$0x3FDB];
	s0 =	simm.s32 @p2 $0x1  }
0x17: {  	s4 =	simm.s32 $0x1BF5;
	[smem:$0x3FB3] =	sst s0  }
0x18: {  	s0 =	sld [smem:$0x3F96];
	_ =	swait.ge [sflag:s4], $0x0  }
0x19: {  	s7 =	sld [smem:$0x3F97]  }
0x1a: {  	s8 =	sadd.s32 $0xFFFFE003, lr  }
0x1b: {  	s9 =	sadd.s32 $0xFFFFFEF7, lr;
	s5 =	simm.s32 $0xFFFFFFFF;
	p2 =	slt.u32 s8, $0xFFFFF086  }
0x1c: {  	p1 =	slt.u32 s9, $0xF7A;
	s5 =	simm.s32 @!p2 $0x0  }
0x1d: {  	s5 =	simm.s32 @p1 $0x1;
	p0 =	seq.s32 s7, s2  }
0x1e: {  	s7 =	smul.u32 @!p0 $0xF7A, s2;
	p2 =	seq.s32 @!p0 s5, $0x0  }
0x1f: {  	s9 =	smul.u32 $0xF7A, s1;
	s8 =	simm.s32 @!p0 $0x1BF5;
	p2 =	por !p2, p0  }
0x20: {  	[sflag:s8] =	ssyncset.s32 @!p0 $0xFFFFF086;
	s6 =	sadd.s32 @!p0 s3, s7;
	s7 =	simm.s32 @!p0 $0x108  }
0x21: {  	s3 =	sadd.s32 s3, s9;
	s6 =	sadd.s32 @!p0 $0x88, s6;
	s7 =	simm.s32 @p2 $0x1082  }
0x22: {  	[simem:s7], [sflag:s8] =	dma.local @!p0 [hbm:s6], $0xF7A  }
0x23: {  	s9 =	sor.u32 $0xD0000000, s2;
	s6 =	simm.s32 $0x108;
	_ =	swait.ge @!p0 [sflag:s8], $0x0  }
0x24: {  	s3 =	sadd.s32 $0x88, s3;
	s6 =	simm.s32 @!p1 $0x1082;
	[sflag:s4] =	ssyncset.s32 $0xFFFFF086  }
0x25: {  	[simem:s6], [sflag:s4] =	dma.local [hbm:s3], $0xF7A  }
0x26: {  	[smem:$0x3F97] =	sst s1;
	(tag) =	ssettag s2;
	_ =	strace s9  }
0x27: {  	s1 =	sld [smem:$0x3FA7]  }
0x28: {  	s2 =	sld [smem:$0x3FA8]  }
0x29: {  	s4 =	sld [smem:$0x3FAA]  }
0x2a: {  	p0 =	seq.s32 s5, $0x0;
	s5 =	sld [smem:$0x3FAB]  }
0x2b: {  	s6 =	sld [smem:$0x3FAC]  }
0x2c: {  	s7 =	sld [smem:$0x3FAD]  }
0x2d: {  	s3 =	simm.s32 $0x108;
	s8 =	sld [smem:$0x3FAE]  }
0x2e: {  	s3 =	simm.s32 @!p0 $0x1082;
	s9 =	sld [smem:$0x3FAF]  }
0x2f: {  	lr =	sadd.s32 s0, s3;
	s0 =	sld [smem:$0x3FA6]  }
0x30: {  	s3 =	sld [smem:$0x3FA9]  }
0x31: {  	[smem:$0x3FB2] =	sst s10  }
0x32: {  	s10 =	sld [smem:$0x3FB0];
	_ =	sdelay $0x3  }
0x33: {  	p0 =	seq.s32 s10, $0x1;
	s10 =	sld [smem:$0x3FB2];
	_ =	sdelay $0x3  }
0x34: {  	[smem:$0x3FB2] =	sst s10  }
0x35: {  	s10 =	sld [smem:$0x3FB1];
	_ =	sdelay $0x3  }
0x36: {  	p1 =	seq.s32 s10, $0x1;
	s10 =	sld [smem:$0x3FB2];
	_ =	sdelay $0x3  }
0x37: {  	[smem:$0x3FB2] =	sst s10  }
0x38: {  	s10 =	sld [smem:$0x3FB3]  }
0x39: {  	_ = 	snop;
	(pc) =	sbr.ind lr, $3  }
0x3a: {  	_ = 	snop  }
0x3b: {  	_ = 	snop  }
0x3c: {  	p2 =	seq.s32 s10, $0x1;
	s10 =	sld [smem:$0x3FB2]  }
0x3d: {  	_ =	shalt  }
0x3e: {  	_ =	shalt  }
0x3f: {  	_ =	shalt  }
0x40: {  	_ =	shalt  }
0x41: {  	_ =	shalt  }
0x42: {  	_ =	shalt  }
0x43: {  	_ =	shalt  }
0x44: {  	_ =	shalt  }
0x45: {  	_ =	shalt  }
0x46: {  	_ =	shalt  }
0x47: {  	_ =	shalt  }
0x48: {  	_ =	shalt  }
0x49: {  	_ =	shalt  }
0x4a: {  	_ =	shalt  }
0x4b: {  	_ =	shalt  }
0x4c: {  	_ =	shalt  }
0x4d: {  	_ =	shalt  }
0x4e: {  	_ =	shalt  }
0x4f: {  	_ =	shalt  }
0x50: {  	_ =	shalt  }
0x51: {  	_ =	shalt  }
0x52: {  	_ =	shalt  }
0x53: {  	_ =	shalt  }
0x54: {  	_ =	shalt  }
0x55: {  	_ =	shalt  }
0x56: {  	_ =	shalt  }
0x57: {  	_ =	shalt  }
0x58: {  	_ =	shalt  }
0x59: {  	_ =	shalt  }
0x5a: {  	_ =	shalt  }
0x5b: {  	_ =	shalt  }
0x5c: {  	_ =	shalt  }
0x5d: {  	_ =	shalt  }
0x5e: {  	_ =	shalt  }
0x5f: {  	_ =	shalt  }
0x60: {  	_ =	shalt  }
0x61: {  	_ =	shalt  }
0x62: {  	_ =	shalt  }
0x63: {  	_ =	shalt  }
0x64: {  	_ =	shalt  }
0x65: {  	_ =	shalt  }
0x66: {  	_ =	shalt  }
0x67: {  	_ =	shalt  }
0x68: {  	_ =	shalt  }
0x69: {  	_ =	shalt  }
0x6a: {  	_ =	shalt  }
0x6b: {  	_ =	shalt  }
0x6c: {  	_ =	shalt  }
0x6d: {  	_ =	shalt  }
0x6e: {  	_ =	shalt  }
0x6f: {  	_ =	shalt  }
0x70: {  	_ =	shalt  }
0x71: {  	_ =	shalt  }
0x72: {  	_ =	shalt  }
0x73: {  	_ =	shalt  }
0x74: {  	_ =	shalt  }
0x75: {  	_ =	shalt  }
0x76: {  	_ =	shalt  }
0x77: {  	_ =	shalt  }
0x78: {  	_ =	shalt  }
0x79: {  	_ =	shalt  }
0x7a: {  	_ =	shalt  }
0x7b: {  	_ =	shalt  }
0x7c: {  	_ =	shalt  }
0x7d: {  	_ =	shalt  }
0x7e: {  	_ =	shalt  }
0x7f: {  	_ =	shalt  }
0x80: {  	_ =	shalt  }
0x81: {  	_ =	shalt  }
0x82: {  	_ =	shalt  }
0x83: {  	_ =	shalt  }
0x84: {  	_ =	shalt  }
0x85: {  	_ =	shalt  }
0x86: {  	_ =	shalt  }
0x87: {  	_ =	shalt  }
.Lfunc_end0:
.L_simem_size_0:
called_computation_lowered:
.L_overlay_start_0:
0x88: {  	s2 =	sld [smem:$0x3FD9]  }
0x89: {  	s3 =	sld [smem:$0x3FFE];
	_ =	sdelay $0x1  }
0x8a: {  	s1 =	srdreg.scid  }
0x8b: {  	s0 =	sand.u32 $0x1, s1  }
0x8c: {  	s17 =	sshll.u32 s0, $0xA;
	s2 =	sadd.s32 s3, s2  }
0x8d: {  	s2 =	sadd.s32 s2, s17  }
0x8e: {  	[smem:$0x3FBE] =	sst s2  }
0x8f: {  	_ = 	snop  }
0x90: {  	s2 =	sld [smem:$0x3FD0];
	(tm) =	ssettm $0x1  }
0x91: {  	s18 =	sld [smem:$0x3FFB];
	_ =	sdelay $0x3  }
0x92: {  	_ =	strace s18  }
0x93: {  	s3 =	sld [smem:$0x3FFC];
	_ =	sdelay $0x3  }
0x94: {  	_ =	strace s3  }
0x95: {  	s3 =	sld [smem:$0x3FFD];
	_ =	sdelay $0x3  }
0x96: {  	_ =	strace s3  }
0x97: {  	_ =	strace $0x8FFFFFFF  }
0x98: {  	s19 =	sld [smem:$0x3FDB];
	_ =	sdelay $0x1  }
0x99: {  	s4 =	simm.s32 $_scs_section_size  }
0x9a: {  	s5 =	simm.s32 $_size__tile_overlayer_lowered;
	s6 =	simm.s32 $_tile_overlayer_lowered  }
0x9b: {  	s22 =	simm.s32 $0x1BFF;
	s21 =	sshll.u32 s6, $0x1;
	s3 =	sadd.s32 s4, s19  }
0x9c: {  	s7 =	simm.s32 $0x0;
	s20 =	sshll.u32 s5, $0x1;
	s5 =	sadd.s32 s21, s3  }
0x9d: {  	[timem:s7], [sflag:s22] =	dma.local [hbm:s5], s20  }
0x9e: {  	_ =	swait.ge [sflag:s22], s20  }
0x9f: {  	s4 =	ssub.s32 $0x0, s20;
	[sflag:s22] =	ssyncset.done $0x0  }
0xa0: {  	[sflag:s22] =	ssyncadd.s32 s4;
	_ =	sdelay $0x1  }
0xa1: {  	s23 =	simm.s32 $0x1B8B  }
0xa2: {  	_ =	swait.ge [sflag:s23], $0x1  }
0xa3: {  	[sflag:s23] =	ssyncset.done $0x0  }
0xa4: {  	s25 =	simm.s32 $0x1B8E;
	s24 =	sld [smem:$0x3FFE];
	[sflag:s23] =	ssyncadd.s32 $0xFFFFFFFF  }
0xa5: {  	s26 =	simm.s32 $execute0_lowered;
	[smem:$0x3FD2] =	sst s25  }
0xa6: {  	s5 =	sshll.u32 s26, $0x1;
	_ =	strace $0x80000046;
	[dreg:$0x1] =	wrdreg $0xFFFFFFFF  }
0xa7: {  	s28 =	simm.s32 $_size_execute0_lowered;
	s3 =	sadd.s32 s3, s5;
	[dreg:$0x0] =	wrdreg $0x0  }
0xa8: {  	s5 =	sshll.u32 s28, $0x1;
	[dreg:$0x2] =	wrdreg s3  }
0xa9: {  	[dreg:$0x3] =	wrdreg s5  }
0xaa: {  	[dreg:$0x4] =	wrdreg $0xC0  }
0xab: {  	_ =	task [dreg:s7], $0x5FFFF  }
0xac: {  	[dreg:$0x1] =	wrdreg $0xFFFFFFFF  }
0xad: {  	[dreg:$0x0] =	wrdreg $0x60  }
0xae: {  	[dreg:$0x2] =	wrdreg s24  }
0xaf: {  	[dreg:$0x3] =	wrdreg s2  }
0xb0: {  	[dreg:$0x4] =	wrdreg $0xA2900  }
0xb1: {  	[dreg:$0x5] =	wrdreg $0x9  }
0xb2: {  	_ =	task.clear_ibuf [dreg:s7], $0x6FFFF;
	_ =	strace $0x90000046  }
0xb3: {  	s29 =	simm.s32 $0x9;
	_ =	strace $0x80000048  }
0xb4: {  	_ =	swait.ge [sflag:s29], $0x1  }
0xb5: {  	[sflag:s29] =	ssyncadd.s32 $0xFFFFFFFF  }
0xb6: {  	_ =	strace $0x90000048  }
0xb7: {  	_ =	sfence  }
0xb8: {  	s30 =	sld [smem:$0x0];
	_ =	sdelay $0x2  }
0xb9: {  	s31 =	sshll.u32 s1, $0xD;
	s1 =	sshrl.u32 s1, $0x2  }
0xba: {  	s3 =	sand.u32 $0x4000, s31;
	s1 =	sadd.s32 s1, s30  }
0xbb: {  	s0 =	sor.u32 s3, s0;
	s1 =	sshll.u32 s1, $0x11  }
0xbc: {  	s0 =	sor.u32 s1, s0  }
0xbd: {  	s0 =	sadd.s32 $0x8F2B, s0  }
0xbe: {  	[sflag:s0] =	ssyncadd.remote.s32 $0x1  }
0xbf: {  	_ =	sfence.sel $0xFFFF  }
0xc0: {  	[dreg:$0x0] =	wrdreg $0xFFFFFFFF;
	(pc) =	sbr.abs _section_cstart, $3  }
0xc1: {  	[dreg:$0x1] =	wrdreg $0xFFFFFFFF  }
0xc2: {  	_ =	task.clear_ibuf [dreg:s7], $0x2FFFF;
	_ =	strace $0x9FFFFFFF  }
0xc3: {  	(tm) =	ssettm $0x7FFFFFFF  }
tec
execute0_lowered:
.L_overlay_start_1:
0x0: {  	(tag) =	ssettag $0x1  }
0x1: {  	s0 =	rddreg [dreg:$0x0]  }
0x2: {  	s2 =	rddreg [dreg:$0x1]  }
0x3: {  	s3 =	rddreg [dreg:$0x2]  }
0x4: {  	s13 =	stileid.u32;
	s4 =	simm.s32 $0x0;
	s8 =	srdreg.scid  }
0x5: {  	s30 =	simm.s32 $0x1;
	s31 =	simm.s32 $0x2;
	s17 =	simm.s32 $0x4  }
0x6: {  	s1 =	smul.u32 $0xA28, s13;
	[smem:$0x7FF] =	sst s4;
	s5 =	sadd.s32 $0x28400, s0  }
0x7: {  	s18 =	smul.u32 $0xC300, s13;
	s6 =	sadd.s32 $0x14A00, s0;
	s7 =	sadd.s32 $0x1000, s0  }
0x8: {  	s8 =	sand.u32 $0x1, s8;
	s9 =	sadd.s32 $0x2D400, s0;
	s11 =	sadd.s32 $0x6E200, s0  }
0x9: {  	p1 =	seq.s32 s13, $0xF;
	_ =	strace $0x80000047;
	[dreg:$0x4] =	wrdreg s9  }
0xa: {  	s10 =	ssub.s32 $0x2, s8;
	s21 =	smul.u32 $0xC3500, s8;
	p0 =	seq.s32 s8, $0x1  }
0xb: {  	s8 =	simm.s32 $0x6;
	s1 =	sadd.s32 s1, s0;
	s19 =	sshrl.u32 s18, $0x3  }
0xc: {  	s12 =	sshrl.u32 s10, $0x1;
	s22 =	sadd.s32 s18, s3;
	s9 =	sadd.s32 s19, s0  }
0xd: {  	s10 =	ssub.s32 s10, s12;
	s20 =	sadd.s32 $0x4B600, s1;
	s1 =	sadd.s32 $0x41200, s1  }
0xe: {  	[dreg:$0x7] =	wrdreg s22;
	s4 =	sadd.s32 s18, s21;
	s24 =	sshrl.u32 s21, $0x3  }
0xf: {  	s0 =	sadd.s32 $0x6C7A0, s0;
	s18 =	simm.s32 $0x7;
	[dreg:$0x5] =	wrdreg s20  }
0x10: {  	s22 =	simm.s32 $0x64;
	s19 =	simm.s32 $0x5;
	[dreg:$0x6] =	wrdreg s1  }
0x11: {  	s23 =	sadd.s32 $0x55A00, s9;
	s1 =	sadd.s32 $0xB6D00, s3;
	[dreg:$0x9] =	wrdreg s0  }
0x12: {  	s25 =	sshrl.u32 s4, $0x3;
	s26 =	sadd.s32 s11, s24;
	s29 =	smax.u32 s10, $0x1  }
0x13: {  	s24 =	simm.s32 $0x16C20;
	s9 =	simm.s32 $0x1D020;
	[dreg:$0x8] =	wrdreg s23  }
.Ltmp0:
0x14: {  	s0 =	sadd.s32 s11, s25;
	[dreg:$0xc] =	wrdreg s29;
	(pc) =	sbr.rel .LBB2_1-.Ltmp0, $4  }
0x15: {  	s10 =	simm.s32 $0x0;
	s28 =	sadd.s32 $0x16DA0, s26;
	[dreg:$0xa] =	wrdreg s0  }
0x16: {  	s12 =	sshrl.u32 @p1 s1, $0x3;
	[dreg:$0xb] =	wrdreg s28;
	s0 =	sshll.u32 @!p1 s13, $0x6  }
0x17: {  	s23 =	simm.s32 $0x165E0;
	[dreg:$0xd] =	wrdreg s12;
	s13 =	sor.u32 @!p1 $0x1C07, s0  }
0x18: {  	s25 =	simm.s32 $0x17260;
	s0 =	simm.s32 $0x3;
	[dreg:$0xe] =	wrdreg s13  }
.LBB2_14:
0x19: {  	_ =	swait.ge [sflag:s30], $0x640  }
0x1a: {  	[sflag:s30] =	ssyncset.done $0x0  }
0x1b: {  	[sflag:s30] =	ssyncadd.s32 $0xFFFFF9C0  }
0x1c: {  	_ =	swait.ge [sflag:s31], $0x640  }
0x1d: {  	[sflag:s31] =	ssyncset.done $0x0  }
0x1e: {  	[sflag:s31] =	ssyncadd.s32 $0xFFFFF9C0  }
0x1f: {  	_ =	swait.ge [sflag:s0], $0x1900  }
0x20: {  	[sflag:s0] =	ssyncset.done $0x0  }
0x21: {  	[sflag:s0] =	ssyncadd.s32 $0xFFFFE700  }
0x22: {  	[bflag:$0x0] =	sbarrier.arrive $0xFFFF  }
0x23: {  	s4 =	rddreg [dreg:$0xb]  }
0x24: {  	s1 =	simm.s32 @p1 $0x1FC7;
	s12 =	rddreg [dreg:$0xd]  }
0x25: {  	[hbm:s4], [sflag:s1] =	dma.local @p1 [spmem:s12], $0x1900  }
0x26: {  	s1 =	simm.s32 @p1 $0x7  }
0x27: {  	_ =	swait.ge @p1 [sflag:s1], $0x1900  }
0x28: {  	s13 =	rddreg [dreg:$0xe]  }
0x29: {  	[sflag:s1] =	ssyncset.done @p1 $0x0;
	s4 =	rddreg [dreg:$0x10]  }
0x2a: {  	[sflag:s1] =	ssyncadd.s32 @p1 $0xFFFFE700;
	s1 =	rddreg [dreg:$0xa]  }
0x2b: {  	[hbm:s1], [sflag:s13] =	dma.local @!p1 [spmem:s4], $0x1860  }
0x2c: {  	s1 =	simm.s32 @!p1 $0x7  }
0x2d: {  	_ =	swait.ge @!p1 [sflag:s1], $0x1860  }
0x2e: {  	s10 =	rddreg [dreg:$0xf]  }
0x2f: {  	s29 =	rddreg [dreg:$0xc];
	s10 =	sadd.s32 $0x1, s10  }
0x30: {  	p2 =	sne.s32 s10, s29  }
.Ltmp1:
0x31: {  	_ = 	snop;
	(pc) =	sbr.rel @!p2 .LBB2_15-.Ltmp1, $3  }
0x32: {  	_ =	sdelay $0x1  }
0x33: {  	[sflag:s1] =	ssyncset.done @!p1 $0x0  }
0x34: {  	[sflag:s1] =	ssyncadd.s32 @!p1 $0xFFFFE7A0  }
.LBB2_1:
0x35: {  	[dreg:$0xf] =	wrdreg s10  }
0x36: {  	s4 =	simm.s32 $0x0;
	s1 =	rddreg [dreg:$0x4];
	s26 =	simm.s32 $0xA280  }
0x37: {  	[tilespmem:s26], [sflag:$0x7] =	stream.linear.gather [hbm4b:s1+s4], $0x10, $0x38;
	[tilespmem:$0x1EF60] =	vst v63  }
0x38: {  	_ =	swait.ge [sflag:s18], $0x10  }
0x39: {  	[sflag:s18] =	ssyncset.done $0x0  }
0x3a: {  	s28 =	rddreg [dreg:$0x5];
	[sflag:s18] =	ssyncadd.s32 $0xFFFFFFF0  }
0x3b: {  	[tilespmem:s4], [sflag:$0x7] =	stream.linear.gather [hbm4b:s28+s4], $0x5140, $0x38;
	[tilespmem:$0x1EF60] =	vst v63  }
0x3c: {  	_ =	swait.ge [sflag:s18], $0x5140  }
0x3d: {  	[sflag:s18] =	ssyncset.done $0x0  }
0x3e: {  	s11 =	simm.s32 $0x5140;
	s29 =	rddreg [dreg:$0x6];
	[sflag:s18] =	ssyncadd.s32 $0xFFFFAEC0  }
0x3f: {  	[tilespmem:s11], [sflag:$0x7] =	stream.linear.gather [hbm4b:s29+s4], $0x5140, $0x38;
	[tilespmem:$0x1EF60] =	vst v63  }
0x40: {  	_ =	swait.ge [sflag:s18], $0x5140  }
0x41: {  	[sflag:s18] =	ssyncset.done $0x0  }
0x42: {  	s1 =	simm.s32 @p1 $0x1FC7;
	s10 =	rddreg [dreg:$0x9];
	[sflag:s18] =	ssyncadd.s32 $0xFFFFAEC0  }
0x43: {  	[spmem:s12], [sflag:s1] =	dma.local @p1 [hbm:s10], $0x1900  }
0x44: {  	s1 =	simm.s32 @p1 $0x7  }
0x45: {  	_ =	swait.ge @p1 [sflag:s1], $0x1900  }
0x46: {  	[sflag:s1] =	ssyncset.done @p1 $0x0  }
0x47: {  	[sflag:s1] =	ssyncadd.s32 @p1 $0xFFFFE700;
	s1 =	rddreg [dreg:$0x7]  }
0x48: {  	s10 =	sshrl.u32 @!p1 s1, $0x3;
	s1 =	rddreg [dreg:$0x8]  }
0x49: {  	[dreg:$0x10] =	wrdreg s10  }
0x4a: {  	[spmem:s10], [sflag:s13] =	dma.local @!p1 [hbm:s1], $0x1860  }
0x4b: {  	s1 =	simm.s32 @!p1 $0x7  }
0x4c: {  	_ =	swait.ge @!p1 [sflag:s1], $0x1860  }
0x4d: {  	[sflag:s1] =	ssyncset.done @!p1 $0x0  }
.Ltmp2:
0x4e: {  	[sflag:s1] =	ssyncadd.s32 @!p1 $0xFFFFE7A0;
	(pc) =	sbr.rel @!p0 .LBB2_2-.Ltmp2, $4  }
0x4f: {  	[bflag:$0x0] =	sbarrier.arrive $0xFFFF  }
0x50: {  	v0 =	vld [tilespmem:$0xA280];
	[tilespmem:s23], [sflag:$0x1] =	stream.indirect.gather [hbm4b:s2+s22], $0x10, s4, s22, $0xb8  }
0x51: {  	s12 =	simm.s32 $0x0  }
0x52: {  	[tilespmem:s24], [sflag:$0x2] =	stream.indirect.gather [hbm4b:s5+s22], $0x10, s11, s22, $0xb8;
	[tilespmem:$0x1EF60] =	vst v63  }
0x53: {  	[tilespmem:s25], [sflag:$0x3] =	stream.indirect.gather [hbm4b:s7+s22], $0x40, s12, s22, $0xb8;
	[tilespmem:$0x1EF60] =	vst v63  }
.LBB2_9:
0x54: {  	s1 =	smul.u32 $0xD0, s12;
	_ =	sdelay $0x1  }
0x55: {  	s10 =	simm.s32 $0x1AAA0;
	s4 =	sadd.s32 $0x68, s1  }
0x56: {  	[tilespmem:s10], [sflag:$0x4] =	stream.indirect.gather [hbm4b:s2+s22], $0x10, s4, s22, $0xb8;
	[tilespmem:$0x1EF60] =	vst v63  }
0x57: {  	s13 =	sadd.s32 $0x51A8, s1;
	s10 =	simm.s32 $0x1B0E0  }
0x58: {  	[tilespmem:s10], [sflag:$0x5] =	stream.indirect.gather [hbm4b:s5+s22], $0x10, s13, s22, $0xb8;
	[tilespmem:$0x1EF60] =	vst v63  }
0x59: {  	s11 =	simm.s32 $0x1B720  }
0x5a: {  	[tilespmem:s11], [sflag:$0x6] =	stream.indirect.gather [hbm4b:s7+s22], $0x40, s4, s22, $0xb8;
	[tilespmem:$0x1EF60] =	vst v63  }
0x5b: {  	_ =	swait.ge [sflag:s30], $0x640  }
0x5c: {  	[sflag:s30] =	ssyncset.done $0x0  }
0x5d: {  	[sflag:s30] =	ssyncadd.s32 $0xFFFFF9C0  }
0x5e: {  	_ =	swait.ge [sflag:s31], $0x640  }
0x5f: {  	[sflag:s31] =	ssyncset.done $0x0  }
0x60: {  	[sflag:s31] =	ssyncadd.s32 $0xFFFFF9C0  }
0x61: {  	_ =	swait.ge [sflag:s0], $0x1900  }
0x62: {  	[sflag:s0] =	ssyncset.done $0x0  }
0x63: {  	s14 =	simm.s32 $0x165F0;
	[sflag:s0] =	ssyncadd.s32 $0xFFFFE700  }
0x64: {  	s15 =	simm.s32 $0x16C30;
	v1 =	vld [tilespmem:s14+$0x0]  }
0x65: {  	v2 =	vld [tilespmem:s15+$0x0];
	_ =	sdelay $0x4  }
0x66: {  	v1 =	vadd.f32 v2, v1;
	_ =	sdelay $0x1  }
0x67: {  	v2 =	vmul.f32 $2.000000030e-01, v1  }
0x68: {  	s16 =	simm.s32 $0x16610;
	v3 =	vld [tilespmem:s15+$0xFFFFFFF0]  }
0x69: {  	v4 =	vld [tilespmem:s16+$0x0];
	v1 =	vmax.f32 v1, v2  }
0x6a: {  	s20 =	simm.s32 $0x16C50;
	v2 =	vld [tilespmem:s14+$0xFFFFFFF0];
	v1 =	vsub.f32 v1, v0  }
0x6b: {  	v5 =	vld [tilespmem:s20+$0x0]  }
0x6c: {  	v1 =	vmul.f32 $1.442695020e+00, v1;
	_ =	sdelay $0x1  }
0x6d: {  	(erf) = vpow2.f32 v1  }
0x6e: {  	v1 =	vadd.f32 v3, v2;
	v2 =	vld [tilespmem:s20+$0xFFFFFFF0]  }
0x6f: {  	v4 =	vadd.f32 v5, v4;
	v3 =	vld [tilespmem:s16+$0xFFFFFFF0]  }
0x70: {  	v5 =	vmul.f32 $2.000000030e-01, v1  }
0x71: {  	v6 =	vmul.f32 $2.000000030e-01, v4  }
0x72: {  	v1 =	vmax.f32 v1, v5  }
0x73: {  	s26 =	simm.s32 $0x16C70;
	v4 =	vmax.f32 v4, v6;
	v1 =	vsub.f32 v1, v0  }
0x74: {  	s21 =	simm.s32 $0x16630;
	v5 =	vld [tilespmem:s26+$0x0];
	v2 =	vadd.f32 v2, v3;
	v3 =	vsub.f32 v4, v0  }
0x75: {  	v4 =	vld [tilespmem:s21+$0x0];
	v1 =	vmul.f32 $1.442695020e+00, v1  }
0x76: {  	s15 =	simm.s32 $0x18BB0;
	v3 =	vmul.f32 $1.442695020e+00, v3;
	v7 =	vpop (erf)  }
0x77: {  	s11 =	simm.s32 $0x172A0;
	v6 =	vmul.f32 $2.000000030e-01, v2;
	(erf) = vpow2.f32 v1;
	[tilespmem:s15+$0x40] =	vst v7  }
0x78: {  	(erf) = vpow2.f32 v3;
	v1 =	vld [tilespmem:s11+$0x0]  }
0x79: {  	v2 =	vmax.f32 v2, v6;
	v3 =	vld [tilespmem:s26+$0xFFFFFFF0]  }
0x7a: {  	v2 =	vsub.f32 v2, v0;
	v4 =	vadd.f32 v5, v4;
	v5 =	vld [tilespmem:s21+$0xFFFFFFF0]  }
0x7b: {  	v6 =	vbroadcast v7, $0x4  }
0x7c: {  	v2 =	vmul.f32 $1.442695020e+00, v2  }
0x7d: {  	v1 =	vmul.f32 v6, v1;
	v6 =	vmul.f32 $2.000000030e-01, v4  }
0x7e: {  	s10 =	simm.s32 $0x16650;
	(erf) = vpow2.f32 v2  }
0x7f: {  	v3 =	vadd.f32 v3, v5;
	v5 =	vld [tilespmem:s10+$0x0];
	[tilespmem:s15+$0x0] =	vst v1;
	v1 =	vmax.f32 v4, v6  }
0x80: {  	s20 =	simm.s32 $0x16C90;
	v4 =	vpop (erf);
	v1 =	vsub.f32 v1, v0;
	v2 =	vld [tilespmem:s11+$0x10]  }
0x81: {  	s14 =	simm.s32 $0x18C50;
	s16 =	simm.s32 $0x17320;
	v6 =	vld [tilespmem:s20+$0x0];
	[tilespmem:s15+$0xFFFFFFF0] =	vst v4;
	v9 =	vpop (erf)  }
0x82: {  	v10 =	vmul.f32 $2.000000030e-01, v3;
	v8 =	vld [tilespmem:s11+$0xFFFFFFC0];
	[tilespmem:s14+$0x40] =	vst v9;
	v1 =	vmul.f32 $1.442695020e+00, v1  }
0x83: {  	v11 =	vbroadcast v7, $0x5;
	v12 =	vld [tilespmem:s16+$0x0]  }
0x84: {  	(erf) = vpow2.f32 v1;
	v1 =	vmax.f32 v3, v10;
	v3 =	vld [tilespmem:s20+$0xFFFFFFF0]  }
0x85: {  	v10 =	vbroadcast v4, $0x4;
	v2 =	vmul.f32 v11, v2;
	v1 =	vsub.f32 v1, v0;
	v11 =	vld [tilespmem:s10+$0xFFFFFFF0]  }
0x86: {  	v13 =	vbroadcast v9, $0x4;
	v5 =	vadd.f32 v6, v5  }
0x87: {  	[tilespmem:s15+$0x10] =	vst v2;
	v2 =	vmul.f32 v10, v8;
	v8 =	vpop (erf);
	v1 =	vmul.f32 $1.442695020e+00, v1  }
0x88: {  	s21 =	simm.s32 $0x16670;
	v10 =	vmul.f32 v13, v12;
	v12 =	vmul.f32 $2.000000030e-01, v5;
	v6 =	vld [tilespmem:s11+$0x20];
	[tilespmem:s14+$0xFFFFFFF0] =	vst v8  }
0x89: {  	v16 =	vld [tilespmem:s21+$0x0];
	[tilespmem:s15+$0xFFFFFFB0] =	vst v2;
	(erf) = vpow2.f32 v1  }
0x8a: {  	v13 =	vld [tilespmem:s16+$0xFFFFFFC0];
	[tilespmem:s14+$0x0] =	vst v10;
	v2 =	vmax.f32 v5, v12;
	v10 =	vbroadcast v4, $0x5;
	v1 =	vadd.f32 v3, v11  }
0x8b: {  	v5 =	vbroadcast v4, $0x7;
	v3 =	vbroadcast v7, $0x6;
	v12 =	vsub.f32 v2, v0;
	v15 =	vld [tilespmem:s16+$0x10]  }
0x8c: {  	s26 =	simm.s32 $0x16CB0;
	v14 =	vld [tilespmem:s11+$0xFFFFFFD0];
	v11 =	vbroadcast v4, $0x6;
	v17 =	vmul.f32 $2.000000030e-01, v1  }
0x8d: {  	s4 =	simm.s32 $0x18CF0;
	v4 =	vld [tilespmem:s26+$0x0];
	v2 =	vpop (erf);
	v3 =	vmul.f32 v3, v6;
	v6 =	vmul.f32 $1.442695020e+00, v12  }
0x8e: {  	v20 =	vld [tilespmem:s26+$0xFFFFFFF0];
	v18 =	vbroadcast v9, $0x5;
	s20 =	simm.s32 $0x173A0;
	v12 =	vbroadcast v8, $0x4;
	[tilespmem:s4+$0x40] =	vst v2  }
0x8f: {  	v19 =	vbroadcast v8, $0x5;
	v1 =	vmax.f32 v1, v17;
	v17 =	vld [tilespmem:s20+$0x0];
	(erf) = vpow2.f32 v6  }
0x90: {  	[tilespmem:s15+$0x20] =	vst v3;
	v1 =	vsub.f32 v1, v0;
	v15 =	vmul.f32 v18, v15;
	v12 =	vmul.f32 v12, v13;
	v13 =	vld [tilespmem:s21+$0xFFFFFFF0]  }
0x91: {  	v7 =	vbroadcast v7, $0x7;
	v6 =	vbroadcast v8, $0x6;
	v3 =	vld [tilespmem:s11+$0x30]  }
0x92: {  	v10 =	vmul.f32 v10, v14;
	v4 =	vadd.f32 v4, v16;
	s21 =	simm.s32 $0x16690;
	v18 =	vmul.f32 $1.442695020e+00, v1;
	[tilespmem:s14+$0x10] =	vst v15  }
0x93: {  	v22 =	vld [tilespmem:s21+$0x0];
	v1 =	vbroadcast v8, $0x7;
	v8 =	vbroadcast v2, $0x4;
	[tilespmem:s14+$0xFFFFFFB0] =	vst v12;
	v21 =	vpop (erf)  }
0x94: {  	v15 =	vmul.f32 $2.000000030e-01, v4;
	v14 =	vld [tilespmem:s16+$0x20];
	[tilespmem:s4+$0xFFFFFFF0] =	vst v21;
	(erf) = vpow2.f32 v18  }
0x95: {  	[tilespmem:s15+$0xFFFFFFC0] =	vst v10;
	v10 =	vbroadcast v21, $0x4;
	v12 =	vld [tilespmem:s20+$0xFFFFFFC0];
	v8 =	vmul.f32 v8, v17  }
0x96: {  	v16 =	vld [tilespmem:s16+$0xFFFFFFD0];
	v4 =	vmax.f32 v4, v15;
	v13 =	vadd.f32 v20, v13;
	v17 =	vmul.f32 v3, v7  }
0x97: {  	v18 =	vld [tilespmem:s11+$0xFFFFFFE0];
	v20 =	vsub.f32 v4, v0;
	v3 =	vbroadcast v9, $0x6;
	v7 =	vbroadcast v21, $0x6;
	[tilespmem:s4+$0x0] =	vst v8  }
0x98: {  	s28 =	simm.s32 $0x16CD0;
	v8 =	vbroadcast v21, $0x5;
	v23 =	vmul.f32 $2.000000030e-01, v13;
	v15 =	vld [tilespmem:s20+$0x10]  }
0x99: {  	s10 =	simm.s32 $0x18D90;
	v20 =	vmul.f32 $1.442695020e+00, v20;
	v14 =	vmul.f32 v3, v14;
	[tilespmem:s15+$0x30] =	vst v17;
	v17 =	vld [tilespmem:s28+$0xFFFFFFF0];
	v4 =	vpop (erf)  }
0x9a: {  	s26 =	simm.s32 $0x17420;
	v3 =	vbroadcast v21, $0x7;
	v10 =	vmul.f32 v10, v12;
	v12 =	vld [tilespmem:s28+$0x0];
	[tilespmem:s10+$0x40] =	vst v4  }
0x9b: {  	v16 =	vmul.f32 v19, v16;
	v13 =	vmax.f32 v13, v23;
	[tilespmem:s14+$0x20] =	vst v14;
	v14 =	vbroadcast v2, $0x5;
	v21 =	vld [tilespmem:s26+$0x0]  }
0x9c: {  	v19 =	vld [tilespmem:s21+$0xFFFFFFF0];
	(erf) = vpow2.f32 v20;
	v13 =	vsub.f32 v13, v0  }
0x9d: {  	v11 =	vmul.f32 v11, v18;
	[tilespmem:s14+$0xFFFFFFC0] =	vst v16;
	v18 =	vld [tilespmem:s16+$0x30];
	v23 =	vpop (erf);
	v14 =	vmul.f32 v14, v15  }
0x9e: {  	v13 =	vmul.f32 $1.442695020e+00, v13;
	v15 =	vbroadcast v4, $0x4;
	[tilespmem:s10+$0xFFFFFFF0] =	vst v23  }
0x9f: {  	v9 =	vbroadcast v9, $0x7;
	v20 =	vadd.f32 v12, v22;
	[tilespmem:s4+$0x10] =	vst v14;
	v24 =	vld [tilespmem:s26+$0xFFFFFFC0]  }
0xa0: {  	[tilespmem:s4+$0xFFFFFFB0] =	vst v10;
	(erf) = vpow2.f32 v13;
	v13 =	vmul.f32 v15, v21;
	v15 =	vld [tilespmem:s20+$0x20]  }
0xa1: {  	[tilespmem:s15+$0xFFFFFFD0] =	vst v11;
	v11 =	vbroadcast v23, $0x5;
	v14 =	vld [tilespmem:s20+$0xFFFFFFD0];
	v16 =	vmul.f32 $2.000000030e-01, v20  }
0xa2: {  	v19 =	vadd.f32 v17, v19;
	v22 =	vbroadcast v23, $0x4;
	v12 =	vld [tilespmem:s16+$0xFFFFFFE0];
	v9 =	vmul.f32 v18, v9  }
0xa3: {  	s29 =	simm.s32 $0xA;
	v10 =	vbroadcast v23, $0x6;
	v18 =	vbroadcast v2, $0x6;
	[tilespmem:s10+$0x0] =	vst v13;
	v13 =	vld [tilespmem:s11+$0xFFFFFFF0];
	v16 =	vmax.f32 v20, v16  }
0xa4: {  	s1 =	simm.s32 $0x166B0;
	s21 =	simm.s32 $0x18D90;
	[tilespmem:s14+$0x30] =	vst v9;
	v9 =	vbroadcast v23, $0x7;
	s11 =	simm.s32 $0x17420;
	v20 =	vsub.f32 v16, v0;
	v17 =	vmul.f32 v22, v24;
	v16 =	vld [tilespmem:s26+$0x10]  }
.LBB2_10:
0xa5: {  	v21 =	vld [tilespmem:s1+$0x0];
	v22 =	vmul.f32 $2.000000030e-01, v19;
	s28 =	sadd.s32 $0x20, s28;
	v23 =	vpop (erf);
	s10 =	sadd.s32 $0xA0, s10;
	v15 =	vmul.f32 v18, v15  }
0xa6: {  	s26 =	sadd.s32 $0x80, s26;
	v18 =	vld [tilespmem:s28+$0x0];
	v20 =	vmul.f32 $1.442695020e+00, v20;
	[tilespmem:s10+$0x40] =	vst v23;
	v14 =	vmul.f32 v8, v14;
	v8 =	vmov v11  }
0xa7: {  	s29 =	sadd.s32 $0x2, s29;
	v11 =	vmax.f32 v19, v22;
	v19 =	vld [tilespmem:s26+$0x0];
	v22 =	vbroadcast v4, $0x5;
	[tilespmem:s4+$0x20] =	vst v15;
	v12 =	vmul.f32 v6, v12;
	v6 =	vmovc v7  }
0xa8: {  	p2 =	slt.u32 s29, $0x62;
	v7 =	vmovc v10;
	v11 =	vsub.f32 v11, v0;
	(erf) = vpow2.f32 v20;
	[tilespmem:s21+$0xFFFFFFB0] =	vst v17;
	v17 =	vld [tilespmem:s20+$0x30];
	v13 =	vmul.f32 v13, v5  }
0xa9: {  	v5 =	vmov v1;
	v1 =	vmov v3;
	v20 =	vld [tilespmem:s28+$0xFFFFFFF0];
	v24 =	vpop (erf);
	v10 =	vmul.f32 v22, v16;
	[tilespmem:s4+$0xFFFFFFC0] =	vst v14  }
0xaa: {  	v3 =	vmov v9;
	v14 =	vbroadcast v23, $0x4;
	v16 =	vld [tilespmem:s1+$0xFFFFFFF0];
	v11 =	vmul.f32 $1.442695020e+00, v11;
	[tilespmem:s10+$0xFFFFFFF0] =	vst v24  }
0xab: {  	v9 =	vadd.f32 v18, v21;
	v21 =	vbroadcast v24, $0x4;
	v22 =	vld [tilespmem:s26+$0xFFFFFFC0];
	[tilespmem:s21+$0x10] =	vst v10;
	v10 =	vbroadcast v2, $0x7;
	v2 =	vmovc v4;
	v4 =	vmovc v23  }
.Ltmp3:
0xac: {  	(erf) = vpow2.f32 v11;
	v18 =	vmul.f32 v14, v19;
	v15 =	vld [tilespmem:s11+$0x20];
	[tilespmem:s14+$0xFFFFFFD0] =	vst v12;
	(pc) =	sbr.rel @p2 .LBB2_10-.Ltmp3, $4  }
0xad: {  	v23 =	vmul.f32 $2.000000030e-01, v9;
	v14 =	vld [tilespmem:s11+$0xFFFFFFD0];
	v17 =	vmul.f32 v17, v10;
	[tilespmem:s15+$0xFFFFFFE0] =	vst v13;
	s15 =	smov.u32 s14;
	s14 =	smov.u32 s4;
	s4 =	smov.u32 s21  }
0xae: {  	v11 =	vbroadcast v24, $0x5;
	v10 =	vbroadcast v24, $0x6;
	s21 =	smov.u32 s10;
	[tilespmem:s10+$0x0] =	vst v18;
	v12 =	vld [tilespmem:s20+$0xFFFFFFE0]  }
0xaf: {  	v18 =	vbroadcast v2, $0x6;
	v19 =	vadd.f32 v20, v16;
	v9 =	vmax.f32 v9, v23;
	[tilespmem:s14+$0x30] =	vst v17;
	v13 =	vld [tilespmem:s16+$0xFFFFFFF0];
	s16 =	smov.u32 s20;
	s20 =	smov.u32 s11;
	s11 =	smov.u32 s26  }
0xb0: {  	s1 =	sadd.s32 $0x20, s1;
	v20 =	vsub.f32 v9, v0;
	v17 =	vmul.f32 v21, v22;
	v9 =	vbroadcast v24, $0x7;
	v16 =	vld [tilespmem:s26+$0x10]  }
0xb1: {  	v21 =	vmul.f32 $2.000000030e-01, v19;
	_ =	sdelay $0x1  }
0xb2: {  	v19 =	vmax.f32 v19, v21  }
0xb3: {  	v20 =	vmul.f32 $1.442695020e+00, v20;
	v19 =	vsub.f32 v19, v0;
	_ =	sdelay $0x1  }
0xb4: {  	(erf) = vpow2.f32 v20;
	v19 =	vmul.f32 $1.442695020e+00, v19;
	_ =	sdelay $0x1  }
0xb5: {  	(erf) = vpow2.f32 v19;
	_ =	sdelay $0x4  }
0xb6: {  	s10 =	sadd.s32 $0xA0, s10;
	v19 =	vpop (erf)  }
0xb7: {  	s28 =	sadd.s32 $0x80, s26;
	[tilespmem:s10+$0x40] =	vst v19;
	v20 =	vpop (erf)  }
0xb8: {  	s26 =	sadd.s32 $0xA0, s10;
	v21 =	vld [tilespmem:s28+$0x0];
	v22 =	vpop (erf)  }
0xb9: {  	s1 =	sadd.s32 $0x80, s28;
	[tilespmem:s26+$0x40] =	vst v22  }
0xba: {  	[tilespmem:s10+$0xFFFFFFF0] =	vst v20;
	v23 =	vld [tilespmem:s1+$0x0];
	v24 =	vpop (erf)  }
0xbb: {  	v15 =	vmul.f32 v18, v15;
	v18 =	vbroadcast v19, $0x4;
	v25 =	vld [tilespmem:s28+$0xFFFFFFC0];
	[tilespmem:s26+$0xFFFFFFF0] =	vst v24  }
0xbc: {  	v26 =	vld [tilespmem:s1+$0xFFFFFFC0]  }
0xbd: {  	[tilespmem:s4+$0x20] =	vst v15;
	v15 =	vmul.f32 v18, v21;
	v18 =	vbroadcast v22, $0x4  }
0xbe: {  	v8 =	vmul.f32 v8, v14;
	[tilespmem:s21+$0xFFFFFFB0] =	vst v17;
	v14 =	vbroadcast v20, $0x4  }
0xbf: {  	v17 =	vbroadcast v24, $0x4;
	[tilespmem:s10+$0x0] =	vst v15;
	v15 =	vmul.f32 v18, v23  }
0xc0: {  	[tilespmem:s4+$0xFFFFFFC0] =	vst v8;
	v8 =	vbroadcast v4, $0x5;
	v14 =	vmul.f32 v14, v25;
	v18 =	vld [tilespmem:s28+$0x10]  }
0xc1: {  	[tilespmem:s26+$0x0] =	vst v15;
	v15 =	vmul.f32 v17, v26;
	v17 =	vld [tilespmem:s11+$0xFFFFFFD0]  }
0xc2: {  	v8 =	vmul.f32 v8, v16;
	[tilespmem:s10+$0xFFFFFFB0] =	vst v14;
	v14 =	vld [tilespmem:s1+$0x10]  }
0xc3: {  	v6 =	vmul.f32 v6, v12;
	v12 =	vbroadcast v19, $0x5;
	v16 =	vld [tilespmem:s28+$0xFFFFFFD0];
	[tilespmem:s26+$0xFFFFFFB0] =	vst v15  }
0xc4: {  	v5 =	vmul.f32 v13, v5;
	[tilespmem:s21+$0x10] =	vst v8;
	v8 =	vld [tilespmem:s1+$0xFFFFFFD0]  }
0xc5: {  	v13 =	vld [tilespmem:s20+$0x30];
	[tilespmem:s14+$0xFFFFFFD0] =	vst v6;
	v6 =	vmul.f32 v12, v18;
	v12 =	vbroadcast v22, $0x5  }
0xc6: {  	[tilespmem:s15+$0xFFFFFFE0] =	vst v5;
	v5 =	vbroadcast v20, $0x5;
	v15 =	vld [tilespmem:s11+$0x20];
	v11 =	vmul.f32 v11, v17  }
0xc7: {  	[tilespmem:s10+$0x10] =	vst v6;
	v6 =	vbroadcast v24, $0x5;
	v12 =	vmul.f32 v12, v14;
	v17 =	vld [tilespmem:s20+$0xFFFFFFE0]  }
0xc8: {  	v2 =	vbroadcast v2, $0x7;
	v5 =	vmul.f32 v5, v16;
	[tilespmem:s21+$0xFFFFFFC0] =	vst v11;
	v11 =	vld [tilespmem:s28+$0x20]  }
0xc9: {  	v14 =	vbroadcast v4, $0x6;
	[tilespmem:s26+$0x10] =	vst v12;
	v16 =	vld [tilespmem:s11+$0xFFFFFFE0];
	v6 =	vmul.f32 v6, v8  }
0xca: {  	v2 =	vmul.f32 v13, v2;
	[tilespmem:s10+$0xFFFFFFC0] =	vst v5;
	v5 =	vld [tilespmem:s1+$0x20]  }
0xcb: {  	v13 =	vld [tilespmem:s28+$0xFFFFFFE0];
	v12 =	vbroadcast v19, $0x6;
	v8 =	vmul.f32 v14, v15;
	[tilespmem:s26+$0xFFFFFFC0] =	vst v6  }
0xcc: {  	[tilespmem:s4+$0x30] =	vst v2;
	v2 =	vmul.f32 v7, v17;
	v6 =	vld [tilespmem:s1+$0xFFFFFFE0]  }
0xcd: {  	v7 =	vld [tilespmem:s16+$0xFFFFFFF0];
	[tilespmem:s21+$0x20] =	vst v8;
	v8 =	vmul.f32 v12, v11;
	v11 =	vbroadcast v22, $0x6  }
0xce: {  	v14 =	vld [tilespmem:s11+$0x30];
	v12 =	vbroadcast v20, $0x6;
	[tilespmem:s4+$0xFFFFFFD0] =	vst v2;
	v2 =	vmul.f32 v10, v16  }
0xcf: {  	v10 =	vbroadcast v24, $0x6;
	v15 =	vld [tilespmem:s20+$0xFFFFFFF0];
	[tilespmem:s10+$0x20] =	vst v8;
	v5 =	vmul.f32 v11, v5  }
0xd0: {  	v8 =	vld [tilespmem:s28+$0x30];
	[tilespmem:s21+$0xFFFFFFD0] =	vst v2;
	v2 =	vmul.f32 v12, v13  }
0xd1: {  	v4 =	vbroadcast v4, $0x7;
	v11 =	vld [tilespmem:s11+$0xFFFFFFF0];
	[tilespmem:s26+$0x20] =	vst v5;
	v5 =	vmul.f32 v10, v6  }
0xd2: {  	v1 =	vmul.f32 v7, v1;
	v6 =	vld [tilespmem:s1+$0x30];
	[tilespmem:s10+$0xFFFFFFD0] =	vst v2  }
0xd3: {  	v2 =	vmul.f32 v14, v4;
	v4 =	vbroadcast v19, $0x7;
	v7 =	vld [tilespmem:s28+$0xFFFFFFF0];
	[tilespmem:s26+$0xFFFFFFD0] =	vst v5  }
0xd4: {  	[tilespmem:s14+$0xFFFFFFE0] =	vst v1;
	v1 =	vmul.f32 v15, v3;
	v3 =	vld [tilespmem:s1+$0xFFFFFFF0]  }
0xd5: {  	[tilespmem:s21+$0x30] =	vst v2;
	v2 =	vmul.f32 v8, v4;
	v4 =	vbroadcast v22, $0x7  }
0xd6: {  	v5 =	vbroadcast v20, $0x7;
	[tilespmem:s4+$0xFFFFFFE0] =	vst v1;
	v1 =	vmul.f32 v11, v9  }
0xd7: {  	v8 =	vbroadcast v24, $0x7;
	[tilespmem:s10+$0x30] =	vst v2;
	v2 =	vmul.f32 v6, v4  }
0xd8: {  	s20 =	smul.u32 $0x340, s12;
	[tilespmem:s21+$0xFFFFFFE0] =	vst v1;
	v1 =	vmul.f32 v7, v5  }
0xd9: {  	[tilespmem:s26+$0x30] =	vst v2;
	v2 =	vmul.f32 v3, v8  }
0xda: {  	s1 =	sshra.s32 s20, $0x2;
	s21 =	sshll.u32 s12, $0x1;
	[tilespmem:s10+$0xFFFFFFE0] =	vst v1  }
0xdb: {  	s1 =	sadd.s32 $0x5140, s1;
	s10 =	smin.u32 s21, $0xC5;
	[tilespmem:s26+$0xFFFFFFE0] =	vst v2;
	s26 =	simm.s32 $0x18B60  }
0xdc: {  	[spmem:s3] =	stream.indirect.scatter.add.f32 [tilespmem:s26], [sflag:$0x7], $0x50, s1, s22, $0xb8;
	[tilespmem:$0x1EF60] =	vst v63  }
0xdd: {  	s1 =	smul.u32 $0x68, s10;
	_ =	swait.ge [sflag:s18], $0x1F40  }
0xde: {  	[sflag:s18] =	ssyncset.done $0x0  }
0xdf: {  	s11 =	sadd.s32 $0xD0, s1;
	[sflag:s18] =	ssyncadd.s32 $0xFFFFE0C0  }
0xe0: {  	[tilespmem:s23], [sflag:$0x1] =	stream.indirect.gather [hbm4b:s2+s22], $0x10, s11, s22, $0xb8;
	[tilespmem:$0x1EF60] =	vst v63  }
0xe1: {  	s1 =	sadd.s32 $0x5210, s1  }
0xe2: {  	[tilespmem:s24], [sflag:$0x2] =	stream.indirect.gather [hbm4b:s5+s22], $0x10, s1, s22, $0xb8;
	[tilespmem:$0x1EF60] =	vst v63  }
0xe3: {  	_ = 	snop  }
0xe4: {  	[tilespmem:s25], [sflag:$0x3] =	stream.indirect.gather [hbm4b:s7+s22], $0x40, s11, s22, $0xb8;
	[tilespmem:$0x1EF60] =	vst v63  }
0xe5: {  	_ =	swait.ge [sflag:s17], $0x640  }
0xe6: {  	[sflag:s17] =	ssyncset.done $0x0  }
0xe7: {  	[sflag:s17] =	ssyncadd.s32 $0xFFFFF9C0  }
0xe8: {  	_ =	swait.ge [sflag:s19], $0x640  }
0xe9: {  	[sflag:s19] =	ssyncset.done $0x0  }
0xea: {  	[sflag:s19] =	ssyncadd.s32 $0xFFFFF9C0  }
0xeb: {  	_ =	swait.ge [sflag:s8], $0x1900  }
0xec: {  	[sflag:s8] =	ssyncset.done $0x0  }
0xed: {  	s14 =	simm.s32 $0x1AAB0;
	[sflag:s8] =	ssyncadd.s32 $0xFFFFE700  }
0xee: {  	s15 =	simm.s32 $0x1B0F0;
	v1 =	vld [tilespmem:s14+$0x0]  }
0xef: {  	v2 =	vld [tilespmem:s15+$0x0];
	_ =	sdelay $0x4  }
0xf0: {  	v1 =	vadd.f32 v2, v1;
	_ =	sdelay $0x1  }
0xf1: {  	v2 =	vmul.f32 $2.000000030e-01, v1  }
0xf2: {  	s16 =	simm.s32 $0x1AAD0;
	v3 =	vld [tilespmem:s15+$0xFFFFFFF0]  }
0xf3: {  	v4 =	vld [tilespmem:s16+$0x0];
	v1 =	vmax.f32 v1, v2  }
0xf4: {  	s20 =	simm.s32 $0x1B110;
	v2 =	vld [tilespmem:s14+$0xFFFFFFF0];
	v1 =	vsub.f32 v1, v0  }
0xf5: {  	v5 =	vld [tilespmem:s20+$0x0]  }
0xf6: {  	v1 =	vmul.f32 $1.442695020e+00, v1;
	_ =	sdelay $0x1  }
0xf7: {  	(erf) = vpow2.f32 v1  }
0xf8: {  	v1 =	vadd.f32 v3, v2;
	v2 =	vld [tilespmem:s20+$0xFFFFFFF0]  }
0xf9: {  	v4 =	vadd.f32 v5, v4;
	v3 =	vld [tilespmem:s16+$0xFFFFFFF0]  }
0xfa: {  	v5 =	vmul.f32 $2.000000030e-01, v1  }
0xfb: {  	v6 =	vmul.f32 $2.000000030e-01, v4  }
0xfc: {  	v1 =	vmax.f32 v1, v5  }
0xfd: {  	s26 =	simm.s32 $0x1B130;
	v4 =	vmax.f32 v4, v6;
	v1 =	vsub.f32 v1, v0  }
0xfe: {  	s21 =	simm.s32 $0x1AAF0;
	v5 =	vld [tilespmem:s26+$0x0];
	v2 =	vadd.f32 v2, v3;
	v3 =	vsub.f32 v4, v0  }
0xff: {  	v4 =	vld [tilespmem:s21+$0x0];
	v1 =	vmul.f32 $1.442695020e+00, v1  }
0x100: {  	s16 =	simm.s32 $0x1D070;
	v3 =	vmul.f32 $1.442695020e+00, v3;
	v6 =	vpop (erf)  }
0x101: {  	s11 =	simm.s32 $0x1B760;
	v7 =	vmul.f32 $2.000000030e-01, v2;
	(erf) = vpow2.f32 v1;
	[tilespmem:s16+$0x40] =	vst v6  }
0x102: {  	(erf) = vpow2.f32 v3;
	v1 =	vld [tilespmem:s11+$0x0]  }
0x103: {  	v2 =	vmax.f32 v2, v7;
	v3 =	vld [tilespmem:s26+$0xFFFFFFF0]  }
0x104: {  	v2 =	vsub.f32 v2, v0;
	v4 =	vadd.f32 v5, v4;
	v5 =	vld [tilespmem:s21+$0xFFFFFFF0]  }
0x105: {  	v7 =	vbroadcast v6, $0x4  }
0x106: {  	v2 =	vmul.f32 $1.442695020e+00, v2  }
0x107: {  	v1 =	vmul.f32 v7, v1;
	v7 =	vmul.f32 $2.000000030e-01, v4  }
0x108: {  	s10 =	simm.s32 $0x1AB10  }
0x109: {  	(erf) = vpow2.f32 v2;
	v3 =	vadd.f32 v3, v5;
	v5 =	vld [tilespmem:s10+$0x0];
	[tilespmem:s16+$0x0] =	vst v1;
	v1 =	vmax.f32 v4, v7  }
0x10a: {  	s20 =	simm.s32 $0x1B150;
	v4 =	vpop (erf);
	v1 =	vsub.f32 v1, v0;
	v2 =	vld [tilespmem:s11+$0x10]  }
0x10b: {  	s14 =	simm.s32 $0x1D110;
	v7 =	vld [tilespmem:s20+$0x0];
	[tilespmem:s16+$0xFFFFFFF0] =	vst v4;
	v9 =	vpop (erf)  }
0x10c: {  	s15 =	simm.s32 $0x1B7E0;
	v8 =	vld [tilespmem:s11+$0xFFFFFFC0];
	[tilespmem:s14+$0x40] =	vst v9;
	v1 =	vmul.f32 $1.442695020e+00, v1  }
0x10d: {  	v11 =	vbroadcast v6, $0x5;
	v10 =	vmul.f32 $2.000000030e-01, v3;
	v12 =	vld [tilespmem:s15+$0x0]  }
0x10e: {  	(erf) = vpow2.f32 v1  }
0x10f: {  	v1 =	vmax.f32 v3, v10;
	v3 =	vld [tilespmem:s20+$0xFFFFFFF0];
	v10 =	vbroadcast v4, $0x4;
	v2 =	vmul.f32 v11, v2  }
0x110: {  	v13 =	vbroadcast v9, $0x4;
	v1 =	vsub.f32 v1, v0;
	v11 =	vld [tilespmem:s10+$0xFFFFFFF0]  }
0x111: {  	s21 =	simm.s32 $0x1AB30;
	v5 =	vadd.f32 v7, v5;
	[tilespmem:s16+$0x10] =	vst v2;
	v2 =	vmul.f32 v10, v8  }
0x112: {  	v15 =	vld [tilespmem:s21+$0x0];
	v8 =	vpop (erf);
	v1 =	vmul.f32 $1.442695020e+00, v1;
	v10 =	vmul.f32 v13, v12  }
0x113: {  	v12 =	vmul.f32 $2.000000030e-01, v5;
	v7 =	vld [tilespmem:s11+$0x20];
	[tilespmem:s14+$0xFFFFFFF0] =	vst v8  }
0x114: {  	v18 =	vbroadcast v9, $0x5;
	v13 =	vld [tilespmem:s15+$0xFFFFFFC0];
	(erf) = vpow2.f32 v1;
	[tilespmem:s14+$0x0] =	vst v10  }
0x115: {  	s26 =	simm.s32 $0x1B170;
	v17 =	vbroadcast v8, $0x4;
	[tilespmem:s16+$0xFFFFFFB0] =	vst v2;
	v2 =	vmax.f32 v5, v12;
	v1 =	vadd.f32 v3, v11;
	v12 =	vld [tilespmem:s15+$0x10]  }
0x116: {  	v20 =	vld [tilespmem:s26+$0xFFFFFFF0];
	v10 =	vbroadcast v4, $0x5;
	v3 =	vbroadcast v6, $0x6  }
0x117: {  	v14 =	vld [tilespmem:s11+$0xFFFFFFD0];
	v11 =	vbroadcast v4, $0x6;
	v5 =	vsub.f32 v2, v0;
	v16 =	vmul.f32 $2.000000030e-01, v1  }
0x118: {  	s4 =	simm.s32 $0x1D1B0;
	v2 =	vpop (erf);
	v3 =	vmul.f32 v3, v7;
	v7 =	vbroadcast v4, $0x7;
	v4 =	vld [tilespmem:s26+$0x0]  }
0x119: {  	s20 =	simm.s32 $0x1B860;
	v5 =	vmul.f32 $1.442695020e+00, v5;
	[tilespmem:s4+$0x40] =	vst v2;
	v1 =	vmax.f32 v1, v16;
	v13 =	vmul.f32 v17, v13;
	v17 =	vld [tilespmem:s21+$0xFFFFFFF0]  }
0x11a: {  	v19 =	vbroadcast v8, $0x5;
	v16 =	vld [tilespmem:s20+$0x0];
	[tilespmem:s16+$0x20] =	vst v3;
	v1 =	vsub.f32 v1, v0;
	v12 =	vmul.f32 v18, v12  }
0x11b: {  	(erf) = vpow2.f32 v5;
	v5 =	vbroadcast v8, $0x6;
	v3 =	vld [tilespmem:s11+$0x30]  }
0x11c: {  	v10 =	vmul.f32 v10, v14;
	v18 =	vmul.f32 $1.442695020e+00, v1;
	[tilespmem:s14+$0x10] =	vst v12  }
0x11d: {  	[tilespmem:s14+$0xFFFFFFB0] =	vst v13;
	v1 =	vbroadcast v8, $0x7;
	v8 =	vbroadcast v2, $0x4;
	v21 =	vpop (erf);
	v4 =	vadd.f32 v4, v15;
	v12 =	vld [tilespmem:s15+$0x20]  }
0x11e: {  	v6 =	vbroadcast v6, $0x7;
	v15 =	vld [tilespmem:s15+$0xFFFFFFD0];
	[tilespmem:s4+$0xFFFFFFF0] =	vst v21;
	(erf) = vpow2.f32 v18  }
0x11f: {  	[tilespmem:s16+$0xFFFFFFC0] =	vst v10;
	v13 =	vld [tilespmem:s20+$0xFFFFFFC0];
	v8 =	vmul.f32 v8, v16;
	v14 =	vmul.f32 $2.000000030e-01, v4  }
0x120: {  	s21 =	simm.s32 $0x1AB50;
	v18 =	vld [tilespmem:s11+$0xFFFFFFE0];
	v17 =	vadd.f32 v20, v17;
	v16 =	vmul.f32 v3, v6;
	v3 =	vbroadcast v9, $0x6  }
0x121: {  	v22 =	vld [tilespmem:s21+$0x0];
	v10 =	vbroadcast v21, $0x4;
	v6 =	vbroadcast v21, $0x6;
	[tilespmem:s4+$0x0] =	vst v8;
	v4 =	vmax.f32 v4, v14  }
0x122: {  	s28 =	simm.s32 $0x1B190;
	v23 =	vmul.f32 $2.000000030e-01, v17;
	v14 =	vld [tilespmem:s20+$0x10];
	v20 =	vsub.f32 v4, v0;
	v12 =	vmul.f32 v3, v12  }
0x123: {  	v8 =	vbroadcast v21, $0x5;
	v15 =	vmul.f32 v19, v15;
	[tilespmem:s16+$0x30] =	vst v16;
	v16 =	vld [tilespmem:s28+$0xFFFFFFF0]  }
0x124: {  	s10 =	simm.s32 $0x1D250;
	v4 =	vpop (erf);
	v10 =	vmul.f32 v10, v13;
	v13 =	vld [tilespmem:s28+$0x0];
	v20 =	vmul.f32 $1.442695020e+00, v20;
	[tilespmem:s14+$0x20] =	vst v12  }
0x125: {  	s26 =	simm.s32 $0x1B8E0;
	v17 =	vmax.f32 v17, v23;
	v19 =	vld [tilespmem:s21+$0xFFFFFFF0];
	v11 =	vmul.f32 v11, v18;
	v12 =	vbroadcast v2, $0x5;
	[tilespmem:s10+$0x40] =	vst v4  }
0x126: {  	v3 =	vbroadcast v21, $0x7;
	v17 =	vsub.f32 v17, v0;
	v21 =	vld [tilespmem:s26+$0x0];
	(erf) = vpow2.f32 v20  }
0x127: {  	v18 =	vld [tilespmem:s15+$0x30];
	[tilespmem:s16+$0xFFFFFFD0] =	vst v11;
	v23 =	vpop (erf);
	v12 =	vmul.f32 v12, v14  }
0x128: {  	v14 =	vmul.f32 $1.442695020e+00, v17;
	[tilespmem:s10+$0xFFFFFFF0] =	vst v23  }
0x129: {  	v9 =	vbroadcast v9, $0x7;
	v17 =	vbroadcast v4, $0x4;
	v20 =	vadd.f32 v13, v22;
	[tilespmem:s4+$0x10] =	vst v12;
	v63 =	vld [tilespmem:s26+$0xFFFFFFC0]  }
0x12a: {  	[tilespmem:s4+$0xFFFFFFB0] =	vst v10;
	v11 =	vbroadcast v23, $0x5;
	(erf) = vpow2.f32 v14;
	v14 =	vld [tilespmem:s20+$0x20]  }
0x12b: {  	[tilespmem:s14+$0xFFFFFFC0] =	vst v15;
	v12 =	vld [tilespmem:s20+$0xFFFFFFD0];
	v17 =	vmul.f32 v17, v21;
	v15 =	vmul.f32 $2.000000030e-01, v20  }
0x12c: {  	v19 =	vadd.f32 v16, v19;
	v22 =	vbroadcast v23, $0x4;
	v13 =	vld [tilespmem:s15+$0xFFFFFFE0];
	v9 =	vmul.f32 v18, v9  }
0x12d: {  	s29 =	simm.s32 $0xA;
	v10 =	vbroadcast v23, $0x6;
	v18 =	vbroadcast v2, $0x6;
	[tilespmem:s10+$0x0] =	vst v17;
	v15 =	vmax.f32 v20, v15;
	v17 =	vld [tilespmem:s11+$0xFFFFFFF0]  }
0x12e: {  	s1 =	simm.s32 $0x1AB70;
	s21 =	simm.s32 $0x1D250;
	[tilespmem:s14+$0x30] =	vst v9;
	v9 =	vbroadcast v23, $0x7;
	s11 =	simm.s32 $0x1B8E0;
	v20 =	vsub.f32 v15, v0;
	v16 =	vmul.f32 v22, v63;
	v15 =	vld [tilespmem:s26+$0x10]  }
.LBB2_12:
0x12f: {  	v21 =	vld [tilespmem:s1+$0x0];
	v22 =	vmul.f32 $2.000000030e-01, v19;
	s28 =	sadd.s32 $0x20, s28;
	v23 =	vpop (erf);
	s10 =	sadd.s32 $0xA0, s10;
	v14 =	vmul.f32 v18, v14  }
0x130: {  	s26 =	sadd.s32 $0x80, s26;
	v18 =	vld [tilespmem:s28+$0x0];
	v20 =	vmul.f32 $1.442695020e+00, v20;
	[tilespmem:s10+$0x40] =	vst v23;
	v12 =	vmul.f32 v8, v12;
	v8 =	vmov v11  }
0x131: {  	s29 =	sadd.s32 $0x2, s29;
	v11 =	vmax.f32 v19, v22;
	v19 =	vld [tilespmem:s26+$0x0];
	v22 =	vbroadcast v4, $0x5;
	[tilespmem:s4+$0x20] =	vst v14;
	v13 =	vmul.f32 v5, v13;
	v5 =	vmovc v6  }
0x132: {  	p2 =	slt.u32 s29, $0x62;
	v6 =	vmovc v10;
	v11 =	vsub.f32 v11, v0;
	(erf) = vpow2.f32 v20;
	[tilespmem:s21+$0xFFFFFFB0] =	vst v16;
	v16 =	vld [tilespmem:s20+$0x30];
	v17 =	vmul.f32 v17, v7  }
0x133: {  	v7 =	vmov v1;
	v1 =	vmov v3;
	v20 =	vld [tilespmem:s28+$0xFFFFFFF0];
	v24 =	vpop (erf);
	v10 =	vmul.f32 v22, v15;
	[tilespmem:s4+$0xFFFFFFC0] =	vst v12  }
0x134: {  	v3 =	vmov v9;
	v12 =	vbroadcast v23, $0x4;
	v15 =	vld [tilespmem:s1+$0xFFFFFFF0];
	v11 =	vmul.f32 $1.442695020e+00, v11;
	[tilespmem:s10+$0xFFFFFFF0] =	vst v24  }
0x135: {  	v9 =	vadd.f32 v18, v21;
	v21 =	vbroadcast v24, $0x4;
	v22 =	vld [tilespmem:s26+$0xFFFFFFC0];
	[tilespmem:s21+$0x10] =	vst v10;
	v10 =	vbroadcast v2, $0x7;
	v2 =	vmovc v4;
	v4 =	vmovc v23  }
.Ltmp4:
0x136: {  	(erf) = vpow2.f32 v11;
	v18 =	vmul.f32 v12, v19;
	v14 =	vld [tilespmem:s11+$0x20];
	[tilespmem:s14+$0xFFFFFFD0] =	vst v13;
	(pc) =	sbr.rel @p2 .LBB2_12-.Ltmp4, $4  }
0x137: {  	v23 =	vmul.f32 $2.000000030e-01, v9;
	v12 =	vld [tilespmem:s11+$0xFFFFFFD0];
	v16 =	vmul.f32 v16, v10;
	[tilespmem:s16+$0xFFFFFFE0] =	vst v17;
	s16 =	smov.u32 s14;
	s14 =	smov.u32 s4;
	s4 =	smov.u32 s21  }
0x138: {  	v11 =	vbroadcast v24, $0x5;
	v10 =	vbroadcast v24, $0x6;
	s21 =	smov.u32 s10;
	[tilespmem:s10+$0x0] =	vst v18;
	v13 =	vld [tilespmem:s20+$0xFFFFFFE0]  }
0x139: {  	v18 =	vbroadcast v2, $0x6;
	v19 =	vadd.f32 v20, v15;
	v9 =	vmax.f32 v9, v23;
	[tilespmem:s14+$0x30] =	vst v16;
	v17 =	vld [tilespmem:s15+$0xFFFFFFF0];
	s15 =	smov.u32 s20;
	s20 =	smov.u32 s11;
	s11 =	smov.u32 s26  }
0x13a: {  	s1 =	sadd.s32 $0x20, s1;
	v20 =	vsub.f32 v9, v0;
	v16 =	vmul.f32 v21, v22;
	v9 =	vbroadcast v24, $0x7;
	v15 =	vld [tilespmem:s26+$0x10]  }
0x13b: {  	v21 =	vmul.f32 $2.000000030e-01, v19;
	_ =	sdelay $0x1  }
0x13c: {  	v19 =	vmax.f32 v19, v21  }
0x13d: {  	v20 =	vmul.f32 $1.442695020e+00, v20;
	v19 =	vsub.f32 v19, v0;
	_ =	sdelay $0x1  }
0x13e: {  	(erf) = vpow2.f32 v20;
	v19 =	vmul.f32 $1.442695020e+00, v19;
	_ =	sdelay $0x1  }
0x13f: {  	(erf) = vpow2.f32 v19;
	_ =	sdelay $0x4  }
0x140: {  	s10 =	sadd.s32 $0xA0, s10;
	v19 =	vpop (erf)  }
0x141: {  	s28 =	sadd.s32 $0x80, s26;
	v20 =	vpop (erf);
	[tilespmem:s10+$0x40] =	vst v19  }
0x142: {  	s29 =	sadd.s32 $0xA0, s10;
	v58 =	vld [tilespmem:s28+$0x0];
	v22 =	vpop (erf)  }
0x143: {  	s1 =	sadd.s32 $0x80, s28;
	[tilespmem:s29+$0x40] =	vst v22  }
0x144: {  	[tilespmem:s10+$0xFFFFFFF0] =	vst v20;
	v23 =	vld [tilespmem:s1+$0x0];
	v24 =	vpop (erf)  }
0x145: {  	v59 =	vbroadcast v19, $0x4;
	v25 =	vld [tilespmem:s28+$0xFFFFFFC0];
	[tilespmem:s29+$0xFFFFFFF0] =	vst v24  }
0x146: {  	v14 =	vmul.f32 v18, v14;
	v60 =	vld [tilespmem:s1+$0xFFFFFFC0]  }
0x147: {  	[tilespmem:s21+$0xFFFFFFB0] =	vst v16;
	v62 =	vbroadcast v22, $0x4;
	v61 =	vmul.f32 v59, v58  }
0x148: {  	[tilespmem:s4+$0x20] =	vst v14;
	v7 =	vmul.f32 v17, v7;
	v63 =	vbroadcast v20, $0x4  }
0x149: {  	[tilespmem:s10+$0x0] =	vst v61;
	v21 =	vmul.f32 v62, v23;
	v23 =	vbroadcast v24, $0x4  }
0x14a: {  	[tilespmem:s16+$0xFFFFFFE0] =	vst v7;
	v14 =	vmul.f32 v63, v25;
	v26 =	vld [tilespmem:s28+$0x10]  }
0x14b: {  	v27 =	vbroadcast v4, $0x5;
	v28 =	vld [tilespmem:s11+$0xFFFFFFD0];
	[tilespmem:s29+$0x0] =	vst v21;
	v17 =	vmul.f32 v23, v60  }
0x14c: {  	v8 =	vmul.f32 v8, v12;
	[tilespmem:s10+$0xFFFFFFB0] =	vst v14;
	v29 =	vld [tilespmem:s1+$0x10]  }
0x14d: {  	v7 =	vmul.f32 v27, v15;
	v30 =	vbroadcast v19, $0x5;
	v31 =	vld [tilespmem:s28+$0xFFFFFFD0];
	[tilespmem:s29+$0xFFFFFFB0] =	vst v17  }
0x14e: {  	v5 =	vmul.f32 v5, v13;
	[tilespmem:s4+$0xFFFFFFC0] =	vst v8;
	v32 =	vld [tilespmem:s1+$0xFFFFFFD0]  }
0x14f: {  	v33 =	vld [tilespmem:s20+$0x30];
	[tilespmem:s21+$0x10] =	vst v7;
	v35 =	vbroadcast v22, $0x5;
	v34 =	vmul.f32 v30, v26  }
0x150: {  	[tilespmem:s14+$0xFFFFFFD0] =	vst v5;
	v11 =	vmul.f32 v11, v28;
	v36 =	vld [tilespmem:s11+$0x20];
	v37 =	vbroadcast v20, $0x5  }
0x151: {  	v38 =	vld [tilespmem:s20+$0xFFFFFFE0];
	v39 =	vbroadcast v24, $0x5;
	[tilespmem:s10+$0x10] =	vst v34;
	v12 =	vmul.f32 v35, v29  }
0x152: {  	v2 =	vbroadcast v2, $0x7;
	[tilespmem:s21+$0xFFFFFFC0] =	vst v11;
	v5 =	vmul.f32 v37, v31;
	v40 =	vld [tilespmem:s28+$0x20]  }
0x153: {  	v41 =	vbroadcast v4, $0x6;
	v42 =	vld [tilespmem:s11+$0xFFFFFFE0];
	[tilespmem:s29+$0x10] =	vst v12;
	v7 =	vmul.f32 v39, v32  }
0x154: {  	v2 =	vmul.f32 v33, v2;
	[tilespmem:s10+$0xFFFFFFC0] =	vst v5;
	v43 =	vld [tilespmem:s1+$0x20]  }
0x155: {  	v45 =	vbroadcast v19, $0x6;
	v44 =	vmul.f32 v41, v36;
	v46 =	vld [tilespmem:s28+$0xFFFFFFE0];
	[tilespmem:s29+$0xFFFFFFC0] =	vst v7  }
0x156: {  	[tilespmem:s4+$0x30] =	vst v2;
	v2 =	vmul.f32 v6, v38;
	v47 =	vld [tilespmem:s1+$0xFFFFFFE0]  }
0x157: {  	v48 =	vld [tilespmem:s15+$0xFFFFFFF0];
	v50 =	vbroadcast v22, $0x6;
	[tilespmem:s21+$0x20] =	vst v44;
	v49 =	vmul.f32 v45, v40  }
0x158: {  	v51 =	vbroadcast v20, $0x6;
	[tilespmem:s4+$0xFFFFFFD0] =	vst v2;
	v2 =	vmul.f32 v10, v42;
	v52 =	vld [tilespmem:s11+$0x30]  }
0x159: {  	v54 =	vld [tilespmem:s20+$0xFFFFFFF0];
	v53 =	vbroadcast v24, $0x6;
	[tilespmem:s10+$0x20] =	vst v49;
	v5 =	vmul.f32 v50, v43  }
0x15a: {  	[tilespmem:s21+$0xFFFFFFD0] =	vst v2;
	v2 =	vmul.f32 v51, v46;
	v8 =	vld [tilespmem:s28+$0x30]  }
0x15b: {  	v55 =	vbroadcast v4, $0x7;
	v56 =	vld [tilespmem:s11+$0xFFFFFFF0];
	[tilespmem:s29+$0x20] =	vst v5;
	v57 =	vmul.f32 v53, v47  }
0x15c: {  	v1 =	vmul.f32 v48, v1;
	[tilespmem:s10+$0xFFFFFFD0] =	vst v2;
	v58 =	vld [tilespmem:s1+$0x30]  }
0x15d: {  	v59 =	vbroadcast v19, $0x7;
	v2 =	vmul.f32 v52, v55;
	v60 =	vld [tilespmem:s28+$0xFFFFFFF0];
	[tilespmem:s29+$0xFFFFFFD0] =	vst v57  }
0x15e: {  	[tilespmem:s14+$0xFFFFFFE0] =	vst v1;
	v1 =	vmul.f32 v54, v3;
	v3 =	vld [tilespmem:s1+$0xFFFFFFF0]  }
0x15f: {  	v61 =	vbroadcast v22, $0x7;
	[tilespmem:s21+$0x30] =	vst v2;
	v2 =	vmul.f32 v8, v59  }
0x160: {  	v62 =	vbroadcast v20, $0x7;
	[tilespmem:s4+$0xFFFFFFE0] =	vst v1;
	v1 =	vmul.f32 v56, v9  }
0x161: {  	v63 =	vbroadcast v24, $0x7;
	[tilespmem:s10+$0x30] =	vst v2;
	v2 =	vmul.f32 v58, v61  }
0x162: {  	[tilespmem:s21+$0xFFFFFFE0] =	vst v1;
	v1 =	vmul.f32 v60, v62  }
0x163: {  	[tilespmem:s29+$0x30] =	vst v2;
	v2 =	vmul.f32 v3, v63  }
0x164: {  	s12 =	sadd.s32 $0x1, s12;
	[tilespmem:s10+$0xFFFFFFE0] =	vst v1  }
0x165: {  	p2 =	sne.s32 s12, $0x64;
	[tilespmem:s29+$0xFFFFFFE0] =	vst v2  }
0x166: {  	[spmem:s3] =	stream.indirect.scatter.add.f32 [tilespmem:s9], [sflag:$0x7], $0x50, s13, s22, $0xb8;
	[tilespmem:$0x1EF60] =	vst v63  }
.Ltmp5:
0x167: {  	_ = 	snop;
	(pc) =	sbr.rel @p2 .LBB2_9-.Ltmp5, $4  }
.Ltmp6:
0x168: {  	_ = 	snop;
	(pc) =	sbr.rel @!p2 .LBB2_14-.Ltmp6, $4  }
0x169: {  	_ =	swait.ge [sflag:s18], $0x1F40  }
0x16a: {  	[sflag:s18] =	ssyncset.done $0x0  }
0x16b: {  	[sflag:s18] =	ssyncadd.s32 $0xFFFFE0C0  }
0x16c: {  	_ = 	snop  }
.LBB2_2:
0x16d: {  	[tilespmem:s25], [sflag:$0x3] =	stream.indirect.gather [hbm4b:s6+s22], $0x40, s12, s22, $0xb8;
	[tilespmem:$0x1EF60] =	vst v63  }
.LBB2_3:
0x16e: {  	s1 =	smul.u32 $0xD0, s12;
	_ =	sdelay $0x1  }
0x16f: {  	s10 =	simm.s32 $0x1AAA0;
	s4 =	sadd.s32 $0x68, s1  }
0x170: {  	[tilespmem:s10], [sflag:$0x4] =	stream.indirect.gather [hbm4b:s2+s22], $0x10, s4, s22, $0xb8;
	[tilespmem:$0x1EF60] =	vst v63  }
0x171: {  	s13 =	sadd.s32 $0x51A8, s1;
	s10 =	simm.s32 $0x1B0E0  }
0x172: {  	[tilespmem:s10], [sflag:$0x5] =	stream.indirect.gather [hbm4b:s5+s22], $0x10, s13, s22, $0xb8;
	[tilespmem:$0x1EF60] =	vst v63  }
0x173: {  	s11 =	simm.s32 $0x1B720  }
0x174: {  	[tilespmem:s11], [sflag:$0x6] =	stream.indirect.gather [hbm4b:s6+s22], $0x40, s4, s22, $0xb8;
	[tilespmem:$0x1EF60] =	vst v63  }
0x175: {  	_ =	swait.ge [sflag:s30], $0x640  }
0x176: {  	[sflag:s30] =	ssyncset.done $0x0  }
0x177: {  	[sflag:s30] =	ssyncadd.s32 $0xFFFFF9C0  }
0x178: {  	_ =	swait.ge [sflag:s31], $0x640  }
0x179: {  	[sflag:s31] =	ssyncset.done $0x0  }
0x17a: {  	[sflag:s31] =	ssyncadd.s32 $0xFFFFF9C0  }
0x17b: {  	_ =	swait.ge [sflag:s0], $0x1900  }
0x17c: {  	[sflag:s0] =	ssyncset.done $0x0  }
0x17d: {  	s14 =	simm.s32 $0x165F0;
	[sflag:s0] =	ssyncadd.s32 $0xFFFFE700  }
0x17e: {  	s15 =	simm.s32 $0x16C30;
	v1 =	vld [tilespmem:s14+$0x0]  }
0x17f: {  	v2 =	vld [tilespmem:s15+$0x0];
	_ =	sdelay $0x4  }
0x180: {  	v1 =	vadd.f32 v2, v1;
	_ =	sdelay $0x1  }
0x181: {  	v2 =	vmul.f32 $2.000000030e-01, v1  }
0x182: {  	s16 =	simm.s32 $0x16610;
	v3 =	vld [tilespmem:s15+$0xFFFFFFF0]  }
0x183: {  	v4 =	vld [tilespmem:s16+$0x0];
	v1 =	vmax.f32 v1, v2  }
0x184: {  	s20 =	simm.s32 $0x16C50;
	v2 =	vld [tilespmem:s14+$0xFFFFFFF0];
	v1 =	vsub.f32 v1, v0  }
0x185: {  	v5 =	vld [tilespmem:s20+$0x0]  }
0x186: {  	v1 =	vmul.f32 $1.442695020e+00, v1;
	_ =	sdelay $0x1  }
0x187: {  	(erf) = vpow2.f32 v1  }
0x188: {  	v1 =	vadd.f32 v3, v2;
	v2 =	vld [tilespmem:s20+$0xFFFFFFF0]  }
0x189: {  	v4 =	vadd.f32 v5, v4;
	v3 =	vld [tilespmem:s16+$0xFFFFFFF0]  }
0x18a: {  	v5 =	vmul.f32 $2.000000030e-01, v1  }
0x18b: {  	v6 =	vmul.f32 $2.000000030e-01, v4  }
0x18c: {  	v1 =	vmax.f32 v1, v5  }
0x18d: {  	s26 =	simm.s32 $0x16C70;
	v4 =	vmax.f32 v4, v6;
	v1 =	vsub.f32 v1, v0  }
0x18e: {  	s21 =	simm.s32 $0x16630;
	v5 =	vld [tilespmem:s26+$0x0];
	v2 =	vadd.f32 v2, v3;
	v3 =	vsub.f32 v4, v0  }
0x18f: {  	v4 =	vld [tilespmem:s21+$0x0];
	v1 =	vmul.f32 $1.442695020e+00, v1  }
0x190: {  	s15 =	simm.s32 $0x18BB0;
	v3 =	vmul.f32 $1.442695020e+00, v3;
	v7 =	vpop (erf)  }
0x191: {  	s11 =	simm.s32 $0x172A0;
	v6 =	vmul.f32 $2.000000030e-01, v2;
	(erf) = vpow2.f32 v1;
	[tilespmem:s15+$0x40] =	vst v7  }
0x192: {  	(erf) = vpow2.f32 v3;
	v1 =	vld [tilespmem:s11+$0x0]  }
0x193: {  	v2 =	vmax.f32 v2, v6;
	v3 =	vld [tilespmem:s26+$0xFFFFFFF0]  }
0x194: {  	v2 =	vsub.f32 v2, v0;
	v4 =	vadd.f32 v5, v4;
	v5 =	vld [tilespmem:s21+$0xFFFFFFF0]  }
0x195: {  	v6 =	vbroadcast v7, $0x0  }
0x196: {  	v2 =	vmul.f32 $1.442695020e+00, v2  }
0x197: {  	v1 =	vmul.f32 v6, v1;
	v6 =	vmul.f32 $2.000000030e-01, v4  }
0x198: {  	s10 =	simm.s32 $0x16650;
	(erf) = vpow2.f32 v2  }
0x199: {  	v3 =	vadd.f32 v3, v5;
	v5 =	vld [tilespmem:s10+$0x0];
	[tilespmem:s15+$0x0] =	vst v1;
	v1 =	vmax.f32 v4, v6  }
0x19a: {  	s20 =	simm.s32 $0x16C90;
	v4 =	vpop (erf);
	v1 =	vsub.f32 v1, v0;
	v2 =	vld [tilespmem:s11+$0x10]  }
0x19b: {  	s14 =	simm.s32 $0x18C50;
	s16 =	simm.s32 $0x17320;
	v6 =	vld [tilespmem:s20+$0x0];
	[tilespmem:s15+$0xFFFFFFF0] =	vst v4;
	v9 =	vpop (erf)  }
0x19c: {  	v10 =	vmul.f32 $2.000000030e-01, v3;
	v8 =	vld [tilespmem:s11+$0xFFFFFFC0];
	[tilespmem:s14+$0x40] =	vst v9;
	v1 =	vmul.f32 $1.442695020e+00, v1  }
0x19d: {  	v11 =	vbroadcast v7, $0x1;
	v12 =	vld [tilespmem:s16+$0x0]  }
0x19e: {  	(erf) = vpow2.f32 v1;
	v1 =	vmax.f32 v3, v10;
	v3 =	vld [tilespmem:s20+$0xFFFFFFF0]  }
0x19f: {  	v10 =	vbroadcast v4, $0x0;
	v2 =	vmul.f32 v11, v2;
	v1 =	vsub.f32 v1, v0;
	v11 =	vld [tilespmem:s10+$0xFFFFFFF0]  }
0x1a0: {  	v13 =	vbroadcast v9, $0x0;
	v5 =	vadd.f32 v6, v5  }
0x1a1: {  	[tilespmem:s15+$0x10] =	vst v2;
	v2 =	vmul.f32 v10, v8;
	v8 =	vpop (erf);
	v1 =	vmul.f32 $1.442695020e+00, v1  }
0x1a2: {  	s21 =	simm.s32 $0x16670;
	v10 =	vmul.f32 v13, v12;
	v12 =	vmul.f32 $2.000000030e-01, v5;
	v6 =	vld [tilespmem:s11+$0x20];
	[tilespmem:s14+$0xFFFFFFF0] =	vst v8  }
0x1a3: {  	v16 =	vld [tilespmem:s21+$0x0];
	[tilespmem:s15+$0xFFFFFFB0] =	vst v2;
	(erf) = vpow2.f32 v1  }
0x1a4: {  	v13 =	vld [tilespmem:s16+$0xFFFFFFC0];
	[tilespmem:s14+$0x0] =	vst v10;
	v2 =	vmax.f32 v5, v12;
	v10 =	vbroadcast v4, $0x1;
	v1 =	vadd.f32 v3, v11  }
0x1a5: {  	v5 =	vbroadcast v4, $0x3;
	v3 =	vbroadcast v7, $0x2;
	v12 =	vsub.f32 v2, v0;
	v15 =	vld [tilespmem:s16+$0x10]  }
0x1a6: {  	s26 =	simm.s32 $0x16CB0;
	v14 =	vld [tilespmem:s11+$0xFFFFFFD0];
	v11 =	vbroadcast v4, $0x2;
	v17 =	vmul.f32 $2.000000030e-01, v1  }
0x1a7: {  	s4 =	simm.s32 $0x18CF0;
	v4 =	vld [tilespmem:s26+$0x0];
	v2 =	vpop (erf);
	v3 =	vmul.f32 v3, v6;
	v6 =	vmul.f32 $1.442695020e+00, v12  }
0x1a8: {  	v20 =	vld [tilespmem:s26+$0xFFFFFFF0];
	v18 =	vbroadcast v9, $0x1;
	s20 =	simm.s32 $0x173A0;
	v12 =	vbroadcast v8, $0x0;
	[tilespmem:s4+$0x40] =	vst v2  }
0x1a9: {  	v19 =	vbroadcast v8, $0x1;
	v1 =	vmax.f32 v1, v17;
	v17 =	vld [tilespmem:s20+$0x0];
	(erf) = vpow2.f32 v6  }
0x1aa: {  	[tilespmem:s15+$0x20] =	vst v3;
	v1 =	vsub.f32 v1, v0;
	v15 =	vmul.f32 v18, v15;
	v12 =	vmul.f32 v12, v13;
	v13 =	vld [tilespmem:s21+$0xFFFFFFF0]  }
0x1ab: {  	v7 =	vbroadcast v7, $0x3;
	v6 =	vbroadcast v8, $0x2;
	v3 =	vld [tilespmem:s11+$0x30]  }
0x1ac: {  	v10 =	vmul.f32 v10, v14;
	v4 =	vadd.f32 v4, v16;
	s21 =	simm.s32 $0x16690;
	v18 =	vmul.f32 $1.442695020e+00, v1;
	[tilespmem:s14+$0x10] =	vst v15  }
0x1ad: {  	v22 =	vld [tilespmem:s21+$0x0];
	v1 =	vbroadcast v8, $0x3;
	v8 =	vbroadcast v2, $0x0;
	[tilespmem:s14+$0xFFFFFFB0] =	vst v12;
	v21 =	vpop (erf)  }
0x1ae: {  	v15 =	vmul.f32 $2.000000030e-01, v4;
	v14 =	vld [tilespmem:s16+$0x20];
	[tilespmem:s4+$0xFFFFFFF0] =	vst v21;
	(erf) = vpow2.f32 v18  }
0x1af: {  	[tilespmem:s15+$0xFFFFFFC0] =	vst v10;
	v10 =	vbroadcast v21, $0x0;
	v12 =	vld [tilespmem:s20+$0xFFFFFFC0];
	v8 =	vmul.f32 v8, v17  }
0x1b0: {  	v16 =	vld [tilespmem:s16+$0xFFFFFFD0];
	v4 =	vmax.f32 v4, v15;
	v13 =	vadd.f32 v20, v13;
	v17 =	vmul.f32 v3, v7  }
0x1b1: {  	v18 =	vld [tilespmem:s11+$0xFFFFFFE0];
	v20 =	vsub.f32 v4, v0;
	v3 =	vbroadcast v9, $0x2;
	v7 =	vbroadcast v21, $0x2;
	[tilespmem:s4+$0x0] =	vst v8  }
0x1b2: {  	s28 =	simm.s32 $0x16CD0;
	v8 =	vbroadcast v21, $0x1;
	v23 =	vmul.f32 $2.000000030e-01, v13;
	v15 =	vld [tilespmem:s20+$0x10]  }
0x1b3: {  	s10 =	simm.s32 $0x18D90;
	v20 =	vmul.f32 $1.442695020e+00, v20;
	v14 =	vmul.f32 v3, v14;
	[tilespmem:s15+$0x30] =	vst v17;
	v17 =	vld [tilespmem:s28+$0xFFFFFFF0];
	v4 =	vpop (erf)  }
0x1b4: {  	s26 =	simm.s32 $0x17420;
	v3 =	vbroadcast v21, $0x3;
	v10 =	vmul.f32 v10, v12;
	v12 =	vld [tilespmem:s28+$0x0];
	[tilespmem:s10+$0x40] =	vst v4  }
0x1b5: {  	v16 =	vmul.f32 v19, v16;
	v13 =	vmax.f32 v13, v23;
	[tilespmem:s14+$0x20] =	vst v14;
	v14 =	vbroadcast v2, $0x1;
	v21 =	vld [tilespmem:s26+$0x0]  }
0x1b6: {  	v19 =	vld [tilespmem:s21+$0xFFFFFFF0];
	(erf) = vpow2.f32 v20;
	v13 =	vsub.f32 v13, v0  }
0x1b7: {  	v11 =	vmul.f32 v11, v18;
	[tilespmem:s14+$0xFFFFFFC0] =	vst v16;
	v18 =	vld [tilespmem:s16+$0x30];
	v23 =	vpop (erf);
	v14 =	vmul.f32 v14, v15  }
0x1b8: {  	v13 =	vmul.f32 $1.442695020e+00, v13;
	v15 =	vbroadcast v4, $0x0;
	[tilespmem:s10+$0xFFFFFFF0] =	vst v23  }
0x1b9: {  	v9 =	vbroadcast v9, $0x3;
	v20 =	vadd.f32 v12, v22;
	[tilespmem:s4+$0x10] =	vst v14;
	v24 =	vld [tilespmem:s26+$0xFFFFFFC0]  }
0x1ba: {  	[tilespmem:s4+$0xFFFFFFB0] =	vst v10;
	(erf) = vpow2.f32 v13;
	v13 =	vmul.f32 v15, v21;
	v15 =	vld [tilespmem:s20+$0x20]  }
0x1bb: {  	[tilespmem:s15+$0xFFFFFFD0] =	vst v11;
	v11 =	vbroadcast v23, $0x1;
	v14 =	vld [tilespmem:s20+$0xFFFFFFD0];
	v16 =	vmul.f32 $2.000000030e-01, v20  }
0x1bc: {  	v19 =	vadd.f32 v17, v19;
	v22 =	vbroadcast v23, $0x0;
	v12 =	vld [tilespmem:s16+$0xFFFFFFE0];
	v9 =	vmul.f32 v18, v9  }
0x1bd: {  	s29 =	simm.s32 $0xA;
	v10 =	vbroadcast v23, $0x2;
	v18 =	vbroadcast v2, $0x2;
	[tilespmem:s10+$0x0] =	vst v13;
	v13 =	vld [tilespmem:s11+$0xFFFFFFF0];
	v16 =	vmax.f32 v20, v16  }
0x1be: {  	s1 =	simm.s32 $0x166B0;
	s21 =	simm.s32 $0x18D90;
	[tilespmem:s14+$0x30] =	vst v9;
	v9 =	vbroadcast v23, $0x3;
	s11 =	simm.s32 $0x17420;
	v20 =	vsub.f32 v16, v0;
	v17 =	vmul.f32 v22, v24;
	v16 =	vld [tilespmem:s26+$0x10]  }
.LBB2_4:
0x1bf: {  	v21 =	vld [tilespmem:s1+$0x0];
	v22 =	vmul.f32 $2.000000030e-01, v19;
	s28 =	sadd.s32 $0x20, s28;
	v23 =	vpop (erf);
	s10 =	sadd.s32 $0xA0, s10;
	v15 =	vmul.f32 v18, v15  }
0x1c0: {  	s26 =	sadd.s32 $0x80, s26;
	v18 =	vld [tilespmem:s28+$0x0];
	v20 =	vmul.f32 $1.442695020e+00, v20;
	[tilespmem:s10+$0x40] =	vst v23;
	v14 =	vmul.f32 v8, v14;
	v8 =	vmov v11  }
0x1c1: {  	s29 =	sadd.s32 $0x2, s29;
	v11 =	vmax.f32 v19, v22;
	v19 =	vld [tilespmem:s26+$0x0];
	v22 =	vbroadcast v4, $0x1;
	[tilespmem:s4+$0x20] =	vst v15;
	v12 =	vmul.f32 v6, v12;
	v6 =	vmovc v7  }
0x1c2: {  	p2 =	slt.u32 s29, $0x62;
	v7 =	vmovc v10;
	v11 =	vsub.f32 v11, v0;
	(erf) = vpow2.f32 v20;
	[tilespmem:s21+$0xFFFFFFB0] =	vst v17;
	v17 =	vld [tilespmem:s20+$0x30];
	v13 =	vmul.f32 v13, v5  }
0x1c3: {  	v5 =	vmov v1;
	v1 =	vmov v3;
	v20 =	vld [tilespmem:s28+$0xFFFFFFF0];
	v24 =	vpop (erf);
	v10 =	vmul.f32 v22, v16;
	[tilespmem:s4+$0xFFFFFFC0] =	vst v14  }
0x1c4: {  	v3 =	vmov v9;
	v14 =	vbroadcast v23, $0x0;
	v16 =	vld [tilespmem:s1+$0xFFFFFFF0];
	v11 =	vmul.f32 $1.442695020e+00, v11;
	[tilespmem:s10+$0xFFFFFFF0] =	vst v24  }
0x1c5: {  	v9 =	vadd.f32 v18, v21;
	v21 =	vbroadcast v24, $0x0;
	v22 =	vld [tilespmem:s26+$0xFFFFFFC0];
	[tilespmem:s21+$0x10] =	vst v10;
	v10 =	vbroadcast v2, $0x3;
	v2 =	vmovc v4;
	v4 =	vmovc v23  }
.Ltmp7:
0x1c6: {  	(erf) = vpow2.f32 v11;
	v18 =	vmul.f32 v14, v19;
	v15 =	vld [tilespmem:s11+$0x20];
	[tilespmem:s14+$0xFFFFFFD0] =	vst v12;
	(pc) =	sbr.rel @p2 .LBB2_4-.Ltmp7, $4  }
0x1c7: {  	v23 =	vmul.f32 $2.000000030e-01, v9;
	v14 =	vld [tilespmem:s11+$0xFFFFFFD0];
	v17 =	vmul.f32 v17, v10;
	[tilespmem:s15+$0xFFFFFFE0] =	vst v13;
	s15 =	smov.u32 s14;
	s14 =	smov.u32 s4;
	s4 =	smov.u32 s21  }
0x1c8: {  	v11 =	vbroadcast v24, $0x1;
	v10 =	vbroadcast v24, $0x2;
	s21 =	smov.u32 s10;
	[tilespmem:s10+$0x0] =	vst v18;
	v12 =	vld [tilespmem:s20+$0xFFFFFFE0]  }
0x1c9: {  	v18 =	vbroadcast v2, $0x2;
	v19 =	vadd.f32 v20, v16;
	v9 =	vmax.f32 v9, v23;
	[tilespmem:s14+$0x30] =	vst v17;
	v13 =	vld [tilespmem:s16+$0xFFFFFFF0];
	s16 =	smov.u32 s20;
	s20 =	smov.u32 s11;
	s11 =	smov.u32 s26  }
0x1ca: {  	s1 =	sadd.s32 $0x20, s1;
	v20 =	vsub.f32 v9, v0;
	v17 =	vmul.f32 v21, v22;
	v9 =	vbroadcast v24, $0x3;
	v16 =	vld [tilespmem:s26+$0x10]  }
0x1cb: {  	v21 =	vmul.f32 $2.000000030e-01, v19;
	_ =	sdelay $0x1  }
0x1cc: {  	v19 =	vmax.f32 v19, v21  }
0x1cd: {  	v20 =	vmul.f32 $1.442695020e+00, v20;
	v19 =	vsub.f32 v19, v0;
	_ =	sdelay $0x1  }
0x1ce: {  	(erf) = vpow2.f32 v20;
	v19 =	vmul.f32 $1.442695020e+00, v19;
	_ =	sdelay $0x1  }
0x1cf: {  	(erf) = vpow2.f32 v19;
	_ =	sdelay $0x4  }
0x1d0: {  	s10 =	sadd.s32 $0xA0, s10;
	v19 =	vpop (erf)  }
0x1d1: {  	s28 =	sadd.s32 $0x80, s26;
	[tilespmem:s10+$0x40] =	vst v19;
	v20 =	vpop (erf)  }
0x1d2: {  	s26 =	sadd.s32 $0xA0, s10;
	v21 =	vld [tilespmem:s28+$0x0];
	v22 =	vpop (erf)  }
0x1d3: {  	s1 =	sadd.s32 $0x80, s28;
	[tilespmem:s26+$0x40] =	vst v22  }
0x1d4: {  	[tilespmem:s10+$0xFFFFFFF0] =	vst v20;
	v23 =	vld [tilespmem:s1+$0x0];
	v24 =	vpop (erf)  }
0x1d5: {  	v15 =	vmul.f32 v18, v15;
	v18 =	vbroadcast v19, $0x0;
	v25 =	vld [tilespmem:s28+$0xFFFFFFC0];
	[tilespmem:s26+$0xFFFFFFF0] =	vst v24  }
0x1d6: {  	v26 =	vld [tilespmem:s1+$0xFFFFFFC0]  }
0x1d7: {  	[tilespmem:s4+$0x20] =	vst v15;
	v15 =	vmul.f32 v18, v21;
	v18 =	vbroadcast v22, $0x0  }
0x1d8: {  	v8 =	vmul.f32 v8, v14;
	[tilespmem:s21+$0xFFFFFFB0] =	vst v17;
	v14 =	vbroadcast v20, $0x0  }
0x1d9: {  	v17 =	vbroadcast v24, $0x0;
	[tilespmem:s10+$0x0] =	vst v15;
	v15 =	vmul.f32 v18, v23  }
0x1da: {  	[tilespmem:s4+$0xFFFFFFC0] =	vst v8;
	v8 =	vbroadcast v4, $0x1;
	v14 =	vmul.f32 v14, v25;
	v18 =	vld [tilespmem:s28+$0x10]  }
0x1db: {  	[tilespmem:s26+$0x0] =	vst v15;
	v15 =	vmul.f32 v17, v26;
	v17 =	vld [tilespmem:s11+$0xFFFFFFD0]  }
0x1dc: {  	v8 =	vmul.f32 v8, v16;
	[tilespmem:s10+$0xFFFFFFB0] =	vst v14;
	v14 =	vld [tilespmem:s1+$0x10]  }
0x1dd: {  	v6 =	vmul.f32 v6, v12;
	v12 =	vbroadcast v19, $0x1;
	v16 =	vld [tilespmem:s28+$0xFFFFFFD0];
	[tilespmem:s26+$0xFFFFFFB0] =	vst v15  }
0x1de: {  	v5 =	vmul.f32 v13, v5;
	[tilespmem:s21+$0x10] =	vst v8;
	v8 =	vld [tilespmem:s1+$0xFFFFFFD0]  }
0x1df: {  	v13 =	vld [tilespmem:s20+$0x30];
	[tilespmem:s14+$0xFFFFFFD0] =	vst v6;
	v6 =	vmul.f32 v12, v18;
	v12 =	vbroadcast v22, $0x1  }
0x1e0: {  	[tilespmem:s15+$0xFFFFFFE0] =	vst v5;
	v5 =	vbroadcast v20, $0x1;
	v15 =	vld [tilespmem:s11+$0x20];
	v11 =	vmul.f32 v11, v17  }
0x1e1: {  	[tilespmem:s10+$0x10] =	vst v6;
	v6 =	vbroadcast v24, $0x1;
	v12 =	vmul.f32 v12, v14;
	v17 =	vld [tilespmem:s20+$0xFFFFFFE0]  }
0x1e2: {  	v2 =	vbroadcast v2, $0x3;
	v5 =	vmul.f32 v5, v16;
	[tilespmem:s21+$0xFFFFFFC0] =	vst v11;
	v11 =	vld [tilespmem:s28+$0x20]  }
0x1e3: {  	v14 =	vbroadcast v4, $0x2;
	[tilespmem:s26+$0x10] =	vst v12;
	v16 =	vld [tilespmem:s11+$0xFFFFFFE0];
	v6 =	vmul.f32 v6, v8  }
0x1e4: {  	v2 =	vmul.f32 v13, v2;
	[tilespmem:s10+$0xFFFFFFC0] =	vst v5;
	v5 =	vld [tilespmem:s1+$0x20]  }
0x1e5: {  	v13 =	vld [tilespmem:s28+$0xFFFFFFE0];
	v12 =	vbroadcast v19, $0x2;
	v8 =	vmul.f32 v14, v15;
	[tilespmem:s26+$0xFFFFFFC0] =	vst v6  }
0x1e6: {  	[tilespmem:s4+$0x30] =	vst v2;
	v2 =	vmul.f32 v7, v17;
	v6 =	vld [tilespmem:s1+$0xFFFFFFE0]  }
0x1e7: {  	v7 =	vld [tilespmem:s16+$0xFFFFFFF0];
	[tilespmem:s21+$0x20] =	vst v8;
	v8 =	vmul.f32 v12, v11;
	v11 =	vbroadcast v22, $0x2  }
0x1e8: {  	v14 =	vld [tilespmem:s11+$0x30];
	v12 =	vbroadcast v20, $0x2;
	[tilespmem:s4+$0xFFFFFFD0] =	vst v2;
	v2 =	vmul.f32 v10, v16  }
0x1e9: {  	v10 =	vbroadcast v24, $0x2;
	v15 =	vld [tilespmem:s20+$0xFFFFFFF0];
	[tilespmem:s10+$0x20] =	vst v8;
	v5 =	vmul.f32 v11, v5  }
0x1ea: {  	v8 =	vld [tilespmem:s28+$0x30];
	[tilespmem:s21+$0xFFFFFFD0] =	vst v2;
	v2 =	vmul.f32 v12, v13  }
0x1eb: {  	v4 =	vbroadcast v4, $0x3;
	v11 =	vld [tilespmem:s11+$0xFFFFFFF0];
	[tilespmem:s26+$0x20] =	vst v5;
	v5 =	vmul.f32 v10, v6  }
0x1ec: {  	v1 =	vmul.f32 v7, v1;
	v6 =	vld [tilespmem:s1+$0x30];
	[tilespmem:s10+$0xFFFFFFD0] =	vst v2  }
0x1ed: {  	v2 =	vmul.f32 v14, v4;
	v4 =	vbroadcast v19, $0x3;
	v7 =	vld [tilespmem:s28+$0xFFFFFFF0];
	[tilespmem:s26+$0xFFFFFFD0] =	vst v5  }
0x1ee: {  	[tilespmem:s14+$0xFFFFFFE0] =	vst v1;
	v1 =	vmul.f32 v15, v3;
	v3 =	vld [tilespmem:s1+$0xFFFFFFF0]  }
0x1ef: {  	[tilespmem:s21+$0x30] =	vst v2;
	v2 =	vmul.f32 v8, v4;
	v4 =	vbroadcast v22, $0x3  }
0x1f0: {  	v5 =	vbroadcast v20, $0x3;
	[tilespmem:s4+$0xFFFFFFE0] =	vst v1;
	v1 =	vmul.f32 v11, v9  }
0x1f1: {  	v8 =	vbroadcast v24, $0x3;
	[tilespmem:s10+$0x30] =	vst v2;
	v2 =	vmul.f32 v6, v4  }
0x1f2: {  	s20 =	smul.u32 $0x340, s12;
	[tilespmem:s21+$0xFFFFFFE0] =	vst v1;
	v1 =	vmul.f32 v7, v5  }
0x1f3: {  	[tilespmem:s26+$0x30] =	vst v2;
	v2 =	vmul.f32 v3, v8  }
0x1f4: {  	s1 =	sshra.s32 s20, $0x2;
	s21 =	sshll.u32 s12, $0x1;
	[tilespmem:s10+$0xFFFFFFE0] =	vst v1  }
0x1f5: {  	s1 =	sadd.s32 $0x5140, s1;
	s10 =	smin.u32 s21, $0xC5;
	[tilespmem:s26+$0xFFFFFFE0] =	vst v2;
	s26 =	simm.s32 $0x18B60  }
0x1f6: {  	[spmem:s3] =	stream.indirect.scatter.add.f32 [tilespmem:s26], [sflag:$0x7], $0x50, s1, s22, $0xb8;
	[tilespmem:$0x1EF60] =	vst v63  }
0x1f7: {  	s1 =	smul.u32 $0x68, s10;
	_ =	swait.ge [sflag:s18], $0x1F40  }
0x1f8: {  	[sflag:s18] =	ssyncset.done $0x0  }
0x1f9: {  	s11 =	sadd.s32 $0xD0, s1;
	[sflag:s18] =	ssyncadd.s32 $0xFFFFE0C0  }
0x1fa: {  	[tilespmem:s23], [sflag:$0x1] =	stream.indirect.gather [hbm4b:s2+s22], $0x10, s11, s22, $0xb8;
	[tilespmem:$0x1EF60] =	vst v63  }
0x1fb: {  	s1 =	sadd.s32 $0x5210, s1  }
0x1fc: {  	[tilespmem:s24], [sflag:$0x2] =	stream.indirect.gather [hbm4b:s5+s22], $0x10, s1, s22, $0xb8;
	[tilespmem:$0x1EF60] =	vst v63  }
0x1fd: {  	_ = 	snop  }
0x1fe: {  	[tilespmem:s25], [sflag:$0x3] =	stream.indirect.gather [hbm4b:s6+s22], $0x40, s11, s22, $0xb8;
	[tilespmem:$0x1EF60] =	vst v63  }
0x1ff: {  	_ =	swait.ge [sflag:s17], $0x640  }
0x200: {  	[sflag:s17] =	ssyncset.done $0x0  }
0x201: {  	[sflag:s17] =	ssyncadd.s32 $0xFFFFF9C0  }
0x202: {  	_ =	swait.ge [sflag:s19], $0x640  }
0x203: {  	[sflag:s19] =	ssyncset.done $0x0  }
0x204: {  	[sflag:s19] =	ssyncadd.s32 $0xFFFFF9C0  }
0x205: {  	_ =	swait.ge [sflag:s8], $0x1900  }
0x206: {  	[sflag:s8] =	ssyncset.done $0x0  }
0x207: {  	s14 =	simm.s32 $0x1AAB0;
	[sflag:s8] =	ssyncadd.s32 $0xFFFFE700  }
0x208: {  	s15 =	simm.s32 $0x1B0F0;
	v1 =	vld [tilespmem:s14+$0x0]  }
0x209: {  	v2 =	vld [tilespmem:s15+$0x0];
	_ =	sdelay $0x4  }
0x20a: {  	v1 =	vadd.f32 v2, v1;
	_ =	sdelay $0x1  }
0x20b: {  	v2 =	vmul.f32 $2.000000030e-01, v1  }
0x20c: {  	s16 =	simm.s32 $0x1AAD0;
	v3 =	vld [tilespmem:s15+$0xFFFFFFF0]  }
0x20d: {  	v4 =	vld [tilespmem:s16+$0x0];
	v1 =	vmax.f32 v1, v2  }
0x20e: {  	s20 =	simm.s32 $0x1B110;
	v2 =	vld [tilespmem:s14+$0xFFFFFFF0];
	v1 =	vsub.f32 v1, v0  }
0x20f: {  	v5 =	vld [tilespmem:s20+$0x0]  }
0x210: {  	v1 =	vmul.f32 $1.442695020e+00, v1;
	_ =	sdelay $0x1  }
0x211: {  	(erf) = vpow2.f32 v1  }
0x212: {  	v1 =	vadd.f32 v3, v2;
	v2 =	vld [tilespmem:s20+$0xFFFFFFF0]  }
0x213: {  	v4 =	vadd.f32 v5, v4;
	v3 =	vld [tilespmem:s16+$0xFFFFFFF0]  }
0x214: {  	v5 =	vmul.f32 $2.000000030e-01, v1  }
0x215: {  	v6 =	vmul.f32 $2.000000030e-01, v4  }
0x216: {  	v1 =	vmax.f32 v1, v5  }
0x217: {  	s26 =	simm.s32 $0x1B130;
	v4 =	vmax.f32 v4, v6;
	v1 =	vsub.f32 v1, v0  }
0x218: {  	s21 =	simm.s32 $0x1AAF0;
	v5 =	vld [tilespmem:s26+$0x0];
	v2 =	vadd.f32 v2, v3;
	v3 =	vsub.f32 v4, v0  }
0x219: {  	v4 =	vld [tilespmem:s21+$0x0];
	v1 =	vmul.f32 $1.442695020e+00, v1  }
0x21a: {  	s16 =	simm.s32 $0x1D070;
	v3 =	vmul.f32 $1.442695020e+00, v3;
	v6 =	vpop (erf)  }
0x21b: {  	s11 =	simm.s32 $0x1B760;
	v7 =	vmul.f32 $2.000000030e-01, v2;
	(erf) = vpow2.f32 v1;
	[tilespmem:s16+$0x40] =	vst v6  }
0x21c: {  	(erf) = vpow2.f32 v3;
	v1 =	vld [tilespmem:s11+$0x0]  }
0x21d: {  	v2 =	vmax.f32 v2, v7;
	v3 =	vld [tilespmem:s26+$0xFFFFFFF0]  }
0x21e: {  	v2 =	vsub.f32 v2, v0;
	v4 =	vadd.f32 v5, v4;
	v5 =	vld [tilespmem:s21+$0xFFFFFFF0]  }
0x21f: {  	v7 =	vbroadcast v6, $0x0  }
0x220: {  	v2 =	vmul.f32 $1.442695020e+00, v2  }
0x221: {  	v1 =	vmul.f32 v7, v1;
	v7 =	vmul.f32 $2.000000030e-01, v4  }
0x222: {  	s10 =	simm.s32 $0x1AB10  }
0x223: {  	(erf) = vpow2.f32 v2;
	v3 =	vadd.f32 v3, v5;
	v5 =	vld [tilespmem:s10+$0x0];
	[tilespmem:s16+$0x0] =	vst v1;
	v1 =	vmax.f32 v4, v7  }
0x224: {  	s20 =	simm.s32 $0x1B150;
	v4 =	vpop (erf);
	v1 =	vsub.f32 v1, v0;
	v2 =	vld [tilespmem:s11+$0x10]  }
0x225: {  	s14 =	simm.s32 $0x1D110;
	v7 =	vld [tilespmem:s20+$0x0];
	[tilespmem:s16+$0xFFFFFFF0] =	vst v4;
	v9 =	vpop (erf)  }
0x226: {  	s15 =	simm.s32 $0x1B7E0;
	v8 =	vld [tilespmem:s11+$0xFFFFFFC0];
	[tilespmem:s14+$0x40] =	vst v9;
	v1 =	vmul.f32 $1.442695020e+00, v1  }
0x227: {  	v11 =	vbroadcast v6, $0x1;
	v10 =	vmul.f32 $2.000000030e-01, v3;
	v12 =	vld [tilespmem:s15+$0x0]  }
0x228: {  	(erf) = vpow2.f32 v1  }
0x229: {  	v1 =	vmax.f32 v3, v10;
	v3 =	vld [tilespmem:s20+$0xFFFFFFF0];
	v10 =	vbroadcast v4, $0x0;
	v2 =	vmul.f32 v11, v2  }
0x22a: {  	v13 =	vbroadcast v9, $0x0;
	v1 =	vsub.f32 v1, v0;
	v11 =	vld [tilespmem:s10+$0xFFFFFFF0]  }
0x22b: {  	s21 =	simm.s32 $0x1AB30;
	v5 =	vadd.f32 v7, v5;
	[tilespmem:s16+$0x10] =	vst v2;
	v2 =	vmul.f32 v10, v8  }
0x22c: {  	v15 =	vld [tilespmem:s21+$0x0];
	v8 =	vpop (erf);
	v1 =	vmul.f32 $1.442695020e+00, v1;
	v10 =	vmul.f32 v13, v12  }
0x22d: {  	v12 =	vmul.f32 $2.000000030e-01, v5;
	v7 =	vld [tilespmem:s11+$0x20];
	[tilespmem:s14+$0xFFFFFFF0] =	vst v8  }
0x22e: {  	v18 =	vbroadcast v9, $0x1;
	v13 =	vld [tilespmem:s15+$0xFFFFFFC0];
	(erf) = vpow2.f32 v1;
	[tilespmem:s14+$0x0] =	vst v10  }
0x22f: {  	s26 =	simm.s32 $0x1B170;
	v17 =	vbroadcast v8, $0x0;
	[tilespmem:s16+$0xFFFFFFB0] =	vst v2;
	v2 =	vmax.f32 v5, v12;
	v1 =	vadd.f32 v3, v11;
	v12 =	vld [tilespmem:s15+$0x10]  }
0x230: {  	v20 =	vld [tilespmem:s26+$0xFFFFFFF0];
	v10 =	vbroadcast v4, $0x1;
	v3 =	vbroadcast v6, $0x2  }
0x231: {  	v14 =	vld [tilespmem:s11+$0xFFFFFFD0];
	v11 =	vbroadcast v4, $0x2;
	v5 =	vsub.f32 v2, v0;
	v16 =	vmul.f32 $2.000000030e-01, v1  }
0x232: {  	s4 =	simm.s32 $0x1D1B0;
	v2 =	vpop (erf);
	v3 =	vmul.f32 v3, v7;
	v7 =	vbroadcast v4, $0x3;
	v4 =	vld [tilespmem:s26+$0x0]  }
0x233: {  	s20 =	simm.s32 $0x1B860;
	v5 =	vmul.f32 $1.442695020e+00, v5;
	[tilespmem:s4+$0x40] =	vst v2;
	v1 =	vmax.f32 v1, v16;
	v13 =	vmul.f32 v17, v13;
	v17 =	vld [tilespmem:s21+$0xFFFFFFF0]  }
0x234: {  	v19 =	vbroadcast v8, $0x1;
	v16 =	vld [tilespmem:s20+$0x0];
	[tilespmem:s16+$0x20] =	vst v3;
	v1 =	vsub.f32 v1, v0;
	v12 =	vmul.f32 v18, v12  }
0x235: {  	(erf) = vpow2.f32 v5;
	v5 =	vbroadcast v8, $0x2;
	v3 =	vld [tilespmem:s11+$0x30]  }
0x236: {  	v10 =	vmul.f32 v10, v14;
	v18 =	vmul.f32 $1.442695020e+00, v1;
	[tilespmem:s14+$0x10] =	vst v12  }
0x237: {  	[tilespmem:s14+$0xFFFFFFB0] =	vst v13;
	v1 =	vbroadcast v8, $0x3;
	v8 =	vbroadcast v2, $0x0;
	v21 =	vpop (erf);
	v4 =	vadd.f32 v4, v15;
	v12 =	vld [tilespmem:s15+$0x20]  }
0x238: {  	v6 =	vbroadcast v6, $0x3;
	v15 =	vld [tilespmem:s15+$0xFFFFFFD0];
	[tilespmem:s4+$0xFFFFFFF0] =	vst v21;
	(erf) = vpow2.f32 v18  }
0x239: {  	[tilespmem:s16+$0xFFFFFFC0] =	vst v10;
	v13 =	vld [tilespmem:s20+$0xFFFFFFC0];
	v8 =	vmul.f32 v8, v16;
	v14 =	vmul.f32 $2.000000030e-01, v4  }
0x23a: {  	s21 =	simm.s32 $0x1AB50;
	v18 =	vld [tilespmem:s11+$0xFFFFFFE0];
	v17 =	vadd.f32 v20, v17;
	v16 =	vmul.f32 v3, v6;
	v3 =	vbroadcast v9, $0x2  }
0x23b: {  	v22 =	vld [tilespmem:s21+$0x0];
	v10 =	vbroadcast v21, $0x0;
	v6 =	vbroadcast v21, $0x2;
	[tilespmem:s4+$0x0] =	vst v8;
	v4 =	vmax.f32 v4, v14  }
0x23c: {  	s28 =	simm.s32 $0x1B190;
	v23 =	vmul.f32 $2.000000030e-01, v17;
	v14 =	vld [tilespmem:s20+$0x10];
	v20 =	vsub.f32 v4, v0;
	v12 =	vmul.f32 v3, v12  }
0x23d: {  	v8 =	vbroadcast v21, $0x1;
	v15 =	vmul.f32 v19, v15;
	[tilespmem:s16+$0x30] =	vst v16;
	v16 =	vld [tilespmem:s28+$0xFFFFFFF0]  }
0x23e: {  	s10 =	simm.s32 $0x1D250;
	v4 =	vpop (erf);
	v10 =	vmul.f32 v10, v13;
	v13 =	vld [tilespmem:s28+$0x0];
	v20 =	vmul.f32 $1.442695020e+00, v20;
	[tilespmem:s14+$0x20] =	vst v12  }
0x23f: {  	s26 =	simm.s32 $0x1B8E0;
	v17 =	vmax.f32 v17, v23;
	v19 =	vld [tilespmem:s21+$0xFFFFFFF0];
	v11 =	vmul.f32 v11, v18;
	v12 =	vbroadcast v2, $0x1;
	[tilespmem:s10+$0x40] =	vst v4  }
0x240: {  	v3 =	vbroadcast v21, $0x3;
	v17 =	vsub.f32 v17, v0;
	v21 =	vld [tilespmem:s26+$0x0];
	(erf) = vpow2.f32 v20  }
0x241: {  	v18 =	vld [tilespmem:s15+$0x30];
	[tilespmem:s16+$0xFFFFFFD0] =	vst v11;
	v23 =	vpop (erf);
	v12 =	vmul.f32 v12, v14  }
0x242: {  	v14 =	vmul.f32 $1.442695020e+00, v17;
	[tilespmem:s10+$0xFFFFFFF0] =	vst v23  }
0x243: {  	v9 =	vbroadcast v9, $0x3;
	v17 =	vbroadcast v4, $0x0;
	v20 =	vadd.f32 v13, v22;
	[tilespmem:s4+$0x10] =	vst v12;
	v63 =	vld [tilespmem:s26+$0xFFFFFFC0]  }
0x244: {  	[tilespmem:s4+$0xFFFFFFB0] =	vst v10;
	v11 =	vbroadcast v23, $0x1;
	(erf) = vpow2.f32 v14;
	v14 =	vld [tilespmem:s20+$0x20]  }
0x245: {  	[tilespmem:s14+$0xFFFFFFC0] =	vst v15;
	v12 =	vld [tilespmem:s20+$0xFFFFFFD0];
	v17 =	vmul.f32 v17, v21;
	v15 =	vmul.f32 $2.000000030e-01, v20  }
0x246: {  	v19 =	vadd.f32 v16, v19;
	v22 =	vbroadcast v23, $0x0;
	v13 =	vld [tilespmem:s15+$0xFFFFFFE0];
	v9 =	vmul.f32 v18, v9  }
0x247: {  	s29 =	simm.s32 $0xA;
	v10 =	vbroadcast v23, $0x2;
	v18 =	vbroadcast v2, $0x2;
	[tilespmem:s10+$0x0] =	vst v17;
	v15 =	vmax.f32 v20, v15;
	v17 =	vld [tilespmem:s11+$0xFFFFFFF0]  }
0x248: {  	s1 =	simm.s32 $0x1AB70;
	s21 =	simm.s32 $0x1D250;
	[tilespmem:s14+$0x30] =	vst v9;
	v9 =	vbroadcast v23, $0x3;
	s11 =	simm.s32 $0x1B8E0;
	v20 =	vsub.f32 v15, v0;
	v16 =	vmul.f32 v22, v63;
	v15 =	vld [tilespmem:s26+$0x10]  }
.LBB2_6:
0x249: {  	v21 =	vld [tilespmem:s1+$0x0];
	v22 =	vmul.f32 $2.000000030e-01, v19;
	s28 =	sadd.s32 $0x20, s28;
	v23 =	vpop (erf);
	s10 =	sadd.s32 $0xA0, s10;
	v14 =	vmul.f32 v18, v14  }
0x24a: {  	s26 =	sadd.s32 $0x80, s26;
	v18 =	vld [tilespmem:s28+$0x0];
	v20 =	vmul.f32 $1.442695020e+00, v20;
	[tilespmem:s10+$0x40] =	vst v23;
	v12 =	vmul.f32 v8, v12;
	v8 =	vmov v11  }
0x24b: {  	s29 =	sadd.s32 $0x2, s29;
	v11 =	vmax.f32 v19, v22;
	v19 =	vld [tilespmem:s26+$0x0];
	v22 =	vbroadcast v4, $0x1;
	[tilespmem:s4+$0x20] =	vst v14;
	v13 =	vmul.f32 v5, v13;
	v5 =	vmovc v6  }
0x24c: {  	p2 =	slt.u32 s29, $0x62;
	v6 =	vmovc v10;
	v11 =	vsub.f32 v11, v0;
	(erf) = vpow2.f32 v20;
	[tilespmem:s21+$0xFFFFFFB0] =	vst v16;
	v16 =	vld [tilespmem:s20+$0x30];
	v17 =	vmul.f32 v17, v7  }
0x24d: {  	v7 =	vmov v1;
	v1 =	vmov v3;
	v20 =	vld [tilespmem:s28+$0xFFFFFFF0];
	v24 =	vpop (erf);
	v10 =	vmul.f32 v22, v15;
	[tilespmem:s4+$0xFFFFFFC0] =	vst v12  }
0x24e: {  	v3 =	vmov v9;
	v12 =	vbroadcast v23, $0x0;
	v15 =	vld [tilespmem:s1+$0xFFFFFFF0];
	v11 =	vmul.f32 $1.442695020e+00, v11;
	[tilespmem:s10+$0xFFFFFFF0] =	vst v24  }
0x24f: {  	v9 =	vadd.f32 v18, v21;
	v21 =	vbroadcast v24, $0x0;
	v22 =	vld [tilespmem:s26+$0xFFFFFFC0];
	[tilespmem:s21+$0x10] =	vst v10;
	v10 =	vbroadcast v2, $0x3;
	v2 =	vmovc v4;
	v4 =	vmovc v23  }
.Ltmp8:
0x250: {  	(erf) = vpow2.f32 v11;
	v18 =	vmul.f32 v12, v19;
	v14 =	vld [tilespmem:s11+$0x20];
	[tilespmem:s14+$0xFFFFFFD0] =	vst v13;
	(pc) =	sbr.rel @p2 .LBB2_6-.Ltmp8, $4  }
0x251: {  	v23 =	vmul.f32 $2.000000030e-01, v9;
	v12 =	vld [tilespmem:s11+$0xFFFFFFD0];
	v16 =	vmul.f32 v16, v10;
	[tilespmem:s16+$0xFFFFFFE0] =	vst v17;
	s16 =	smov.u32 s14;
	s14 =	smov.u32 s4;
	s4 =	smov.u32 s21  }
0x252: {  	v11 =	vbroadcast v24, $0x1;
	v10 =	vbroadcast v24, $0x2;
	s21 =	smov.u32 s10;
	[tilespmem:s10+$0x0] =	vst v18;
	v13 =	vld [tilespmem:s20+$0xFFFFFFE0]  }
0x253: {  	v18 =	vbroadcast v2, $0x2;
	v19 =	vadd.f32 v20, v15;
	v9 =	vmax.f32 v9, v23;
	[tilespmem:s14+$0x30] =	vst v16;
	v17 =	vld [tilespmem:s15+$0xFFFFFFF0];
	s15 =	smov.u32 s20;
	s20 =	smov.u32 s11;
	s11 =	smov.u32 s26  }
0x254: {  	s1 =	sadd.s32 $0x20, s1;
	v20 =	vsub.f32 v9, v0;
	v16 =	vmul.f32 v21, v22;
	v9 =	vbroadcast v24, $0x3;
	v15 =	vld [tilespmem:s26+$0x10]  }
0x255: {  	v21 =	vmul.f32 $2.000000030e-01, v19;
	_ =	sdelay $0x1  }
0x256: {  	v19 =	vmax.f32 v19, v21  }
0x257: {  	v20 =	vmul.f32 $1.442695020e+00, v20;
	v19 =	vsub.f32 v19, v0;
	_ =	sdelay $0x1  }
0x258: {  	(erf) = vpow2.f32 v20;
	v19 =	vmul.f32 $1.442695020e+00, v19;
	_ =	sdelay $0x1  }
0x259: {  	(erf) = vpow2.f32 v19;
	_ =	sdelay $0x4  }
0x25a: {  	s10 =	sadd.s32 $0xA0, s10;
	v19 =	vpop (erf)  }
0x25b: {  	s28 =	sadd.s32 $0x80, s26;
	v20 =	vpop (erf);
	[tilespmem:s10+$0x40] =	vst v19  }
0x25c: {  	s29 =	sadd.s32 $0xA0, s10;
	v58 =	vld [tilespmem:s28+$0x0];
	v22 =	vpop (erf)  }
0x25d: {  	s1 =	sadd.s32 $0x80, s28;
	[tilespmem:s29+$0x40] =	vst v22  }
0x25e: {  	[tilespmem:s10+$0xFFFFFFF0] =	vst v20;
	v23 =	vld [tilespmem:s1+$0x0];
	v24 =	vpop (erf)  }
0x25f: {  	v59 =	vbroadcast v19, $0x0;
	v25 =	vld [tilespmem:s28+$0xFFFFFFC0];
	[tilespmem:s29+$0xFFFFFFF0] =	vst v24  }
0x260: {  	v14 =	vmul.f32 v18, v14;
	v60 =	vld [tilespmem:s1+$0xFFFFFFC0]  }
0x261: {  	[tilespmem:s21+$0xFFFFFFB0] =	vst v16;
	v62 =	vbroadcast v22, $0x0;
	v61 =	vmul.f32 v59, v58  }
0x262: {  	[tilespmem:s4+$0x20] =	vst v14;
	v7 =	vmul.f32 v17, v7;
	v63 =	vbroadcast v20, $0x0  }
0x263: {  	[tilespmem:s10+$0x0] =	vst v61;
	v21 =	vmul.f32 v62, v23;
	v23 =	vbroadcast v24, $0x0  }
0x264: {  	[tilespmem:s16+$0xFFFFFFE0] =	vst v7;
	v14 =	vmul.f32 v63, v25;
	v26 =	vld [tilespmem:s28+$0x10]  }
0x265: {  	v27 =	vbroadcast v4, $0x1;
	v28 =	vld [tilespmem:s11+$0xFFFFFFD0];
	[tilespmem:s29+$0x0] =	vst v21;
	v17 =	vmul.f32 v23, v60  }
0x266: {  	v8 =	vmul.f32 v8, v12;
	[tilespmem:s10+$0xFFFFFFB0] =	vst v14;
	v29 =	vld [tilespmem:s1+$0x10]  }
0x267: {  	v7 =	vmul.f32 v27, v15;
	v30 =	vbroadcast v19, $0x1;
	v31 =	vld [tilespmem:s28+$0xFFFFFFD0];
	[tilespmem:s29+$0xFFFFFFB0] =	vst v17  }
0x268: {  	v5 =	vmul.f32 v5, v13;
	[tilespmem:s4+$0xFFFFFFC0] =	vst v8;
	v32 =	vld [tilespmem:s1+$0xFFFFFFD0]  }
0x269: {  	v33 =	vld [tilespmem:s20+$0x30];
	[tilespmem:s21+$0x10] =	vst v7;
	v35 =	vbroadcast v22, $0x1;
	v34 =	vmul.f32 v30, v26  }
0x26a: {  	[tilespmem:s14+$0xFFFFFFD0] =	vst v5;
	v11 =	vmul.f32 v11, v28;
	v36 =	vld [tilespmem:s11+$0x20];
	v37 =	vbroadcast v20, $0x1  }
0x26b: {  	v38 =	vld [tilespmem:s20+$0xFFFFFFE0];
	v39 =	vbroadcast v24, $0x1;
	[tilespmem:s10+$0x10] =	vst v34;
	v12 =	vmul.f32 v35, v29  }
0x26c: {  	v2 =	vbroadcast v2, $0x3;
	[tilespmem:s21+$0xFFFFFFC0] =	vst v11;
	v5 =	vmul.f32 v37, v31;
	v40 =	vld [tilespmem:s28+$0x20]  }
0x26d: {  	v41 =	vbroadcast v4, $0x2;
	v42 =	vld [tilespmem:s11+$0xFFFFFFE0];
	[tilespmem:s29+$0x10] =	vst v12;
	v7 =	vmul.f32 v39, v32  }
0x26e: {  	v2 =	vmul.f32 v33, v2;
	[tilespmem:s10+$0xFFFFFFC0] =	vst v5;
	v43 =	vld [tilespmem:s1+$0x20]  }
0x26f: {  	v45 =	vbroadcast v19, $0x2;
	v44 =	vmul.f32 v41, v36;
	v46 =	vld [tilespmem:s28+$0xFFFFFFE0];
	[tilespmem:s29+$0xFFFFFFC0] =	vst v7  }
0x270: {  	[tilespmem:s4+$0x30] =	vst v2;
	v2 =	vmul.f32 v6, v38;
	v47 =	vld [tilespmem:s1+$0xFFFFFFE0]  }
0x271: {  	v48 =	vld [tilespmem:s15+$0xFFFFFFF0];
	v50 =	vbroadcast v22, $0x2;
	[tilespmem:s21+$0x20] =	vst v44;
	v49 =	vmul.f32 v45, v40  }
0x272: {  	v51 =	vbroadcast v20, $0x2;
	[tilespmem:s4+$0xFFFFFFD0] =	vst v2;
	v2 =	vmul.f32 v10, v42;
	v52 =	vld [tilespmem:s11+$0x30]  }
0x273: {  	v54 =	vld [tilespmem:s20+$0xFFFFFFF0];
	v53 =	vbroadcast v24, $0x2;
	[tilespmem:s10+$0x20] =	vst v49;
	v5 =	vmul.f32 v50, v43  }
0x274: {  	[tilespmem:s21+$0xFFFFFFD0] =	vst v2;
	v2 =	vmul.f32 v51, v46;
	v8 =	vld [tilespmem:s28+$0x30]  }
0x275: {  	v55 =	vbroadcast v4, $0x3;
	v56 =	vld [tilespmem:s11+$0xFFFFFFF0];
	[tilespmem:s29+$0x20] =	vst v5;
	v57 =	vmul.f32 v53, v47  }
0x276: {  	v1 =	vmul.f32 v48, v1;
	[tilespmem:s10+$0xFFFFFFD0] =	vst v2;
	v58 =	vld [tilespmem:s1+$0x30]  }
0x277: {  	v59 =	vbroadcast v19, $0x3;
	v2 =	vmul.f32 v52, v55;
	v60 =	vld [tilespmem:s28+$0xFFFFFFF0];
	[tilespmem:s29+$0xFFFFFFD0] =	vst v57  }
0x278: {  	[tilespmem:s14+$0xFFFFFFE0] =	vst v1;
	v1 =	vmul.f32 v54, v3;
	v3 =	vld [tilespmem:s1+$0xFFFFFFF0]  }
0x279: {  	v61 =	vbroadcast v22, $0x3;
	[tilespmem:s21+$0x30] =	vst v2;
	v2 =	vmul.f32 v8, v59  }
0x27a: {  	v62 =	vbroadcast v20, $0x3;
	[tilespmem:s4+$0xFFFFFFE0] =	vst v1;
	v1 =	vmul.f32 v56, v9  }
0x27b: {  	v63 =	vbroadcast v24, $0x3;
	[tilespmem:s10+$0x30] =	vst v2;
	v2 =	vmul.f32 v58, v61  }
0x27c: {  	[tilespmem:s21+$0xFFFFFFE0] =	vst v1;
	v1 =	vmul.f32 v60, v62  }
0x27d: {  	[tilespmem:s29+$0x30] =	vst v2;
	v2 =	vmul.f32 v3, v63  }
0x27e: {  	s12 =	sadd.s32 $0x1, s12;
	[tilespmem:s10+$0xFFFFFFE0] =	vst v1  }
0x27f: {  	p2 =	seq.s32 s12, $0x64;
	[tilespmem:s29+$0xFFFFFFE0] =	vst v2  }
0x280: {  	[spmem:s3] =	stream.indirect.scatter.add.f32 [tilespmem:s9], [sflag:$0x7], $0x50, s13, s22, $0xb8;
	[tilespmem:$0x1EF60] =	vst v63  }
.Ltmp9:
0x281: {  	_ = 	snop;
	(pc) =	sbr.rel @!p2 .LBB2_3-.Ltmp9, $4  }
.Ltmp10:
0x282: {  	_ = 	snop;
	(pc) =	sbr.rel @p2 .LBB2_14-.Ltmp10, $4  }
0x283: {  	_ =	swait.ge [sflag:s18], $0x1F40  }
0x284: {  	[sflag:s18] =	ssyncset.done $0x0  }
0x285: {  	[sflag:s18] =	ssyncadd.s32 $0xFFFFE0C0  }
0x286: {  	_ = 	snop  }
.LBB2_15:
0x287: {  	_ =	sfence.sel $0x180000  }
0x288: {  	[bflag:$0x0] =	sbarrier.arrive $0xFFFF  }
0x289: {  	_ =	strace $0x90000047  }
0x28a: {  	s0 =	stileid.u32;
	[bflag:$0x2] =	sbarrier.arrive $0xFFFF  }
0x28b: {  	p0 =	sne.s32 s0, $0x0;
	s0 =	rddreg [dreg:$0x3]  }
0x28c: {  	s0 =	sadd.s32 @!p0 $0x100000, s0  }
0x28d: {  	[sflag:s0] =	ssyncadd.tile.s32 @!p0 $0x1;
	_ =	shalt  }
.Lfunc_end2:
_tile_overlayer_lowered:
.L_overlay_start_2:
0x28e: {  	(tag) =	ssettag $0x2  }
0x28f: {  	s0 =	rddreg [dreg:$0x0];
	s2 =	stileid.u32  }
0x290: {  	s1 =	rddreg [dreg:$0x1];
	p0 =	sne.s32 s2, $0x0  }
0x291: {  	s3 =	rddreg [dreg:$0x2];
	[bflag:$0x3] =	sbarrier.arrive $0xFFFF;
	s2 =	simm.s32 @!p0 $0x1C07  }
0x292: {  	[timem:s3], [sflag:s2] =	dma.local @!p0 [hbm:s0], s1  }
0x293: {  	s0 =	simm.s32 @!p0 $0x7  }
0x294: {  	_ =	swait.ge @!p0 [sflag:s0], s1  }
0x295: {  	s1 =	ssub.s32 @!p0 $0x0, s1;
	[sflag:s0] =	ssyncset.done @!p0 $0x0  }
0x296: {  	[sflag:s0] =	ssyncadd.s32 @!p0 s1  }
0x297: {  	[bflag:$0x3] =	sbarrier.arrive $0xFFFF  }
0x298: {  	_ =	shalt  }

</sc_bundles>
